<compile_context>
chip_gen: v7x
topology: tpu7x:2x2x1
jax: 0.10.2.dev20260603
libtpu: 0.0.44.dev20260713+nightly
codegen_flags: <defaults>
</compile_context>

<pallas_src>
import functools

import jax
import jax.numpy as jnp
import numpy as np
from jax import lax
from jax.experimental import pallas as pl
from jax.experimental.pallas import tpu as pltpu
from jax.experimental.pallas import tpu_sc as plsc

_CARDS = np.array(
    [100, 50, 200, 1000, 10, 500, 30, 80, 120, 60, 40, 300, 25, 150, 70,
     90, 45, 110, 35, 250, 15, 400, 55, 65, 20, 130], dtype=np.int64)
_OFFS = np.concatenate([[0], np.cumsum(_CARDS)[:-1]])
_TOTAL = int(_CARDS.sum())
_NFEAT = int(_CARDS.shape[0])
_ROWS = 4096

_NC, _NS = 2, 16
_NW = _NC * _NS
_LPW = _ROWS // _NW
_NTILES = (_TOTAL + 7) // 8
_TBLK = 61
_BROWS = _TBLK * 8
_NBLK = 9

_mesh = plsc.VectorSubcoreMesh(core_axis_name="c", subcore_axis_name="s")


@functools.partial(
    pl.kernel,
    mesh=_mesh,
    out_type=jax.ShapeDtypeStruct((_TOTAL, _ROWS), jnp.float32),
    scratch_types=[
        pltpu.VMEM((_NFEAT, _LPW), jnp.int32),
        pltpu.VMEM((_BROWS, _LPW), jnp.float32),
        pltpu.VMEM((_BROWS, _LPW), jnp.float32),
        pltpu.SemaphoreType.DMA,
        pltpu.SemaphoreType.DMA,
    ],
    compiler_params=pltpu.CompilerParams(
        needs_layout_passes=False, use_tc_tiling_on_sc=True),
)
def _onehot_sc(xt_hbm, out_hbm, xtbuf, rowbuf0, rowbuf1, sem0, sem1):
    wid = lax.axis_index("s") * _NC + lax.axis_index("c")
    lane0 = wid * _LPW
    zero16 = jnp.zeros((16,), jnp.float32)
    one16 = jnp.ones((16,), jnp.float32)
    iota = lax.iota(jnp.int32, 16)
    bufs = (rowbuf0, rowbuf1)
    sems = (sem0, sem1)

    xcp = pltpu.async_copy(xt_hbm.at[:, pl.ds(lane0, _LPW)], xtbuf, sem0)

    def memset(rowbuf):
        def zbody(i, carry):
            rowbuf[i, pl.ds(0, 16)] = zero16
            rowbuf[i, pl.ds(16, 16)] = zero16
            rowbuf[i, pl.ds(32, 16)] = zero16
            rowbuf[i, pl.ds(48, 16)] = zero16
            rowbuf[i, pl.ds(64, 16)] = zero16
            rowbuf[i, pl.ds(80, 16)] = zero16
            rowbuf[i, pl.ds(96, 16)] = zero16
            rowbuf[i, pl.ds(112, 16)] = zero16
            return carry

        lax.fori_loop(0, _BROWS, zbody, 0, unroll=4)

    memset(rowbuf0)
    xcp.wait()

    def sweep(rowbuf, val16, j0):
        for c in range(_NFEAT):
            off_c = int(_OFFS[c])
            card_c = int(_CARDS[c])
            if off_c + card_c <= j0 or off_c >= j0 + _BROWS:
                continue
            def kbody(k, carry, c=c, off_c=off_c, card_c=card_c):
                xv = xtbuf[c, pl.ds(k * 16, 16)]
                jl = xv + (off_c - j0)
                valid = ((xv >= 0) & (xv < card_c)
                         & (jl >= 0) & (jl < _BROWS))
                lane = iota + k * 16
                plsc.store_scatter(rowbuf, [jl, lane], val16, mask=valid)
                return carry

            lax.fori_loop(0, _LPW // 16, kbody, 0, unroll=2)

    copies = [None, None]
    for g in range(_NBLK):
        p = g % 2
        rowbuf = bufs[p]
        j0 = g * _BROWS
        if g == 1:
            memset(rowbuf)
        if g >= 2:
            for cp in copies[p]:
                cp.wait()
            sweep(rowbuf, zero16, (g - 2) * _BROWS)
        sweep(rowbuf, one16, j0)
        rows = min(_BROWS, _TOTAL - j0)
        if rows == _BROWS:
            copies[p] = [pltpu.async_copy(
                rowbuf.at[pl.ds(0, rows), :],
                out_hbm.at[pl.ds(j0, rows), pl.ds(lane0, _LPW)], sems[p])]
        else:
            head = (rows // 8) * 8
            copies[p] = [
                pltpu.async_copy(
                    rowbuf.at[pl.ds(0, head), :],
                    out_hbm.at[pl.ds(j0, head), pl.ds(lane0, _LPW)], sems[p]),
                pltpu.async_copy(
                    rowbuf.at[pl.ds(head, rows - head), :],
                    out_hbm.at[pl.ds(j0 + head, rows - head),
                               pl.ds(lane0, _LPW)], sems[p]),
            ]
    for cps in copies:
        for cp in cps:
            cp.wait()


def kernel(x, cardinalities):
    del cardinalities
    xt = jnp.asarray(x, jnp.int32).T
    return _onehot_sc(xt).T

# --- scband reference (transcript-rebuilt; emitter-appended) ---
"""Pipeline reference for scband-one-hot-encoder-27865747816488 (READ-ONLY COPY).

The authoritative reference and input builder live on the scoring server;
editing this copy changes nothing except your own understanding.
"""

import jax, jax.numpy as jnp
import numpy as np

CARDINALITIES = np.array([100, 50, 200, 1000, 10, 500, 30, 80, 120, 60, 40, 300, 25, 150, 70, 90, 45, 110, 35, 250, 15, 400, 55, 65, 20, 130], dtype=np.int64)

def setup_inputs(seed: int = 0) -> dict:
    key = jax.random.key(seed)
    x = jax.random.randint(key, (4096, 26), 0, 10, dtype=jnp.int64)
    return {"x": x, "cardinalities": CARDINALITIES}

def reference(x, cardinalities):
    # Faithful translation of OneHotEncoder.forward
    encoded_columns = []
    for column in range(cardinalities.shape[0]):
        cardinality = int(CARDINALITIES[column])
        column_values = x[..., column]
        temp_index = jnp.where(column_values == -1, 0, column_values)
        one_hot = jax.nn.one_hot(temp_index, cardinality, dtype=jnp.float32)
        in_range = temp_index < cardinalities[column]
        one_hot = jnp.where(in_range[..., None], one_hot, 0.0)
        mask = column_values == -1
        one_hot = jnp.where(mask[..., None], 0.0, one_hot)
        encoded_columns.append(one_hot)
    return jnp.concatenate(encoded_columns, -1)

if __name__ == "__main__":
    import jax
    _d = setup_inputs()
    print(jax.jit(kernel)(*tuple(_d.values())))

</pallas_src>

<mosaic_0001>
#map = affine_map<(d0, d1) -> (0, 0)>
module attributes {stable_mosaic.version = 14 : i64} {
  func.func @_onehot_sc(%arg0: i32, %arg1: i32, %arg2: memref<26x4096xi32, #tpu.memory_space<hbm>>, %arg3: memref<3950x4096xf32, #tpu.memory_space<hbm>>, %arg4: memref<26x128xi32, #tpu.memory_space<vmem>>, %arg5: memref<488x128xf32, #tpu.memory_space<vmem>>, %arg6: memref<488x128xf32, #tpu.memory_space<vmem>>, %arg7: memref<!tpu.dma_semaphore, #tpu.memory_space<semaphore_mem>>, %arg8: memref<!tpu.dma_semaphore, #tpu.memory_space<semaphore_mem>>) attributes {dimension_semantics = [#tpu.dimension_semantics<core_parallel>, #tpu.dimension_semantics<subcore_parallel>], iteration_bounds = array<i64: 2, 16>, scalar_prefetch = 0 : i64, scratch_operands = 5 : i64, tpu.core_type = #tpu.core_type<sc_vector_subcore>, window_params = [{transform_indices = #map}, {transform_indices = #map}]} {
    %mul3A = arith.constant 2 : i32
    %mul3A_0 = arith.muli %arg1, %mul3A : i32
    %add3A = arith.addi %mul3A_0, %arg0 : i32
    %mul3A_1 = arith.constant 128 : i32
    %mul3A_2 = arith.muli %add3A, %mul3A_1 : i32
    %broadcast_in_dim3A = arith.constant 0.000000e+00 : f32
    %broadcast_in_dim3A_3 = vector.broadcast %broadcast_in_dim3A : f32 to vector<16xf32>
    %broadcast_in_dim3A_4 = arith.constant 1.000000e+00 : f32
    %broadcast_in_dim3A_5 = vector.broadcast %broadcast_in_dim3A_4 : f32 to vector<16xf32>
    %iota3A = tpu.iota {dimensions = array<i32: 0>} : vector<16xi32>
    %dma_start3A = arith.constant 0 : i32
    %dma_start3A_6 = tpu.memref_slice %arg2[%dma_start3A, %mul3A_2] : memref<26x4096xi32, #tpu.memory_space<hbm>> -> memref<26x128xi32, #tpu.memory_space<hbm>>
    %dma_start3A_7 = arith.constant 0 : i32
    %dma_start3A_8 = tpu.memref_slice %arg2[%dma_start3A_7, %mul3A_2] : memref<26x4096xi32, #tpu.memory_space<hbm>> -> memref<26x128xi32, #tpu.memory_space<hbm>>
    tpu.enqueue_dma source(%dma_start3A_8 : memref<26x128xi32, #tpu.memory_space<hbm>>) target(%arg4 : memref<26x128xi32, #tpu.memory_space<vmem>>) target_semaphore(%arg7 : memref<!tpu.dma_semaphore, #tpu.memory_space<semaphore_mem>>)
    %scan3A = arith.constant 0 : i32
    %scan3A_9 = arith.constant 0 : i32
    %scan3A_10 = arith.constant 488 : i32
    %scan3A_11 = arith.addi %scan3A_9, %scan3A_10 : i32
    %scan3A_12 = arith.constant 4 : i32
    scf.for %scan3A_595 = %scan3A_9 to %scan3A_11 step %scan3A_12  : i32 {
      %swap3A = arith.index_cast %scan3A_595 : i32 to index
      %swap3A_596 = arith.constant 0 : index
      %swap3A_597 = tpu.vector_load %arg5[%swap3A, %swap3A_596] {strides = array<i32>} : memref<488x128xf32, #tpu.memory_space<vmem>>, vector<16xf32>,
      tpu.vector_store %arg5[%swap3A, %swap3A_596], %broadcast_in_dim3A_3 {strides = array<i32>} : memref<488x128xf32, #tpu.memory_space<vmem>>, vector<16xf32>,
      %swap3A_598 = arith.index_cast %scan3A_595 : i32 to index
      %swap3A_599 = arith.constant 16 : index
      %swap3A_600 = tpu.vector_load %arg5[%swap3A_598, %swap3A_599] {strides = array<i32>} : memref<488x128xf32, #tpu.memory_space<vmem>>, vector<16xf32>,
      tpu.vector_store %arg5[%swap3A_598, %swap3A_599], %broadcast_in_dim3A_3 {strides = array<i32>} : memref<488x128xf32, #tpu.memory_space<vmem>>, vector<16xf32>,
      %swap3A_601 = arith.index_cast %scan3A_595 : i32 to index
      %swap3A_602 = arith.constant 32 : index
      %swap3A_603 = tpu.vector_load %arg5[%swap3A_601, %swap3A_602] {strides = array<i32>} : memref<488x128xf32, #tpu.memory_space<vmem>>, vector<16xf32>,
      tpu.vector_store %arg5[%swap3A_601, %swap3A_602], %broadcast_in_dim3A_3 {strides = array<i32>} : memref<488x128xf32, #tpu.memory_space<vmem>>, vector<16xf32>,
      %swap3A_604 = arith.index_cast %scan3A_595 : i32 to index
      %swap3A_605 = arith.constant 48 : index
      %swap3A_606 = tpu.vector_load %arg5[%swap3A_604, %swap3A_605] {strides = array<i32>} : memref<488x128xf32, #tpu.memory_space<vmem>>, vector<16xf32>,
      tpu.vector_store %arg5[%swap3A_604, %swap3A_605], %broadcast_in_dim3A_3 {strides = array<i32>} : memref<488x128xf32, #tpu.memory_space<vmem>>, vector<16xf32>,
      %swap3A_607 = arith.index_cast %scan3A_595 : i32 to index
      %swap3A_608 = arith.constant 64 : index
      %swap3A_609 = tpu.vector_load %arg5[%swap3A_607, %swap3A_608] {strides = array<i32>} : memref<488x128xf32, #tpu.memory_space<vmem>>, vector<16xf32>,
      tpu.vector_store %arg5[%swap3A_607, %swap3A_608], %broadcast_in_dim3A_3 {strides = array<i32>} : memref<488x128xf32, #tpu.memory_space<vmem>>, vector<16xf32>,
      %swap3A_610 = arith.index_cast %scan3A_595 : i32 to index
      %swap3A_611 = arith.constant 80 : index
      %swap3A_612 = tpu.vector_load %arg5[%swap3A_610, %swap3A_611] {strides = array<i32>} : memref<488x128xf32, #tpu.memory_space<vmem>>, vector<16xf32>,
      tpu.vector_store %arg5[%swap3A_610, %swap3A_611], %broadcast_in_dim3A_3 {strides = array<i32>} : memref<488x128xf32, #tpu.memory_space<vmem>>, vector<16xf32>,
      %swap3A_613 = arith.index_cast %scan3A_595 : i32 to index
      %swap3A_614 = arith.constant 96 : index
      %swap3A_615 = tpu.vector_load %arg5[%swap3A_613, %swap3A_614] {strides = array<i32>} : memref<488x128xf32, #tpu.memory_space<vmem>>, vector<16xf32>,
      tpu.vector_store %arg5[%swap3A_613, %swap3A_614], %broadcast_in_dim3A_3 {strides = array<i32>} : memref<488x128xf32, #tpu.memory_space<vmem>>, vector<16xf32>,
      %swap3A_616 = arith.index_cast %scan3A_595 : i32 to index
      %swap3A_617 = arith.constant 112 : index
      %swap3A_618 = tpu.vector_load %arg5[%swap3A_616, %swap3A_617] {strides = array<i32>} : memref<488x128xf32, #tpu.memory_space<vmem>>, vector<16xf32>,
      tpu.vector_store %arg5[%swap3A_616, %swap3A_617], %broadcast_in_dim3A_3 {strides = array<i32>} : memref<488x128xf32, #tpu.memory_space<vmem>>, vector<16xf32>,
      %scan3A_619 = arith.constant 1 : i32
      %scan3A_620 = arith.addi %scan3A_595, %scan3A_619 : i32
      %swap3A_621 = arith.index_cast %scan3A_620 : i32 to index
      %swap3A_622 = arith.constant 0 : index
      %swap3A_623 = tpu.vector_load %arg5[%swap3A_621, %swap3A_622] {strides = array<i32>} : memref<488x128xf32, #tpu.memory_space<vmem>>, vector<16xf32>,
      tpu.vector_store %arg5[%swap3A_621, %swap3A_622], %broadcast_in_dim3A_3 {strides = array<i32>} : memref<488x128xf32, #tpu.memory_space<vmem>>, vector<16xf32>,
      %swap3A_624 = arith.index_cast %scan3A_620 : i32 to index
      %swap3A_625 = arith.constant 16 : index
      %swap3A_626 = tpu.vector_load %arg5[%swap3A_624, %swap3A_625] {strides = array<i32>} : memref<488x128xf32, #tpu.memory_space<vmem>>, vector<16xf32>,
      tpu.vector_store %arg5[%swap3A_624, %swap3A_625], %broadcast_in_dim3A_3 {strides = array<i32>} : memref<488x128xf32, #tpu.memory_space<vmem>>, vector<16xf32>,
      %swap3A_627 = arith.index_cast %scan3A_620 : i32 to index
      %swap3A_628 = arith.constant 32 : index
      %swap3A_629 = tpu.vector_load %arg5[%swap3A_627, %swap3A_628] {strides = array<i32>} : memref<488x128xf32, #tpu.memory_space<vmem>>, vector<16xf32>,
      tpu.vector_store %arg5[%swap3A_627, %swap3A_628], %broadcast_in_dim3A_3 {strides = array<i32>} : memref<488x128xf32, #tpu.memory_space<vmem>>, vector<16xf32>,
      %swap3A_630 = arith.index_cast %scan3A_620 : i32 to index
      %swap3A_631 = arith.constant 48 : index
      %swap3A_632 = tpu.vector_load %arg5[%swap3A_630, %swap3A_631] {strides = array<i32>} : memref<488x128xf32, #tpu.memory_space<vmem>>, vector<16xf32>,
      tpu.vector_store %arg5[%swap3A_630, %swap3A_631], %broadcast_in_dim3A_3 {strides = array<i32>} : memref<488x128xf32, #tpu.memory_space<vmem>>, vector<16xf32>,
      %swap3A_633 = arith.index_cast %scan3A_620 : i32 to index
      %swap3A_634 = arith.constant 64 : index
      %swap3A_635 = tpu.vector_load %arg5[%swap3A_633, %swap3A_634] {strides = array<i32>} : memref<488x128xf32, #tpu.memory_space<vmem>>, vector<16xf32>,
      tpu.vector_store %arg5[%swap3A_633, %swap3A_634], %broadcast_in_dim3A_3 {strides = array<i32>} : memref<488x128xf32, #tpu.memory_space<vmem>>, vector<16xf32>,
      %swap3A_636 = arith.index_cast %scan3A_620 : i32 to index
      %swap3A_637 = arith.constant 80 : index
      %swap3A_638 = tpu.vector_load %arg5[%swap3A_636, %swap3A_637] {strides = array<i32>} : memref<488x128xf32, #tpu.memory_space<vmem>>, vector<16xf32>,
      tpu.vector_store %arg5[%swap3A_636, %swap3A_637], %broadcast_in_dim3A_3 {strides = array<i32>} : memref<488x128xf32, #tpu.memory_space<vmem>>, vector<16xf32>,
      %swap3A_639 = arith.index_cast %scan3A_620 : i32 to index
      %swap3A_640 = arith.constant 96 : index
      %swap3A_641 = tpu.vector_load %arg5[%swap3A_639, %swap3A_640] {strides = array<i32>} : memref<488x128xf32, #tpu.memory_space<vmem>>, vector<16xf32>,
      tpu.vector_store %arg5[%swap3A_639, %swap3A_640], %broadcast_in_dim3A_3 {strides = array<i32>} : memref<488x128xf32, #tpu.memory_space<vmem>>, vector<16xf32>,
      %swap3A_642 = arith.index_cast %scan3A_620 : i32 to index
      %swap3A_643 = arith.constant 112 : index
      %swap3A_644 = tpu.vector_load %arg5[%swap3A_642, %swap3A_643] {strides = array<i32>} : memref<488x128xf32, #tpu.memory_space<vmem>>, vector<16xf32>,
      tpu.vector_store %arg5[%swap3A_642, %swap3A_643], %broadcast_in_dim3A_3 {strides = array<i32>} : memref<488x128xf32, #tpu.memory_space<vmem>>, vector<16xf32>,
      %scan3A_645 = arith.constant 2 : i32
      %scan3A_646 = arith.addi %scan3A_595, %scan3A_645 : i32
      %swap3A_647 = arith.index_cast %scan3A_646 : i32 to index
      %swap3A_648 = arith.constant 0 : index
      %swap3A_649 = tpu.vector_load %arg5[%swap3A_647, %swap3A_648] {strides = array<i32>} : memref<488x128xf32, #tpu.memory_space<vmem>>, vector<16xf32>,
      tpu.vector_store %arg5[%swap3A_647, %swap3A_648], %broadcast_in_dim3A_3 {strides = array<i32>} : memref<488x128xf32, #tpu.memory_space<vmem>>, vector<16xf32>,
      %swap3A_650 = arith.index_cast %scan3A_646 : i32 to index
      %swap3A_651 = arith.constant 16 : index
      %swap3A_652 = tpu.vector_load %arg5[%swap3A_650, %swap3A_651] {strides = array<i32>} : memref<488x128xf32, #tpu.memory_space<vmem>>, vector<16xf32>,
      tpu.vector_store %arg5[%swap3A_650, %swap3A_651], %broadcast_in_dim3A_3 {strides = array<i32>} : memref<488x128xf32, #tpu.memory_space<vmem>>, vector<16xf32>,
      %swap3A_653 = arith.index_cast %scan3A_646 : i32 to index
      %swap3A_654 = arith.constant 32 : index
      %swap3A_655 = tpu.vector_load %arg5[%swap3A_653, %swap3A_654] {strides = array<i32>} : memref<488x128xf32, #tpu.memory_space<vmem>>, vector<16xf32>,
      tpu.vector_store %arg5[%swap3A_653, %swap3A_654], %broadcast_in_dim3A_3 {strides = array<i32>} : memref<488x128xf32, #tpu.memory_space<vmem>>, vector<16xf32>,
      %swap3A_656 = arith.index_cast %scan3A_646 : i32 to index
      %swap3A_657 = arith.constant 48 : index
      %swap3A_658 = tpu.vector_load %arg5[%swap3A_656, %swap3A_657] {strides = array<i32>} : memref<488x128xf32, #tpu.memory_space<vmem>>, vector<16xf32>,
      tpu.vector_store %arg5[%swap3A_656, %swap3A_657], %broadcast_in_dim3A_3 {strides = array<i32>} : memref<488x128xf32, #tpu.memory_space<vmem>>, vector<16xf32>,
      %swap3A_659 = arith.index_cast %scan3A_646 : i32 to index
      %swap3A_660 = arith.constant 64 : index
      %swap3A_661 = tpu.vector_load %arg5[%swap3A_659, %swap3A_660] {strides = array<i32>} : memref<488x128xf32, #tpu.memory_space<vmem>>, vector<16xf32>,
      tpu.vector_store %arg5[%swap3A_659, %swap3A_660], %broadcast_in_dim3A_3 {strides = array<i32>} : memref<488x128xf32, #tpu.memory_space<vmem>>, vector<16xf32>,
      %swap3A_662 = arith.index_cast %scan3A_646 : i32 to index
      %swap3A_663 = arith.constant 80 : index
      %swap3A_664 = tpu.vector_load %arg5[%swap3A_662, %swap3A_663] {strides = array<i32>} : memref<488x128xf32, #tpu.memory_space<vmem>>, vector<16xf32>,
      tpu.vector_store %arg5[%swap3A_662, %swap3A_663], %broadcast_in_dim3A_3 {strides = array<i32>} : memref<488x128xf32, #tpu.memory_space<vmem>>, vector<16xf32>,
      %swap3A_665 = arith.index_cast %scan3A_646 : i32 to index
      %swap3A_666 = arith.constant 96 : index
      %swap3A_667 = tpu.vector_load %arg5[%swap3A_665, %swap3A_666] {strides = array<i32>} : memref<488x128xf32, #tpu.memory_space<vmem>>, vector<16xf32>,
      tpu.vector_store %arg5[%swap3A_665, %swap3A_666], %broadcast_in_dim3A_3 {strides = array<i32>} : memref<488x128xf32, #tpu.memory_space<vmem>>, vector<16xf32>,
      %swap3A_668 = arith.index_cast %scan3A_646 : i32 to index
      %swap3A_669 = arith.constant 112 : index
      %swap3A_670 = tpu.vector_load %arg5[%swap3A_668, %swap3A_669] {strides = array<i32>} : memref<488x128xf32, #tpu.memory_space<vmem>>, vector<16xf32>,
      tpu.vector_store %arg5[%swap3A_668, %swap3A_669], %broadcast_in_dim3A_3 {strides = array<i32>} : memref<488x128xf32, #tpu.memory_space<vmem>>, vector<16xf32>,
      %scan3A_671 = arith.constant 3 : i32
      %scan3A_672 = arith.addi %scan3A_595, %scan3A_671 : i32
      %swap3A_673 = arith.index_cast %scan3A_672 : i32 to index
      %swap3A_674 = arith.constant 0 : index
      %swap3A_675 = tpu.vector_load %arg5[%swap3A_673, %swap3A_674] {strides = array<i32>} : memref<488x128xf32, #tpu.memory_space<vmem>>, vector<16xf32>,
      tpu.vector_store %arg5[%swap3A_673, %swap3A_674], %broadcast_in_dim3A_3 {strides = array<i32>} : memref<488x128xf32, #tpu.memory_space<vmem>>, vector<16xf32>,
      %swap3A_676 = arith.index_cast %scan3A_672 : i32 to index
      %swap3A_677 = arith.constant 16 : index
      %swap3A_678 = tpu.vector_load %arg5[%swap3A_676, %swap3A_677] {strides = array<i32>} : memref<488x128xf32, #tpu.memory_space<vmem>>, vector<16xf32>,
      tpu.vector_store %arg5[%swap3A_676, %swap3A_677], %broadcast_in_dim3A_3 {strides = array<i32>} : memref<488x128xf32, #tpu.memory_space<vmem>>, vector<16xf32>,
      %swap3A_679 = arith.index_cast %scan3A_672 : i32 to index
      %swap3A_680 = arith.constant 32 : index
      %swap3A_681 = tpu.vector_load %arg5[%swap3A_679, %swap3A_680] {strides = array<i32>} : memref<488x128xf32, #tpu.memory_space<vmem>>, vector<16xf32>,
      tpu.vector_store %arg5[%swap3A_679, %swap3A_680], %broadcast_in_dim3A_3 {strides = array<i32>} : memref<488x128xf32, #tpu.memory_space<vmem>>, vector<16xf32>,
      %swap3A_682 = arith.index_cast %scan3A_672 : i32 to index
      %swap3A_683 = arith.constant 48 : index
      %swap3A_684 = tpu.vector_load %arg5[%swap3A_682, %swap3A_683] {strides = array<i32>} : memref<488x128xf32, #tpu.memory_space<vmem>>, vector<16xf32>,
      tpu.vector_store %arg5[%swap3A_682, %swap3A_683], %broadcast_in_dim3A_3 {strides = array<i32>} : memref<488x128xf32, #tpu.memory_space<vmem>>, vector<16xf32>,
      %swap3A_685 = arith.index_cast %scan3A_672 : i32 to index
      %swap3A_686 = arith.constant 64 : index
      %swap3A_687 = tpu.vector_load %arg5[%swap3A_685, %swap3A_686] {strides = array<i32>} : memref<488x128xf32, #tpu.memory_space<vmem>>, vector<16xf32>,
      tpu.vector_store %arg5[%swap3A_685, %swap3A_686], %broadcast_in_dim3A_3 {strides = array<i32>} : memref<488x128xf32, #tpu.memory_space<vmem>>, vector<16xf32>,
      %swap3A_688 = arith.index_cast %scan3A_672 : i32 to index
      %swap3A_689 = arith.constant 80 : index
      %swap3A_690 = tpu.vector_load %arg5[%swap3A_688, %swap3A_689] {strides = array<i32>} : memref<488x128xf32, #tpu.memory_space<vmem>>, vector<16xf32>,
      tpu.vector_store %arg5[%swap3A_688, %swap3A_689], %broadcast_in_dim3A_3 {strides = array<i32>} : memref<488x128xf32, #tpu.memory_space<vmem>>, vector<16xf32>,
      %swap3A_691 = arith.index_cast %scan3A_672 : i32 to index
      %swap3A_692 = arith.constant 96 : index
      %swap3A_693 = tpu.vector_load %arg5[%swap3A_691, %swap3A_692] {strides = array<i32>} : memref<488x128xf32, #tpu.memory_space<vmem>>, vector<16xf32>,
      tpu.vector_store %arg5[%swap3A_691, %swap3A_692], %broadcast_in_dim3A_3 {strides = array<i32>} : memref<488x128xf32, #tpu.memory_space<vmem>>, vector<16xf32>,
      %swap3A_694 = arith.index_cast %scan3A_672 : i32 to index
      %swap3A_695 = arith.constant 112 : index
      %swap3A_696 = tpu.vector_load %arg5[%swap3A_694, %swap3A_695] {strides = array<i32>} : memref<488x128xf32, #tpu.memory_space<vmem>>, vector<16xf32>,
      tpu.vector_store %arg5[%swap3A_694, %swap3A_695], %broadcast_in_dim3A_3 {strides = array<i32>} : memref<488x128xf32, #tpu.memory_space<vmem>>, vector<16xf32>,
    }
    %scan3A_13 = arith.constant 488 : i32
    %dma_wait3A = arith.constant 0 : i32
    %dma_wait3A_14 = tpu.memref_slice %arg2[%dma_wait3A, %mul3A_2] : memref<26x4096xi32, #tpu.memory_space<hbm>> -> memref<26x128xi32, #tpu.memory_space<hbm>>
    %dma_wait3A_15 = arith.constant 0 : i32
    %dma_wait3A_16 = tpu.memref_slice %arg2[%dma_wait3A_15, %mul3A_2] : memref<26x4096xi32, #tpu.memory_space<hbm>> -> memref<26x128xi32, #tpu.memory_space<hbm>>
    tpu.wait_dma2 semaphore(%arg7 : memref<!tpu.dma_semaphore, #tpu.memory_space<semaphore_mem>>) src(%dma_wait3A_16 : memref<26x128xi32, #tpu.memory_space<hbm>>) dst(%arg4 : memref<26x128xi32, #tpu.memory_space<vmem>>)
    %scan3A_17 = arith.constant 0 : i32
    %scan3A_18 = arith.constant 0 : i32
    %scan3A_19 = arith.constant 8 : i32
    %scan3A_20 = arith.addi %scan3A_18, %scan3A_19 : i32
    %scan3A_21 = arith.constant 2 : i32
    scf.for %scan3A_595 = %scan3A_18 to %scan3A_20 step %scan3A_21  : i32 {
      %mul3A_596 = arith.constant 16 : i32
      %mul3A_597 = arith.muli %scan3A_595, %mul3A_596 : i32
      %get3A = arith.constant 0 : i32
      %get3A_598 = arith.index_cast %get3A : i32 to index
      %get3A_599 = arith.index_cast %mul3A_597 : i32 to index
      %get3A_600 = tpu.vector_load %arg4[%get3A_598, %get3A_599] {strides = array<i32>} : memref<26x128xi32, #tpu.memory_space<vmem>>, vector<16xi32>,
      %add3A_601 = arith.constant 0 : i32
      %add3A_602 = vector.broadcast %add3A_601 : i32 to vector<16xi32>
      %add3A_603 = arith.addi %get3A_600, %add3A_602 : vector<16xi32>
      %ge3A = arith.constant 0 : i32
      %ge3A_604 = vector.broadcast %ge3A : i32 to vector<16xi32>
      %ge3A_605 = arith.cmpi sge, %get3A_600, %ge3A_604 : vector<16xi32>
      %lt3A = arith.constant 100 : i32
      %lt3A_606 = vector.broadcast %lt3A : i32 to vector<16xi32>
      %lt3A_607 = arith.cmpi slt, %get3A_600, %lt3A_606 : vector<16xi32>
      %and3A = arith.andi %ge3A_605, %lt3A_607 : vector<16xi1>
      %ge3A_608 = arith.constant 0 : i32
      %ge3A_609 = vector.broadcast %ge3A_608 : i32 to vector<16xi32>
      %ge3A_610 = arith.cmpi sge, %add3A_603, %ge3A_609 : vector<16xi32>
      %and3A_611 = arith.andi %and3A, %ge3A_610 : vector<16xi1>
      %lt3A_612 = arith.constant 488 : i32
      %lt3A_613 = vector.broadcast %lt3A_612 : i32 to vector<16xi32>
      %lt3A_614 = arith.cmpi slt, %add3A_603, %lt3A_613 : vector<16xi32>
      %and3A_615 = arith.andi %and3A_611, %lt3A_614 : vector<16xi1>
      %mul3A_616 = arith.constant 16 : i32
      %mul3A_617 = arith.muli %scan3A_595, %mul3A_616 : i32
      %add3A_618 = vector.broadcast %mul3A_617 : i32 to vector<16xi32>
      %add3A_619 = arith.addi %iota3A, %add3A_618 : vector<16xi32>
      tpu.vector_store_idx %arg5[%add3A_603, %add3A_619], %broadcast_in_dim3A_5 masked %and3A_615 : memref<488x128xf32, #tpu.memory_space<vmem>>[vector<16xi32>, vector<16xi32>], vector<16xf32>, vector<16xi1>
      %scan3A_620 = arith.constant 1 : i32
      %scan3A_621 = arith.addi %scan3A_595, %scan3A_620 : i32
      %mul3A_622 = arith.constant 16 : i32
      %mul3A_623 = arith.muli %scan3A_621, %mul3A_622 : i32
      %get3A_624 = arith.constant 0 : i32
      %get3A_625 = arith.index_cast %get3A_624 : i32 to index
      %get3A_626 = arith.index_cast %mul3A_623 : i32 to index
      %get3A_627 = tpu.vector_load %arg4[%get3A_625, %get3A_626] {strides = array<i32>} : memref<26x128xi32, #tpu.memory_space<vmem>>, vector<16xi32>,
      %add3A_628 = arith.constant 0 : i32
      %add3A_629 = vector.broadcast %add3A_628 : i32 to vector<16xi32>
      %add3A_630 = arith.addi %get3A_627, %add3A_629 : vector<16xi32>
      %ge3A_631 = arith.constant 0 : i32
      %ge3A_632 = vector.broadcast %ge3A_631 : i32 to vector<16xi32>
      %ge3A_633 = arith.cmpi sge, %get3A_627, %ge3A_632 : vector<16xi32>
      %lt3A_634 = arith.constant 100 : i32
      %lt3A_635 = vector.broadcast %lt3A_634 : i32 to vector<16xi32>
      %lt3A_636 = arith.cmpi slt, %get3A_627, %lt3A_635 : vector<16xi32>
      %and3A_637 = arith.andi %ge3A_633, %lt3A_636 : vector<16xi1>
      %ge3A_638 = arith.constant 0 : i32
      %ge3A_639 = vector.broadcast %ge3A_638 : i32 to vector<16xi32>
      %ge3A_640 = arith.cmpi sge, %add3A_630, %ge3A_639 : vector<16xi32>
      %and3A_641 = arith.andi %and3A_637, %ge3A_640 : vector<16xi1>
      %lt3A_642 = arith.constant 488 : i32
      %lt3A_643 = vector.broadcast %lt3A_642 : i32 to vector<16xi32>
      %lt3A_644 = arith.cmpi slt, %add3A_630, %lt3A_643 : vector<16xi32>
      %and3A_645 = arith.andi %and3A_641, %lt3A_644 : vector<16xi1>
      %mul3A_646 = arith.constant 16 : i32
      %mul3A_647 = arith.muli %scan3A_621, %mul3A_646 : i32
      %add3A_648 = vector.broadcast %mul3A_647 : i32 to vector<16xi32>
      %add3A_649 = arith.addi %iota3A, %add3A_648 : vector<16xi32>
      tpu.vector_store_idx %arg5[%add3A_630, %add3A_649], %broadcast_in_dim3A_5 masked %and3A_645 : memref<488x128xf32, #tpu.memory_space<vmem>>[vector<16xi32>, vector<16xi32>], vector<16xf32>, vector<16xi1>
    }
    %scan3A_22 = arith.constant 8 : i32
    %scan3A_23 = arith.constant 0 : i32
    %scan3A_24 = arith.constant 0 : i32
    %scan3A_25 = arith.constant 8 : i32
    %scan3A_26 = arith.addi %scan3A_24, %scan3A_25 : i32
    %scan3A_27 = arith.constant 2 : i32
    scf.for %scan3A_595 = %scan3A_24 to %scan3A_26 step %scan3A_27  : i32 {
      %mul3A_596 = arith.constant 16 : i32
      %mul3A_597 = arith.muli %scan3A_595, %mul3A_596 : i32
      %get3A = arith.constant 1 : i32
      %get3A_598 = arith.index_cast %get3A : i32 to index
      %get3A_599 = arith.index_cast %mul3A_597 : i32 to index
      %get3A_600 = tpu.vector_load %arg4[%get3A_598, %get3A_599] {strides = array<i32>} : memref<26x128xi32, #tpu.memory_space<vmem>>, vector<16xi32>,
      %add3A_601 = arith.constant 100 : i32
      %add3A_602 = vector.broadcast %add3A_601 : i32 to vector<16xi32>
      %add3A_603 = arith.addi %get3A_600, %add3A_602 : vector<16xi32>
      %ge3A = arith.constant 0 : i32
      %ge3A_604 = vector.broadcast %ge3A : i32 to vector<16xi32>
      %ge3A_605 = arith.cmpi sge, %get3A_600, %ge3A_604 : vector<16xi32>
      %lt3A = arith.constant 50 : i32
      %lt3A_606 = vector.broadcast %lt3A : i32 to vector<16xi32>
      %lt3A_607 = arith.cmpi slt, %get3A_600, %lt3A_606 : vector<16xi32>
      %and3A = arith.andi %ge3A_605, %lt3A_607 : vector<16xi1>
      %ge3A_608 = arith.constant 0 : i32
      %ge3A_609 = vector.broadcast %ge3A_608 : i32 to vector<16xi32>
      %ge3A_610 = arith.cmpi sge, %add3A_603, %ge3A_609 : vector<16xi32>
      %and3A_611 = arith.andi %and3A, %ge3A_610 : vector<16xi1>
      %lt3A_612 = arith.constant 488 : i32
      %lt3A_613 = vector.broadcast %lt3A_612 : i32 to vector<16xi32>
      %lt3A_614 = arith.cmpi slt, %add3A_603, %lt3A_613 : vector<16xi32>
      %and3A_615 = arith.andi %and3A_611, %lt3A_614 : vector<16xi1>
      %mul3A_616 = arith.constant 16 : i32
      %mul3A_617 = arith.muli %scan3A_595, %mul3A_616 : i32
      %add3A_618 = vector.broadcast %mul3A_617 : i32 to vector<16xi32>
      %add3A_619 = arith.addi %iota3A, %add3A_618 : vector<16xi32>
      tpu.vector_store_idx %arg5[%add3A_603, %add3A_619], %broadcast_in_dim3A_5 masked %and3A_615 : memref<488x128xf32, #tpu.memory_space<vmem>>[vector<16xi32>, vector<16xi32>], vector<16xf32>, vector<16xi1>
      %scan3A_620 = arith.constant 1 : i32
      %scan3A_621 = arith.addi %scan3A_595, %scan3A_620 : i32
      %mul3A_622 = arith.constant 16 : i32
      %mul3A_623 = arith.muli %scan3A_621, %mul3A_622 : i32
      %get3A_624 = arith.constant 1 : i32
      %get3A_625 = arith.index_cast %get3A_624 : i32 to index
      %get3A_626 = arith.index_cast %mul3A_623 : i32 to index
      %get3A_627 = tpu.vector_load %arg4[%get3A_625, %get3A_626] {strides = array<i32>} : memref<26x128xi32, #tpu.memory_space<vmem>>, vector<16xi32>,
      %add3A_628 = arith.constant 100 : i32
      %add3A_629 = vector.broadcast %add3A_628 : i32 to vector<16xi32>
      %add3A_630 = arith.addi %get3A_627, %add3A_629 : vector<16xi32>
      %ge3A_631 = arith.constant 0 : i32
      %ge3A_632 = vector.broadcast %ge3A_631 : i32 to vector<16xi32>
      %ge3A_633 = arith.cmpi sge, %get3A_627, %ge3A_632 : vector<16xi32>
      %lt3A_634 = arith.constant 50 : i32
      %lt3A_635 = vector.broadcast %lt3A_634 : i32 to vector<16xi32>
      %lt3A_636 = arith.cmpi slt, %get3A_627, %lt3A_635 : vector<16xi32>
      %and3A_637 = arith.andi %ge3A_633, %lt3A_636 : vector<16xi1>
      %ge3A_638 = arith.constant 0 : i32
      %ge3A_639 = vector.broadcast %ge3A_638 : i32 to vector<16xi32>
      %ge3A_640 = arith.cmpi sge, %add3A_630, %ge3A_639 : vector<16xi32>
      %and3A_641 = arith.andi %and3A_637, %ge3A_640 : vector<16xi1>
      %lt3A_642 = arith.constant 488 : i32
      %lt3A_643 = vector.broadcast %lt3A_642 : i32 to vector<16xi32>
      %lt3A_644 = arith.cmpi slt, %add3A_630, %lt3A_643 : vector<16xi32>
      %and3A_645 = arith.andi %and3A_641, %lt3A_644 : vector<16xi1>
      %mul3A_646 = arith.constant 16 : i32
      %mul3A_647 = arith.muli %scan3A_621, %mul3A_646 : i32
      %add3A_648 = vector.broadcast %mul3A_647 : i32 to vector<16xi32>
      %add3A_649 = arith.addi %iota3A, %add3A_648 : vector<16xi32>
      tpu.vector_store_idx %arg5[%add3A_630, %add3A_649], %broadcast_in_dim3A_5 masked %and3A_645 : memref<488x128xf32, #tpu.memory_space<vmem>>[vector<16xi32>, vector<16xi32>], vector<16xf32>, vector<16xi1>
    }
    %scan3A_28 = arith.constant 8 : i32
    %scan3A_29 = arith.constant 0 : i32
    %scan3A_30 = arith.constant 0 : i32
    %scan3A_31 = arith.constant 8 : i32
    %scan3A_32 = arith.addi %scan3A_30, %scan3A_31 : i32
    %scan3A_33 = arith.constant 2 : i32
    scf.for %scan3A_595 = %scan3A_30 to %scan3A_32 step %scan3A_33  : i32 {
      %mul3A_596 = arith.constant 16 : i32
      %mul3A_597 = arith.muli %scan3A_595, %mul3A_596 : i32
      %get3A = arith.constant 2 : i32
      %get3A_598 = arith.index_cast %get3A : i32 to index
      %get3A_599 = arith.index_cast %mul3A_597 : i32 to index
      %get3A_600 = tpu.vector_load %arg4[%get3A_598, %get3A_599] {strides = array<i32>} : memref<26x128xi32, #tpu.memory_space<vmem>>, vector<16xi32>,
      %add3A_601 = arith.constant 150 : i32
      %add3A_602 = vector.broadcast %add3A_601 : i32 to vector<16xi32>
      %add3A_603 = arith.addi %get3A_600, %add3A_602 : vector<16xi32>
      %ge3A = arith.constant 0 : i32
      %ge3A_604 = vector.broadcast %ge3A : i32 to vector<16xi32>
      %ge3A_605 = arith.cmpi sge, %get3A_600, %ge3A_604 : vector<16xi32>
      %lt3A = arith.constant 200 : i32
      %lt3A_606 = vector.broadcast %lt3A : i32 to vector<16xi32>
      %lt3A_607 = arith.cmpi slt, %get3A_600, %lt3A_606 : vector<16xi32>
      %and3A = arith.andi %ge3A_605, %lt3A_607 : vector<16xi1>
      %ge3A_608 = arith.constant 0 : i32
      %ge3A_609 = vector.broadcast %ge3A_608 : i32 to vector<16xi32>
      %ge3A_610 = arith.cmpi sge, %add3A_603, %ge3A_609 : vector<16xi32>
      %and3A_611 = arith.andi %and3A, %ge3A_610 : vector<16xi1>
      %lt3A_612 = arith.constant 488 : i32
      %lt3A_613 = vector.broadcast %lt3A_612 : i32 to vector<16xi32>
      %lt3A_614 = arith.cmpi slt, %add3A_603, %lt3A_613 : vector<16xi32>
      %and3A_615 = arith.andi %and3A_611, %lt3A_614 : vector<16xi1>
      %mul3A_616 = arith.constant 16 : i32
      %mul3A_617 = arith.muli %scan3A_595, %mul3A_616 : i32
      %add3A_618 = vector.broadcast %mul3A_617 : i32 to vector<16xi32>
      %add3A_619 = arith.addi %iota3A, %add3A_618 : vector<16xi32>
      tpu.vector_store_idx %arg5[%add3A_603, %add3A_619], %broadcast_in_dim3A_5 masked %and3A_615 : memref<488x128xf32, #tpu.memory_space<vmem>>[vector<16xi32>, vector<16xi32>], vector<16xf32>, vector<16xi1>
      %scan3A_620 = arith.constant 1 : i32
      %scan3A_621 = arith.addi %scan3A_595, %scan3A_620 : i32
      %mul3A_622 = arith.constant 16 : i32
      %mul3A_623 = arith.muli %scan3A_621, %mul3A_622 : i32
      %get3A_624 = arith.constant 2 : i32
      %get3A_625 = arith.index_cast %get3A_624 : i32 to index
      %get3A_626 = arith.index_cast %mul3A_623 : i32 to index
      %get3A_627 = tpu.vector_load %arg4[%get3A_625, %get3A_626] {strides = array<i32>} : memref<26x128xi32, #tpu.memory_space<vmem>>, vector<16xi32>,
      %add3A_628 = arith.constant 150 : i32
      %add3A_629 = vector.broadcast %add3A_628 : i32 to vector<16xi32>
      %add3A_630 = arith.addi %get3A_627, %add3A_629 : vector<16xi32>
      %ge3A_631 = arith.constant 0 : i32
      %ge3A_632 = vector.broadcast %ge3A_631 : i32 to vector<16xi32>
      %ge3A_633 = arith.cmpi sge, %get3A_627, %ge3A_632 : vector<16xi32>
      %lt3A_634 = arith.constant 200 : i32
      %lt3A_635 = vector.broadcast %lt3A_634 : i32 to vector<16xi32>
      %lt3A_636 = arith.cmpi slt, %get3A_627, %lt3A_635 : vector<16xi32>
      %and3A_637 = arith.andi %ge3A_633, %lt3A_636 : vector<16xi1>
      %ge3A_638 = arith.constant 0 : i32
      %ge3A_639 = vector.broadcast %ge3A_638 : i32 to vector<16xi32>
      %ge3A_640 = arith.cmpi sge, %add3A_630, %ge3A_639 : vector<16xi32>
      %and3A_641 = arith.andi %and3A_637, %ge3A_640 : vector<16xi1>
      %lt3A_642 = arith.constant 488 : i32
      %lt3A_643 = vector.broadcast %lt3A_642 : i32 to vector<16xi32>
      %lt3A_644 = arith.cmpi slt, %add3A_630, %lt3A_643 : vector<16xi32>
      %and3A_645 = arith.andi %and3A_641, %lt3A_644 : vector<16xi1>
      %mul3A_646 = arith.constant 16 : i32
      %mul3A_647 = arith.muli %scan3A_621, %mul3A_646 : i32
      %add3A_648 = vector.broadcast %mul3A_647 : i32 to vector<16xi32>
      %add3A_649 = arith.addi %iota3A, %add3A_648 : vector<16xi32>
      tpu.vector_store_idx %arg5[%add3A_630, %add3A_649], %broadcast_in_dim3A_5 masked %and3A_645 : memref<488x128xf32, #tpu.memory_space<vmem>>[vector<16xi32>, vector<16xi32>], vector<16xf32>, vector<16xi1>
    }
    %scan3A_34 = arith.constant 8 : i32
    %scan3A_35 = arith.constant 0 : i32
    %scan3A_36 = arith.constant 0 : i32
    %scan3A_37 = arith.constant 8 : i32
    %scan3A_38 = arith.addi %scan3A_36, %scan3A_37 : i32
    %scan3A_39 = arith.constant 2 : i32
    scf.for %scan3A_595 = %scan3A_36 to %scan3A_38 step %scan3A_39  : i32 {
      %mul3A_596 = arith.constant 16 : i32
      %mul3A_597 = arith.muli %scan3A_595, %mul3A_596 : i32
      %get3A = arith.constant 3 : i32
      %get3A_598 = arith.index_cast %get3A : i32 to index
      %get3A_599 = arith.index_cast %mul3A_597 : i32 to index
      %get3A_600 = tpu.vector_load %arg4[%get3A_598, %get3A_599] {strides = array<i32>} : memref<26x128xi32, #tpu.memory_space<vmem>>, vector<16xi32>,
      %add3A_601 = arith.constant 350 : i32
      %add3A_602 = vector.broadcast %add3A_601 : i32 to vector<16xi32>
      %add3A_603 = arith.addi %get3A_600, %add3A_602 : vector<16xi32>
      %ge3A = arith.constant 0 : i32
      %ge3A_604 = vector.broadcast %ge3A : i32 to vector<16xi32>
      %ge3A_605 = arith.cmpi sge, %get3A_600, %ge3A_604 : vector<16xi32>
      %lt3A = arith.constant 1000 : i32
      %lt3A_606 = vector.broadcast %lt3A : i32 to vector<16xi32>
      %lt3A_607 = arith.cmpi slt, %get3A_600, %lt3A_606 : vector<16xi32>
      %and3A = arith.andi %ge3A_605, %lt3A_607 : vector<16xi1>
      %ge3A_608 = arith.constant 0 : i32
      %ge3A_609 = vector.broadcast %ge3A_608 : i32 to vector<16xi32>
      %ge3A_610 = arith.cmpi sge, %add3A_603, %ge3A_609 : vector<16xi32>
      %and3A_611 = arith.andi %and3A, %ge3A_610 : vector<16xi1>
      %lt3A_612 = arith.constant 488 : i32
      %lt3A_613 = vector.broadcast %lt3A_612 : i32 to vector<16xi32>
      %lt3A_614 = arith.cmpi slt, %add3A_603, %lt3A_613 : vector<16xi32>
      %and3A_615 = arith.andi %and3A_611, %lt3A_614 : vector<16xi1>
      %mul3A_616 = arith.constant 16 : i32
      %mul3A_617 = arith.muli %scan3A_595, %mul3A_616 : i32
      %add3A_618 = vector.broadcast %mul3A_617 : i32 to vector<16xi32>
      %add3A_619 = arith.addi %iota3A, %add3A_618 : vector<16xi32>
      tpu.vector_store_idx %arg5[%add3A_603, %add3A_619], %broadcast_in_dim3A_5 masked %and3A_615 : memref<488x128xf32, #tpu.memory_space<vmem>>[vector<16xi32>, vector<16xi32>], vector<16xf32>, vector<16xi1>
      %scan3A_620 = arith.constant 1 : i32
      %scan3A_621 = arith.addi %scan3A_595, %scan3A_620 : i32
      %mul3A_622 = arith.constant 16 : i32
      %mul3A_623 = arith.muli %scan3A_621, %mul3A_622 : i32
      %get3A_624 = arith.constant 3 : i32
      %get3A_625 = arith.index_cast %get3A_624 : i32 to index
      %get3A_626 = arith.index_cast %mul3A_623 : i32 to index
      %get3A_627 = tpu.vector_load %arg4[%get3A_625, %get3A_626] {strides = array<i32>} : memref<26x128xi32, #tpu.memory_space<vmem>>, vector<16xi32>,
      %add3A_628 = arith.constant 350 : i32
      %add3A_629 = vector.broadcast %add3A_628 : i32 to vector<16xi32>
      %add3A_630 = arith.addi %get3A_627, %add3A_629 : vector<16xi32>
      %ge3A_631 = arith.constant 0 : i32
      %ge3A_632 = vector.broadcast %ge3A_631 : i32 to vector<16xi32>
      %ge3A_633 = arith.cmpi sge, %get3A_627, %ge3A_632 : vector<16xi32>
      %lt3A_634 = arith.constant 1000 : i32
      %lt3A_635 = vector.broadcast %lt3A_634 : i32 to vector<16xi32>
      %lt3A_636 = arith.cmpi slt, %get3A_627, %lt3A_635 : vector<16xi32>
      %and3A_637 = arith.andi %ge3A_633, %lt3A_636 : vector<16xi1>
      %ge3A_638 = arith.constant 0 : i32
      %ge3A_639 = vector.broadcast %ge3A_638 : i32 to vector<16xi32>
      %ge3A_640 = arith.cmpi sge, %add3A_630, %ge3A_639 : vector<16xi32>
      %and3A_641 = arith.andi %and3A_637, %ge3A_640 : vector<16xi1>
      %lt3A_642 = arith.constant 488 : i32
      %lt3A_643 = vector.broadcast %lt3A_642 : i32 to vector<16xi32>
      %lt3A_644 = arith.cmpi slt, %add3A_630, %lt3A_643 : vector<16xi32>
      %and3A_645 = arith.andi %and3A_641, %lt3A_644 : vector<16xi1>
      %mul3A_646 = arith.constant 16 : i32
      %mul3A_647 = arith.muli %scan3A_621, %mul3A_646 : i32
      %add3A_648 = vector.broadcast %mul3A_647 : i32 to vector<16xi32>
      %add3A_649 = arith.addi %iota3A, %add3A_648 : vector<16xi32>
      tpu.vector_store_idx %arg5[%add3A_630, %add3A_649], %broadcast_in_dim3A_5 masked %and3A_645 : memref<488x128xf32, #tpu.memory_space<vmem>>[vector<16xi32>, vector<16xi32>], vector<16xf32>, vector<16xi1>
    }
    %scan3A_40 = arith.constant 8 : i32
    %dma_start3A_41 = arith.constant 0 : i32
    %dma_start3A_42 = arith.constant 0 : i32
    %dma_start3A_43 = tpu.memref_slice %arg5[%dma_start3A_41, %dma_start3A_42] : memref<488x128xf32, #tpu.memory_space<vmem>> -> memref<488x128xf32, #tpu.memory_space<vmem>>
    %dma_start3A_44 = arith.constant 0 : i32
    %dma_start3A_45 = tpu.memref_slice %arg3[%dma_start3A_44, %mul3A_2] : memref<3950x4096xf32, #tpu.memory_space<hbm>> -> memref<488x128xf32, #tpu.memory_space<hbm>>
    %dma_start3A_46 = arith.constant 0 : i32
    %dma_start3A_47 = tpu.memref_slice %arg3[%dma_start3A_46, %mul3A_2] : memref<3950x4096xf32, #tpu.memory_space<hbm>> -> memref<488x128xf32, #tpu.memory_space<hbm>>
    %dma_start3A_48 = arith.constant 0 : i32
    %dma_start3A_49 = arith.constant 0 : i32
    %dma_start3A_50 = tpu.memref_slice %arg5[%dma_start3A_48, %dma_start3A_49] : memref<488x128xf32, #tpu.memory_space<vmem>> -> memref<488x128xf32, #tpu.memory_space<vmem>>
    tpu.enqueue_dma source(%dma_start3A_50 : memref<488x128xf32, #tpu.memory_space<vmem>>) target(%dma_start3A_47 : memref<488x128xf32, #tpu.memory_space<hbm>>) target_semaphore(%arg7 : memref<!tpu.dma_semaphore, #tpu.memory_space<semaphore_mem>>)
    %scan3A_51 = arith.constant 0 : i32
    %scan3A_52 = arith.constant 0 : i32
    %scan3A_53 = arith.constant 488 : i32
    %scan3A_54 = arith.addi %scan3A_52, %scan3A_53 : i32
    %scan3A_55 = arith.constant 4 : i32
    scf.for %scan3A_595 = %scan3A_52 to %scan3A_54 step %scan3A_55  : i32 {
      %swap3A = arith.index_cast %scan3A_595 : i32 to index
      %swap3A_596 = arith.constant 0 : index
      %swap3A_597 = tpu.vector_load %arg6[%swap3A, %swap3A_596] {strides = array<i32>} : memref<488x128xf32, #tpu.memory_space<vmem>>, vector<16xf32>,
      tpu.vector_store %arg6[%swap3A, %swap3A_596], %broadcast_in_dim3A_3 {strides = array<i32>} : memref<488x128xf32, #tpu.memory_space<vmem>>, vector<16xf32>,
      %swap3A_598 = arith.index_cast %scan3A_595 : i32 to index
      %swap3A_599 = arith.constant 16 : index
      %swap3A_600 = tpu.vector_load %arg6[%swap3A_598, %swap3A_599] {strides = array<i32>} : memref<488x128xf32, #tpu.memory_space<vmem>>, vector<16xf32>,
      tpu.vector_store %arg6[%swap3A_598, %swap3A_599], %broadcast_in_dim3A_3 {strides = array<i32>} : memref<488x128xf32, #tpu.memory_space<vmem>>, vector<16xf32>,
      %swap3A_601 = arith.index_cast %scan3A_595 : i32 to index
      %swap3A_602 = arith.constant 32 : index
      %swap3A_603 = tpu.vector_load %arg6[%swap3A_601, %swap3A_602] {strides = array<i32>} : memref<488x128xf32, #tpu.memory_space<vmem>>, vector<16xf32>,
      tpu.vector_store %arg6[%swap3A_601, %swap3A_602], %broadcast_in_dim3A_3 {strides = array<i32>} : memref<488x128xf32, #tpu.memory_space<vmem>>, vector<16xf32>,
      %swap3A_604 = arith.index_cast %scan3A_595 : i32 to index
      %swap3A_605 = arith.constant 48 : index
      %swap3A_606 = tpu.vector_load %arg6[%swap3A_604, %swap3A_605] {strides = array<i32>} : memref<488x128xf32, #tpu.memory_space<vmem>>, vector<16xf32>,
      tpu.vector_store %arg6[%swap3A_604, %swap3A_605], %broadcast_in_dim3A_3 {strides = array<i32>} : memref<488x128xf32, #tpu.memory_space<vmem>>, vector<16xf32>,
      %swap3A_607 = arith.index_cast %scan3A_595 : i32 to index
      %swap3A_608 = arith.constant 64 : index
      %swap3A_609 = tpu.vector_load %arg6[%swap3A_607, %swap3A_608] {strides = array<i32>} : memref<488x128xf32, #tpu.memory_space<vmem>>, vector<16xf32>,
      tpu.vector_store %arg6[%swap3A_607, %swap3A_608], %broadcast_in_dim3A_3 {strides = array<i32>} : memref<488x128xf32, #tpu.memory_space<vmem>>, vector<16xf32>,
      %swap3A_610 = arith.index_cast %scan3A_595 : i32 to index
      %swap3A_611 = arith.constant 80 : index
      %swap3A_612 = tpu.vector_load %arg6[%swap3A_610, %swap3A_611] {strides = array<i32>} : memref<488x128xf32, #tpu.memory_space<vmem>>, vector<16xf32>,
      tpu.vector_store %arg6[%swap3A_610, %swap3A_611], %broadcast_in_dim3A_3 {strides = array<i32>} : memref<488x128xf32, #tpu.memory_space<vmem>>, vector<16xf32>,
      %swap3A_613 = arith.index_cast %scan3A_595 : i32 to index
      %swap3A_614 = arith.constant 96 : index
      %swap3A_615 = tpu.vector_load %arg6[%swap3A_613, %swap3A_614] {strides = array<i32>} : memref<488x128xf32, #tpu.memory_space<vmem>>, vector<16xf32>,
      tpu.vector_store %arg6[%swap3A_613, %swap3A_614], %broadcast_in_dim3A_3 {strides = array<i32>} : memref<488x128xf32, #tpu.memory_space<vmem>>, vector<16xf32>,
      %swap3A_616 = arith.index_cast %scan3A_595 : i32 to index
      %swap3A_617 = arith.constant 112 : index
      %swap3A_618 = tpu.vector_load %arg6[%swap3A_616, %swap3A_617] {strides = array<i32>} : memref<488x128xf32, #tpu.memory_space<vmem>>, vector<16xf32>,
      tpu.vector_store %arg6[%swap3A_616, %swap3A_617], %broadcast_in_dim3A_3 {strides = array<i32>} : memref<488x128xf32, #tpu.memory_space<vmem>>, vector<16xf32>,
      %scan3A_619 = arith.constant 1 : i32
      %scan3A_620 = arith.addi %scan3A_595, %scan3A_619 : i32
      %swap3A_621 = arith.index_cast %scan3A_620 : i32 to index
      %swap3A_622 = arith.constant 0 : index
      %swap3A_623 = tpu.vector_load %arg6[%swap3A_621, %swap3A_622] {strides = array<i32>} : memref<488x128xf32, #tpu.memory_space<vmem>>, vector<16xf32>,
      tpu.vector_store %arg6[%swap3A_621, %swap3A_622], %broadcast_in_dim3A_3 {strides = array<i32>} : memref<488x128xf32, #tpu.memory_space<vmem>>, vector<16xf32>,
      %swap3A_624 = arith.index_cast %scan3A_620 : i32 to index
      %swap3A_625 = arith.constant 16 : index
      %swap3A_626 = tpu.vector_load %arg6[%swap3A_624, %swap3A_625] {strides = array<i32>} : memref<488x128xf32, #tpu.memory_space<vmem>>, vector<16xf32>,
      tpu.vector_store %arg6[%swap3A_624, %swap3A_625], %broadcast_in_dim3A_3 {strides = array<i32>} : memref<488x128xf32, #tpu.memory_space<vmem>>, vector<16xf32>,
      %swap3A_627 = arith.index_cast %scan3A_620 : i32 to index
      %swap3A_628 = arith.constant 32 : index
      %swap3A_629 = tpu.vector_load %arg6[%swap3A_627, %swap3A_628] {strides = array<i32>} : memref<488x128xf32, #tpu.memory_space<vmem>>, vector<16xf32>,
      tpu.vector_store %arg6[%swap3A_627, %swap3A_628], %broadcast_in_dim3A_3 {strides = array<i32>} : memref<488x128xf32, #tpu.memory_space<vmem>>, vector<16xf32>,
      %swap3A_630 = arith.index_cast %scan3A_620 : i32 to index
      %swap3A_631 = arith.constant 48 : index
      %swap3A_632 = tpu.vector_load %arg6[%swap3A_630, %swap3A_631] {strides = array<i32>} : memref<488x128xf32, #tpu.memory_space<vmem>>, vector<16xf32>,
      tpu.vector_store %arg6[%swap3A_630, %swap3A_631], %broadcast_in_dim3A_3 {strides = array<i32>} : memref<488x128xf32, #tpu.memory_space<vmem>>, vector<16xf32>,
      %swap3A_633 = arith.index_cast %scan3A_620 : i32 to index
      %swap3A_634 = arith.constant 64 : index
      %swap3A_635 = tpu.vector_load %arg6[%swap3A_633, %swap3A_634] {strides = array<i32>} : memref<488x128xf32, #tpu.memory_space<vmem>>, vector<16xf32>,
      tpu.vector_store %arg6[%swap3A_633, %swap3A_634], %broadcast_in_dim3A_3 {strides = array<i32>} : memref<488x128xf32, #tpu.memory_space<vmem>>, vector<16xf32>,
      %swap3A_636 = arith.index_cast %scan3A_620 : i32 to index
      %swap3A_637 = arith.constant 80 : index
      %swap3A_638 = tpu.vector_load %arg6[%swap3A_636, %swap3A_637] {strides = array<i32>} : memref<488x128xf32, #tpu.memory_space<vmem>>, vector<16xf32>,
      tpu.vector_store %arg6[%swap3A_636, %swap3A_637], %broadcast_in_dim3A_3 {strides = array<i32>} : memref<488x128xf32, #tpu.memory_space<vmem>>, vector<16xf32>,
      %swap3A_639 = arith.index_cast %scan3A_620 : i32 to index
      %swap3A_640 = arith.constant 96 : index
      %swap3A_641 = tpu.vector_load %arg6[%swap3A_639, %swap3A_640] {strides = array<i32>} : memref<488x128xf32, #tpu.memory_space<vmem>>, vector<16xf32>,
      tpu.vector_store %arg6[%swap3A_639, %swap3A_640], %broadcast_in_dim3A_3 {strides = array<i32>} : memref<488x128xf32, #tpu.memory_space<vmem>>, vector<16xf32>,
      %swap3A_642 = arith.index_cast %scan3A_620 : i32 to index
      %swap3A_643 = arith.constant 112 : index
      %swap3A_644 = tpu.vector_load %arg6[%swap3A_642, %swap3A_643] {strides = array<i32>} : memref<488x128xf32, #tpu.memory_space<vmem>>, vector<16xf32>,
      tpu.vector_store %arg6[%swap3A_642, %swap3A_643], %broadcast_in_dim3A_3 {strides = array<i32>} : memref<488x128xf32, #tpu.memory_space<vmem>>, vector<16xf32>,
      %scan3A_645 = arith.constant 2 : i32
      %scan3A_646 = arith.addi %scan3A_595, %scan3A_645 : i32
      %swap3A_647 = arith.index_cast %scan3A_646 : i32 to index
      %swap3A_648 = arith.constant 0 : index
      %swap3A_649 = tpu.vector_load %arg6[%swap3A_647, %swap3A_648] {strides = array<i32>} : memref<488x128xf32, #tpu.memory_space<vmem>>, vector<16xf32>,
      tpu.vector_store %arg6[%swap3A_647, %swap3A_648], %broadcast_in_dim3A_3 {strides = array<i32>} : memref<488x128xf32, #tpu.memory_space<vmem>>, vector<16xf32>,
      %swap3A_650 = arith.index_cast %scan3A_646 : i32 to index
      %swap3A_651 = arith.constant 16 : index
      %swap3A_652 = tpu.vector_load %arg6[%swap3A_650, %swap3A_651] {strides = array<i32>} : memref<488x128xf32, #tpu.memory_space<vmem>>, vector<16xf32>,
      tpu.vector_store %arg6[%swap3A_650, %swap3A_651], %broadcast_in_dim3A_3 {strides = array<i32>} : memref<488x128xf32, #tpu.memory_space<vmem>>, vector<16xf32>,
      %swap3A_653 = arith.index_cast %scan3A_646 : i32 to index
      %swap3A_654 = arith.constant 32 : index
      %swap3A_655 = tpu.vector_load %arg6[%swap3A_653, %swap3A_654] {strides = array<i32>} : memref<488x128xf32, #tpu.memory_space<vmem>>, vector<16xf32>,
      tpu.vector_store %arg6[%swap3A_653, %swap3A_654], %broadcast_in_dim3A_3 {strides = array<i32>} : memref<488x128xf32, #tpu.memory_space<vmem>>, vector<16xf32>,
      %swap3A_656 = arith.index_cast %scan3A_646 : i32 to index
      %swap3A_657 = arith.constant 48 : index
      %swap3A_658 = tpu.vector_load %arg6[%swap3A_656, %swap3A_657] {strides = array<i32>} : memref<488x128xf32, #tpu.memory_space<vmem>>, vector<16xf32>,
      tpu.vector_store %arg6[%swap3A_656, %swap3A_657], %broadcast_in_dim3A_3 {strides = array<i32>} : memref<488x128xf32, #tpu.memory_space<vmem>>, vector<16xf32>,
      %swap3A_659 = arith.index_cast %scan3A_646 : i32 to index
      %swap3A_660 = arith.constant 64 : index
      %swap3A_661 = tpu.vector_load %arg6[%swap3A_659, %swap3A_660] {strides = array<i32>} : memref<488x128xf32, #tpu.memory_space<vmem>>, vector<16xf32>,
      tpu.vector_store %arg6[%swap3A_659, %swap3A_660], %broadcast_in_dim3A_3 {strides = array<i32>} : memref<488x128xf32, #tpu.memory_space<vmem>>, vector<16xf32>,
      %swap3A_662 = arith.index_cast %scan3A_646 : i32 to index
      %swap3A_663 = arith.constant 80 : index
      %swap3A_664 = tpu.vector_load %arg6[%swap3A_662, %swap3A_663] {strides = array<i32>} : memref<488x128xf32, #tpu.memory_space<vmem>>, vector<16xf32>,
      tpu.vector_store %arg6[%swap3A_662, %swap3A_663], %broadcast_in_dim3A_3 {strides = array<i32>} : memref<488x128xf32, #tpu.memory_space<vmem>>, vector<16xf32>,
      %swap3A_665 = arith.index_cast %scan3A_646 : i32 to index
      %swap3A_666 = arith.constant 96 : index
      %swap3A_667 = tpu.vector_load %arg6[%swap3A_665, %swap3A_666] {strides = array<i32>} : memref<488x128xf32, #tpu.memory_space<vmem>>, vector<16xf32>,
      tpu.vector_store %arg6[%swap3A_665, %swap3A_666], %broadcast_in_dim3A_3 {strides = array<i32>} : memref<488x128xf32, #tpu.memory_space<vmem>>, vector<16xf32>,
      %swap3A_668 = arith.index_cast %scan3A_646 : i32 to index
      %swap3A_669 = arith.constant 112 : index
      %swap3A_670 = tpu.vector_load %arg6[%swap3A_668, %swap3A_669] {strides = array<i32>} : memref<488x128xf32, #tpu.memory_space<vmem>>, vector<16xf32>,
      tpu.vector_store %arg6[%swap3A_668, %swap3A_669], %broadcast_in_dim3A_3 {strides = array<i32>} : memref<488x128xf32, #tpu.memory_space<vmem>>, vector<16xf32>,
      %scan3A_671 = arith.constant 3 : i32
      %scan3A_672 = arith.addi %scan3A_595, %scan3A_671 : i32
      %swap3A_673 = arith.index_cast %scan3A_672 : i32 to index
      %swap3A_674 = arith.constant 0 : index
      %swap3A_675 = tpu.vector_load %arg6[%swap3A_673, %swap3A_674] {strides = array<i32>} : memref<488x128xf32, #tpu.memory_space<vmem>>, vector<16xf32>,
      tpu.vector_store %arg6[%swap3A_673, %swap3A_674], %broadcast_in_dim3A_3 {strides = array<i32>} : memref<488x128xf32, #tpu.memory_space<vmem>>, vector<16xf32>,
      %swap3A_676 = arith.index_cast %scan3A_672 : i32 to index
      %swap3A_677 = arith.constant 16 : index
      %swap3A_678 = tpu.vector_load %arg6[%swap3A_676, %swap3A_677] {strides = array<i32>} : memref<488x128xf32, #tpu.memory_space<vmem>>, vector<16xf32>,
      tpu.vector_store %arg6[%swap3A_676, %swap3A_677], %broadcast_in_dim3A_3 {strides = array<i32>} : memref<488x128xf32, #tpu.memory_space<vmem>>, vector<16xf32>,
      %swap3A_679 = arith.index_cast %scan3A_672 : i32 to index
      %swap3A_680 = arith.constant 32 : index
      %swap3A_681 = tpu.vector_load %arg6[%swap3A_679, %swap3A_680] {strides = array<i32>} : memref<488x128xf32, #tpu.memory_space<vmem>>, vector<16xf32>,
      tpu.vector_store %arg6[%swap3A_679, %swap3A_680], %broadcast_in_dim3A_3 {strides = array<i32>} : memref<488x128xf32, #tpu.memory_space<vmem>>, vector<16xf32>,
      %swap3A_682 = arith.index_cast %scan3A_672 : i32 to index
      %swap3A_683 = arith.constant 48 : index
      %swap3A_684 = tpu.vector_load %arg6[%swap3A_682, %swap3A_683] {strides = array<i32>} : memref<488x128xf32, #tpu.memory_space<vmem>>, vector<16xf32>,
      tpu.vector_store %arg6[%swap3A_682, %swap3A_683], %broadcast_in_dim3A_3 {strides = array<i32>} : memref<488x128xf32, #tpu.memory_space<vmem>>, vector<16xf32>,
      %swap3A_685 = arith.index_cast %scan3A_672 : i32 to index
      %swap3A_686 = arith.constant 64 : index
      %swap3A_687 = tpu.vector_load %arg6[%swap3A_685, %swap3A_686] {strides = array<i32>} : memref<488x128xf32, #tpu.memory_space<vmem>>, vector<16xf32>,
      tpu.vector_store %arg6[%swap3A_685, %swap3A_686], %broadcast_in_dim3A_3 {strides = array<i32>} : memref<488x128xf32, #tpu.memory_space<vmem>>, vector<16xf32>,
      %swap3A_688 = arith.index_cast %scan3A_672 : i32 to index
      %swap3A_689 = arith.constant 80 : index
      %swap3A_690 = tpu.vector_load %arg6[%swap3A_688, %swap3A_689] {strides = array<i32>} : memref<488x128xf32, #tpu.memory_space<vmem>>, vector<16xf32>,
      tpu.vector_store %arg6[%swap3A_688, %swap3A_689], %broadcast_in_dim3A_3 {strides = array<i32>} : memref<488x128xf32, #tpu.memory_space<vmem>>, vector<16xf32>,
      %swap3A_691 = arith.index_cast %scan3A_672 : i32 to index
      %swap3A_692 = arith.constant 96 : index
      %swap3A_693 = tpu.vector_load %arg6[%swap3A_691, %swap3A_692] {strides = array<i32>} : memref<488x128xf32, #tpu.memory_space<vmem>>, vector<16xf32>,
      tpu.vector_store %arg6[%swap3A_691, %swap3A_692], %broadcast_in_dim3A_3 {strides = array<i32>} : memref<488x128xf32, #tpu.memory_space<vmem>>, vector<16xf32>,
      %swap3A_694 = arith.index_cast %scan3A_672 : i32 to index
      %swap3A_695 = arith.constant 112 : index
      %swap3A_696 = tpu.vector_load %arg6[%swap3A_694, %swap3A_695] {strides = array<i32>} : memref<488x128xf32, #tpu.memory_space<vmem>>, vector<16xf32>,
      tpu.vector_store %arg6[%swap3A_694, %swap3A_695], %broadcast_in_dim3A_3 {strides = array<i32>} : memref<488x128xf32, #tpu.memory_space<vmem>>, vector<16xf32>,
    }
    %scan3A_56 = arith.constant 488 : i32
    %scan3A_57 = arith.constant 0 : i32
    %scan3A_58 = arith.constant 0 : i32
    %scan3A_59 = arith.constant 8 : i32
    %scan3A_60 = arith.addi %scan3A_58, %scan3A_59 : i32
    %scan3A_61 = arith.constant 2 : i32
    scf.for %scan3A_595 = %scan3A_58 to %scan3A_60 step %scan3A_61  : i32 {
      %mul3A_596 = arith.constant 16 : i32
      %mul3A_597 = arith.muli %scan3A_595, %mul3A_596 : i32
      %get3A = arith.constant 3 : i32
      %get3A_598 = arith.index_cast %get3A : i32 to index
      %get3A_599 = arith.index_cast %mul3A_597 : i32 to index
      %get3A_600 = tpu.vector_load %arg4[%get3A_598, %get3A_599] {strides = array<i32>} : memref<26x128xi32, #tpu.memory_space<vmem>>, vector<16xi32>,
      %add3A_601 = arith.constant -138 : i32
      %add3A_602 = vector.broadcast %add3A_601 : i32 to vector<16xi32>
      %add3A_603 = arith.addi %get3A_600, %add3A_602 : vector<16xi32>
      %ge3A = arith.constant 0 : i32
      %ge3A_604 = vector.broadcast %ge3A : i32 to vector<16xi32>
      %ge3A_605 = arith.cmpi sge, %get3A_600, %ge3A_604 : vector<16xi32>
      %lt3A = arith.constant 1000 : i32
      %lt3A_606 = vector.broadcast %lt3A : i32 to vector<16xi32>
      %lt3A_607 = arith.cmpi slt, %get3A_600, %lt3A_606 : vector<16xi32>
      %and3A = arith.andi %ge3A_605, %lt3A_607 : vector<16xi1>
      %ge3A_608 = arith.constant 0 : i32
      %ge3A_609 = vector.broadcast %ge3A_608 : i32 to vector<16xi32>
      %ge3A_610 = arith.cmpi sge, %add3A_603, %ge3A_609 : vector<16xi32>
      %and3A_611 = arith.andi %and3A, %ge3A_610 : vector<16xi1>
      %lt3A_612 = arith.constant 488 : i32
      %lt3A_613 = vector.broadcast %lt3A_612 : i32 to vector<16xi32>
      %lt3A_614 = arith.cmpi slt, %add3A_603, %lt3A_613 : vector<16xi32>
      %and3A_615 = arith.andi %and3A_611, %lt3A_614 : vector<16xi1>
      %mul3A_616 = arith.constant 16 : i32
      %mul3A_617 = arith.muli %scan3A_595, %mul3A_616 : i32
      %add3A_618 = vector.broadcast %mul3A_617 : i32 to vector<16xi32>
      %add3A_619 = arith.addi %iota3A, %add3A_618 : vector<16xi32>
      tpu.vector_store_idx %arg6[%add3A_603, %add3A_619], %broadcast_in_dim3A_5 masked %and3A_615 : memref<488x128xf32, #tpu.memory_space<vmem>>[vector<16xi32>, vector<16xi32>], vector<16xf32>, vector<16xi1>
      %scan3A_620 = arith.constant 1 : i32
      %scan3A_621 = arith.addi %scan3A_595, %scan3A_620 : i32
      %mul3A_622 = arith.constant 16 : i32
      %mul3A_623 = arith.muli %scan3A_621, %mul3A_622 : i32
      %get3A_624 = arith.constant 3 : i32
      %get3A_625 = arith.index_cast %get3A_624 : i32 to index
      %get3A_626 = arith.index_cast %mul3A_623 : i32 to index
      %get3A_627 = tpu.vector_load %arg4[%get3A_625, %get3A_626] {strides = array<i32>} : memref<26x128xi32, #tpu.memory_space<vmem>>, vector<16xi32>,
      %add3A_628 = arith.constant -138 : i32
      %add3A_629 = vector.broadcast %add3A_628 : i32 to vector<16xi32>
      %add3A_630 = arith.addi %get3A_627, %add3A_629 : vector<16xi32>
      %ge3A_631 = arith.constant 0 : i32
      %ge3A_632 = vector.broadcast %ge3A_631 : i32 to vector<16xi32>
      %ge3A_633 = arith.cmpi sge, %get3A_627, %ge3A_632 : vector<16xi32>
      %lt3A_634 = arith.constant 1000 : i32
      %lt3A_635 = vector.broadcast %lt3A_634 : i32 to vector<16xi32>
      %lt3A_636 = arith.cmpi slt, %get3A_627, %lt3A_635 : vector<16xi32>
      %and3A_637 = arith.andi %ge3A_633, %lt3A_636 : vector<16xi1>
      %ge3A_638 = arith.constant 0 : i32
      %ge3A_639 = vector.broadcast %ge3A_638 : i32 to vector<16xi32>
      %ge3A_640 = arith.cmpi sge, %add3A_630, %ge3A_639 : vector<16xi32>
      %and3A_641 = arith.andi %and3A_637, %ge3A_640 : vector<16xi1>
      %lt3A_642 = arith.constant 488 : i32
      %lt3A_643 = vector.broadcast %lt3A_642 : i32 to vector<16xi32>
      %lt3A_644 = arith.cmpi slt, %add3A_630, %lt3A_643 : vector<16xi32>
      %and3A_645 = arith.andi %and3A_641, %lt3A_644 : vector<16xi1>
      %mul3A_646 = arith.constant 16 : i32
      %mul3A_647 = arith.muli %scan3A_621, %mul3A_646 : i32
      %add3A_648 = vector.broadcast %mul3A_647 : i32 to vector<16xi32>
      %add3A_649 = arith.addi %iota3A, %add3A_648 : vector<16xi32>
      tpu.vector_store_idx %arg6[%add3A_630, %add3A_649], %broadcast_in_dim3A_5 masked %and3A_645 : memref<488x128xf32, #tpu.memory_space<vmem>>[vector<16xi32>, vector<16xi32>], vector<16xf32>, vector<16xi1>
    }
    %scan3A_62 = arith.constant 8 : i32
    %dma_start3A_63 = arith.constant 0 : i32
    %dma_start3A_64 = arith.constant 0 : i32
    %dma_start3A_65 = tpu.memref_slice %arg6[%dma_start3A_63, %dma_start3A_64] : memref<488x128xf32, #tpu.memory_space<vmem>> -> memref<488x128xf32, #tpu.memory_space<vmem>>
    %dma_start3A_66 = arith.constant 488 : i32
    %dma_start3A_67 = tpu.memref_slice %arg3[%dma_start3A_66, %mul3A_2] : memref<3950x4096xf32, #tpu.memory_space<hbm>> -> memref<488x128xf32, #tpu.memory_space<hbm>>
    %dma_start3A_68 = arith.constant 488 : i32
    %dma_start3A_69 = tpu.memref_slice %arg3[%dma_start3A_68, %mul3A_2] : memref<3950x4096xf32, #tpu.memory_space<hbm>> -> memref<488x128xf32, #tpu.memory_space<hbm>>
    %dma_start3A_70 = arith.constant 0 : i32
    %dma_start3A_71 = arith.constant 0 : i32
    %dma_start3A_72 = tpu.memref_slice %arg6[%dma_start3A_70, %dma_start3A_71] : memref<488x128xf32, #tpu.memory_space<vmem>> -> memref<488x128xf32, #tpu.memory_space<vmem>>
    tpu.enqueue_dma source(%dma_start3A_72 : memref<488x128xf32, #tpu.memory_space<vmem>>) target(%dma_start3A_69 : memref<488x128xf32, #tpu.memory_space<hbm>>) target_semaphore(%arg8 : memref<!tpu.dma_semaphore, #tpu.memory_space<semaphore_mem>>)
    %dma_wait3A_73 = arith.constant 0 : i32
    %dma_wait3A_74 = arith.constant 0 : i32
    %dma_wait3A_75 = tpu.memref_slice %arg5[%dma_wait3A_73, %dma_wait3A_74] : memref<488x128xf32, #tpu.memory_space<vmem>> -> memref<488x128xf32, #tpu.memory_space<vmem>>
    %dma_wait3A_76 = arith.constant 0 : i32
    %dma_wait3A_77 = tpu.memref_slice %arg3[%dma_wait3A_76, %mul3A_2] : memref<3950x4096xf32, #tpu.memory_space<hbm>> -> memref<488x128xf32, #tpu.memory_space<hbm>>
    %dma_wait3A_78 = arith.constant 0 : i32
    %dma_wait3A_79 = tpu.memref_slice %arg3[%dma_wait3A_78, %mul3A_2] : memref<3950x4096xf32, #tpu.memory_space<hbm>> -> memref<488x128xf32, #tpu.memory_space<hbm>>
    %dma_wait3A_80 = arith.constant 0 : i32
    %dma_wait3A_81 = arith.constant 0 : i32
    %dma_wait3A_82 = tpu.memref_slice %arg5[%dma_wait3A_80, %dma_wait3A_81] : memref<488x128xf32, #tpu.memory_space<vmem>> -> memref<488x128xf32, #tpu.memory_space<vmem>>
    tpu.wait_dma2 semaphore(%arg7 : memref<!tpu.dma_semaphore, #tpu.memory_space<semaphore_mem>>) src(%dma_wait3A_82 : memref<488x128xf32, #tpu.memory_space<vmem>>) dst(%dma_wait3A_79 : memref<488x128xf32, #tpu.memory_space<hbm>>)
    %scan3A_83 = arith.constant 0 : i32
    %scan3A_84 = arith.constant 0 : i32
    %scan3A_85 = arith.constant 8 : i32
    %scan3A_86 = arith.addi %scan3A_84, %scan3A_85 : i32
    %scan3A_87 = arith.constant 2 : i32
    scf.for %scan3A_595 = %scan3A_84 to %scan3A_86 step %scan3A_87  : i32 {
      %mul3A_596 = arith.constant 16 : i32
      %mul3A_597 = arith.muli %scan3A_595, %mul3A_596 : i32
      %get3A = arith.constant 0 : i32
      %get3A_598 = arith.index_cast %get3A : i32 to index
      %get3A_599 = arith.index_cast %mul3A_597 : i32 to index
      %get3A_600 = tpu.vector_load %arg4[%get3A_598, %get3A_599] {strides = array<i32>} : memref<26x128xi32, #tpu.memory_space<vmem>>, vector<16xi32>,
      %add3A_601 = arith.constant 0 : i32
      %add3A_602 = vector.broadcast %add3A_601 : i32 to vector<16xi32>
      %add3A_603 = arith.addi %get3A_600, %add3A_602 : vector<16xi32>
      %ge3A = arith.constant 0 : i32
      %ge3A_604 = vector.broadcast %ge3A : i32 to vector<16xi32>
      %ge3A_605 = arith.cmpi sge, %get3A_600, %ge3A_604 : vector<16xi32>
      %lt3A = arith.constant 100 : i32
      %lt3A_606 = vector.broadcast %lt3A : i32 to vector<16xi32>
      %lt3A_607 = arith.cmpi slt, %get3A_600, %lt3A_606 : vector<16xi32>
      %and3A = arith.andi %ge3A_605, %lt3A_607 : vector<16xi1>
      %ge3A_608 = arith.constant 0 : i32
      %ge3A_609 = vector.broadcast %ge3A_608 : i32 to vector<16xi32>
      %ge3A_610 = arith.cmpi sge, %add3A_603, %ge3A_609 : vector<16xi32>
      %and3A_611 = arith.andi %and3A, %ge3A_610 : vector<16xi1>
      %lt3A_612 = arith.constant 488 : i32
      %lt3A_613 = vector.broadcast %lt3A_612 : i32 to vector<16xi32>
      %lt3A_614 = arith.cmpi slt, %add3A_603, %lt3A_613 : vector<16xi32>
      %and3A_615 = arith.andi %and3A_611, %lt3A_614 : vector<16xi1>
      %mul3A_616 = arith.constant 16 : i32
      %mul3A_617 = arith.muli %scan3A_595, %mul3A_616 : i32
      %add3A_618 = vector.broadcast %mul3A_617 : i32 to vector<16xi32>
      %add3A_619 = arith.addi %iota3A, %add3A_618 : vector<16xi32>
      tpu.vector_store_idx %arg5[%add3A_603, %add3A_619], %broadcast_in_dim3A_3 masked %and3A_615 : memref<488x128xf32, #tpu.memory_space<vmem>>[vector<16xi32>, vector<16xi32>], vector<16xf32>, vector<16xi1>
      %scan3A_620 = arith.constant 1 : i32
      %scan3A_621 = arith.addi %scan3A_595, %scan3A_620 : i32
      %mul3A_622 = arith.constant 16 : i32
      %mul3A_623 = arith.muli %scan3A_621, %mul3A_622 : i32
      %get3A_624 = arith.constant 0 : i32
      %get3A_625 = arith.index_cast %get3A_624 : i32 to index
      %get3A_626 = arith.index_cast %mul3A_623 : i32 to index
      %get3A_627 = tpu.vector_load %arg4[%get3A_625, %get3A_626] {strides = array<i32>} : memref<26x128xi32, #tpu.memory_space<vmem>>, vector<16xi32>,
      %add3A_628 = arith.constant 0 : i32
      %add3A_629 = vector.broadcast %add3A_628 : i32 to vector<16xi32>
      %add3A_630 = arith.addi %get3A_627, %add3A_629 : vector<16xi32>
      %ge3A_631 = arith.constant 0 : i32
      %ge3A_632 = vector.broadcast %ge3A_631 : i32 to vector<16xi32>
      %ge3A_633 = arith.cmpi sge, %get3A_627, %ge3A_632 : vector<16xi32>
      %lt3A_634 = arith.constant 100 : i32
      %lt3A_635 = vector.broadcast %lt3A_634 : i32 to vector<16xi32>
      %lt3A_636 = arith.cmpi slt, %get3A_627, %lt3A_635 : vector<16xi32>
      %and3A_637 = arith.andi %ge3A_633, %lt3A_636 : vector<16xi1>
      %ge3A_638 = arith.constant 0 : i32
      %ge3A_639 = vector.broadcast %ge3A_638 : i32 to vector<16xi32>
      %ge3A_640 = arith.cmpi sge, %add3A_630, %ge3A_639 : vector<16xi32>
      %and3A_641 = arith.andi %and3A_637, %ge3A_640 : vector<16xi1>
      %lt3A_642 = arith.constant 488 : i32
      %lt3A_643 = vector.broadcast %lt3A_642 : i32 to vector<16xi32>
      %lt3A_644 = arith.cmpi slt, %add3A_630, %lt3A_643 : vector<16xi32>
      %and3A_645 = arith.andi %and3A_641, %lt3A_644 : vector<16xi1>
      %mul3A_646 = arith.constant 16 : i32
      %mul3A_647 = arith.muli %scan3A_621, %mul3A_646 : i32
      %add3A_648 = vector.broadcast %mul3A_647 : i32 to vector<16xi32>
      %add3A_649 = arith.addi %iota3A, %add3A_648 : vector<16xi32>
      tpu.vector_store_idx %arg5[%add3A_630, %add3A_649], %broadcast_in_dim3A_3 masked %and3A_645 : memref<488x128xf32, #tpu.memory_space<vmem>>[vector<16xi32>, vector<16xi32>], vector<16xf32>, vector<16xi1>
    }
    %scan3A_88 = arith.constant 8 : i32
    %scan3A_89 = arith.constant 0 : i32
    %scan3A_90 = arith.constant 0 : i32
    %scan3A_91 = arith.constant 8 : i32
    %scan3A_92 = arith.addi %scan3A_90, %scan3A_91 : i32
    %scan3A_93 = arith.constant 2 : i32
    scf.for %scan3A_595 = %scan3A_90 to %scan3A_92 step %scan3A_93  : i32 {
      %mul3A_596 = arith.constant 16 : i32
      %mul3A_597 = arith.muli %scan3A_595, %mul3A_596 : i32
      %get3A = arith.constant 1 : i32
      %get3A_598 = arith.index_cast %get3A : i32 to index
      %get3A_599 = arith.index_cast %mul3A_597 : i32 to index
      %get3A_600 = tpu.vector_load %arg4[%get3A_598, %get3A_599] {strides = array<i32>} : memref<26x128xi32, #tpu.memory_space<vmem>>, vector<16xi32>,
      %add3A_601 = arith.constant 100 : i32
      %add3A_602 = vector.broadcast %add3A_601 : i32 to vector<16xi32>
      %add3A_603 = arith.addi %get3A_600, %add3A_602 : vector<16xi32>
      %ge3A = arith.constant 0 : i32
      %ge3A_604 = vector.broadcast %ge3A : i32 to vector<16xi32>
      %ge3A_605 = arith.cmpi sge, %get3A_600, %ge3A_604 : vector<16xi32>
      %lt3A = arith.constant 50 : i32
      %lt3A_606 = vector.broadcast %lt3A : i32 to vector<16xi32>
      %lt3A_607 = arith.cmpi slt, %get3A_600, %lt3A_606 : vector<16xi32>
      %and3A = arith.andi %ge3A_605, %lt3A_607 : vector<16xi1>
      %ge3A_608 = arith.constant 0 : i32
      %ge3A_609 = vector.broadcast %ge3A_608 : i32 to vector<16xi32>
      %ge3A_610 = arith.cmpi sge, %add3A_603, %ge3A_609 : vector<16xi32>
      %and3A_611 = arith.andi %and3A, %ge3A_610 : vector<16xi1>
      %lt3A_612 = arith.constant 488 : i32
      %lt3A_613 = vector.broadcast %lt3A_612 : i32 to vector<16xi32>
      %lt3A_614 = arith.cmpi slt, %add3A_603, %lt3A_613 : vector<16xi32>
      %and3A_615 = arith.andi %and3A_611, %lt3A_614 : vector<16xi1>
      %mul3A_616 = arith.constant 16 : i32
      %mul3A_617 = arith.muli %scan3A_595, %mul3A_616 : i32
      %add3A_618 = vector.broadcast %mul3A_617 : i32 to vector<16xi32>
      %add3A_619 = arith.addi %iota3A, %add3A_618 : vector<16xi32>
      tpu.vector_store_idx %arg5[%add3A_603, %add3A_619], %broadcast_in_dim3A_3 masked %and3A_615 : memref<488x128xf32, #tpu.memory_space<vmem>>[vector<16xi32>, vector<16xi32>], vector<16xf32>, vector<16xi1>
      %scan3A_620 = arith.constant 1 : i32
      %scan3A_621 = arith.addi %scan3A_595, %scan3A_620 : i32
      %mul3A_622 = arith.constant 16 : i32
      %mul3A_623 = arith.muli %scan3A_621, %mul3A_622 : i32
      %get3A_624 = arith.constant 1 : i32
      %get3A_625 = arith.index_cast %get3A_624 : i32 to index
      %get3A_626 = arith.index_cast %mul3A_623 : i32 to index
      %get3A_627 = tpu.vector_load %arg4[%get3A_625, %get3A_626] {strides = array<i32>} : memref<26x128xi32, #tpu.memory_space<vmem>>, vector<16xi32>,
      %add3A_628 = arith.constant 100 : i32
      %add3A_629 = vector.broadcast %add3A_628 : i32 to vector<16xi32>
      %add3A_630 = arith.addi %get3A_627, %add3A_629 : vector<16xi32>
      %ge3A_631 = arith.constant 0 : i32
      %ge3A_632 = vector.broadcast %ge3A_631 : i32 to vector<16xi32>
      %ge3A_633 = arith.cmpi sge, %get3A_627, %ge3A_632 : vector<16xi32>
      %lt3A_634 = arith.constant 50 : i32
      %lt3A_635 = vector.broadcast %lt3A_634 : i32 to vector<16xi32>
      %lt3A_636 = arith.cmpi slt, %get3A_627, %lt3A_635 : vector<16xi32>
      %and3A_637 = arith.andi %ge3A_633, %lt3A_636 : vector<16xi1>
      %ge3A_638 = arith.constant 0 : i32
      %ge3A_639 = vector.broadcast %ge3A_638 : i32 to vector<16xi32>
      %ge3A_640 = arith.cmpi sge, %add3A_630, %ge3A_639 : vector<16xi32>
      %and3A_641 = arith.andi %and3A_637, %ge3A_640 : vector<16xi1>
      %lt3A_642 = arith.constant 488 : i32
      %lt3A_643 = vector.broadcast %lt3A_642 : i32 to vector<16xi32>
      %lt3A_644 = arith.cmpi slt, %add3A_630, %lt3A_643 : vector<16xi32>
      %and3A_645 = arith.andi %and3A_641, %lt3A_644 : vector<16xi1>
      %mul3A_646 = arith.constant 16 : i32
      %mul3A_647 = arith.muli %scan3A_621, %mul3A_646 : i32
      %add3A_648 = vector.broadcast %mul3A_647 : i32 to vector<16xi32>
      %add3A_649 = arith.addi %iota3A, %add3A_648 : vector<16xi32>
      tpu.vector_store_idx %arg5[%add3A_630, %add3A_649], %broadcast_in_dim3A_3 masked %and3A_645 : memref<488x128xf32, #tpu.memory_space<vmem>>[vector<16xi32>, vector<16xi32>], vector<16xf32>, vector<16xi1>
    }
    %scan3A_94 = arith.constant 8 : i32
    %scan3A_95 = arith.constant 0 : i32
    %scan3A_96 = arith.constant 0 : i32
    %scan3A_97 = arith.constant 8 : i32
    %scan3A_98 = arith.addi %scan3A_96, %scan3A_97 : i32
    %scan3A_99 = arith.constant 2 : i32
    scf.for %scan3A_595 = %scan3A_96 to %scan3A_98 step %scan3A_99  : i32 {
      %mul3A_596 = arith.constant 16 : i32
      %mul3A_597 = arith.muli %scan3A_595, %mul3A_596 : i32
      %get3A = arith.constant 2 : i32
      %get3A_598 = arith.index_cast %get3A : i32 to index
      %get3A_599 = arith.index_cast %mul3A_597 : i32 to index
      %get3A_600 = tpu.vector_load %arg4[%get3A_598, %get3A_599] {strides = array<i32>} : memref<26x128xi32, #tpu.memory_space<vmem>>, vector<16xi32>,
      %add3A_601 = arith.constant 150 : i32
      %add3A_602 = vector.broadcast %add3A_601 : i32 to vector<16xi32>
      %add3A_603 = arith.addi %get3A_600, %add3A_602 : vector<16xi32>
      %ge3A = arith.constant 0 : i32
      %ge3A_604 = vector.broadcast %ge3A : i32 to vector<16xi32>
      %ge3A_605 = arith.cmpi sge, %get3A_600, %ge3A_604 : vector<16xi32>
      %lt3A = arith.constant 200 : i32
      %lt3A_606 = vector.broadcast %lt3A : i32 to vector<16xi32>
      %lt3A_607 = arith.cmpi slt, %get3A_600, %lt3A_606 : vector<16xi32>
      %and3A = arith.andi %ge3A_605, %lt3A_607 : vector<16xi1>
      %ge3A_608 = arith.constant 0 : i32
      %ge3A_609 = vector.broadcast %ge3A_608 : i32 to vector<16xi32>
      %ge3A_610 = arith.cmpi sge, %add3A_603, %ge3A_609 : vector<16xi32>
      %and3A_611 = arith.andi %and3A, %ge3A_610 : vector<16xi1>
      %lt3A_612 = arith.constant 488 : i32
      %lt3A_613 = vector.broadcast %lt3A_612 : i32 to vector<16xi32>
      %lt3A_614 = arith.cmpi slt, %add3A_603, %lt3A_613 : vector<16xi32>
      %and3A_615 = arith.andi %and3A_611, %lt3A_614 : vector<16xi1>
      %mul3A_616 = arith.constant 16 : i32
      %mul3A_617 = arith.muli %scan3A_595, %mul3A_616 : i32
      %add3A_618 = vector.broadcast %mul3A_617 : i32 to vector<16xi32>
      %add3A_619 = arith.addi %iota3A, %add3A_618 : vector<16xi32>
      tpu.vector_store_idx %arg5[%add3A_603, %add3A_619], %broadcast_in_dim3A_3 masked %and3A_615 : memref<488x128xf32, #tpu.memory_space<vmem>>[vector<16xi32>, vector<16xi32>], vector<16xf32>, vector<16xi1>
      %scan3A_620 = arith.constant 1 : i32
      %scan3A_621 = arith.addi %scan3A_595, %scan3A_620 : i32
      %mul3A_622 = arith.constant 16 : i32
      %mul3A_623 = arith.muli %scan3A_621, %mul3A_622 : i32
      %get3A_624 = arith.constant 2 : i32
      %get3A_625 = arith.index_cast %get3A_624 : i32 to index
      %get3A_626 = arith.index_cast %mul3A_623 : i32 to index
      %get3A_627 = tpu.vector_load %arg4[%get3A_625, %get3A_626] {strides = array<i32>} : memref<26x128xi32, #tpu.memory_space<vmem>>, vector<16xi32>,
      %add3A_628 = arith.constant 150 : i32
      %add3A_629 = vector.broadcast %add3A_628 : i32 to vector<16xi32>
      %add3A_630 = arith.addi %get3A_627, %add3A_629 : vector<16xi32>
      %ge3A_631 = arith.constant 0 : i32
      %ge3A_632 = vector.broadcast %ge3A_631 : i32 to vector<16xi32>
      %ge3A_633 = arith.cmpi sge, %get3A_627, %ge3A_632 : vector<16xi32>
      %lt3A_634 = arith.constant 200 : i32
      %lt3A_635 = vector.broadcast %lt3A_634 : i32 to vector<16xi32>
      %lt3A_636 = arith.cmpi slt, %get3A_627, %lt3A_635 : vector<16xi32>
      %and3A_637 = arith.andi %ge3A_633, %lt3A_636 : vector<16xi1>
      %ge3A_638 = arith.constant 0 : i32
      %ge3A_639 = vector.broadcast %ge3A_638 : i32 to vector<16xi32>
      %ge3A_640 = arith.cmpi sge, %add3A_630, %ge3A_639 : vector<16xi32>
      %and3A_641 = arith.andi %and3A_637, %ge3A_640 : vector<16xi1>
      %lt3A_642 = arith.constant 488 : i32
      %lt3A_643 = vector.broadcast %lt3A_642 : i32 to vector<16xi32>
      %lt3A_644 = arith.cmpi slt, %add3A_630, %lt3A_643 : vector<16xi32>
      %and3A_645 = arith.andi %and3A_641, %lt3A_644 : vector<16xi1>
      %mul3A_646 = arith.constant 16 : i32
      %mul3A_647 = arith.muli %scan3A_621, %mul3A_646 : i32
      %add3A_648 = vector.broadcast %mul3A_647 : i32 to vector<16xi32>
      %add3A_649 = arith.addi %iota3A, %add3A_648 : vector<16xi32>
      tpu.vector_store_idx %arg5[%add3A_630, %add3A_649], %broadcast_in_dim3A_3 masked %and3A_645 : memref<488x128xf32, #tpu.memory_space<vmem>>[vector<16xi32>, vector<16xi32>], vector<16xf32>, vector<16xi1>
    }
    %scan3A_100 = arith.constant 8 : i32
    %scan3A_101 = arith.constant 0 : i32
    %scan3A_102 = arith.constant 0 : i32
    %scan3A_103 = arith.constant 8 : i32
    %scan3A_104 = arith.addi %scan3A_102, %scan3A_103 : i32
    %scan3A_105 = arith.constant 2 : i32
    scf.for %scan3A_595 = %scan3A_102 to %scan3A_104 step %scan3A_105  : i32 {
      %mul3A_596 = arith.constant 16 : i32
      %mul3A_597 = arith.muli %scan3A_595, %mul3A_596 : i32
      %get3A = arith.constant 3 : i32
      %get3A_598 = arith.index_cast %get3A : i32 to index
      %get3A_599 = arith.index_cast %mul3A_597 : i32 to index
      %get3A_600 = tpu.vector_load %arg4[%get3A_598, %get3A_599] {strides = array<i32>} : memref<26x128xi32, #tpu.memory_space<vmem>>, vector<16xi32>,
      %add3A_601 = arith.constant 350 : i32
      %add3A_602 = vector.broadcast %add3A_601 : i32 to vector<16xi32>
      %add3A_603 = arith.addi %get3A_600, %add3A_602 : vector<16xi32>
      %ge3A = arith.constant 0 : i32
      %ge3A_604 = vector.broadcast %ge3A : i32 to vector<16xi32>
      %ge3A_605 = arith.cmpi sge, %get3A_600, %ge3A_604 : vector<16xi32>
      %lt3A = arith.constant 1000 : i32
      %lt3A_606 = vector.broadcast %lt3A : i32 to vector<16xi32>
      %lt3A_607 = arith.cmpi slt, %get3A_600, %lt3A_606 : vector<16xi32>
      %and3A = arith.andi %ge3A_605, %lt3A_607 : vector<16xi1>
      %ge3A_608 = arith.constant 0 : i32
      %ge3A_609 = vector.broadcast %ge3A_608 : i32 to vector<16xi32>
      %ge3A_610 = arith.cmpi sge, %add3A_603, %ge3A_609 : vector<16xi32>
      %and3A_611 = arith.andi %and3A, %ge3A_610 : vector<16xi1>
      %lt3A_612 = arith.constant 488 : i32
      %lt3A_613 = vector.broadcast %lt3A_612 : i32 to vector<16xi32>
      %lt3A_614 = arith.cmpi slt, %add3A_603, %lt3A_613 : vector<16xi32>
      %and3A_615 = arith.andi %and3A_611, %lt3A_614 : vector<16xi1>
      %mul3A_616 = arith.constant 16 : i32
      %mul3A_617 = arith.muli %scan3A_595, %mul3A_616 : i32
      %add3A_618 = vector.broadcast %mul3A_617 : i32 to vector<16xi32>
      %add3A_619 = arith.addi %iota3A, %add3A_618 : vector<16xi32>
      tpu.vector_store_idx %arg5[%add3A_603, %add3A_619], %broadcast_in_dim3A_3 masked %and3A_615 : memref<488x128xf32, #tpu.memory_space<vmem>>[vector<16xi32>, vector<16xi32>], vector<16xf32>, vector<16xi1>
      %scan3A_620 = arith.constant 1 : i32
      %scan3A_621 = arith.addi %scan3A_595, %scan3A_620 : i32
      %mul3A_622 = arith.constant 16 : i32
      %mul3A_623 = arith.muli %scan3A_621, %mul3A_622 : i32
      %get3A_624 = arith.constant 3 : i32
      %get3A_625 = arith.index_cast %get3A_624 : i32 to index
      %get3A_626 = arith.index_cast %mul3A_623 : i32 to index
      %get3A_627 = tpu.vector_load %arg4[%get3A_625, %get3A_626] {strides = array<i32>} : memref<26x128xi32, #tpu.memory_space<vmem>>, vector<16xi32>,
      %add3A_628 = arith.constant 350 : i32
      %add3A_629 = vector.broadcast %add3A_628 : i32 to vector<16xi32>
      %add3A_630 = arith.addi %get3A_627, %add3A_629 : vector<16xi32>
      %ge3A_631 = arith.constant 0 : i32
      %ge3A_632 = vector.broadcast %ge3A_631 : i32 to vector<16xi32>
      %ge3A_633 = arith.cmpi sge, %get3A_627, %ge3A_632 : vector<16xi32>
      %lt3A_634 = arith.constant 1000 : i32
      %lt3A_635 = vector.broadcast %lt3A_634 : i32 to vector<16xi32>
      %lt3A_636 = arith.cmpi slt, %get3A_627, %lt3A_635 : vector<16xi32>
      %and3A_637 = arith.andi %ge3A_633, %lt3A_636 : vector<16xi1>
      %ge3A_638 = arith.constant 0 : i32
      %ge3A_639 = vector.broadcast %ge3A_638 : i32 to vector<16xi32>
      %ge3A_640 = arith.cmpi sge, %add3A_630, %ge3A_639 : vector<16xi32>
      %and3A_641 = arith.andi %and3A_637, %ge3A_640 : vector<16xi1>
      %lt3A_642 = arith.constant 488 : i32
      %lt3A_643 = vector.broadcast %lt3A_642 : i32 to vector<16xi32>
      %lt3A_644 = arith.cmpi slt, %add3A_630, %lt3A_643 : vector<16xi32>
      %and3A_645 = arith.andi %and3A_641, %lt3A_644 : vector<16xi1>
      %mul3A_646 = arith.constant 16 : i32
      %mul3A_647 = arith.muli %scan3A_621, %mul3A_646 : i32
      %add3A_648 = vector.broadcast %mul3A_647 : i32 to vector<16xi32>
      %add3A_649 = arith.addi %iota3A, %add3A_648 : vector<16xi32>
      tpu.vector_store_idx %arg5[%add3A_630, %add3A_649], %broadcast_in_dim3A_3 masked %and3A_645 : memref<488x128xf32, #tpu.memory_space<vmem>>[vector<16xi32>, vector<16xi32>], vector<16xf32>, vector<16xi1>
    }
    %scan3A_106 = arith.constant 8 : i32
    %scan3A_107 = arith.constant 0 : i32
    %scan3A_108 = arith.constant 0 : i32
    %scan3A_109 = arith.constant 8 : i32
    %scan3A_110 = arith.addi %scan3A_108, %scan3A_109 : i32
    %scan3A_111 = arith.constant 2 : i32
    scf.for %scan3A_595 = %scan3A_108 to %scan3A_110 step %scan3A_111  : i32 {
      %mul3A_596 = arith.constant 16 : i32
      %mul3A_597 = arith.muli %scan3A_595, %mul3A_596 : i32
      %get3A = arith.constant 3 : i32
      %get3A_598 = arith.index_cast %get3A : i32 to index
      %get3A_599 = arith.index_cast %mul3A_597 : i32 to index
      %get3A_600 = tpu.vector_load %arg4[%get3A_598, %get3A_599] {strides = array<i32>} : memref<26x128xi32, #tpu.memory_space<vmem>>, vector<16xi32>,
      %add3A_601 = arith.constant -626 : i32
      %add3A_602 = vector.broadcast %add3A_601 : i32 to vector<16xi32>
      %add3A_603 = arith.addi %get3A_600, %add3A_602 : vector<16xi32>
      %ge3A = arith.constant 0 : i32
      %ge3A_604 = vector.broadcast %ge3A : i32 to vector<16xi32>
      %ge3A_605 = arith.cmpi sge, %get3A_600, %ge3A_604 : vector<16xi32>
      %lt3A = arith.constant 1000 : i32
      %lt3A_606 = vector.broadcast %lt3A : i32 to vector<16xi32>
      %lt3A_607 = arith.cmpi slt, %get3A_600, %lt3A_606 : vector<16xi32>
      %and3A = arith.andi %ge3A_605, %lt3A_607 : vector<16xi1>
      %ge3A_608 = arith.constant 0 : i32
      %ge3A_609 = vector.broadcast %ge3A_608 : i32 to vector<16xi32>
      %ge3A_610 = arith.cmpi sge, %add3A_603, %ge3A_609 : vector<16xi32>
      %and3A_611 = arith.andi %and3A, %ge3A_610 : vector<16xi1>
      %lt3A_612 = arith.constant 488 : i32
      %lt3A_613 = vector.broadcast %lt3A_612 : i32 to vector<16xi32>
      %lt3A_614 = arith.cmpi slt, %add3A_603, %lt3A_613 : vector<16xi32>
      %and3A_615 = arith.andi %and3A_611, %lt3A_614 : vector<16xi1>
      %mul3A_616 = arith.constant 16 : i32
      %mul3A_617 = arith.muli %scan3A_595, %mul3A_616 : i32
      %add3A_618 = vector.broadcast %mul3A_617 : i32 to vector<16xi32>
      %add3A_619 = arith.addi %iota3A, %add3A_618 : vector<16xi32>
      tpu.vector_store_idx %arg5[%add3A_603, %add3A_619], %broadcast_in_dim3A_5 masked %and3A_615 : memref<488x128xf32, #tpu.memory_space<vmem>>[vector<16xi32>, vector<16xi32>], vector<16xf32>, vector<16xi1>
      %scan3A_620 = arith.constant 1 : i32
      %scan3A_621 = arith.addi %scan3A_595, %scan3A_620 : i32
      %mul3A_622 = arith.constant 16 : i32
      %mul3A_623 = arith.muli %scan3A_621, %mul3A_622 : i32
      %get3A_624 = arith.constant 3 : i32
      %get3A_625 = arith.index_cast %get3A_624 : i32 to index
      %get3A_626 = arith.index_cast %mul3A_623 : i32 to index
      %get3A_627 = tpu.vector_load %arg4[%get3A_625, %get3A_626] {strides = array<i32>} : memref<26x128xi32, #tpu.memory_space<vmem>>, vector<16xi32>,
      %add3A_628 = arith.constant -626 : i32
      %add3A_629 = vector.broadcast %add3A_628 : i32 to vector<16xi32>
      %add3A_630 = arith.addi %get3A_627, %add3A_629 : vector<16xi32>
      %ge3A_631 = arith.constant 0 : i32
      %ge3A_632 = vector.broadcast %ge3A_631 : i32 to vector<16xi32>
      %ge3A_633 = arith.cmpi sge, %get3A_627, %ge3A_632 : vector<16xi32>
      %lt3A_634 = arith.constant 1000 : i32
      %lt3A_635 = vector.broadcast %lt3A_634 : i32 to vector<16xi32>
      %lt3A_636 = arith.cmpi slt, %get3A_627, %lt3A_635 : vector<16xi32>
      %and3A_637 = arith.andi %ge3A_633, %lt3A_636 : vector<16xi1>
      %ge3A_638 = arith.constant 0 : i32
      %ge3A_639 = vector.broadcast %ge3A_638 : i32 to vector<16xi32>
      %ge3A_640 = arith.cmpi sge, %add3A_630, %ge3A_639 : vector<16xi32>
      %and3A_641 = arith.andi %and3A_637, %ge3A_640 : vector<16xi1>
      %lt3A_642 = arith.constant 488 : i32
      %lt3A_643 = vector.broadcast %lt3A_642 : i32 to vector<16xi32>
      %lt3A_644 = arith.cmpi slt, %add3A_630, %lt3A_643 : vector<16xi32>
      %and3A_645 = arith.andi %and3A_641, %lt3A_644 : vector<16xi1>
      %mul3A_646 = arith.constant 16 : i32
      %mul3A_647 = arith.muli %scan3A_621, %mul3A_646 : i32
      %add3A_648 = vector.broadcast %mul3A_647 : i32 to vector<16xi32>
      %add3A_649 = arith.addi %iota3A, %add3A_648 : vector<16xi32>
      tpu.vector_store_idx %arg5[%add3A_630, %add3A_649], %broadcast_in_dim3A_5 masked %and3A_645 : memref<488x128xf32, #tpu.memory_space<vmem>>[vector<16xi32>, vector<16xi32>], vector<16xf32>, vector<16xi1>
    }
    %scan3A_112 = arith.constant 8 : i32
    %scan3A_113 = arith.constant 0 : i32
    %scan3A_114 = arith.constant 0 : i32
    %scan3A_115 = arith.constant 8 : i32
    %scan3A_116 = arith.addi %scan3A_114, %scan3A_115 : i32
    %scan3A_117 = arith.constant 2 : i32
    scf.for %scan3A_595 = %scan3A_114 to %scan3A_116 step %scan3A_117  : i32 {
      %mul3A_596 = arith.constant 16 : i32
      %mul3A_597 = arith.muli %scan3A_595, %mul3A_596 : i32
      %get3A = arith.constant 4 : i32
      %get3A_598 = arith.index_cast %get3A : i32 to index
      %get3A_599 = arith.index_cast %mul3A_597 : i32 to index
      %get3A_600 = tpu.vector_load %arg4[%get3A_598, %get3A_599] {strides = array<i32>} : memref<26x128xi32, #tpu.memory_space<vmem>>, vector<16xi32>,
      %add3A_601 = arith.constant 374 : i32
      %add3A_602 = vector.broadcast %add3A_601 : i32 to vector<16xi32>
      %add3A_603 = arith.addi %get3A_600, %add3A_602 : vector<16xi32>
      %ge3A = arith.constant 0 : i32
      %ge3A_604 = vector.broadcast %ge3A : i32 to vector<16xi32>
      %ge3A_605 = arith.cmpi sge, %get3A_600, %ge3A_604 : vector<16xi32>
      %lt3A = arith.constant 10 : i32
      %lt3A_606 = vector.broadcast %lt3A : i32 to vector<16xi32>
      %lt3A_607 = arith.cmpi slt, %get3A_600, %lt3A_606 : vector<16xi32>
      %and3A = arith.andi %ge3A_605, %lt3A_607 : vector<16xi1>
      %ge3A_608 = arith.constant 0 : i32
      %ge3A_609 = vector.broadcast %ge3A_608 : i32 to vector<16xi32>
      %ge3A_610 = arith.cmpi sge, %add3A_603, %ge3A_609 : vector<16xi32>
      %and3A_611 = arith.andi %and3A, %ge3A_610 : vector<16xi1>
      %lt3A_612 = arith.constant 488 : i32
      %lt3A_613 = vector.broadcast %lt3A_612 : i32 to vector<16xi32>
      %lt3A_614 = arith.cmpi slt, %add3A_603, %lt3A_613 : vector<16xi32>
      %and3A_615 = arith.andi %and3A_611, %lt3A_614 : vector<16xi1>
      %mul3A_616 = arith.constant 16 : i32
      %mul3A_617 = arith.muli %scan3A_595, %mul3A_616 : i32
      %add3A_618 = vector.broadcast %mul3A_617 : i32 to vector<16xi32>
      %add3A_619 = arith.addi %iota3A, %add3A_618 : vector<16xi32>
      tpu.vector_store_idx %arg5[%add3A_603, %add3A_619], %broadcast_in_dim3A_5 masked %and3A_615 : memref<488x128xf32, #tpu.memory_space<vmem>>[vector<16xi32>, vector<16xi32>], vector<16xf32>, vector<16xi1>
      %scan3A_620 = arith.constant 1 : i32
      %scan3A_621 = arith.addi %scan3A_595, %scan3A_620 : i32
      %mul3A_622 = arith.constant 16 : i32
      %mul3A_623 = arith.muli %scan3A_621, %mul3A_622 : i32
      %get3A_624 = arith.constant 4 : i32
      %get3A_625 = arith.index_cast %get3A_624 : i32 to index
      %get3A_626 = arith.index_cast %mul3A_623 : i32 to index
      %get3A_627 = tpu.vector_load %arg4[%get3A_625, %get3A_626] {strides = array<i32>} : memref<26x128xi32, #tpu.memory_space<vmem>>, vector<16xi32>,
      %add3A_628 = arith.constant 374 : i32
      %add3A_629 = vector.broadcast %add3A_628 : i32 to vector<16xi32>
      %add3A_630 = arith.addi %get3A_627, %add3A_629 : vector<16xi32>
      %ge3A_631 = arith.constant 0 : i32
      %ge3A_632 = vector.broadcast %ge3A_631 : i32 to vector<16xi32>
      %ge3A_633 = arith.cmpi sge, %get3A_627, %ge3A_632 : vector<16xi32>
      %lt3A_634 = arith.constant 10 : i32
      %lt3A_635 = vector.broadcast %lt3A_634 : i32 to vector<16xi32>
      %lt3A_636 = arith.cmpi slt, %get3A_627, %lt3A_635 : vector<16xi32>
      %and3A_637 = arith.andi %ge3A_633, %lt3A_636 : vector<16xi1>
      %ge3A_638 = arith.constant 0 : i32
      %ge3A_639 = vector.broadcast %ge3A_638 : i32 to vector<16xi32>
      %ge3A_640 = arith.cmpi sge, %add3A_630, %ge3A_639 : vector<16xi32>
      %and3A_641 = arith.andi %and3A_637, %ge3A_640 : vector<16xi1>
      %lt3A_642 = arith.constant 488 : i32
      %lt3A_643 = vector.broadcast %lt3A_642 : i32 to vector<16xi32>
      %lt3A_644 = arith.cmpi slt, %add3A_630, %lt3A_643 : vector<16xi32>
      %and3A_645 = arith.andi %and3A_641, %lt3A_644 : vector<16xi1>
      %mul3A_646 = arith.constant 16 : i32
      %mul3A_647 = arith.muli %scan3A_621, %mul3A_646 : i32
      %add3A_648 = vector.broadcast %mul3A_647 : i32 to vector<16xi32>
      %add3A_649 = arith.addi %iota3A, %add3A_648 : vector<16xi32>
      tpu.vector_store_idx %arg5[%add3A_630, %add3A_649], %broadcast_in_dim3A_5 masked %and3A_645 : memref<488x128xf32, #tpu.memory_space<vmem>>[vector<16xi32>, vector<16xi32>], vector<16xf32>, vector<16xi1>
    }
    %scan3A_118 = arith.constant 8 : i32
    %scan3A_119 = arith.constant 0 : i32
    %scan3A_120 = arith.constant 0 : i32
    %scan3A_121 = arith.constant 8 : i32
    %scan3A_122 = arith.addi %scan3A_120, %scan3A_121 : i32
    %scan3A_123 = arith.constant 2 : i32
    scf.for %scan3A_595 = %scan3A_120 to %scan3A_122 step %scan3A_123  : i32 {
      %mul3A_596 = arith.constant 16 : i32
      %mul3A_597 = arith.muli %scan3A_595, %mul3A_596 : i32
      %get3A = arith.constant 5 : i32
      %get3A_598 = arith.index_cast %get3A : i32 to index
      %get3A_599 = arith.index_cast %mul3A_597 : i32 to index
      %get3A_600 = tpu.vector_load %arg4[%get3A_598, %get3A_599] {strides = array<i32>} : memref<26x128xi32, #tpu.memory_space<vmem>>, vector<16xi32>,
      %add3A_601 = arith.constant 384 : i32
      %add3A_602 = vector.broadcast %add3A_601 : i32 to vector<16xi32>
      %add3A_603 = arith.addi %get3A_600, %add3A_602 : vector<16xi32>
      %ge3A = arith.constant 0 : i32
      %ge3A_604 = vector.broadcast %ge3A : i32 to vector<16xi32>
      %ge3A_605 = arith.cmpi sge, %get3A_600, %ge3A_604 : vector<16xi32>
      %lt3A = arith.constant 500 : i32
      %lt3A_606 = vector.broadcast %lt3A : i32 to vector<16xi32>
      %lt3A_607 = arith.cmpi slt, %get3A_600, %lt3A_606 : vector<16xi32>
      %and3A = arith.andi %ge3A_605, %lt3A_607 : vector<16xi1>
      %ge3A_608 = arith.constant 0 : i32
      %ge3A_609 = vector.broadcast %ge3A_608 : i32 to vector<16xi32>
      %ge3A_610 = arith.cmpi sge, %add3A_603, %ge3A_609 : vector<16xi32>
      %and3A_611 = arith.andi %and3A, %ge3A_610 : vector<16xi1>
      %lt3A_612 = arith.constant 488 : i32
      %lt3A_613 = vector.broadcast %lt3A_612 : i32 to vector<16xi32>
      %lt3A_614 = arith.cmpi slt, %add3A_603, %lt3A_613 : vector<16xi32>
      %and3A_615 = arith.andi %and3A_611, %lt3A_614 : vector<16xi1>
      %mul3A_616 = arith.constant 16 : i32
      %mul3A_617 = arith.muli %scan3A_595, %mul3A_616 : i32
      %add3A_618 = vector.broadcast %mul3A_617 : i32 to vector<16xi32>
      %add3A_619 = arith.addi %iota3A, %add3A_618 : vector<16xi32>
      tpu.vector_store_idx %arg5[%add3A_603, %add3A_619], %broadcast_in_dim3A_5 masked %and3A_615 : memref<488x128xf32, #tpu.memory_space<vmem>>[vector<16xi32>, vector<16xi32>], vector<16xf32>, vector<16xi1>
      %scan3A_620 = arith.constant 1 : i32
      %scan3A_621 = arith.addi %scan3A_595, %scan3A_620 : i32
      %mul3A_622 = arith.constant 16 : i32
      %mul3A_623 = arith.muli %scan3A_621, %mul3A_622 : i32
      %get3A_624 = arith.constant 5 : i32
      %get3A_625 = arith.index_cast %get3A_624 : i32 to index
      %get3A_626 = arith.index_cast %mul3A_623 : i32 to index
      %get3A_627 = tpu.vector_load %arg4[%get3A_625, %get3A_626] {strides = array<i32>} : memref<26x128xi32, #tpu.memory_space<vmem>>, vector<16xi32>,
      %add3A_628 = arith.constant 384 : i32
      %add3A_629 = vector.broadcast %add3A_628 : i32 to vector<16xi32>
      %add3A_630 = arith.addi %get3A_627, %add3A_629 : vector<16xi32>
      %ge3A_631 = arith.constant 0 : i32
      %ge3A_632 = vector.broadcast %ge3A_631 : i32 to vector<16xi32>
      %ge3A_633 = arith.cmpi sge, %get3A_627, %ge3A_632 : vector<16xi32>
      %lt3A_634 = arith.constant 500 : i32
      %lt3A_635 = vector.broadcast %lt3A_634 : i32 to vector<16xi32>
      %lt3A_636 = arith.cmpi slt, %get3A_627, %lt3A_635 : vector<16xi32>
      %and3A_637 = arith.andi %ge3A_633, %lt3A_636 : vector<16xi1>
      %ge3A_638 = arith.constant 0 : i32
      %ge3A_639 = vector.broadcast %ge3A_638 : i32 to vector<16xi32>
      %ge3A_640 = arith.cmpi sge, %add3A_630, %ge3A_639 : vector<16xi32>
      %and3A_641 = arith.andi %and3A_637, %ge3A_640 : vector<16xi1>
      %lt3A_642 = arith.constant 488 : i32
      %lt3A_643 = vector.broadcast %lt3A_642 : i32 to vector<16xi32>
      %lt3A_644 = arith.cmpi slt, %add3A_630, %lt3A_643 : vector<16xi32>
      %and3A_645 = arith.andi %and3A_641, %lt3A_644 : vector<16xi1>
      %mul3A_646 = arith.constant 16 : i32
      %mul3A_647 = arith.muli %scan3A_621, %mul3A_646 : i32
      %add3A_648 = vector.broadcast %mul3A_647 : i32 to vector<16xi32>
      %add3A_649 = arith.addi %iota3A, %add3A_648 : vector<16xi32>
      tpu.vector_store_idx %arg5[%add3A_630, %add3A_649], %broadcast_in_dim3A_5 masked %and3A_645 : memref<488x128xf32, #tpu.memory_space<vmem>>[vector<16xi32>, vector<16xi32>], vector<16xf32>, vector<16xi1>
    }
    %scan3A_124 = arith.constant 8 : i32
    %dma_start3A_125 = arith.constant 0 : i32
    %dma_start3A_126 = arith.constant 0 : i32
    %dma_start3A_127 = tpu.memref_slice %arg5[%dma_start3A_125, %dma_start3A_126] : memref<488x128xf32, #tpu.memory_space<vmem>> -> memref<488x128xf32, #tpu.memory_space<vmem>>
    %dma_start3A_128 = arith.constant 976 : i32
    %dma_start3A_129 = tpu.memref_slice %arg3[%dma_start3A_128, %mul3A_2] : memref<3950x4096xf32, #tpu.memory_space<hbm>> -> memref<488x128xf32, #tpu.memory_space<hbm>>
    %dma_start3A_130 = arith.constant 976 : i32
    %dma_start3A_131 = tpu.memref_slice %arg3[%dma_start3A_130, %mul3A_2] : memref<3950x4096xf32, #tpu.memory_space<hbm>> -> memref<488x128xf32, #tpu.memory_space<hbm>>
    %dma_start3A_132 = arith.constant 0 : i32
    %dma_start3A_133 = arith.constant 0 : i32
    %dma_start3A_134 = tpu.memref_slice %arg5[%dma_start3A_132, %dma_start3A_133] : memref<488x128xf32, #tpu.memory_space<vmem>> -> memref<488x128xf32, #tpu.memory_space<vmem>>
    tpu.enqueue_dma source(%dma_start3A_134 : memref<488x128xf32, #tpu.memory_space<vmem>>) target(%dma_start3A_131 : memref<488x128xf32, #tpu.memory_space<hbm>>) target_semaphore(%arg7 : memref<!tpu.dma_semaphore, #tpu.memory_space<semaphore_mem>>)
    %dma_wait3A_135 = arith.constant 0 : i32
    %dma_wait3A_136 = arith.constant 0 : i32
    %dma_wait3A_137 = tpu.memref_slice %arg6[%dma_wait3A_135, %dma_wait3A_136] : memref<488x128xf32, #tpu.memory_space<vmem>> -> memref<488x128xf32, #tpu.memory_space<vmem>>
    %dma_wait3A_138 = arith.constant 488 : i32
    %dma_wait3A_139 = tpu.memref_slice %arg3[%dma_wait3A_138, %mul3A_2] : memref<3950x4096xf32, #tpu.memory_space<hbm>> -> memref<488x128xf32, #tpu.memory_space<hbm>>
    %dma_wait3A_140 = arith.constant 488 : i32
    %dma_wait3A_141 = tpu.memref_slice %arg3[%dma_wait3A_140, %mul3A_2] : memref<3950x4096xf32, #tpu.memory_space<hbm>> -> memref<488x128xf32, #tpu.memory_space<hbm>>
    %dma_wait3A_142 = arith.constant 0 : i32
    %dma_wait3A_143 = arith.constant 0 : i32
    %dma_wait3A_144 = tpu.memref_slice %arg6[%dma_wait3A_142, %dma_wait3A_143] : memref<488x128xf32, #tpu.memory_space<vmem>> -> memref<488x128xf32, #tpu.memory_space<vmem>>
    tpu.wait_dma2 semaphore(%arg8 : memref<!tpu.dma_semaphore, #tpu.memory_space<semaphore_mem>>) src(%dma_wait3A_144 : memref<488x128xf32, #tpu.memory_space<vmem>>) dst(%dma_wait3A_141 : memref<488x128xf32, #tpu.memory_space<hbm>>)
    %scan3A_145 = arith.constant 0 : i32
    %scan3A_146 = arith.constant 0 : i32
    %scan3A_147 = arith.constant 8 : i32
    %scan3A_148 = arith.addi %scan3A_146, %scan3A_147 : i32
    %scan3A_149 = arith.constant 2 : i32
    scf.for %scan3A_595 = %scan3A_146 to %scan3A_148 step %scan3A_149  : i32 {
      %mul3A_596 = arith.constant 16 : i32
      %mul3A_597 = arith.muli %scan3A_595, %mul3A_596 : i32
      %get3A = arith.constant 3 : i32
      %get3A_598 = arith.index_cast %get3A : i32 to index
      %get3A_599 = arith.index_cast %mul3A_597 : i32 to index
      %get3A_600 = tpu.vector_load %arg4[%get3A_598, %get3A_599] {strides = array<i32>} : memref<26x128xi32, #tpu.memory_space<vmem>>, vector<16xi32>,
      %add3A_601 = arith.constant -138 : i32
      %add3A_602 = vector.broadcast %add3A_601 : i32 to vector<16xi32>
      %add3A_603 = arith.addi %get3A_600, %add3A_602 : vector<16xi32>
      %ge3A = arith.constant 0 : i32
      %ge3A_604 = vector.broadcast %ge3A : i32 to vector<16xi32>
      %ge3A_605 = arith.cmpi sge, %get3A_600, %ge3A_604 : vector<16xi32>
      %lt3A = arith.constant 1000 : i32
      %lt3A_606 = vector.broadcast %lt3A : i32 to vector<16xi32>
      %lt3A_607 = arith.cmpi slt, %get3A_600, %lt3A_606 : vector<16xi32>
      %and3A = arith.andi %ge3A_605, %lt3A_607 : vector<16xi1>
      %ge3A_608 = arith.constant 0 : i32
      %ge3A_609 = vector.broadcast %ge3A_608 : i32 to vector<16xi32>
      %ge3A_610 = arith.cmpi sge, %add3A_603, %ge3A_609 : vector<16xi32>
      %and3A_611 = arith.andi %and3A, %ge3A_610 : vector<16xi1>
      %lt3A_612 = arith.constant 488 : i32
      %lt3A_613 = vector.broadcast %lt3A_612 : i32 to vector<16xi32>
      %lt3A_614 = arith.cmpi slt, %add3A_603, %lt3A_613 : vector<16xi32>
      %and3A_615 = arith.andi %and3A_611, %lt3A_614 : vector<16xi1>
      %mul3A_616 = arith.constant 16 : i32
      %mul3A_617 = arith.muli %scan3A_595, %mul3A_616 : i32
      %add3A_618 = vector.broadcast %mul3A_617 : i32 to vector<16xi32>
      %add3A_619 = arith.addi %iota3A, %add3A_618 : vector<16xi32>
      tpu.vector_store_idx %arg6[%add3A_603, %add3A_619], %broadcast_in_dim3A_3 masked %and3A_615 : memref<488x128xf32, #tpu.memory_space<vmem>>[vector<16xi32>, vector<16xi32>], vector<16xf32>, vector<16xi1>
      %scan3A_620 = arith.constant 1 : i32
      %scan3A_621 = arith.addi %scan3A_595, %scan3A_620 : i32
      %mul3A_622 = arith.constant 16 : i32
      %mul3A_623 = arith.muli %scan3A_621, %mul3A_622 : i32
      %get3A_624 = arith.constant 3 : i32
      %get3A_625 = arith.index_cast %get3A_624 : i32 to index
      %get3A_626 = arith.index_cast %mul3A_623 : i32 to index
      %get3A_627 = tpu.vector_load %arg4[%get3A_625, %get3A_626] {strides = array<i32>} : memref<26x128xi32, #tpu.memory_space<vmem>>, vector<16xi32>,
      %add3A_628 = arith.constant -138 : i32
      %add3A_629 = vector.broadcast %add3A_628 : i32 to vector<16xi32>
      %add3A_630 = arith.addi %get3A_627, %add3A_629 : vector<16xi32>
      %ge3A_631 = arith.constant 0 : i32
      %ge3A_632 = vector.broadcast %ge3A_631 : i32 to vector<16xi32>
      %ge3A_633 = arith.cmpi sge, %get3A_627, %ge3A_632 : vector<16xi32>
      %lt3A_634 = arith.constant 1000 : i32
      %lt3A_635 = vector.broadcast %lt3A_634 : i32 to vector<16xi32>
      %lt3A_636 = arith.cmpi slt, %get3A_627, %lt3A_635 : vector<16xi32>
      %and3A_637 = arith.andi %ge3A_633, %lt3A_636 : vector<16xi1>
      %ge3A_638 = arith.constant 0 : i32
      %ge3A_639 = vector.broadcast %ge3A_638 : i32 to vector<16xi32>
      %ge3A_640 = arith.cmpi sge, %add3A_630, %ge3A_639 : vector<16xi32>
      %and3A_641 = arith.andi %and3A_637, %ge3A_640 : vector<16xi1>
      %lt3A_642 = arith.constant 488 : i32
      %lt3A_643 = vector.broadcast %lt3A_642 : i32 to vector<16xi32>
      %lt3A_644 = arith.cmpi slt, %add3A_630, %lt3A_643 : vector<16xi32>
      %and3A_645 = arith.andi %and3A_641, %lt3A_644 : vector<16xi1>
      %mul3A_646 = arith.constant 16 : i32
      %mul3A_647 = arith.muli %scan3A_621, %mul3A_646 : i32
      %add3A_648 = vector.broadcast %mul3A_647 : i32 to vector<16xi32>
      %add3A_649 = arith.addi %iota3A, %add3A_648 : vector<16xi32>
      tpu.vector_store_idx %arg6[%add3A_630, %add3A_649], %broadcast_in_dim3A_3 masked %and3A_645 : memref<488x128xf32, #tpu.memory_space<vmem>>[vector<16xi32>, vector<16xi32>], vector<16xf32>, vector<16xi1>
    }
    %scan3A_150 = arith.constant 8 : i32
    %scan3A_151 = arith.constant 0 : i32
    %scan3A_152 = arith.constant 0 : i32
    %scan3A_153 = arith.constant 8 : i32
    %scan3A_154 = arith.addi %scan3A_152, %scan3A_153 : i32
    %scan3A_155 = arith.constant 2 : i32
    scf.for %scan3A_595 = %scan3A_152 to %scan3A_154 step %scan3A_155  : i32 {
      %mul3A_596 = arith.constant 16 : i32
      %mul3A_597 = arith.muli %scan3A_595, %mul3A_596 : i32
      %get3A = arith.constant 5 : i32
      %get3A_598 = arith.index_cast %get3A : i32 to index
      %get3A_599 = arith.index_cast %mul3A_597 : i32 to index
      %get3A_600 = tpu.vector_load %arg4[%get3A_598, %get3A_599] {strides = array<i32>} : memref<26x128xi32, #tpu.memory_space<vmem>>, vector<16xi32>,
      %add3A_601 = arith.constant -104 : i32
      %add3A_602 = vector.broadcast %add3A_601 : i32 to vector<16xi32>
      %add3A_603 = arith.addi %get3A_600, %add3A_602 : vector<16xi32>
      %ge3A = arith.constant 0 : i32
      %ge3A_604 = vector.broadcast %ge3A : i32 to vector<16xi32>
      %ge3A_605 = arith.cmpi sge, %get3A_600, %ge3A_604 : vector<16xi32>
      %lt3A = arith.constant 500 : i32
      %lt3A_606 = vector.broadcast %lt3A : i32 to vector<16xi32>
      %lt3A_607 = arith.cmpi slt, %get3A_600, %lt3A_606 : vector<16xi32>
      %and3A = arith.andi %ge3A_605, %lt3A_607 : vector<16xi1>
      %ge3A_608 = arith.constant 0 : i32
      %ge3A_609 = vector.broadcast %ge3A_608 : i32 to vector<16xi32>
      %ge3A_610 = arith.cmpi sge, %add3A_603, %ge3A_609 : vector<16xi32>
      %and3A_611 = arith.andi %and3A, %ge3A_610 : vector<16xi1>
      %lt3A_612 = arith.constant 488 : i32
      %lt3A_613 = vector.broadcast %lt3A_612 : i32 to vector<16xi32>
      %lt3A_614 = arith.cmpi slt, %add3A_603, %lt3A_613 : vector<16xi32>
      %and3A_615 = arith.andi %and3A_611, %lt3A_614 : vector<16xi1>
      %mul3A_616 = arith.constant 16 : i32
      %mul3A_617 = arith.muli %scan3A_595, %mul3A_616 : i32
      %add3A_618 = vector.broadcast %mul3A_617 : i32 to vector<16xi32>
      %add3A_619 = arith.addi %iota3A, %add3A_618 : vector<16xi32>
      tpu.vector_store_idx %arg6[%add3A_603, %add3A_619], %broadcast_in_dim3A_5 masked %and3A_615 : memref<488x128xf32, #tpu.memory_space<vmem>>[vector<16xi32>, vector<16xi32>], vector<16xf32>, vector<16xi1>
      %scan3A_620 = arith.constant 1 : i32
      %scan3A_621 = arith.addi %scan3A_595, %scan3A_620 : i32
      %mul3A_622 = arith.constant 16 : i32
      %mul3A_623 = arith.muli %scan3A_621, %mul3A_622 : i32
      %get3A_624 = arith.constant 5 : i32
      %get3A_625 = arith.index_cast %get3A_624 : i32 to index
      %get3A_626 = arith.index_cast %mul3A_623 : i32 to index
      %get3A_627 = tpu.vector_load %arg4[%get3A_625, %get3A_626] {strides = array<i32>} : memref<26x128xi32, #tpu.memory_space<vmem>>, vector<16xi32>,
      %add3A_628 = arith.constant -104 : i32
      %add3A_629 = vector.broadcast %add3A_628 : i32 to vector<16xi32>
      %add3A_630 = arith.addi %get3A_627, %add3A_629 : vector<16xi32>
      %ge3A_631 = arith.constant 0 : i32
      %ge3A_632 = vector.broadcast %ge3A_631 : i32 to vector<16xi32>
      %ge3A_633 = arith.cmpi sge, %get3A_627, %ge3A_632 : vector<16xi32>
      %lt3A_634 = arith.constant 500 : i32
      %lt3A_635 = vector.broadcast %lt3A_634 : i32 to vector<16xi32>
      %lt3A_636 = arith.cmpi slt, %get3A_627, %lt3A_635 : vector<16xi32>
      %and3A_637 = arith.andi %ge3A_633, %lt3A_636 : vector<16xi1>
      %ge3A_638 = arith.constant 0 : i32
      %ge3A_639 = vector.broadcast %ge3A_638 : i32 to vector<16xi32>
      %ge3A_640 = arith.cmpi sge, %add3A_630, %ge3A_639 : vector<16xi32>
      %and3A_641 = arith.andi %and3A_637, %ge3A_640 : vector<16xi1>
      %lt3A_642 = arith.constant 488 : i32
      %lt3A_643 = vector.broadcast %lt3A_642 : i32 to vector<16xi32>
      %lt3A_644 = arith.cmpi slt, %add3A_630, %lt3A_643 : vector<16xi32>
      %and3A_645 = arith.andi %and3A_641, %lt3A_644 : vector<16xi1>
      %mul3A_646 = arith.constant 16 : i32
      %mul3A_647 = arith.muli %scan3A_621, %mul3A_646 : i32
      %add3A_648 = vector.broadcast %mul3A_647 : i32 to vector<16xi32>
      %add3A_649 = arith.addi %iota3A, %add3A_648 : vector<16xi32>
      tpu.vector_store_idx %arg6[%add3A_630, %add3A_649], %broadcast_in_dim3A_5 masked %and3A_645 : memref<488x128xf32, #tpu.memory_space<vmem>>[vector<16xi32>, vector<16xi32>], vector<16xf32>, vector<16xi1>
    }
    %scan3A_156 = arith.constant 8 : i32
    %scan3A_157 = arith.constant 0 : i32
    %scan3A_158 = arith.constant 0 : i32
    %scan3A_159 = arith.constant 8 : i32
    %scan3A_160 = arith.addi %scan3A_158, %scan3A_159 : i32
    %scan3A_161 = arith.constant 2 : i32
    scf.for %scan3A_595 = %scan3A_158 to %scan3A_160 step %scan3A_161  : i32 {
      %mul3A_596 = arith.constant 16 : i32
      %mul3A_597 = arith.muli %scan3A_595, %mul3A_596 : i32
      %get3A = arith.constant 6 : i32
      %get3A_598 = arith.index_cast %get3A : i32 to index
      %get3A_599 = arith.index_cast %mul3A_597 : i32 to index
      %get3A_600 = tpu.vector_load %arg4[%get3A_598, %get3A_599] {strides = array<i32>} : memref<26x128xi32, #tpu.memory_space<vmem>>, vector<16xi32>,
      %add3A_601 = arith.constant 396 : i32
      %add3A_602 = vector.broadcast %add3A_601 : i32 to vector<16xi32>
      %add3A_603 = arith.addi %get3A_600, %add3A_602 : vector<16xi32>
      %ge3A = arith.constant 0 : i32
      %ge3A_604 = vector.broadcast %ge3A : i32 to vector<16xi32>
      %ge3A_605 = arith.cmpi sge, %get3A_600, %ge3A_604 : vector<16xi32>
      %lt3A = arith.constant 30 : i32
      %lt3A_606 = vector.broadcast %lt3A : i32 to vector<16xi32>
      %lt3A_607 = arith.cmpi slt, %get3A_600, %lt3A_606 : vector<16xi32>
      %and3A = arith.andi %ge3A_605, %lt3A_607 : vector<16xi1>
      %ge3A_608 = arith.constant 0 : i32
      %ge3A_609 = vector.broadcast %ge3A_608 : i32 to vector<16xi32>
      %ge3A_610 = arith.cmpi sge, %add3A_603, %ge3A_609 : vector<16xi32>
      %and3A_611 = arith.andi %and3A, %ge3A_610 : vector<16xi1>
      %lt3A_612 = arith.constant 488 : i32
      %lt3A_613 = vector.broadcast %lt3A_612 : i32 to vector<16xi32>
      %lt3A_614 = arith.cmpi slt, %add3A_603, %lt3A_613 : vector<16xi32>
      %and3A_615 = arith.andi %and3A_611, %lt3A_614 : vector<16xi1>
      %mul3A_616 = arith.constant 16 : i32
      %mul3A_617 = arith.muli %scan3A_595, %mul3A_616 : i32
      %add3A_618 = vector.broadcast %mul3A_617 : i32 to vector<16xi32>
      %add3A_619 = arith.addi %iota3A, %add3A_618 : vector<16xi32>
      tpu.vector_store_idx %arg6[%add3A_603, %add3A_619], %broadcast_in_dim3A_5 masked %and3A_615 : memref<488x128xf32, #tpu.memory_space<vmem>>[vector<16xi32>, vector<16xi32>], vector<16xf32>, vector<16xi1>
      %scan3A_620 = arith.constant 1 : i32
      %scan3A_621 = arith.addi %scan3A_595, %scan3A_620 : i32
      %mul3A_622 = arith.constant 16 : i32
      %mul3A_623 = arith.muli %scan3A_621, %mul3A_622 : i32
      %get3A_624 = arith.constant 6 : i32
      %get3A_625 = arith.index_cast %get3A_624 : i32 to index
      %get3A_626 = arith.index_cast %mul3A_623 : i32 to index
      %get3A_627 = tpu.vector_load %arg4[%get3A_625, %get3A_626] {strides = array<i32>} : memref<26x128xi32, #tpu.memory_space<vmem>>, vector<16xi32>,
      %add3A_628 = arith.constant 396 : i32
      %add3A_629 = vector.broadcast %add3A_628 : i32 to vector<16xi32>
      %add3A_630 = arith.addi %get3A_627, %add3A_629 : vector<16xi32>
      %ge3A_631 = arith.constant 0 : i32
      %ge3A_632 = vector.broadcast %ge3A_631 : i32 to vector<16xi32>
      %ge3A_633 = arith.cmpi sge, %get3A_627, %ge3A_632 : vector<16xi32>
      %lt3A_634 = arith.constant 30 : i32
      %lt3A_635 = vector.broadcast %lt3A_634 : i32 to vector<16xi32>
      %lt3A_636 = arith.cmpi slt, %get3A_627, %lt3A_635 : vector<16xi32>
      %and3A_637 = arith.andi %ge3A_633, %lt3A_636 : vector<16xi1>
      %ge3A_638 = arith.constant 0 : i32
      %ge3A_639 = vector.broadcast %ge3A_638 : i32 to vector<16xi32>
      %ge3A_640 = arith.cmpi sge, %add3A_630, %ge3A_639 : vector<16xi32>
      %and3A_641 = arith.andi %and3A_637, %ge3A_640 : vector<16xi1>
      %lt3A_642 = arith.constant 488 : i32
      %lt3A_643 = vector.broadcast %lt3A_642 : i32 to vector<16xi32>
      %lt3A_644 = arith.cmpi slt, %add3A_630, %lt3A_643 : vector<16xi32>
      %and3A_645 = arith.andi %and3A_641, %lt3A_644 : vector<16xi1>
      %mul3A_646 = arith.constant 16 : i32
      %mul3A_647 = arith.muli %scan3A_621, %mul3A_646 : i32
      %add3A_648 = vector.broadcast %mul3A_647 : i32 to vector<16xi32>
      %add3A_649 = arith.addi %iota3A, %add3A_648 : vector<16xi32>
      tpu.vector_store_idx %arg6[%add3A_630, %add3A_649], %broadcast_in_dim3A_5 masked %and3A_645 : memref<488x128xf32, #tpu.memory_space<vmem>>[vector<16xi32>, vector<16xi32>], vector<16xf32>, vector<16xi1>
    }
    %scan3A_162 = arith.constant 8 : i32
    %scan3A_163 = arith.constant 0 : i32
    %scan3A_164 = arith.constant 0 : i32
    %scan3A_165 = arith.constant 8 : i32
    %scan3A_166 = arith.addi %scan3A_164, %scan3A_165 : i32
    %scan3A_167 = arith.constant 2 : i32
    scf.for %scan3A_595 = %scan3A_164 to %scan3A_166 step %scan3A_167  : i32 {
      %mul3A_596 = arith.constant 16 : i32
      %mul3A_597 = arith.muli %scan3A_595, %mul3A_596 : i32
      %get3A = arith.constant 7 : i32
      %get3A_598 = arith.index_cast %get3A : i32 to index
      %get3A_599 = arith.index_cast %mul3A_597 : i32 to index
      %get3A_600 = tpu.vector_load %arg4[%get3A_598, %get3A_599] {strides = array<i32>} : memref<26x128xi32, #tpu.memory_space<vmem>>, vector<16xi32>,
      %add3A_601 = arith.constant 426 : i32
      %add3A_602 = vector.broadcast %add3A_601 : i32 to vector<16xi32>
      %add3A_603 = arith.addi %get3A_600, %add3A_602 : vector<16xi32>
      %ge3A = arith.constant 0 : i32
      %ge3A_604 = vector.broadcast %ge3A : i32 to vector<16xi32>
      %ge3A_605 = arith.cmpi sge, %get3A_600, %ge3A_604 : vector<16xi32>
      %lt3A = arith.constant 80 : i32
      %lt3A_606 = vector.broadcast %lt3A : i32 to vector<16xi32>
      %lt3A_607 = arith.cmpi slt, %get3A_600, %lt3A_606 : vector<16xi32>
      %and3A = arith.andi %ge3A_605, %lt3A_607 : vector<16xi1>
      %ge3A_608 = arith.constant 0 : i32
      %ge3A_609 = vector.broadcast %ge3A_608 : i32 to vector<16xi32>
      %ge3A_610 = arith.cmpi sge, %add3A_603, %ge3A_609 : vector<16xi32>
      %and3A_611 = arith.andi %and3A, %ge3A_610 : vector<16xi1>
      %lt3A_612 = arith.constant 488 : i32
      %lt3A_613 = vector.broadcast %lt3A_612 : i32 to vector<16xi32>
      %lt3A_614 = arith.cmpi slt, %add3A_603, %lt3A_613 : vector<16xi32>
      %and3A_615 = arith.andi %and3A_611, %lt3A_614 : vector<16xi1>
      %mul3A_616 = arith.constant 16 : i32
      %mul3A_617 = arith.muli %scan3A_595, %mul3A_616 : i32
      %add3A_618 = vector.broadcast %mul3A_617 : i32 to vector<16xi32>
      %add3A_619 = arith.addi %iota3A, %add3A_618 : vector<16xi32>
      tpu.vector_store_idx %arg6[%add3A_603, %add3A_619], %broadcast_in_dim3A_5 masked %and3A_615 : memref<488x128xf32, #tpu.memory_space<vmem>>[vector<16xi32>, vector<16xi32>], vector<16xf32>, vector<16xi1>
      %scan3A_620 = arith.constant 1 : i32
      %scan3A_621 = arith.addi %scan3A_595, %scan3A_620 : i32
      %mul3A_622 = arith.constant 16 : i32
      %mul3A_623 = arith.muli %scan3A_621, %mul3A_622 : i32
      %get3A_624 = arith.constant 7 : i32
      %get3A_625 = arith.index_cast %get3A_624 : i32 to index
      %get3A_626 = arith.index_cast %mul3A_623 : i32 to index
      %get3A_627 = tpu.vector_load %arg4[%get3A_625, %get3A_626] {strides = array<i32>} : memref<26x128xi32, #tpu.memory_space<vmem>>, vector<16xi32>,
      %add3A_628 = arith.constant 426 : i32
      %add3A_629 = vector.broadcast %add3A_628 : i32 to vector<16xi32>
      %add3A_630 = arith.addi %get3A_627, %add3A_629 : vector<16xi32>
      %ge3A_631 = arith.constant 0 : i32
      %ge3A_632 = vector.broadcast %ge3A_631 : i32 to vector<16xi32>
      %ge3A_633 = arith.cmpi sge, %get3A_627, %ge3A_632 : vector<16xi32>
      %lt3A_634 = arith.constant 80 : i32
      %lt3A_635 = vector.broadcast %lt3A_634 : i32 to vector<16xi32>
      %lt3A_636 = arith.cmpi slt, %get3A_627, %lt3A_635 : vector<16xi32>
      %and3A_637 = arith.andi %ge3A_633, %lt3A_636 : vector<16xi1>
      %ge3A_638 = arith.constant 0 : i32
      %ge3A_639 = vector.broadcast %ge3A_638 : i32 to vector<16xi32>
      %ge3A_640 = arith.cmpi sge, %add3A_630, %ge3A_639 : vector<16xi32>
      %and3A_641 = arith.andi %and3A_637, %ge3A_640 : vector<16xi1>
      %lt3A_642 = arith.constant 488 : i32
      %lt3A_643 = vector.broadcast %lt3A_642 : i32 to vector<16xi32>
      %lt3A_644 = arith.cmpi slt, %add3A_630, %lt3A_643 : vector<16xi32>
      %and3A_645 = arith.andi %and3A_641, %lt3A_644 : vector<16xi1>
      %mul3A_646 = arith.constant 16 : i32
      %mul3A_647 = arith.muli %scan3A_621, %mul3A_646 : i32
      %add3A_648 = vector.broadcast %mul3A_647 : i32 to vector<16xi32>
      %add3A_649 = arith.addi %iota3A, %add3A_648 : vector<16xi32>
      tpu.vector_store_idx %arg6[%add3A_630, %add3A_649], %broadcast_in_dim3A_5 masked %and3A_645 : memref<488x128xf32, #tpu.memory_space<vmem>>[vector<16xi32>, vector<16xi32>], vector<16xf32>, vector<16xi1>
    }
    %scan3A_168 = arith.constant 8 : i32
    %dma_start3A_169 = arith.constant 0 : i32
    %dma_start3A_170 = arith.constant 0 : i32
    %dma_start3A_171 = tpu.memref_slice %arg6[%dma_start3A_169, %dma_start3A_170] : memref<488x128xf32, #tpu.memory_space<vmem>> -> memref<488x128xf32, #tpu.memory_space<vmem>>
    %dma_start3A_172 = arith.constant 1464 : i32
    %dma_start3A_173 = tpu.memref_slice %arg3[%dma_start3A_172, %mul3A_2] : memref<3950x4096xf32, #tpu.memory_space<hbm>> -> memref<488x128xf32, #tpu.memory_space<hbm>>
    %dma_start3A_174 = arith.constant 1464 : i32
    %dma_start3A_175 = tpu.memref_slice %arg3[%dma_start3A_174, %mul3A_2] : memref<3950x4096xf32, #tpu.memory_space<hbm>> -> memref<488x128xf32, #tpu.memory_space<hbm>>
    %dma_start3A_176 = arith.constant 0 : i32
    %dma_start3A_177 = arith.constant 0 : i32
    %dma_start3A_178 = tpu.memref_slice %arg6[%dma_start3A_176, %dma_start3A_177] : memref<488x128xf32, #tpu.memory_space<vmem>> -> memref<488x128xf32, #tpu.memory_space<vmem>>
    tpu.enqueue_dma source(%dma_start3A_178 : memref<488x128xf32, #tpu.memory_space<vmem>>) target(%dma_start3A_175 : memref<488x128xf32, #tpu.memory_space<hbm>>) target_semaphore(%arg8 : memref<!tpu.dma_semaphore, #tpu.memory_space<semaphore_mem>>)
    %dma_wait3A_179 = arith.constant 0 : i32
    %dma_wait3A_180 = arith.constant 0 : i32
    %dma_wait3A_181 = tpu.memref_slice %arg5[%dma_wait3A_179, %dma_wait3A_180] : memref<488x128xf32, #tpu.memory_space<vmem>> -> memref<488x128xf32, #tpu.memory_space<vmem>>
    %dma_wait3A_182 = arith.constant 976 : i32
    %dma_wait3A_183 = tpu.memref_slice %arg3[%dma_wait3A_182, %mul3A_2] : memref<3950x4096xf32, #tpu.memory_space<hbm>> -> memref<488x128xf32, #tpu.memory_space<hbm>>
    %dma_wait3A_184 = arith.constant 976 : i32
    %dma_wait3A_185 = tpu.memref_slice %arg3[%dma_wait3A_184, %mul3A_2] : memref<3950x4096xf32, #tpu.memory_space<hbm>> -> memref<488x128xf32, #tpu.memory_space<hbm>>
    %dma_wait3A_186 = arith.constant 0 : i32
    %dma_wait3A_187 = arith.constant 0 : i32
    %dma_wait3A_188 = tpu.memref_slice %arg5[%dma_wait3A_186, %dma_wait3A_187] : memref<488x128xf32, #tpu.memory_space<vmem>> -> memref<488x128xf32, #tpu.memory_space<vmem>>
    tpu.wait_dma2 semaphore(%arg7 : memref<!tpu.dma_semaphore, #tpu.memory_space<semaphore_mem>>) src(%dma_wait3A_188 : memref<488x128xf32, #tpu.memory_space<vmem>>) dst(%dma_wait3A_185 : memref<488x128xf32, #tpu.memory_space<hbm>>)
    %scan3A_189 = arith.constant 0 : i32
    %scan3A_190 = arith.constant 0 : i32
    %scan3A_191 = arith.constant 8 : i32
    %scan3A_192 = arith.addi %scan3A_190, %scan3A_191 : i32
    %scan3A_193 = arith.constant 2 : i32
    scf.for %scan3A_595 = %scan3A_190 to %scan3A_192 step %scan3A_193  : i32 {
      %mul3A_596 = arith.constant 16 : i32
      %mul3A_597 = arith.muli %scan3A_595, %mul3A_596 : i32
      %get3A = arith.constant 3 : i32
      %get3A_598 = arith.index_cast %get3A : i32 to index
      %get3A_599 = arith.index_cast %mul3A_597 : i32 to index
      %get3A_600 = tpu.vector_load %arg4[%get3A_598, %get3A_599] {strides = array<i32>} : memref<26x128xi32, #tpu.memory_space<vmem>>, vector<16xi32>,
      %add3A_601 = arith.constant -626 : i32
      %add3A_602 = vector.broadcast %add3A_601 : i32 to vector<16xi32>
      %add3A_603 = arith.addi %get3A_600, %add3A_602 : vector<16xi32>
      %ge3A = arith.constant 0 : i32
      %ge3A_604 = vector.broadcast %ge3A : i32 to vector<16xi32>
      %ge3A_605 = arith.cmpi sge, %get3A_600, %ge3A_604 : vector<16xi32>
      %lt3A = arith.constant 1000 : i32
      %lt3A_606 = vector.broadcast %lt3A : i32 to vector<16xi32>
      %lt3A_607 = arith.cmpi slt, %get3A_600, %lt3A_606 : vector<16xi32>
      %and3A = arith.andi %ge3A_605, %lt3A_607 : vector<16xi1>
      %ge3A_608 = arith.constant 0 : i32
      %ge3A_609 = vector.broadcast %ge3A_608 : i32 to vector<16xi32>
      %ge3A_610 = arith.cmpi sge, %add3A_603, %ge3A_609 : vector<16xi32>
      %and3A_611 = arith.andi %and3A, %ge3A_610 : vector<16xi1>
      %lt3A_612 = arith.constant 488 : i32
      %lt3A_613 = vector.broadcast %lt3A_612 : i32 to vector<16xi32>
      %lt3A_614 = arith.cmpi slt, %add3A_603, %lt3A_613 : vector<16xi32>
      %and3A_615 = arith.andi %and3A_611, %lt3A_614 : vector<16xi1>
      %mul3A_616 = arith.constant 16 : i32
      %mul3A_617 = arith.muli %scan3A_595, %mul3A_616 : i32
      %add3A_618 = vector.broadcast %mul3A_617 : i32 to vector<16xi32>
      %add3A_619 = arith.addi %iota3A, %add3A_618 : vector<16xi32>
      tpu.vector_store_idx %arg5[%add3A_603, %add3A_619], %broadcast_in_dim3A_3 masked %and3A_615 : memref<488x128xf32, #tpu.memory_space<vmem>>[vector<16xi32>, vector<16xi32>], vector<16xf32>, vector<16xi1>
      %scan3A_620 = arith.constant 1 : i32
      %scan3A_621 = arith.addi %scan3A_595, %scan3A_620 : i32
      %mul3A_622 = arith.constant 16 : i32
      %mul3A_623 = arith.muli %scan3A_621, %mul3A_622 : i32
      %get3A_624 = arith.constant 3 : i32
      %get3A_625 = arith.index_cast %get3A_624 : i32 to index
      %get3A_626 = arith.index_cast %mul3A_623 : i32 to index
      %get3A_627 = tpu.vector_load %arg4[%get3A_625, %get3A_626] {strides = array<i32>} : memref<26x128xi32, #tpu.memory_space<vmem>>, vector<16xi32>,
      %add3A_628 = arith.constant -626 : i32
      %add3A_629 = vector.broadcast %add3A_628 : i32 to vector<16xi32>
      %add3A_630 = arith.addi %get3A_627, %add3A_629 : vector<16xi32>
      %ge3A_631 = arith.constant 0 : i32
      %ge3A_632 = vector.broadcast %ge3A_631 : i32 to vector<16xi32>
      %ge3A_633 = arith.cmpi sge, %get3A_627, %ge3A_632 : vector<16xi32>
      %lt3A_634 = arith.constant 1000 : i32
      %lt3A_635 = vector.broadcast %lt3A_634 : i32 to vector<16xi32>
      %lt3A_636 = arith.cmpi slt, %get3A_627, %lt3A_635 : vector<16xi32>
      %and3A_637 = arith.andi %ge3A_633, %lt3A_636 : vector<16xi1>
      %ge3A_638 = arith.constant 0 : i32
      %ge3A_639 = vector.broadcast %ge3A_638 : i32 to vector<16xi32>
      %ge3A_640 = arith.cmpi sge, %add3A_630, %ge3A_639 : vector<16xi32>
      %and3A_641 = arith.andi %and3A_637, %ge3A_640 : vector<16xi1>
      %lt3A_642 = arith.constant 488 : i32
      %lt3A_643 = vector.broadcast %lt3A_642 : i32 to vector<16xi32>
      %lt3A_644 = arith.cmpi slt, %add3A_630, %lt3A_643 : vector<16xi32>
      %and3A_645 = arith.andi %and3A_641, %lt3A_644 : vector<16xi1>
      %mul3A_646 = arith.constant 16 : i32
      %mul3A_647 = arith.muli %scan3A_621, %mul3A_646 : i32
      %add3A_648 = vector.broadcast %mul3A_647 : i32 to vector<16xi32>
      %add3A_649 = arith.addi %iota3A, %add3A_648 : vector<16xi32>
      tpu.vector_store_idx %arg5[%add3A_630, %add3A_649], %broadcast_in_dim3A_3 masked %and3A_645 : memref<488x128xf32, #tpu.memory_space<vmem>>[vector<16xi32>, vector<16xi32>], vector<16xf32>, vector<16xi1>
    }
    %scan3A_194 = arith.constant 8 : i32
    %scan3A_195 = arith.constant 0 : i32
    %scan3A_196 = arith.constant 0 : i32
    %scan3A_197 = arith.constant 8 : i32
    %scan3A_198 = arith.addi %scan3A_196, %scan3A_197 : i32
    %scan3A_199 = arith.constant 2 : i32
    scf.for %scan3A_595 = %scan3A_196 to %scan3A_198 step %scan3A_199  : i32 {
      %mul3A_596 = arith.constant 16 : i32
      %mul3A_597 = arith.muli %scan3A_595, %mul3A_596 : i32
      %get3A = arith.constant 4 : i32
      %get3A_598 = arith.index_cast %get3A : i32 to index
      %get3A_599 = arith.index_cast %mul3A_597 : i32 to index
      %get3A_600 = tpu.vector_load %arg4[%get3A_598, %get3A_599] {strides = array<i32>} : memref<26x128xi32, #tpu.memory_space<vmem>>, vector<16xi32>,
      %add3A_601 = arith.constant 374 : i32
      %add3A_602 = vector.broadcast %add3A_601 : i32 to vector<16xi32>
      %add3A_603 = arith.addi %get3A_600, %add3A_602 : vector<16xi32>
      %ge3A = arith.constant 0 : i32
      %ge3A_604 = vector.broadcast %ge3A : i32 to vector<16xi32>
      %ge3A_605 = arith.cmpi sge, %get3A_600, %ge3A_604 : vector<16xi32>
      %lt3A = arith.constant 10 : i32
      %lt3A_606 = vector.broadcast %lt3A : i32 to vector<16xi32>
      %lt3A_607 = arith.cmpi slt, %get3A_600, %lt3A_606 : vector<16xi32>
      %and3A = arith.andi %ge3A_605, %lt3A_607 : vector<16xi1>
      %ge3A_608 = arith.constant 0 : i32
      %ge3A_609 = vector.broadcast %ge3A_608 : i32 to vector<16xi32>
      %ge3A_610 = arith.cmpi sge, %add3A_603, %ge3A_609 : vector<16xi32>
      %and3A_611 = arith.andi %and3A, %ge3A_610 : vector<16xi1>
      %lt3A_612 = arith.constant 488 : i32
      %lt3A_613 = vector.broadcast %lt3A_612 : i32 to vector<16xi32>
      %lt3A_614 = arith.cmpi slt, %add3A_603, %lt3A_613 : vector<16xi32>
      %and3A_615 = arith.andi %and3A_611, %lt3A_614 : vector<16xi1>
      %mul3A_616 = arith.constant 16 : i32
      %mul3A_617 = arith.muli %scan3A_595, %mul3A_616 : i32
      %add3A_618 = vector.broadcast %mul3A_617 : i32 to vector<16xi32>
      %add3A_619 = arith.addi %iota3A, %add3A_618 : vector<16xi32>
      tpu.vector_store_idx %arg5[%add3A_603, %add3A_619], %broadcast_in_dim3A_3 masked %and3A_615 : memref<488x128xf32, #tpu.memory_space<vmem>>[vector<16xi32>, vector<16xi32>], vector<16xf32>, vector<16xi1>
      %scan3A_620 = arith.constant 1 : i32
      %scan3A_621 = arith.addi %scan3A_595, %scan3A_620 : i32
      %mul3A_622 = arith.constant 16 : i32
      %mul3A_623 = arith.muli %scan3A_621, %mul3A_622 : i32
      %get3A_624 = arith.constant 4 : i32
      %get3A_625 = arith.index_cast %get3A_624 : i32 to index
      %get3A_626 = arith.index_cast %mul3A_623 : i32 to index
      %get3A_627 = tpu.vector_load %arg4[%get3A_625, %get3A_626] {strides = array<i32>} : memref<26x128xi32, #tpu.memory_space<vmem>>, vector<16xi32>,
      %add3A_628 = arith.constant 374 : i32
      %add3A_629 = vector.broadcast %add3A_628 : i32 to vector<16xi32>
      %add3A_630 = arith.addi %get3A_627, %add3A_629 : vector<16xi32>
      %ge3A_631 = arith.constant 0 : i32
      %ge3A_632 = vector.broadcast %ge3A_631 : i32 to vector<16xi32>
      %ge3A_633 = arith.cmpi sge, %get3A_627, %ge3A_632 : vector<16xi32>
      %lt3A_634 = arith.constant 10 : i32
      %lt3A_635 = vector.broadcast %lt3A_634 : i32 to vector<16xi32>
      %lt3A_636 = arith.cmpi slt, %get3A_627, %lt3A_635 : vector<16xi32>
      %and3A_637 = arith.andi %ge3A_633, %lt3A_636 : vector<16xi1>
      %ge3A_638 = arith.constant 0 : i32
      %ge3A_639 = vector.broadcast %ge3A_638 : i32 to vector<16xi32>
      %ge3A_640 = arith.cmpi sge, %add3A_630, %ge3A_639 : vector<16xi32>
      %and3A_641 = arith.andi %and3A_637, %ge3A_640 : vector<16xi1>
      %lt3A_642 = arith.constant 488 : i32
      %lt3A_643 = vector.broadcast %lt3A_642 : i32 to vector<16xi32>
      %lt3A_644 = arith.cmpi slt, %add3A_630, %lt3A_643 : vector<16xi32>
      %and3A_645 = arith.andi %and3A_641, %lt3A_644 : vector<16xi1>
      %mul3A_646 = arith.constant 16 : i32
      %mul3A_647 = arith.muli %scan3A_621, %mul3A_646 : i32
      %add3A_648 = vector.broadcast %mul3A_647 : i32 to vector<16xi32>
      %add3A_649 = arith.addi %iota3A, %add3A_648 : vector<16xi32>
      tpu.vector_store_idx %arg5[%add3A_630, %add3A_649], %broadcast_in_dim3A_3 masked %and3A_645 : memref<488x128xf32, #tpu.memory_space<vmem>>[vector<16xi32>, vector<16xi32>], vector<16xf32>, vector<16xi1>
    }
    %scan3A_200 = arith.constant 8 : i32
    %scan3A_201 = arith.constant 0 : i32
    %scan3A_202 = arith.constant 0 : i32
    %scan3A_203 = arith.constant 8 : i32
    %scan3A_204 = arith.addi %scan3A_202, %scan3A_203 : i32
    %scan3A_205 = arith.constant 2 : i32
    scf.for %scan3A_595 = %scan3A_202 to %scan3A_204 step %scan3A_205  : i32 {
      %mul3A_596 = arith.constant 16 : i32
      %mul3A_597 = arith.muli %scan3A_595, %mul3A_596 : i32
      %get3A = arith.constant 5 : i32
      %get3A_598 = arith.index_cast %get3A : i32 to index
      %get3A_599 = arith.index_cast %mul3A_597 : i32 to index
      %get3A_600 = tpu.vector_load %arg4[%get3A_598, %get3A_599] {strides = array<i32>} : memref<26x128xi32, #tpu.memory_space<vmem>>, vector<16xi32>,
      %add3A_601 = arith.constant 384 : i32
      %add3A_602 = vector.broadcast %add3A_601 : i32 to vector<16xi32>
      %add3A_603 = arith.addi %get3A_600, %add3A_602 : vector<16xi32>
      %ge3A = arith.constant 0 : i32
      %ge3A_604 = vector.broadcast %ge3A : i32 to vector<16xi32>
      %ge3A_605 = arith.cmpi sge, %get3A_600, %ge3A_604 : vector<16xi32>
      %lt3A = arith.constant 500 : i32
      %lt3A_606 = vector.broadcast %lt3A : i32 to vector<16xi32>
      %lt3A_607 = arith.cmpi slt, %get3A_600, %lt3A_606 : vector<16xi32>
      %and3A = arith.andi %ge3A_605, %lt3A_607 : vector<16xi1>
      %ge3A_608 = arith.constant 0 : i32
      %ge3A_609 = vector.broadcast %ge3A_608 : i32 to vector<16xi32>
      %ge3A_610 = arith.cmpi sge, %add3A_603, %ge3A_609 : vector<16xi32>
      %and3A_611 = arith.andi %and3A, %ge3A_610 : vector<16xi1>
      %lt3A_612 = arith.constant 488 : i32
      %lt3A_613 = vector.broadcast %lt3A_612 : i32 to vector<16xi32>
      %lt3A_614 = arith.cmpi slt, %add3A_603, %lt3A_613 : vector<16xi32>
      %and3A_615 = arith.andi %and3A_611, %lt3A_614 : vector<16xi1>
      %mul3A_616 = arith.constant 16 : i32
      %mul3A_617 = arith.muli %scan3A_595, %mul3A_616 : i32
      %add3A_618 = vector.broadcast %mul3A_617 : i32 to vector<16xi32>
      %add3A_619 = arith.addi %iota3A, %add3A_618 : vector<16xi32>
      tpu.vector_store_idx %arg5[%add3A_603, %add3A_619], %broadcast_in_dim3A_3 masked %and3A_615 : memref<488x128xf32, #tpu.memory_space<vmem>>[vector<16xi32>, vector<16xi32>], vector<16xf32>, vector<16xi1>
      %scan3A_620 = arith.constant 1 : i32
      %scan3A_621 = arith.addi %scan3A_595, %scan3A_620 : i32
      %mul3A_622 = arith.constant 16 : i32
      %mul3A_623 = arith.muli %scan3A_621, %mul3A_622 : i32
      %get3A_624 = arith.constant 5 : i32
      %get3A_625 = arith.index_cast %get3A_624 : i32 to index
      %get3A_626 = arith.index_cast %mul3A_623 : i32 to index
      %get3A_627 = tpu.vector_load %arg4[%get3A_625, %get3A_626] {strides = array<i32>} : memref<26x128xi32, #tpu.memory_space<vmem>>, vector<16xi32>,
      %add3A_628 = arith.constant 384 : i32
      %add3A_629 = vector.broadcast %add3A_628 : i32 to vector<16xi32>
      %add3A_630 = arith.addi %get3A_627, %add3A_629 : vector<16xi32>
      %ge3A_631 = arith.constant 0 : i32
      %ge3A_632 = vector.broadcast %ge3A_631 : i32 to vector<16xi32>
      %ge3A_633 = arith.cmpi sge, %get3A_627, %ge3A_632 : vector<16xi32>
      %lt3A_634 = arith.constant 500 : i32
      %lt3A_635 = vector.broadcast %lt3A_634 : i32 to vector<16xi32>
      %lt3A_636 = arith.cmpi slt, %get3A_627, %lt3A_635 : vector<16xi32>
      %and3A_637 = arith.andi %ge3A_633, %lt3A_636 : vector<16xi1>
      %ge3A_638 = arith.constant 0 : i32
      %ge3A_639 = vector.broadcast %ge3A_638 : i32 to vector<16xi32>
      %ge3A_640 = arith.cmpi sge, %add3A_630, %ge3A_639 : vector<16xi32>
      %and3A_641 = arith.andi %and3A_637, %ge3A_640 : vector<16xi1>
      %lt3A_642 = arith.constant 488 : i32
      %lt3A_643 = vector.broadcast %lt3A_642 : i32 to vector<16xi32>
      %lt3A_644 = arith.cmpi slt, %add3A_630, %lt3A_643 : vector<16xi32>
      %and3A_645 = arith.andi %and3A_641, %lt3A_644 : vector<16xi1>
      %mul3A_646 = arith.constant 16 : i32
      %mul3A_647 = arith.muli %scan3A_621, %mul3A_646 : i32
      %add3A_648 = vector.broadcast %mul3A_647 : i32 to vector<16xi32>
      %add3A_649 = arith.addi %iota3A, %add3A_648 : vector<16xi32>
      tpu.vector_store_idx %arg5[%add3A_630, %add3A_649], %broadcast_in_dim3A_3 masked %and3A_645 : memref<488x128xf32, #tpu.memory_space<vmem>>[vector<16xi32>, vector<16xi32>], vector<16xf32>, vector<16xi1>
    }
    %scan3A_206 = arith.constant 8 : i32
    %scan3A_207 = arith.constant 0 : i32
    %scan3A_208 = arith.constant 0 : i32
    %scan3A_209 = arith.constant 8 : i32
    %scan3A_210 = arith.addi %scan3A_208, %scan3A_209 : i32
    %scan3A_211 = arith.constant 2 : i32
    scf.for %scan3A_595 = %scan3A_208 to %scan3A_210 step %scan3A_211  : i32 {
      %mul3A_596 = arith.constant 16 : i32
      %mul3A_597 = arith.muli %scan3A_595, %mul3A_596 : i32
      %get3A = arith.constant 7 : i32
      %get3A_598 = arith.index_cast %get3A : i32 to index
      %get3A_599 = arith.index_cast %mul3A_597 : i32 to index
      %get3A_600 = tpu.vector_load %arg4[%get3A_598, %get3A_599] {strides = array<i32>} : memref<26x128xi32, #tpu.memory_space<vmem>>, vector<16xi32>,
      %add3A_601 = arith.constant -62 : i32
      %add3A_602 = vector.broadcast %add3A_601 : i32 to vector<16xi32>
      %add3A_603 = arith.addi %get3A_600, %add3A_602 : vector<16xi32>
      %ge3A = arith.constant 0 : i32
      %ge3A_604 = vector.broadcast %ge3A : i32 to vector<16xi32>
      %ge3A_605 = arith.cmpi sge, %get3A_600, %ge3A_604 : vector<16xi32>
      %lt3A = arith.constant 80 : i32
      %lt3A_606 = vector.broadcast %lt3A : i32 to vector<16xi32>
      %lt3A_607 = arith.cmpi slt, %get3A_600, %lt3A_606 : vector<16xi32>
      %and3A = arith.andi %ge3A_605, %lt3A_607 : vector<16xi1>
      %ge3A_608 = arith.constant 0 : i32
      %ge3A_609 = vector.broadcast %ge3A_608 : i32 to vector<16xi32>
      %ge3A_610 = arith.cmpi sge, %add3A_603, %ge3A_609 : vector<16xi32>
      %and3A_611 = arith.andi %and3A, %ge3A_610 : vector<16xi1>
      %lt3A_612 = arith.constant 488 : i32
      %lt3A_613 = vector.broadcast %lt3A_612 : i32 to vector<16xi32>
      %lt3A_614 = arith.cmpi slt, %add3A_603, %lt3A_613 : vector<16xi32>
      %and3A_615 = arith.andi %and3A_611, %lt3A_614 : vector<16xi1>
      %mul3A_616 = arith.constant 16 : i32
      %mul3A_617 = arith.muli %scan3A_595, %mul3A_616 : i32
      %add3A_618 = vector.broadcast %mul3A_617 : i32 to vector<16xi32>
      %add3A_619 = arith.addi %iota3A, %add3A_618 : vector<16xi32>
      tpu.vector_store_idx %arg5[%add3A_603, %add3A_619], %broadcast_in_dim3A_5 masked %and3A_615 : memref<488x128xf32, #tpu.memory_space<vmem>>[vector<16xi32>, vector<16xi32>], vector<16xf32>, vector<16xi1>
      %scan3A_620 = arith.constant 1 : i32
      %scan3A_621 = arith.addi %scan3A_595, %scan3A_620 : i32
      %mul3A_622 = arith.constant 16 : i32
      %mul3A_623 = arith.muli %scan3A_621, %mul3A_622 : i32
      %get3A_624 = arith.constant 7 : i32
      %get3A_625 = arith.index_cast %get3A_624 : i32 to index
      %get3A_626 = arith.index_cast %mul3A_623 : i32 to index
      %get3A_627 = tpu.vector_load %arg4[%get3A_625, %get3A_626] {strides = array<i32>} : memref<26x128xi32, #tpu.memory_space<vmem>>, vector<16xi32>,
      %add3A_628 = arith.constant -62 : i32
      %add3A_629 = vector.broadcast %add3A_628 : i32 to vector<16xi32>
      %add3A_630 = arith.addi %get3A_627, %add3A_629 : vector<16xi32>
      %ge3A_631 = arith.constant 0 : i32
      %ge3A_632 = vector.broadcast %ge3A_631 : i32 to vector<16xi32>
      %ge3A_633 = arith.cmpi sge, %get3A_627, %ge3A_632 : vector<16xi32>
      %lt3A_634 = arith.constant 80 : i32
      %lt3A_635 = vector.broadcast %lt3A_634 : i32 to vector<16xi32>
      %lt3A_636 = arith.cmpi slt, %get3A_627, %lt3A_635 : vector<16xi32>
      %and3A_637 = arith.andi %ge3A_633, %lt3A_636 : vector<16xi1>
      %ge3A_638 = arith.constant 0 : i32
      %ge3A_639 = vector.broadcast %ge3A_638 : i32 to vector<16xi32>
      %ge3A_640 = arith.cmpi sge, %add3A_630, %ge3A_639 : vector<16xi32>
      %and3A_641 = arith.andi %and3A_637, %ge3A_640 : vector<16xi1>
      %lt3A_642 = arith.constant 488 : i32
      %lt3A_643 = vector.broadcast %lt3A_642 : i32 to vector<16xi32>
      %lt3A_644 = arith.cmpi slt, %add3A_630, %lt3A_643 : vector<16xi32>
      %and3A_645 = arith.andi %and3A_641, %lt3A_644 : vector<16xi1>
      %mul3A_646 = arith.constant 16 : i32
      %mul3A_647 = arith.muli %scan3A_621, %mul3A_646 : i32
      %add3A_648 = vector.broadcast %mul3A_647 : i32 to vector<16xi32>
      %add3A_649 = arith.addi %iota3A, %add3A_648 : vector<16xi32>
      tpu.vector_store_idx %arg5[%add3A_630, %add3A_649], %broadcast_in_dim3A_5 masked %and3A_645 : memref<488x128xf32, #tpu.memory_space<vmem>>[vector<16xi32>, vector<16xi32>], vector<16xf32>, vector<16xi1>
    }
    %scan3A_212 = arith.constant 8 : i32
    %scan3A_213 = arith.constant 0 : i32
    %scan3A_214 = arith.constant 0 : i32
    %scan3A_215 = arith.constant 8 : i32
    %scan3A_216 = arith.addi %scan3A_214, %scan3A_215 : i32
    %scan3A_217 = arith.constant 2 : i32
    scf.for %scan3A_595 = %scan3A_214 to %scan3A_216 step %scan3A_217  : i32 {
      %mul3A_596 = arith.constant 16 : i32
      %mul3A_597 = arith.muli %scan3A_595, %mul3A_596 : i32
      %get3A = arith.constant 8 : i32
      %get3A_598 = arith.index_cast %get3A : i32 to index
      %get3A_599 = arith.index_cast %mul3A_597 : i32 to index
      %get3A_600 = tpu.vector_load %arg4[%get3A_598, %get3A_599] {strides = array<i32>} : memref<26x128xi32, #tpu.memory_space<vmem>>, vector<16xi32>,
      %add3A_601 = arith.constant 18 : i32
      %add3A_602 = vector.broadcast %add3A_601 : i32 to vector<16xi32>
      %add3A_603 = arith.addi %get3A_600, %add3A_602 : vector<16xi32>
      %ge3A = arith.constant 0 : i32
      %ge3A_604 = vector.broadcast %ge3A : i32 to vector<16xi32>
      %ge3A_605 = arith.cmpi sge, %get3A_600, %ge3A_604 : vector<16xi32>
      %lt3A = arith.constant 120 : i32
      %lt3A_606 = vector.broadcast %lt3A : i32 to vector<16xi32>
      %lt3A_607 = arith.cmpi slt, %get3A_600, %lt3A_606 : vector<16xi32>
      %and3A = arith.andi %ge3A_605, %lt3A_607 : vector<16xi1>
      %ge3A_608 = arith.constant 0 : i32
      %ge3A_609 = vector.broadcast %ge3A_608 : i32 to vector<16xi32>
      %ge3A_610 = arith.cmpi sge, %add3A_603, %ge3A_609 : vector<16xi32>
      %and3A_611 = arith.andi %and3A, %ge3A_610 : vector<16xi1>
      %lt3A_612 = arith.constant 488 : i32
      %lt3A_613 = vector.broadcast %lt3A_612 : i32 to vector<16xi32>
      %lt3A_614 = arith.cmpi slt, %add3A_603, %lt3A_613 : vector<16xi32>
      %and3A_615 = arith.andi %and3A_611, %lt3A_614 : vector<16xi1>
      %mul3A_616 = arith.constant 16 : i32
      %mul3A_617 = arith.muli %scan3A_595, %mul3A_616 : i32
      %add3A_618 = vector.broadcast %mul3A_617 : i32 to vector<16xi32>
      %add3A_619 = arith.addi %iota3A, %add3A_618 : vector<16xi32>
      tpu.vector_store_idx %arg5[%add3A_603, %add3A_619], %broadcast_in_dim3A_5 masked %and3A_615 : memref<488x128xf32, #tpu.memory_space<vmem>>[vector<16xi32>, vector<16xi32>], vector<16xf32>, vector<16xi1>
      %scan3A_620 = arith.constant 1 : i32
      %scan3A_621 = arith.addi %scan3A_595, %scan3A_620 : i32
      %mul3A_622 = arith.constant 16 : i32
      %mul3A_623 = arith.muli %scan3A_621, %mul3A_622 : i32
      %get3A_624 = arith.constant 8 : i32
      %get3A_625 = arith.index_cast %get3A_624 : i32 to index
      %get3A_626 = arith.index_cast %mul3A_623 : i32 to index
      %get3A_627 = tpu.vector_load %arg4[%get3A_625, %get3A_626] {strides = array<i32>} : memref<26x128xi32, #tpu.memory_space<vmem>>, vector<16xi32>,
      %add3A_628 = arith.constant 18 : i32
      %add3A_629 = vector.broadcast %add3A_628 : i32 to vector<16xi32>
      %add3A_630 = arith.addi %get3A_627, %add3A_629 : vector<16xi32>
      %ge3A_631 = arith.constant 0 : i32
      %ge3A_632 = vector.broadcast %ge3A_631 : i32 to vector<16xi32>
      %ge3A_633 = arith.cmpi sge, %get3A_627, %ge3A_632 : vector<16xi32>
      %lt3A_634 = arith.constant 120 : i32
      %lt3A_635 = vector.broadcast %lt3A_634 : i32 to vector<16xi32>
      %lt3A_636 = arith.cmpi slt, %get3A_627, %lt3A_635 : vector<16xi32>
      %and3A_637 = arith.andi %ge3A_633, %lt3A_636 : vector<16xi1>
      %ge3A_638 = arith.constant 0 : i32
      %ge3A_639 = vector.broadcast %ge3A_638 : i32 to vector<16xi32>
      %ge3A_640 = arith.cmpi sge, %add3A_630, %ge3A_639 : vector<16xi32>
      %and3A_641 = arith.andi %and3A_637, %ge3A_640 : vector<16xi1>
      %lt3A_642 = arith.constant 488 : i32
      %lt3A_643 = vector.broadcast %lt3A_642 : i32 to vector<16xi32>
      %lt3A_644 = arith.cmpi slt, %add3A_630, %lt3A_643 : vector<16xi32>
      %and3A_645 = arith.andi %and3A_641, %lt3A_644 : vector<16xi1>
      %mul3A_646 = arith.constant 16 : i32
      %mul3A_647 = arith.muli %scan3A_621, %mul3A_646 : i32
      %add3A_648 = vector.broadcast %mul3A_647 : i32 to vector<16xi32>
      %add3A_649 = arith.addi %iota3A, %add3A_648 : vector<16xi32>
      tpu.vector_store_idx %arg5[%add3A_630, %add3A_649], %broadcast_in_dim3A_5 masked %and3A_645 : memref<488x128xf32, #tpu.memory_space<vmem>>[vector<16xi32>, vector<16xi32>], vector<16xf32>, vector<16xi1>
    }
    %scan3A_218 = arith.constant 8 : i32
    %scan3A_219 = arith.constant 0 : i32
    %scan3A_220 = arith.constant 0 : i32
    %scan3A_221 = arith.constant 8 : i32
    %scan3A_222 = arith.addi %scan3A_220, %scan3A_221 : i32
    %scan3A_223 = arith.constant 2 : i32
    scf.for %scan3A_595 = %scan3A_220 to %scan3A_222 step %scan3A_223  : i32 {
      %mul3A_596 = arith.constant 16 : i32
      %mul3A_597 = arith.muli %scan3A_595, %mul3A_596 : i32
      %get3A = arith.constant 9 : i32
      %get3A_598 = arith.index_cast %get3A : i32 to index
      %get3A_599 = arith.index_cast %mul3A_597 : i32 to index
      %get3A_600 = tpu.vector_load %arg4[%get3A_598, %get3A_599] {strides = array<i32>} : memref<26x128xi32, #tpu.memory_space<vmem>>, vector<16xi32>,
      %add3A_601 = arith.constant 138 : i32
      %add3A_602 = vector.broadcast %add3A_601 : i32 to vector<16xi32>
      %add3A_603 = arith.addi %get3A_600, %add3A_602 : vector<16xi32>
      %ge3A = arith.constant 0 : i32
      %ge3A_604 = vector.broadcast %ge3A : i32 to vector<16xi32>
      %ge3A_605 = arith.cmpi sge, %get3A_600, %ge3A_604 : vector<16xi32>
      %lt3A = arith.constant 60 : i32
      %lt3A_606 = vector.broadcast %lt3A : i32 to vector<16xi32>
      %lt3A_607 = arith.cmpi slt, %get3A_600, %lt3A_606 : vector<16xi32>
      %and3A = arith.andi %ge3A_605, %lt3A_607 : vector<16xi1>
      %ge3A_608 = arith.constant 0 : i32
      %ge3A_609 = vector.broadcast %ge3A_608 : i32 to vector<16xi32>
      %ge3A_610 = arith.cmpi sge, %add3A_603, %ge3A_609 : vector<16xi32>
      %and3A_611 = arith.andi %and3A, %ge3A_610 : vector<16xi1>
      %lt3A_612 = arith.constant 488 : i32
      %lt3A_613 = vector.broadcast %lt3A_612 : i32 to vector<16xi32>
      %lt3A_614 = arith.cmpi slt, %add3A_603, %lt3A_613 : vector<16xi32>
      %and3A_615 = arith.andi %and3A_611, %lt3A_614 : vector<16xi1>
      %mul3A_616 = arith.constant 16 : i32
      %mul3A_617 = arith.muli %scan3A_595, %mul3A_616 : i32
      %add3A_618 = vector.broadcast %mul3A_617 : i32 to vector<16xi32>
      %add3A_619 = arith.addi %iota3A, %add3A_618 : vector<16xi32>
      tpu.vector_store_idx %arg5[%add3A_603, %add3A_619], %broadcast_in_dim3A_5 masked %and3A_615 : memref<488x128xf32, #tpu.memory_space<vmem>>[vector<16xi32>, vector<16xi32>], vector<16xf32>, vector<16xi1>
      %scan3A_620 = arith.constant 1 : i32
      %scan3A_621 = arith.addi %scan3A_595, %scan3A_620 : i32
      %mul3A_622 = arith.constant 16 : i32
      %mul3A_623 = arith.muli %scan3A_621, %mul3A_622 : i32
      %get3A_624 = arith.constant 9 : i32
      %get3A_625 = arith.index_cast %get3A_624 : i32 to index
      %get3A_626 = arith.index_cast %mul3A_623 : i32 to index
      %get3A_627 = tpu.vector_load %arg4[%get3A_625, %get3A_626] {strides = array<i32>} : memref<26x128xi32, #tpu.memory_space<vmem>>, vector<16xi32>,
      %add3A_628 = arith.constant 138 : i32
      %add3A_629 = vector.broadcast %add3A_628 : i32 to vector<16xi32>
      %add3A_630 = arith.addi %get3A_627, %add3A_629 : vector<16xi32>
      %ge3A_631 = arith.constant 0 : i32
      %ge3A_632 = vector.broadcast %ge3A_631 : i32 to vector<16xi32>
      %ge3A_633 = arith.cmpi sge, %get3A_627, %ge3A_632 : vector<16xi32>
      %lt3A_634 = arith.constant 60 : i32
      %lt3A_635 = vector.broadcast %lt3A_634 : i32 to vector<16xi32>
      %lt3A_636 = arith.cmpi slt, %get3A_627, %lt3A_635 : vector<16xi32>
      %and3A_637 = arith.andi %ge3A_633, %lt3A_636 : vector<16xi1>
      %ge3A_638 = arith.constant 0 : i32
      %ge3A_639 = vector.broadcast %ge3A_638 : i32 to vector<16xi32>
      %ge3A_640 = arith.cmpi sge, %add3A_630, %ge3A_639 : vector<16xi32>
      %and3A_641 = arith.andi %and3A_637, %ge3A_640 : vector<16xi1>
      %lt3A_642 = arith.constant 488 : i32
      %lt3A_643 = vector.broadcast %lt3A_642 : i32 to vector<16xi32>
      %lt3A_644 = arith.cmpi slt, %add3A_630, %lt3A_643 : vector<16xi32>
      %and3A_645 = arith.andi %and3A_641, %lt3A_644 : vector<16xi1>
      %mul3A_646 = arith.constant 16 : i32
      %mul3A_647 = arith.muli %scan3A_621, %mul3A_646 : i32
      %add3A_648 = vector.broadcast %mul3A_647 : i32 to vector<16xi32>
      %add3A_649 = arith.addi %iota3A, %add3A_648 : vector<16xi32>
      tpu.vector_store_idx %arg5[%add3A_630, %add3A_649], %broadcast_in_dim3A_5 masked %and3A_645 : memref<488x128xf32, #tpu.memory_space<vmem>>[vector<16xi32>, vector<16xi32>], vector<16xf32>, vector<16xi1>
    }
    %scan3A_224 = arith.constant 8 : i32
    %scan3A_225 = arith.constant 0 : i32
    %scan3A_226 = arith.constant 0 : i32
    %scan3A_227 = arith.constant 8 : i32
    %scan3A_228 = arith.addi %scan3A_226, %scan3A_227 : i32
    %scan3A_229 = arith.constant 2 : i32
    scf.for %scan3A_595 = %scan3A_226 to %scan3A_228 step %scan3A_229  : i32 {
      %mul3A_596 = arith.constant 16 : i32
      %mul3A_597 = arith.muli %scan3A_595, %mul3A_596 : i32
      %get3A = arith.constant 10 : i32
      %get3A_598 = arith.index_cast %get3A : i32 to index
      %get3A_599 = arith.index_cast %mul3A_597 : i32 to index
      %get3A_600 = tpu.vector_load %arg4[%get3A_598, %get3A_599] {strides = array<i32>} : memref<26x128xi32, #tpu.memory_space<vmem>>, vector<16xi32>,
      %add3A_601 = arith.constant 198 : i32
      %add3A_602 = vector.broadcast %add3A_601 : i32 to vector<16xi32>
      %add3A_603 = arith.addi %get3A_600, %add3A_602 : vector<16xi32>
      %ge3A = arith.constant 0 : i32
      %ge3A_604 = vector.broadcast %ge3A : i32 to vector<16xi32>
      %ge3A_605 = arith.cmpi sge, %get3A_600, %ge3A_604 : vector<16xi32>
      %lt3A = arith.constant 40 : i32
      %lt3A_606 = vector.broadcast %lt3A : i32 to vector<16xi32>
      %lt3A_607 = arith.cmpi slt, %get3A_600, %lt3A_606 : vector<16xi32>
      %and3A = arith.andi %ge3A_605, %lt3A_607 : vector<16xi1>
      %ge3A_608 = arith.constant 0 : i32
      %ge3A_609 = vector.broadcast %ge3A_608 : i32 to vector<16xi32>
      %ge3A_610 = arith.cmpi sge, %add3A_603, %ge3A_609 : vector<16xi32>
      %and3A_611 = arith.andi %and3A, %ge3A_610 : vector<16xi1>
      %lt3A_612 = arith.constant 488 : i32
      %lt3A_613 = vector.broadcast %lt3A_612 : i32 to vector<16xi32>
      %lt3A_614 = arith.cmpi slt, %add3A_603, %lt3A_613 : vector<16xi32>
      %and3A_615 = arith.andi %and3A_611, %lt3A_614 : vector<16xi1>
      %mul3A_616 = arith.constant 16 : i32
      %mul3A_617 = arith.muli %scan3A_595, %mul3A_616 : i32
      %add3A_618 = vector.broadcast %mul3A_617 : i32 to vector<16xi32>
      %add3A_619 = arith.addi %iota3A, %add3A_618 : vector<16xi32>
      tpu.vector_store_idx %arg5[%add3A_603, %add3A_619], %broadcast_in_dim3A_5 masked %and3A_615 : memref<488x128xf32, #tpu.memory_space<vmem>>[vector<16xi32>, vector<16xi32>], vector<16xf32>, vector<16xi1>
      %scan3A_620 = arith.constant 1 : i32
      %scan3A_621 = arith.addi %scan3A_595, %scan3A_620 : i32
      %mul3A_622 = arith.constant 16 : i32
      %mul3A_623 = arith.muli %scan3A_621, %mul3A_622 : i32
      %get3A_624 = arith.constant 10 : i32
      %get3A_625 = arith.index_cast %get3A_624 : i32 to index
      %get3A_626 = arith.index_cast %mul3A_623 : i32 to index
      %get3A_627 = tpu.vector_load %arg4[%get3A_625, %get3A_626] {strides = array<i32>} : memref<26x128xi32, #tpu.memory_space<vmem>>, vector<16xi32>,
      %add3A_628 = arith.constant 198 : i32
      %add3A_629 = vector.broadcast %add3A_628 : i32 to vector<16xi32>
      %add3A_630 = arith.addi %get3A_627, %add3A_629 : vector<16xi32>
      %ge3A_631 = arith.constant 0 : i32
      %ge3A_632 = vector.broadcast %ge3A_631 : i32 to vector<16xi32>
      %ge3A_633 = arith.cmpi sge, %get3A_627, %ge3A_632 : vector<16xi32>
      %lt3A_634 = arith.constant 40 : i32
      %lt3A_635 = vector.broadcast %lt3A_634 : i32 to vector<16xi32>
      %lt3A_636 = arith.cmpi slt, %get3A_627, %lt3A_635 : vector<16xi32>
      %and3A_637 = arith.andi %ge3A_633, %lt3A_636 : vector<16xi1>
      %ge3A_638 = arith.constant 0 : i32
      %ge3A_639 = vector.broadcast %ge3A_638 : i32 to vector<16xi32>
      %ge3A_640 = arith.cmpi sge, %add3A_630, %ge3A_639 : vector<16xi32>
      %and3A_641 = arith.andi %and3A_637, %ge3A_640 : vector<16xi1>
      %lt3A_642 = arith.constant 488 : i32
      %lt3A_643 = vector.broadcast %lt3A_642 : i32 to vector<16xi32>
      %lt3A_644 = arith.cmpi slt, %add3A_630, %lt3A_643 : vector<16xi32>
      %and3A_645 = arith.andi %and3A_641, %lt3A_644 : vector<16xi1>
      %mul3A_646 = arith.constant 16 : i32
      %mul3A_647 = arith.muli %scan3A_621, %mul3A_646 : i32
      %add3A_648 = vector.broadcast %mul3A_647 : i32 to vector<16xi32>
      %add3A_649 = arith.addi %iota3A, %add3A_648 : vector<16xi32>
      tpu.vector_store_idx %arg5[%add3A_630, %add3A_649], %broadcast_in_dim3A_5 masked %and3A_645 : memref<488x128xf32, #tpu.memory_space<vmem>>[vector<16xi32>, vector<16xi32>], vector<16xf32>, vector<16xi1>
    }
    %scan3A_230 = arith.constant 8 : i32
    %scan3A_231 = arith.constant 0 : i32
    %scan3A_232 = arith.constant 0 : i32
    %scan3A_233 = arith.constant 8 : i32
    %scan3A_234 = arith.addi %scan3A_232, %scan3A_233 : i32
    %scan3A_235 = arith.constant 2 : i32
    scf.for %scan3A_595 = %scan3A_232 to %scan3A_234 step %scan3A_235  : i32 {
      %mul3A_596 = arith.constant 16 : i32
      %mul3A_597 = arith.muli %scan3A_595, %mul3A_596 : i32
      %get3A = arith.constant 11 : i32
      %get3A_598 = arith.index_cast %get3A : i32 to index
      %get3A_599 = arith.index_cast %mul3A_597 : i32 to index
      %get3A_600 = tpu.vector_load %arg4[%get3A_598, %get3A_599] {strides = array<i32>} : memref<26x128xi32, #tpu.memory_space<vmem>>, vector<16xi32>,
      %add3A_601 = arith.constant 238 : i32
      %add3A_602 = vector.broadcast %add3A_601 : i32 to vector<16xi32>
      %add3A_603 = arith.addi %get3A_600, %add3A_602 : vector<16xi32>
      %ge3A = arith.constant 0 : i32
      %ge3A_604 = vector.broadcast %ge3A : i32 to vector<16xi32>
      %ge3A_605 = arith.cmpi sge, %get3A_600, %ge3A_604 : vector<16xi32>
      %lt3A = arith.constant 300 : i32
      %lt3A_606 = vector.broadcast %lt3A : i32 to vector<16xi32>
      %lt3A_607 = arith.cmpi slt, %get3A_600, %lt3A_606 : vector<16xi32>
      %and3A = arith.andi %ge3A_605, %lt3A_607 : vector<16xi1>
      %ge3A_608 = arith.constant 0 : i32
      %ge3A_609 = vector.broadcast %ge3A_608 : i32 to vector<16xi32>
      %ge3A_610 = arith.cmpi sge, %add3A_603, %ge3A_609 : vector<16xi32>
      %and3A_611 = arith.andi %and3A, %ge3A_610 : vector<16xi1>
      %lt3A_612 = arith.constant 488 : i32
      %lt3A_613 = vector.broadcast %lt3A_612 : i32 to vector<16xi32>
      %lt3A_614 = arith.cmpi slt, %add3A_603, %lt3A_613 : vector<16xi32>
      %and3A_615 = arith.andi %and3A_611, %lt3A_614 : vector<16xi1>
      %mul3A_616 = arith.constant 16 : i32
      %mul3A_617 = arith.muli %scan3A_595, %mul3A_616 : i32
      %add3A_618 = vector.broadcast %mul3A_617 : i32 to vector<16xi32>
      %add3A_619 = arith.addi %iota3A, %add3A_618 : vector<16xi32>
      tpu.vector_store_idx %arg5[%add3A_603, %add3A_619], %broadcast_in_dim3A_5 masked %and3A_615 : memref<488x128xf32, #tpu.memory_space<vmem>>[vector<16xi32>, vector<16xi32>], vector<16xf32>, vector<16xi1>
      %scan3A_620 = arith.constant 1 : i32
      %scan3A_621 = arith.addi %scan3A_595, %scan3A_620 : i32
      %mul3A_622 = arith.constant 16 : i32
      %mul3A_623 = arith.muli %scan3A_621, %mul3A_622 : i32
      %get3A_624 = arith.constant 11 : i32
      %get3A_625 = arith.index_cast %get3A_624 : i32 to index
      %get3A_626 = arith.index_cast %mul3A_623 : i32 to index
      %get3A_627 = tpu.vector_load %arg4[%get3A_625, %get3A_626] {strides = array<i32>} : memref<26x128xi32, #tpu.memory_space<vmem>>, vector<16xi32>,
      %add3A_628 = arith.constant 238 : i32
      %add3A_629 = vector.broadcast %add3A_628 : i32 to vector<16xi32>
      %add3A_630 = arith.addi %get3A_627, %add3A_629 : vector<16xi32>
      %ge3A_631 = arith.constant 0 : i32
      %ge3A_632 = vector.broadcast %ge3A_631 : i32 to vector<16xi32>
      %ge3A_633 = arith.cmpi sge, %get3A_627, %ge3A_632 : vector<16xi32>
      %lt3A_634 = arith.constant 300 : i32
      %lt3A_635 = vector.broadcast %lt3A_634 : i32 to vector<16xi32>
      %lt3A_636 = arith.cmpi slt, %get3A_627, %lt3A_635 : vector<16xi32>
      %and3A_637 = arith.andi %ge3A_633, %lt3A_636 : vector<16xi1>
      %ge3A_638 = arith.constant 0 : i32
      %ge3A_639 = vector.broadcast %ge3A_638 : i32 to vector<16xi32>
      %ge3A_640 = arith.cmpi sge, %add3A_630, %ge3A_639 : vector<16xi32>
      %and3A_641 = arith.andi %and3A_637, %ge3A_640 : vector<16xi1>
      %lt3A_642 = arith.constant 488 : i32
      %lt3A_643 = vector.broadcast %lt3A_642 : i32 to vector<16xi32>
      %lt3A_644 = arith.cmpi slt, %add3A_630, %lt3A_643 : vector<16xi32>
      %and3A_645 = arith.andi %and3A_641, %lt3A_644 : vector<16xi1>
      %mul3A_646 = arith.constant 16 : i32
      %mul3A_647 = arith.muli %scan3A_621, %mul3A_646 : i32
      %add3A_648 = vector.broadcast %mul3A_647 : i32 to vector<16xi32>
      %add3A_649 = arith.addi %iota3A, %add3A_648 : vector<16xi32>
      tpu.vector_store_idx %arg5[%add3A_630, %add3A_649], %broadcast_in_dim3A_5 masked %and3A_645 : memref<488x128xf32, #tpu.memory_space<vmem>>[vector<16xi32>, vector<16xi32>], vector<16xf32>, vector<16xi1>
    }
    %scan3A_236 = arith.constant 8 : i32
    %dma_start3A_237 = arith.constant 0 : i32
    %dma_start3A_238 = arith.constant 0 : i32
    %dma_start3A_239 = tpu.memref_slice %arg5[%dma_start3A_237, %dma_start3A_238] : memref<488x128xf32, #tpu.memory_space<vmem>> -> memref<488x128xf32, #tpu.memory_space<vmem>>
    %dma_start3A_240 = arith.constant 1952 : i32
    %dma_start3A_241 = tpu.memref_slice %arg3[%dma_start3A_240, %mul3A_2] : memref<3950x4096xf32, #tpu.memory_space<hbm>> -> memref<488x128xf32, #tpu.memory_space<hbm>>
    %dma_start3A_242 = arith.constant 1952 : i32
    %dma_start3A_243 = tpu.memref_slice %arg3[%dma_start3A_242, %mul3A_2] : memref<3950x4096xf32, #tpu.memory_space<hbm>> -> memref<488x128xf32, #tpu.memory_space<hbm>>
    %dma_start3A_244 = arith.constant 0 : i32
    %dma_start3A_245 = arith.constant 0 : i32
    %dma_start3A_246 = tpu.memref_slice %arg5[%dma_start3A_244, %dma_start3A_245] : memref<488x128xf32, #tpu.memory_space<vmem>> -> memref<488x128xf32, #tpu.memory_space<vmem>>
    tpu.enqueue_dma source(%dma_start3A_246 : memref<488x128xf32, #tpu.memory_space<vmem>>) target(%dma_start3A_243 : memref<488x128xf32, #tpu.memory_space<hbm>>) target_semaphore(%arg7 : memref<!tpu.dma_semaphore, #tpu.memory_space<semaphore_mem>>)
    %dma_wait3A_247 = arith.constant 0 : i32
    %dma_wait3A_248 = arith.constant 0 : i32
    %dma_wait3A_249 = tpu.memref_slice %arg6[%dma_wait3A_247, %dma_wait3A_248] : memref<488x128xf32, #tpu.memory_space<vmem>> -> memref<488x128xf32, #tpu.memory_space<vmem>>
    %dma_wait3A_250 = arith.constant 1464 : i32
    %dma_wait3A_251 = tpu.memref_slice %arg3[%dma_wait3A_250, %mul3A_2] : memref<3950x4096xf32, #tpu.memory_space<hbm>> -> memref<488x128xf32, #tpu.memory_space<hbm>>
    %dma_wait3A_252 = arith.constant 1464 : i32
    %dma_wait3A_253 = tpu.memref_slice %arg3[%dma_wait3A_252, %mul3A_2] : memref<3950x4096xf32, #tpu.memory_space<hbm>> -> memref<488x128xf32, #tpu.memory_space<hbm>>
    %dma_wait3A_254 = arith.constant 0 : i32
    %dma_wait3A_255 = arith.constant 0 : i32
    %dma_wait3A_256 = tpu.memref_slice %arg6[%dma_wait3A_254, %dma_wait3A_255] : memref<488x128xf32, #tpu.memory_space<vmem>> -> memref<488x128xf32, #tpu.memory_space<vmem>>
    tpu.wait_dma2 semaphore(%arg8 : memref<!tpu.dma_semaphore, #tpu.memory_space<semaphore_mem>>) src(%dma_wait3A_256 : memref<488x128xf32, #tpu.memory_space<vmem>>) dst(%dma_wait3A_253 : memref<488x128xf32, #tpu.memory_space<hbm>>)
    %scan3A_257 = arith.constant 0 : i32
    %scan3A_258 = arith.constant 0 : i32
    %scan3A_259 = arith.constant 8 : i32
    %scan3A_260 = arith.addi %scan3A_258, %scan3A_259 : i32
    %scan3A_261 = arith.constant 2 : i32
    scf.for %scan3A_595 = %scan3A_258 to %scan3A_260 step %scan3A_261  : i32 {
      %mul3A_596 = arith.constant 16 : i32
      %mul3A_597 = arith.muli %scan3A_595, %mul3A_596 : i32
      %get3A = arith.constant 5 : i32
      %get3A_598 = arith.index_cast %get3A : i32 to index
      %get3A_599 = arith.index_cast %mul3A_597 : i32 to index
      %get3A_600 = tpu.vector_load %arg4[%get3A_598, %get3A_599] {strides = array<i32>} : memref<26x128xi32, #tpu.memory_space<vmem>>, vector<16xi32>,
      %add3A_601 = arith.constant -104 : i32
      %add3A_602 = vector.broadcast %add3A_601 : i32 to vector<16xi32>
      %add3A_603 = arith.addi %get3A_600, %add3A_602 : vector<16xi32>
      %ge3A = arith.constant 0 : i32
      %ge3A_604 = vector.broadcast %ge3A : i32 to vector<16xi32>
      %ge3A_605 = arith.cmpi sge, %get3A_600, %ge3A_604 : vector<16xi32>
      %lt3A = arith.constant 500 : i32
      %lt3A_606 = vector.broadcast %lt3A : i32 to vector<16xi32>
      %lt3A_607 = arith.cmpi slt, %get3A_600, %lt3A_606 : vector<16xi32>
      %and3A = arith.andi %ge3A_605, %lt3A_607 : vector<16xi1>
      %ge3A_608 = arith.constant 0 : i32
      %ge3A_609 = vector.broadcast %ge3A_608 : i32 to vector<16xi32>
      %ge3A_610 = arith.cmpi sge, %add3A_603, %ge3A_609 : vector<16xi32>
      %and3A_611 = arith.andi %and3A, %ge3A_610 : vector<16xi1>
      %lt3A_612 = arith.constant 488 : i32
      %lt3A_613 = vector.broadcast %lt3A_612 : i32 to vector<16xi32>
      %lt3A_614 = arith.cmpi slt, %add3A_603, %lt3A_613 : vector<16xi32>
      %and3A_615 = arith.andi %and3A_611, %lt3A_614 : vector<16xi1>
      %mul3A_616 = arith.constant 16 : i32
      %mul3A_617 = arith.muli %scan3A_595, %mul3A_616 : i32
      %add3A_618 = vector.broadcast %mul3A_617 : i32 to vector<16xi32>
      %add3A_619 = arith.addi %iota3A, %add3A_618 : vector<16xi32>
      tpu.vector_store_idx %arg6[%add3A_603, %add3A_619], %broadcast_in_dim3A_3 masked %and3A_615 : memref<488x128xf32, #tpu.memory_space<vmem>>[vector<16xi32>, vector<16xi32>], vector<16xf32>, vector<16xi1>
      %scan3A_620 = arith.constant 1 : i32
      %scan3A_621 = arith.addi %scan3A_595, %scan3A_620 : i32
      %mul3A_622 = arith.constant 16 : i32
      %mul3A_623 = arith.muli %scan3A_621, %mul3A_622 : i32
      %get3A_624 = arith.constant 5 : i32
      %get3A_625 = arith.index_cast %get3A_624 : i32 to index
      %get3A_626 = arith.index_cast %mul3A_623 : i32 to index
      %get3A_627 = tpu.vector_load %arg4[%get3A_625, %get3A_626] {strides = array<i32>} : memref<26x128xi32, #tpu.memory_space<vmem>>, vector<16xi32>,
      %add3A_628 = arith.constant -104 : i32
      %add3A_629 = vector.broadcast %add3A_628 : i32 to vector<16xi32>
      %add3A_630 = arith.addi %get3A_627, %add3A_629 : vector<16xi32>
      %ge3A_631 = arith.constant 0 : i32
      %ge3A_632 = vector.broadcast %ge3A_631 : i32 to vector<16xi32>
      %ge3A_633 = arith.cmpi sge, %get3A_627, %ge3A_632 : vector<16xi32>
      %lt3A_634 = arith.constant 500 : i32
      %lt3A_635 = vector.broadcast %lt3A_634 : i32 to vector<16xi32>
      %lt3A_636 = arith.cmpi slt, %get3A_627, %lt3A_635 : vector<16xi32>
      %and3A_637 = arith.andi %ge3A_633, %lt3A_636 : vector<16xi1>
      %ge3A_638 = arith.constant 0 : i32
      %ge3A_639 = vector.broadcast %ge3A_638 : i32 to vector<16xi32>
      %ge3A_640 = arith.cmpi sge, %add3A_630, %ge3A_639 : vector<16xi32>
      %and3A_641 = arith.andi %and3A_637, %ge3A_640 : vector<16xi1>
      %lt3A_642 = arith.constant 488 : i32
      %lt3A_643 = vector.broadcast %lt3A_642 : i32 to vector<16xi32>
      %lt3A_644 = arith.cmpi slt, %add3A_630, %lt3A_643 : vector<16xi32>
      %and3A_645 = arith.andi %and3A_641, %lt3A_644 : vector<16xi1>
      %mul3A_646 = arith.constant 16 : i32
      %mul3A_647 = arith.muli %scan3A_621, %mul3A_646 : i32
      %add3A_648 = vector.broadcast %mul3A_647 : i32 to vector<16xi32>
      %add3A_649 = arith.addi %iota3A, %add3A_648 : vector<16xi32>
      tpu.vector_store_idx %arg6[%add3A_630, %add3A_649], %broadcast_in_dim3A_3 masked %and3A_645 : memref<488x128xf32, #tpu.memory_space<vmem>>[vector<16xi32>, vector<16xi32>], vector<16xf32>, vector<16xi1>
    }
    %scan3A_262 = arith.constant 8 : i32
    %scan3A_263 = arith.constant 0 : i32
    %scan3A_264 = arith.constant 0 : i32
    %scan3A_265 = arith.constant 8 : i32
    %scan3A_266 = arith.addi %scan3A_264, %scan3A_265 : i32
    %scan3A_267 = arith.constant 2 : i32
    scf.for %scan3A_595 = %scan3A_264 to %scan3A_266 step %scan3A_267  : i32 {
      %mul3A_596 = arith.constant 16 : i32
      %mul3A_597 = arith.muli %scan3A_595, %mul3A_596 : i32
      %get3A = arith.constant 6 : i32
      %get3A_598 = arith.index_cast %get3A : i32 to index
      %get3A_599 = arith.index_cast %mul3A_597 : i32 to index
      %get3A_600 = tpu.vector_load %arg4[%get3A_598, %get3A_599] {strides = array<i32>} : memref<26x128xi32, #tpu.memory_space<vmem>>, vector<16xi32>,
      %add3A_601 = arith.constant 396 : i32
      %add3A_602 = vector.broadcast %add3A_601 : i32 to vector<16xi32>
      %add3A_603 = arith.addi %get3A_600, %add3A_602 : vector<16xi32>
      %ge3A = arith.constant 0 : i32
      %ge3A_604 = vector.broadcast %ge3A : i32 to vector<16xi32>
      %ge3A_605 = arith.cmpi sge, %get3A_600, %ge3A_604 : vector<16xi32>
      %lt3A = arith.constant 30 : i32
      %lt3A_606 = vector.broadcast %lt3A : i32 to vector<16xi32>
      %lt3A_607 = arith.cmpi slt, %get3A_600, %lt3A_606 : vector<16xi32>
      %and3A = arith.andi %ge3A_605, %lt3A_607 : vector<16xi1>
      %ge3A_608 = arith.constant 0 : i32
      %ge3A_609 = vector.broadcast %ge3A_608 : i32 to vector<16xi32>
      %ge3A_610 = arith.cmpi sge, %add3A_603, %ge3A_609 : vector<16xi32>
      %and3A_611 = arith.andi %and3A, %ge3A_610 : vector<16xi1>
      %lt3A_612 = arith.constant 488 : i32
      %lt3A_613 = vector.broadcast %lt3A_612 : i32 to vector<16xi32>
      %lt3A_614 = arith.cmpi slt, %add3A_603, %lt3A_613 : vector<16xi32>
      %and3A_615 = arith.andi %and3A_611, %lt3A_614 : vector<16xi1>
      %mul3A_616 = arith.constant 16 : i32
      %mul3A_617 = arith.muli %scan3A_595, %mul3A_616 : i32
      %add3A_618 = vector.broadcast %mul3A_617 : i32 to vector<16xi32>
      %add3A_619 = arith.addi %iota3A, %add3A_618 : vector<16xi32>
      tpu.vector_store_idx %arg6[%add3A_603, %add3A_619], %broadcast_in_dim3A_3 masked %and3A_615 : memref<488x128xf32, #tpu.memory_space<vmem>>[vector<16xi32>, vector<16xi32>], vector<16xf32>, vector<16xi1>
      %scan3A_620 = arith.constant 1 : i32
      %scan3A_621 = arith.addi %scan3A_595, %scan3A_620 : i32
      %mul3A_622 = arith.constant 16 : i32
      %mul3A_623 = arith.muli %scan3A_621, %mul3A_622 : i32
      %get3A_624 = arith.constant 6 : i32
      %get3A_625 = arith.index_cast %get3A_624 : i32 to index
      %get3A_626 = arith.index_cast %mul3A_623 : i32 to index
      %get3A_627 = tpu.vector_load %arg4[%get3A_625, %get3A_626] {strides = array<i32>} : memref<26x128xi32, #tpu.memory_space<vmem>>, vector<16xi32>,
      %add3A_628 = arith.constant 396 : i32
      %add3A_629 = vector.broadcast %add3A_628 : i32 to vector<16xi32>
      %add3A_630 = arith.addi %get3A_627, %add3A_629 : vector<16xi32>
      %ge3A_631 = arith.constant 0 : i32
      %ge3A_632 = vector.broadcast %ge3A_631 : i32 to vector<16xi32>
      %ge3A_633 = arith.cmpi sge, %get3A_627, %ge3A_632 : vector<16xi32>
      %lt3A_634 = arith.constant 30 : i32
      %lt3A_635 = vector.broadcast %lt3A_634 : i32 to vector<16xi32>
      %lt3A_636 = arith.cmpi slt, %get3A_627, %lt3A_635 : vector<16xi32>
      %and3A_637 = arith.andi %ge3A_633, %lt3A_636 : vector<16xi1>
      %ge3A_638 = arith.constant 0 : i32
      %ge3A_639 = vector.broadcast %ge3A_638 : i32 to vector<16xi32>
      %ge3A_640 = arith.cmpi sge, %add3A_630, %ge3A_639 : vector<16xi32>
      %and3A_641 = arith.andi %and3A_637, %ge3A_640 : vector<16xi1>
      %lt3A_642 = arith.constant 488 : i32
      %lt3A_643 = vector.broadcast %lt3A_642 : i32 to vector<16xi32>
      %lt3A_644 = arith.cmpi slt, %add3A_630, %lt3A_643 : vector<16xi32>
      %and3A_645 = arith.andi %and3A_641, %lt3A_644 : vector<16xi1>
      %mul3A_646 = arith.constant 16 : i32
      %mul3A_647 = arith.muli %scan3A_621, %mul3A_646 : i32
      %add3A_648 = vector.broadcast %mul3A_647 : i32 to vector<16xi32>
      %add3A_649 = arith.addi %iota3A, %add3A_648 : vector<16xi32>
      tpu.vector_store_idx %arg6[%add3A_630, %add3A_649], %broadcast_in_dim3A_3 masked %and3A_645 : memref<488x128xf32, #tpu.memory_space<vmem>>[vector<16xi32>, vector<16xi32>], vector<16xf32>, vector<16xi1>
    }
    %scan3A_268 = arith.constant 8 : i32
    %scan3A_269 = arith.constant 0 : i32
    %scan3A_270 = arith.constant 0 : i32
    %scan3A_271 = arith.constant 8 : i32
    %scan3A_272 = arith.addi %scan3A_270, %scan3A_271 : i32
    %scan3A_273 = arith.constant 2 : i32
    scf.for %scan3A_595 = %scan3A_270 to %scan3A_272 step %scan3A_273  : i32 {
      %mul3A_596 = arith.constant 16 : i32
      %mul3A_597 = arith.muli %scan3A_595, %mul3A_596 : i32
      %get3A = arith.constant 7 : i32
      %get3A_598 = arith.index_cast %get3A : i32 to index
      %get3A_599 = arith.index_cast %mul3A_597 : i32 to index
      %get3A_600 = tpu.vector_load %arg4[%get3A_598, %get3A_599] {strides = array<i32>} : memref<26x128xi32, #tpu.memory_space<vmem>>, vector<16xi32>,
      %add3A_601 = arith.constant 426 : i32
      %add3A_602 = vector.broadcast %add3A_601 : i32 to vector<16xi32>
      %add3A_603 = arith.addi %get3A_600, %add3A_602 : vector<16xi32>
      %ge3A = arith.constant 0 : i32
      %ge3A_604 = vector.broadcast %ge3A : i32 to vector<16xi32>
      %ge3A_605 = arith.cmpi sge, %get3A_600, %ge3A_604 : vector<16xi32>
      %lt3A = arith.constant 80 : i32
      %lt3A_606 = vector.broadcast %lt3A : i32 to vector<16xi32>
      %lt3A_607 = arith.cmpi slt, %get3A_600, %lt3A_606 : vector<16xi32>
      %and3A = arith.andi %ge3A_605, %lt3A_607 : vector<16xi1>
      %ge3A_608 = arith.constant 0 : i32
      %ge3A_609 = vector.broadcast %ge3A_608 : i32 to vector<16xi32>
      %ge3A_610 = arith.cmpi sge, %add3A_603, %ge3A_609 : vector<16xi32>
      %and3A_611 = arith.andi %and3A, %ge3A_610 : vector<16xi1>
      %lt3A_612 = arith.constant 488 : i32
      %lt3A_613 = vector.broadcast %lt3A_612 : i32 to vector<16xi32>
      %lt3A_614 = arith.cmpi slt, %add3A_603, %lt3A_613 : vector<16xi32>
      %and3A_615 = arith.andi %and3A_611, %lt3A_614 : vector<16xi1>
      %mul3A_616 = arith.constant 16 : i32
      %mul3A_617 = arith.muli %scan3A_595, %mul3A_616 : i32
      %add3A_618 = vector.broadcast %mul3A_617 : i32 to vector<16xi32>
      %add3A_619 = arith.addi %iota3A, %add3A_618 : vector<16xi32>
      tpu.vector_store_idx %arg6[%add3A_603, %add3A_619], %broadcast_in_dim3A_3 masked %and3A_615 : memref<488x128xf32, #tpu.memory_space<vmem>>[vector<16xi32>, vector<16xi32>], vector<16xf32>, vector<16xi1>
      %scan3A_620 = arith.constant 1 : i32
      %scan3A_621 = arith.addi %scan3A_595, %scan3A_620 : i32
      %mul3A_622 = arith.constant 16 : i32
      %mul3A_623 = arith.muli %scan3A_621, %mul3A_622 : i32
      %get3A_624 = arith.constant 7 : i32
      %get3A_625 = arith.index_cast %get3A_624 : i32 to index
      %get3A_626 = arith.index_cast %mul3A_623 : i32 to index
      %get3A_627 = tpu.vector_load %arg4[%get3A_625, %get3A_626] {strides = array<i32>} : memref<26x128xi32, #tpu.memory_space<vmem>>, vector<16xi32>,
      %add3A_628 = arith.constant 426 : i32
      %add3A_629 = vector.broadcast %add3A_628 : i32 to vector<16xi32>
      %add3A_630 = arith.addi %get3A_627, %add3A_629 : vector<16xi32>
      %ge3A_631 = arith.constant 0 : i32
      %ge3A_632 = vector.broadcast %ge3A_631 : i32 to vector<16xi32>
      %ge3A_633 = arith.cmpi sge, %get3A_627, %ge3A_632 : vector<16xi32>
      %lt3A_634 = arith.constant 80 : i32
      %lt3A_635 = vector.broadcast %lt3A_634 : i32 to vector<16xi32>
      %lt3A_636 = arith.cmpi slt, %get3A_627, %lt3A_635 : vector<16xi32>
      %and3A_637 = arith.andi %ge3A_633, %lt3A_636 : vector<16xi1>
      %ge3A_638 = arith.constant 0 : i32
      %ge3A_639 = vector.broadcast %ge3A_638 : i32 to vector<16xi32>
      %ge3A_640 = arith.cmpi sge, %add3A_630, %ge3A_639 : vector<16xi32>
      %and3A_641 = arith.andi %and3A_637, %ge3A_640 : vector<16xi1>
      %lt3A_642 = arith.constant 488 : i32
      %lt3A_643 = vector.broadcast %lt3A_642 : i32 to vector<16xi32>
      %lt3A_644 = arith.cmpi slt, %add3A_630, %lt3A_643 : vector<16xi32>
      %and3A_645 = arith.andi %and3A_641, %lt3A_644 : vector<16xi1>
      %mul3A_646 = arith.constant 16 : i32
      %mul3A_647 = arith.muli %scan3A_621, %mul3A_646 : i32
      %add3A_648 = vector.broadcast %mul3A_647 : i32 to vector<16xi32>
      %add3A_649 = arith.addi %iota3A, %add3A_648 : vector<16xi32>
      tpu.vector_store_idx %arg6[%add3A_630, %add3A_649], %broadcast_in_dim3A_3 masked %and3A_645 : memref<488x128xf32, #tpu.memory_space<vmem>>[vector<16xi32>, vector<16xi32>], vector<16xf32>, vector<16xi1>
    }
    %scan3A_274 = arith.constant 8 : i32
    %scan3A_275 = arith.constant 0 : i32
    %scan3A_276 = arith.constant 0 : i32
    %scan3A_277 = arith.constant 8 : i32
    %scan3A_278 = arith.addi %scan3A_276, %scan3A_277 : i32
    %scan3A_279 = arith.constant 2 : i32
    scf.for %scan3A_595 = %scan3A_276 to %scan3A_278 step %scan3A_279  : i32 {
      %mul3A_596 = arith.constant 16 : i32
      %mul3A_597 = arith.muli %scan3A_595, %mul3A_596 : i32
      %get3A = arith.constant 11 : i32
      %get3A_598 = arith.index_cast %get3A : i32 to index
      %get3A_599 = arith.index_cast %mul3A_597 : i32 to index
      %get3A_600 = tpu.vector_load %arg4[%get3A_598, %get3A_599] {strides = array<i32>} : memref<26x128xi32, #tpu.memory_space<vmem>>, vector<16xi32>,
      %add3A_601 = arith.constant -250 : i32
      %add3A_602 = vector.broadcast %add3A_601 : i32 to vector<16xi32>
      %add3A_603 = arith.addi %get3A_600, %add3A_602 : vector<16xi32>
      %ge3A = arith.constant 0 : i32
      %ge3A_604 = vector.broadcast %ge3A : i32 to vector<16xi32>
      %ge3A_605 = arith.cmpi sge, %get3A_600, %ge3A_604 : vector<16xi32>
      %lt3A = arith.constant 300 : i32
      %lt3A_606 = vector.broadcast %lt3A : i32 to vector<16xi32>
      %lt3A_607 = arith.cmpi slt, %get3A_600, %lt3A_606 : vector<16xi32>
      %and3A = arith.andi %ge3A_605, %lt3A_607 : vector<16xi1>
      %ge3A_608 = arith.constant 0 : i32
      %ge3A_609 = vector.broadcast %ge3A_608 : i32 to vector<16xi32>
      %ge3A_610 = arith.cmpi sge, %add3A_603, %ge3A_609 : vector<16xi32>
      %and3A_611 = arith.andi %and3A, %ge3A_610 : vector<16xi1>
      %lt3A_612 = arith.constant 488 : i32
      %lt3A_613 = vector.broadcast %lt3A_612 : i32 to vector<16xi32>
      %lt3A_614 = arith.cmpi slt, %add3A_603, %lt3A_613 : vector<16xi32>
      %and3A_615 = arith.andi %and3A_611, %lt3A_614 : vector<16xi1>
      %mul3A_616 = arith.constant 16 : i32
      %mul3A_617 = arith.muli %scan3A_595, %mul3A_616 : i32
      %add3A_618 = vector.broadcast %mul3A_617 : i32 to vector<16xi32>
      %add3A_619 = arith.addi %iota3A, %add3A_618 : vector<16xi32>
      tpu.vector_store_idx %arg6[%add3A_603, %add3A_619], %broadcast_in_dim3A_5 masked %and3A_615 : memref<488x128xf32, #tpu.memory_space<vmem>>[vector<16xi32>, vector<16xi32>], vector<16xf32>, vector<16xi1>
      %scan3A_620 = arith.constant 1 : i32
      %scan3A_621 = arith.addi %scan3A_595, %scan3A_620 : i32
      %mul3A_622 = arith.constant 16 : i32
      %mul3A_623 = arith.muli %scan3A_621, %mul3A_622 : i32
      %get3A_624 = arith.constant 11 : i32
      %get3A_625 = arith.index_cast %get3A_624 : i32 to index
      %get3A_626 = arith.index_cast %mul3A_623 : i32 to index
      %get3A_627 = tpu.vector_load %arg4[%get3A_625, %get3A_626] {strides = array<i32>} : memref<26x128xi32, #tpu.memory_space<vmem>>, vector<16xi32>,
      %add3A_628 = arith.constant -250 : i32
      %add3A_629 = vector.broadcast %add3A_628 : i32 to vector<16xi32>
      %add3A_630 = arith.addi %get3A_627, %add3A_629 : vector<16xi32>
      %ge3A_631 = arith.constant 0 : i32
      %ge3A_632 = vector.broadcast %ge3A_631 : i32 to vector<16xi32>
      %ge3A_633 = arith.cmpi sge, %get3A_627, %ge3A_632 : vector<16xi32>
      %lt3A_634 = arith.constant 300 : i32
      %lt3A_635 = vector.broadcast %lt3A_634 : i32 to vector<16xi32>
      %lt3A_636 = arith.cmpi slt, %get3A_627, %lt3A_635 : vector<16xi32>
      %and3A_637 = arith.andi %ge3A_633, %lt3A_636 : vector<16xi1>
      %ge3A_638 = arith.constant 0 : i32
      %ge3A_639 = vector.broadcast %ge3A_638 : i32 to vector<16xi32>
      %ge3A_640 = arith.cmpi sge, %add3A_630, %ge3A_639 : vector<16xi32>
      %and3A_641 = arith.andi %and3A_637, %ge3A_640 : vector<16xi1>
      %lt3A_642 = arith.constant 488 : i32
      %lt3A_643 = vector.broadcast %lt3A_642 : i32 to vector<16xi32>
      %lt3A_644 = arith.cmpi slt, %add3A_630, %lt3A_643 : vector<16xi32>
      %and3A_645 = arith.andi %and3A_641, %lt3A_644 : vector<16xi1>
      %mul3A_646 = arith.constant 16 : i32
      %mul3A_647 = arith.muli %scan3A_621, %mul3A_646 : i32
      %add3A_648 = vector.broadcast %mul3A_647 : i32 to vector<16xi32>
      %add3A_649 = arith.addi %iota3A, %add3A_648 : vector<16xi32>
      tpu.vector_store_idx %arg6[%add3A_630, %add3A_649], %broadcast_in_dim3A_5 masked %and3A_645 : memref<488x128xf32, #tpu.memory_space<vmem>>[vector<16xi32>, vector<16xi32>], vector<16xf32>, vector<16xi1>
    }
    %scan3A_280 = arith.constant 8 : i32
    %scan3A_281 = arith.constant 0 : i32
    %scan3A_282 = arith.constant 0 : i32
    %scan3A_283 = arith.constant 8 : i32
    %scan3A_284 = arith.addi %scan3A_282, %scan3A_283 : i32
    %scan3A_285 = arith.constant 2 : i32
    scf.for %scan3A_595 = %scan3A_282 to %scan3A_284 step %scan3A_285  : i32 {
      %mul3A_596 = arith.constant 16 : i32
      %mul3A_597 = arith.muli %scan3A_595, %mul3A_596 : i32
      %get3A = arith.constant 12 : i32
      %get3A_598 = arith.index_cast %get3A : i32 to index
      %get3A_599 = arith.index_cast %mul3A_597 : i32 to index
      %get3A_600 = tpu.vector_load %arg4[%get3A_598, %get3A_599] {strides = array<i32>} : memref<26x128xi32, #tpu.memory_space<vmem>>, vector<16xi32>,
      %add3A_601 = arith.constant 50 : i32
      %add3A_602 = vector.broadcast %add3A_601 : i32 to vector<16xi32>
      %add3A_603 = arith.addi %get3A_600, %add3A_602 : vector<16xi32>
      %ge3A = arith.constant 0 : i32
      %ge3A_604 = vector.broadcast %ge3A : i32 to vector<16xi32>
      %ge3A_605 = arith.cmpi sge, %get3A_600, %ge3A_604 : vector<16xi32>
      %lt3A = arith.constant 25 : i32
      %lt3A_606 = vector.broadcast %lt3A : i32 to vector<16xi32>
      %lt3A_607 = arith.cmpi slt, %get3A_600, %lt3A_606 : vector<16xi32>
      %and3A = arith.andi %ge3A_605, %lt3A_607 : vector<16xi1>
      %ge3A_608 = arith.constant 0 : i32
      %ge3A_609 = vector.broadcast %ge3A_608 : i32 to vector<16xi32>
      %ge3A_610 = arith.cmpi sge, %add3A_603, %ge3A_609 : vector<16xi32>
      %and3A_611 = arith.andi %and3A, %ge3A_610 : vector<16xi1>
      %lt3A_612 = arith.constant 488 : i32
      %lt3A_613 = vector.broadcast %lt3A_612 : i32 to vector<16xi32>
      %lt3A_614 = arith.cmpi slt, %add3A_603, %lt3A_613 : vector<16xi32>
      %and3A_615 = arith.andi %and3A_611, %lt3A_614 : vector<16xi1>
      %mul3A_616 = arith.constant 16 : i32
      %mul3A_617 = arith.muli %scan3A_595, %mul3A_616 : i32
      %add3A_618 = vector.broadcast %mul3A_617 : i32 to vector<16xi32>
      %add3A_619 = arith.addi %iota3A, %add3A_618 : vector<16xi32>
      tpu.vector_store_idx %arg6[%add3A_603, %add3A_619], %broadcast_in_dim3A_5 masked %and3A_615 : memref<488x128xf32, #tpu.memory_space<vmem>>[vector<16xi32>, vector<16xi32>], vector<16xf32>, vector<16xi1>
      %scan3A_620 = arith.constant 1 : i32
      %scan3A_621 = arith.addi %scan3A_595, %scan3A_620 : i32
      %mul3A_622 = arith.constant 16 : i32
      %mul3A_623 = arith.muli %scan3A_621, %mul3A_622 : i32
      %get3A_624 = arith.constant 12 : i32
      %get3A_625 = arith.index_cast %get3A_624 : i32 to index
      %get3A_626 = arith.index_cast %mul3A_623 : i32 to index
      %get3A_627 = tpu.vector_load %arg4[%get3A_625, %get3A_626] {strides = array<i32>} : memref<26x128xi32, #tpu.memory_space<vmem>>, vector<16xi32>,
      %add3A_628 = arith.constant 50 : i32
      %add3A_629 = vector.broadcast %add3A_628 : i32 to vector<16xi32>
      %add3A_630 = arith.addi %get3A_627, %add3A_629 : vector<16xi32>
      %ge3A_631 = arith.constant 0 : i32
      %ge3A_632 = vector.broadcast %ge3A_631 : i32 to vector<16xi32>
      %ge3A_633 = arith.cmpi sge, %get3A_627, %ge3A_632 : vector<16xi32>
      %lt3A_634 = arith.constant 25 : i32
      %lt3A_635 = vector.broadcast %lt3A_634 : i32 to vector<16xi32>
      %lt3A_636 = arith.cmpi slt, %get3A_627, %lt3A_635 : vector<16xi32>
      %and3A_637 = arith.andi %ge3A_633, %lt3A_636 : vector<16xi1>
      %ge3A_638 = arith.constant 0 : i32
      %ge3A_639 = vector.broadcast %ge3A_638 : i32 to vector<16xi32>
      %ge3A_640 = arith.cmpi sge, %add3A_630, %ge3A_639 : vector<16xi32>
      %and3A_641 = arith.andi %and3A_637, %ge3A_640 : vector<16xi1>
      %lt3A_642 = arith.constant 488 : i32
      %lt3A_643 = vector.broadcast %lt3A_642 : i32 to vector<16xi32>
      %lt3A_644 = arith.cmpi slt, %add3A_630, %lt3A_643 : vector<16xi32>
      %and3A_645 = arith.andi %and3A_641, %lt3A_644 : vector<16xi1>
      %mul3A_646 = arith.constant 16 : i32
      %mul3A_647 = arith.muli %scan3A_621, %mul3A_646 : i32
      %add3A_648 = vector.broadcast %mul3A_647 : i32 to vector<16xi32>
      %add3A_649 = arith.addi %iota3A, %add3A_648 : vector<16xi32>
      tpu.vector_store_idx %arg6[%add3A_630, %add3A_649], %broadcast_in_dim3A_5 masked %and3A_645 : memref<488x128xf32, #tpu.memory_space<vmem>>[vector<16xi32>, vector<16xi32>], vector<16xf32>, vector<16xi1>
    }
    %scan3A_286 = arith.constant 8 : i32
    %scan3A_287 = arith.constant 0 : i32
    %scan3A_288 = arith.constant 0 : i32
    %scan3A_289 = arith.constant 8 : i32
    %scan3A_290 = arith.addi %scan3A_288, %scan3A_289 : i32
    %scan3A_291 = arith.constant 2 : i32
    scf.for %scan3A_595 = %scan3A_288 to %scan3A_290 step %scan3A_291  : i32 {
      %mul3A_596 = arith.constant 16 : i32
      %mul3A_597 = arith.muli %scan3A_595, %mul3A_596 : i32
      %get3A = arith.constant 13 : i32
      %get3A_598 = arith.index_cast %get3A : i32 to index
      %get3A_599 = arith.index_cast %mul3A_597 : i32 to index
      %get3A_600 = tpu.vector_load %arg4[%get3A_598, %get3A_599] {strides = array<i32>} : memref<26x128xi32, #tpu.memory_space<vmem>>, vector<16xi32>,
      %add3A_601 = arith.constant 75 : i32
      %add3A_602 = vector.broadcast %add3A_601 : i32 to vector<16xi32>
      %add3A_603 = arith.addi %get3A_600, %add3A_602 : vector<16xi32>
      %ge3A = arith.constant 0 : i32
      %ge3A_604 = vector.broadcast %ge3A : i32 to vector<16xi32>
      %ge3A_605 = arith.cmpi sge, %get3A_600, %ge3A_604 : vector<16xi32>
      %lt3A = arith.constant 150 : i32
      %lt3A_606 = vector.broadcast %lt3A : i32 to vector<16xi32>
      %lt3A_607 = arith.cmpi slt, %get3A_600, %lt3A_606 : vector<16xi32>
      %and3A = arith.andi %ge3A_605, %lt3A_607 : vector<16xi1>
      %ge3A_608 = arith.constant 0 : i32
      %ge3A_609 = vector.broadcast %ge3A_608 : i32 to vector<16xi32>
      %ge3A_610 = arith.cmpi sge, %add3A_603, %ge3A_609 : vector<16xi32>
      %and3A_611 = arith.andi %and3A, %ge3A_610 : vector<16xi1>
      %lt3A_612 = arith.constant 488 : i32
      %lt3A_613 = vector.broadcast %lt3A_612 : i32 to vector<16xi32>
      %lt3A_614 = arith.cmpi slt, %add3A_603, %lt3A_613 : vector<16xi32>
      %and3A_615 = arith.andi %and3A_611, %lt3A_614 : vector<16xi1>
      %mul3A_616 = arith.constant 16 : i32
      %mul3A_617 = arith.muli %scan3A_595, %mul3A_616 : i32
      %add3A_618 = vector.broadcast %mul3A_617 : i32 to vector<16xi32>
      %add3A_619 = arith.addi %iota3A, %add3A_618 : vector<16xi32>
      tpu.vector_store_idx %arg6[%add3A_603, %add3A_619], %broadcast_in_dim3A_5 masked %and3A_615 : memref<488x128xf32, #tpu.memory_space<vmem>>[vector<16xi32>, vector<16xi32>], vector<16xf32>, vector<16xi1>
      %scan3A_620 = arith.constant 1 : i32
      %scan3A_621 = arith.addi %scan3A_595, %scan3A_620 : i32
      %mul3A_622 = arith.constant 16 : i32
      %mul3A_623 = arith.muli %scan3A_621, %mul3A_622 : i32
      %get3A_624 = arith.constant 13 : i32
      %get3A_625 = arith.index_cast %get3A_624 : i32 to index
      %get3A_626 = arith.index_cast %mul3A_623 : i32 to index
      %get3A_627 = tpu.vector_load %arg4[%get3A_625, %get3A_626] {strides = array<i32>} : memref<26x128xi32, #tpu.memory_space<vmem>>, vector<16xi32>,
      %add3A_628 = arith.constant 75 : i32
      %add3A_629 = vector.broadcast %add3A_628 : i32 to vector<16xi32>
      %add3A_630 = arith.addi %get3A_627, %add3A_629 : vector<16xi32>
      %ge3A_631 = arith.constant 0 : i32
      %ge3A_632 = vector.broadcast %ge3A_631 : i32 to vector<16xi32>
      %ge3A_633 = arith.cmpi sge, %get3A_627, %ge3A_632 : vector<16xi32>
      %lt3A_634 = arith.constant 150 : i32
      %lt3A_635 = vector.broadcast %lt3A_634 : i32 to vector<16xi32>
      %lt3A_636 = arith.cmpi slt, %get3A_627, %lt3A_635 : vector<16xi32>
      %and3A_637 = arith.andi %ge3A_633, %lt3A_636 : vector<16xi1>
      %ge3A_638 = arith.constant 0 : i32
      %ge3A_639 = vector.broadcast %ge3A_638 : i32 to vector<16xi32>
      %ge3A_640 = arith.cmpi sge, %add3A_630, %ge3A_639 : vector<16xi32>
      %and3A_641 = arith.andi %and3A_637, %ge3A_640 : vector<16xi1>
      %lt3A_642 = arith.constant 488 : i32
      %lt3A_643 = vector.broadcast %lt3A_642 : i32 to vector<16xi32>
      %lt3A_644 = arith.cmpi slt, %add3A_630, %lt3A_643 : vector<16xi32>
      %and3A_645 = arith.andi %and3A_641, %lt3A_644 : vector<16xi1>
      %mul3A_646 = arith.constant 16 : i32
      %mul3A_647 = arith.muli %scan3A_621, %mul3A_646 : i32
      %add3A_648 = vector.broadcast %mul3A_647 : i32 to vector<16xi32>
      %add3A_649 = arith.addi %iota3A, %add3A_648 : vector<16xi32>
      tpu.vector_store_idx %arg6[%add3A_630, %add3A_649], %broadcast_in_dim3A_5 masked %and3A_645 : memref<488x128xf32, #tpu.memory_space<vmem>>[vector<16xi32>, vector<16xi32>], vector<16xf32>, vector<16xi1>
    }
    %scan3A_292 = arith.constant 8 : i32
    %scan3A_293 = arith.constant 0 : i32
    %scan3A_294 = arith.constant 0 : i32
    %scan3A_295 = arith.constant 8 : i32
    %scan3A_296 = arith.addi %scan3A_294, %scan3A_295 : i32
    %scan3A_297 = arith.constant 2 : i32
    scf.for %scan3A_595 = %scan3A_294 to %scan3A_296 step %scan3A_297  : i32 {
      %mul3A_596 = arith.constant 16 : i32
      %mul3A_597 = arith.muli %scan3A_595, %mul3A_596 : i32
      %get3A = arith.constant 14 : i32
      %get3A_598 = arith.index_cast %get3A : i32 to index
      %get3A_599 = arith.index_cast %mul3A_597 : i32 to index
      %get3A_600 = tpu.vector_load %arg4[%get3A_598, %get3A_599] {strides = array<i32>} : memref<26x128xi32, #tpu.memory_space<vmem>>, vector<16xi32>,
      %add3A_601 = arith.constant 225 : i32
      %add3A_602 = vector.broadcast %add3A_601 : i32 to vector<16xi32>
      %add3A_603 = arith.addi %get3A_600, %add3A_602 : vector<16xi32>
      %ge3A = arith.constant 0 : i32
      %ge3A_604 = vector.broadcast %ge3A : i32 to vector<16xi32>
      %ge3A_605 = arith.cmpi sge, %get3A_600, %ge3A_604 : vector<16xi32>
      %lt3A = arith.constant 70 : i32
      %lt3A_606 = vector.broadcast %lt3A : i32 to vector<16xi32>
      %lt3A_607 = arith.cmpi slt, %get3A_600, %lt3A_606 : vector<16xi32>
      %and3A = arith.andi %ge3A_605, %lt3A_607 : vector<16xi1>
      %ge3A_608 = arith.constant 0 : i32
      %ge3A_609 = vector.broadcast %ge3A_608 : i32 to vector<16xi32>
      %ge3A_610 = arith.cmpi sge, %add3A_603, %ge3A_609 : vector<16xi32>
      %and3A_611 = arith.andi %and3A, %ge3A_610 : vector<16xi1>
      %lt3A_612 = arith.constant 488 : i32
      %lt3A_613 = vector.broadcast %lt3A_612 : i32 to vector<16xi32>
      %lt3A_614 = arith.cmpi slt, %add3A_603, %lt3A_613 : vector<16xi32>
      %and3A_615 = arith.andi %and3A_611, %lt3A_614 : vector<16xi1>
      %mul3A_616 = arith.constant 16 : i32
      %mul3A_617 = arith.muli %scan3A_595, %mul3A_616 : i32
      %add3A_618 = vector.broadcast %mul3A_617 : i32 to vector<16xi32>
      %add3A_619 = arith.addi %iota3A, %add3A_618 : vector<16xi32>
      tpu.vector_store_idx %arg6[%add3A_603, %add3A_619], %broadcast_in_dim3A_5 masked %and3A_615 : memref<488x128xf32, #tpu.memory_space<vmem>>[vector<16xi32>, vector<16xi32>], vector<16xf32>, vector<16xi1>
      %scan3A_620 = arith.constant 1 : i32
      %scan3A_621 = arith.addi %scan3A_595, %scan3A_620 : i32
      %mul3A_622 = arith.constant 16 : i32
      %mul3A_623 = arith.muli %scan3A_621, %mul3A_622 : i32
      %get3A_624 = arith.constant 14 : i32
      %get3A_625 = arith.index_cast %get3A_624 : i32 to index
      %get3A_626 = arith.index_cast %mul3A_623 : i32 to index
      %get3A_627 = tpu.vector_load %arg4[%get3A_625, %get3A_626] {strides = array<i32>} : memref<26x128xi32, #tpu.memory_space<vmem>>, vector<16xi32>,
      %add3A_628 = arith.constant 225 : i32
      %add3A_629 = vector.broadcast %add3A_628 : i32 to vector<16xi32>
      %add3A_630 = arith.addi %get3A_627, %add3A_629 : vector<16xi32>
      %ge3A_631 = arith.constant 0 : i32
      %ge3A_632 = vector.broadcast %ge3A_631 : i32 to vector<16xi32>
      %ge3A_633 = arith.cmpi sge, %get3A_627, %ge3A_632 : vector<16xi32>
      %lt3A_634 = arith.constant 70 : i32
      %lt3A_635 = vector.broadcast %lt3A_634 : i32 to vector<16xi32>
      %lt3A_636 = arith.cmpi slt, %get3A_627, %lt3A_635 : vector<16xi32>
      %and3A_637 = arith.andi %ge3A_633, %lt3A_636 : vector<16xi1>
      %ge3A_638 = arith.constant 0 : i32
      %ge3A_639 = vector.broadcast %ge3A_638 : i32 to vector<16xi32>
      %ge3A_640 = arith.cmpi sge, %add3A_630, %ge3A_639 : vector<16xi32>
      %and3A_641 = arith.andi %and3A_637, %ge3A_640 : vector<16xi1>
      %lt3A_642 = arith.constant 488 : i32
      %lt3A_643 = vector.broadcast %lt3A_642 : i32 to vector<16xi32>
      %lt3A_644 = arith.cmpi slt, %add3A_630, %lt3A_643 : vector<16xi32>
      %and3A_645 = arith.andi %and3A_641, %lt3A_644 : vector<16xi1>
      %mul3A_646 = arith.constant 16 : i32
      %mul3A_647 = arith.muli %scan3A_621, %mul3A_646 : i32
      %add3A_648 = vector.broadcast %mul3A_647 : i32 to vector<16xi32>
      %add3A_649 = arith.addi %iota3A, %add3A_648 : vector<16xi32>
      tpu.vector_store_idx %arg6[%add3A_630, %add3A_649], %broadcast_in_dim3A_5 masked %and3A_645 : memref<488x128xf32, #tpu.memory_space<vmem>>[vector<16xi32>, vector<16xi32>], vector<16xf32>, vector<16xi1>
    }
    %scan3A_298 = arith.constant 8 : i32
    %scan3A_299 = arith.constant 0 : i32
    %scan3A_300 = arith.constant 0 : i32
    %scan3A_301 = arith.constant 8 : i32
    %scan3A_302 = arith.addi %scan3A_300, %scan3A_301 : i32
    %scan3A_303 = arith.constant 2 : i32
    scf.for %scan3A_595 = %scan3A_300 to %scan3A_302 step %scan3A_303  : i32 {
      %mul3A_596 = arith.constant 16 : i32
      %mul3A_597 = arith.muli %scan3A_595, %mul3A_596 : i32
      %get3A = arith.constant 15 : i32
      %get3A_598 = arith.index_cast %get3A : i32 to index
      %get3A_599 = arith.index_cast %mul3A_597 : i32 to index
      %get3A_600 = tpu.vector_load %arg4[%get3A_598, %get3A_599] {strides = array<i32>} : memref<26x128xi32, #tpu.memory_space<vmem>>, vector<16xi32>,
      %add3A_601 = arith.constant 295 : i32
      %add3A_602 = vector.broadcast %add3A_601 : i32 to vector<16xi32>
      %add3A_603 = arith.addi %get3A_600, %add3A_602 : vector<16xi32>
      %ge3A = arith.constant 0 : i32
      %ge3A_604 = vector.broadcast %ge3A : i32 to vector<16xi32>
      %ge3A_605 = arith.cmpi sge, %get3A_600, %ge3A_604 : vector<16xi32>
      %lt3A = arith.constant 90 : i32
      %lt3A_606 = vector.broadcast %lt3A : i32 to vector<16xi32>
      %lt3A_607 = arith.cmpi slt, %get3A_600, %lt3A_606 : vector<16xi32>
      %and3A = arith.andi %ge3A_605, %lt3A_607 : vector<16xi1>
      %ge3A_608 = arith.constant 0 : i32
      %ge3A_609 = vector.broadcast %ge3A_608 : i32 to vector<16xi32>
      %ge3A_610 = arith.cmpi sge, %add3A_603, %ge3A_609 : vector<16xi32>
      %and3A_611 = arith.andi %and3A, %ge3A_610 : vector<16xi1>
      %lt3A_612 = arith.constant 488 : i32
      %lt3A_613 = vector.broadcast %lt3A_612 : i32 to vector<16xi32>
      %lt3A_614 = arith.cmpi slt, %add3A_603, %lt3A_613 : vector<16xi32>
      %and3A_615 = arith.andi %and3A_611, %lt3A_614 : vector<16xi1>
      %mul3A_616 = arith.constant 16 : i32
      %mul3A_617 = arith.muli %scan3A_595, %mul3A_616 : i32
      %add3A_618 = vector.broadcast %mul3A_617 : i32 to vector<16xi32>
      %add3A_619 = arith.addi %iota3A, %add3A_618 : vector<16xi32>
      tpu.vector_store_idx %arg6[%add3A_603, %add3A_619], %broadcast_in_dim3A_5 masked %and3A_615 : memref<488x128xf32, #tpu.memory_space<vmem>>[vector<16xi32>, vector<16xi32>], vector<16xf32>, vector<16xi1>
      %scan3A_620 = arith.constant 1 : i32
      %scan3A_621 = arith.addi %scan3A_595, %scan3A_620 : i32
      %mul3A_622 = arith.constant 16 : i32
      %mul3A_623 = arith.muli %scan3A_621, %mul3A_622 : i32
      %get3A_624 = arith.constant 15 : i32
      %get3A_625 = arith.index_cast %get3A_624 : i32 to index
      %get3A_626 = arith.index_cast %mul3A_623 : i32 to index
      %get3A_627 = tpu.vector_load %arg4[%get3A_625, %get3A_626] {strides = array<i32>} : memref<26x128xi32, #tpu.memory_space<vmem>>, vector<16xi32>,
      %add3A_628 = arith.constant 295 : i32
      %add3A_629 = vector.broadcast %add3A_628 : i32 to vector<16xi32>
      %add3A_630 = arith.addi %get3A_627, %add3A_629 : vector<16xi32>
      %ge3A_631 = arith.constant 0 : i32
      %ge3A_632 = vector.broadcast %ge3A_631 : i32 to vector<16xi32>
      %ge3A_633 = arith.cmpi sge, %get3A_627, %ge3A_632 : vector<16xi32>
      %lt3A_634 = arith.constant 90 : i32
      %lt3A_635 = vector.broadcast %lt3A_634 : i32 to vector<16xi32>
      %lt3A_636 = arith.cmpi slt, %get3A_627, %lt3A_635 : vector<16xi32>
      %and3A_637 = arith.andi %ge3A_633, %lt3A_636 : vector<16xi1>
      %ge3A_638 = arith.constant 0 : i32
      %ge3A_639 = vector.broadcast %ge3A_638 : i32 to vector<16xi32>
      %ge3A_640 = arith.cmpi sge, %add3A_630, %ge3A_639 : vector<16xi32>
      %and3A_641 = arith.andi %and3A_637, %ge3A_640 : vector<16xi1>
      %lt3A_642 = arith.constant 488 : i32
      %lt3A_643 = vector.broadcast %lt3A_642 : i32 to vector<16xi32>
      %lt3A_644 = arith.cmpi slt, %add3A_630, %lt3A_643 : vector<16xi32>
      %and3A_645 = arith.andi %and3A_641, %lt3A_644 : vector<16xi1>
      %mul3A_646 = arith.constant 16 : i32
      %mul3A_647 = arith.muli %scan3A_621, %mul3A_646 : i32
      %add3A_648 = vector.broadcast %mul3A_647 : i32 to vector<16xi32>
      %add3A_649 = arith.addi %iota3A, %add3A_648 : vector<16xi32>
      tpu.vector_store_idx %arg6[%add3A_630, %add3A_649], %broadcast_in_dim3A_5 masked %and3A_645 : memref<488x128xf32, #tpu.memory_space<vmem>>[vector<16xi32>, vector<16xi32>], vector<16xf32>, vector<16xi1>
    }
    %scan3A_304 = arith.constant 8 : i32
    %scan3A_305 = arith.constant 0 : i32
    %scan3A_306 = arith.constant 0 : i32
    %scan3A_307 = arith.constant 8 : i32
    %scan3A_308 = arith.addi %scan3A_306, %scan3A_307 : i32
    %scan3A_309 = arith.constant 2 : i32
    scf.for %scan3A_595 = %scan3A_306 to %scan3A_308 step %scan3A_309  : i32 {
      %mul3A_596 = arith.constant 16 : i32
      %mul3A_597 = arith.muli %scan3A_595, %mul3A_596 : i32
      %get3A = arith.constant 16 : i32
      %get3A_598 = arith.index_cast %get3A : i32 to index
      %get3A_599 = arith.index_cast %mul3A_597 : i32 to index
      %get3A_600 = tpu.vector_load %arg4[%get3A_598, %get3A_599] {strides = array<i32>} : memref<26x128xi32, #tpu.memory_space<vmem>>, vector<16xi32>,
      %add3A_601 = arith.constant 385 : i32
      %add3A_602 = vector.broadcast %add3A_601 : i32 to vector<16xi32>
      %add3A_603 = arith.addi %get3A_600, %add3A_602 : vector<16xi32>
      %ge3A = arith.constant 0 : i32
      %ge3A_604 = vector.broadcast %ge3A : i32 to vector<16xi32>
      %ge3A_605 = arith.cmpi sge, %get3A_600, %ge3A_604 : vector<16xi32>
      %lt3A = arith.constant 45 : i32
      %lt3A_606 = vector.broadcast %lt3A : i32 to vector<16xi32>
      %lt3A_607 = arith.cmpi slt, %get3A_600, %lt3A_606 : vector<16xi32>
      %and3A = arith.andi %ge3A_605, %lt3A_607 : vector<16xi1>
      %ge3A_608 = arith.constant 0 : i32
      %ge3A_609 = vector.broadcast %ge3A_608 : i32 to vector<16xi32>
      %ge3A_610 = arith.cmpi sge, %add3A_603, %ge3A_609 : vector<16xi32>
      %and3A_611 = arith.andi %and3A, %ge3A_610 : vector<16xi1>
      %lt3A_612 = arith.constant 488 : i32
      %lt3A_613 = vector.broadcast %lt3A_612 : i32 to vector<16xi32>
      %lt3A_614 = arith.cmpi slt, %add3A_603, %lt3A_613 : vector<16xi32>
      %and3A_615 = arith.andi %and3A_611, %lt3A_614 : vector<16xi1>
      %mul3A_616 = arith.constant 16 : i32
      %mul3A_617 = arith.muli %scan3A_595, %mul3A_616 : i32
      %add3A_618 = vector.broadcast %mul3A_617 : i32 to vector<16xi32>
      %add3A_619 = arith.addi %iota3A, %add3A_618 : vector<16xi32>
      tpu.vector_store_idx %arg6[%add3A_603, %add3A_619], %broadcast_in_dim3A_5 masked %and3A_615 : memref<488x128xf32, #tpu.memory_space<vmem>>[vector<16xi32>, vector<16xi32>], vector<16xf32>, vector<16xi1>
      %scan3A_620 = arith.constant 1 : i32
      %scan3A_621 = arith.addi %scan3A_595, %scan3A_620 : i32
      %mul3A_622 = arith.constant 16 : i32
      %mul3A_623 = arith.muli %scan3A_621, %mul3A_622 : i32
      %get3A_624 = arith.constant 16 : i32
      %get3A_625 = arith.index_cast %get3A_624 : i32 to index
      %get3A_626 = arith.index_cast %mul3A_623 : i32 to index
      %get3A_627 = tpu.vector_load %arg4[%get3A_625, %get3A_626] {strides = array<i32>} : memref<26x128xi32, #tpu.memory_space<vmem>>, vector<16xi32>,
      %add3A_628 = arith.constant 385 : i32
      %add3A_629 = vector.broadcast %add3A_628 : i32 to vector<16xi32>
      %add3A_630 = arith.addi %get3A_627, %add3A_629 : vector<16xi32>
      %ge3A_631 = arith.constant 0 : i32
      %ge3A_632 = vector.broadcast %ge3A_631 : i32 to vector<16xi32>
      %ge3A_633 = arith.cmpi sge, %get3A_627, %ge3A_632 : vector<16xi32>
      %lt3A_634 = arith.constant 45 : i32
      %lt3A_635 = vector.broadcast %lt3A_634 : i32 to vector<16xi32>
      %lt3A_636 = arith.cmpi slt, %get3A_627, %lt3A_635 : vector<16xi32>
      %and3A_637 = arith.andi %ge3A_633, %lt3A_636 : vector<16xi1>
      %ge3A_638 = arith.constant 0 : i32
      %ge3A_639 = vector.broadcast %ge3A_638 : i32 to vector<16xi32>
      %ge3A_640 = arith.cmpi sge, %add3A_630, %ge3A_639 : vector<16xi32>
      %and3A_641 = arith.andi %and3A_637, %ge3A_640 : vector<16xi1>
      %lt3A_642 = arith.constant 488 : i32
      %lt3A_643 = vector.broadcast %lt3A_642 : i32 to vector<16xi32>
      %lt3A_644 = arith.cmpi slt, %add3A_630, %lt3A_643 : vector<16xi32>
      %and3A_645 = arith.andi %and3A_641, %lt3A_644 : vector<16xi1>
      %mul3A_646 = arith.constant 16 : i32
      %mul3A_647 = arith.muli %scan3A_621, %mul3A_646 : i32
      %add3A_648 = vector.broadcast %mul3A_647 : i32 to vector<16xi32>
      %add3A_649 = arith.addi %iota3A, %add3A_648 : vector<16xi32>
      tpu.vector_store_idx %arg6[%add3A_630, %add3A_649], %broadcast_in_dim3A_5 masked %and3A_645 : memref<488x128xf32, #tpu.memory_space<vmem>>[vector<16xi32>, vector<16xi32>], vector<16xf32>, vector<16xi1>
    }
    %scan3A_310 = arith.constant 8 : i32
    %scan3A_311 = arith.constant 0 : i32
    %scan3A_312 = arith.constant 0 : i32
    %scan3A_313 = arith.constant 8 : i32
    %scan3A_314 = arith.addi %scan3A_312, %scan3A_313 : i32
    %scan3A_315 = arith.constant 2 : i32
    scf.for %scan3A_595 = %scan3A_312 to %scan3A_314 step %scan3A_315  : i32 {
      %mul3A_596 = arith.constant 16 : i32
      %mul3A_597 = arith.muli %scan3A_595, %mul3A_596 : i32
      %get3A = arith.constant 17 : i32
      %get3A_598 = arith.index_cast %get3A : i32 to index
      %get3A_599 = arith.index_cast %mul3A_597 : i32 to index
      %get3A_600 = tpu.vector_load %arg4[%get3A_598, %get3A_599] {strides = array<i32>} : memref<26x128xi32, #tpu.memory_space<vmem>>, vector<16xi32>,
      %add3A_601 = arith.constant 430 : i32
      %add3A_602 = vector.broadcast %add3A_601 : i32 to vector<16xi32>
      %add3A_603 = arith.addi %get3A_600, %add3A_602 : vector<16xi32>
      %ge3A = arith.constant 0 : i32
      %ge3A_604 = vector.broadcast %ge3A : i32 to vector<16xi32>
      %ge3A_605 = arith.cmpi sge, %get3A_600, %ge3A_604 : vector<16xi32>
      %lt3A = arith.constant 110 : i32
      %lt3A_606 = vector.broadcast %lt3A : i32 to vector<16xi32>
      %lt3A_607 = arith.cmpi slt, %get3A_600, %lt3A_606 : vector<16xi32>
      %and3A = arith.andi %ge3A_605, %lt3A_607 : vector<16xi1>
      %ge3A_608 = arith.constant 0 : i32
      %ge3A_609 = vector.broadcast %ge3A_608 : i32 to vector<16xi32>
      %ge3A_610 = arith.cmpi sge, %add3A_603, %ge3A_609 : vector<16xi32>
      %and3A_611 = arith.andi %and3A, %ge3A_610 : vector<16xi1>
      %lt3A_612 = arith.constant 488 : i32
      %lt3A_613 = vector.broadcast %lt3A_612 : i32 to vector<16xi32>
      %lt3A_614 = arith.cmpi slt, %add3A_603, %lt3A_613 : vector<16xi32>
      %and3A_615 = arith.andi %and3A_611, %lt3A_614 : vector<16xi1>
      %mul3A_616 = arith.constant 16 : i32
      %mul3A_617 = arith.muli %scan3A_595, %mul3A_616 : i32
      %add3A_618 = vector.broadcast %mul3A_617 : i32 to vector<16xi32>
      %add3A_619 = arith.addi %iota3A, %add3A_618 : vector<16xi32>
      tpu.vector_store_idx %arg6[%add3A_603, %add3A_619], %broadcast_in_dim3A_5 masked %and3A_615 : memref<488x128xf32, #tpu.memory_space<vmem>>[vector<16xi32>, vector<16xi32>], vector<16xf32>, vector<16xi1>
      %scan3A_620 = arith.constant 1 : i32
      %scan3A_621 = arith.addi %scan3A_595, %scan3A_620 : i32
      %mul3A_622 = arith.constant 16 : i32
      %mul3A_623 = arith.muli %scan3A_621, %mul3A_622 : i32
      %get3A_624 = arith.constant 17 : i32
      %get3A_625 = arith.index_cast %get3A_624 : i32 to index
      %get3A_626 = arith.index_cast %mul3A_623 : i32 to index
      %get3A_627 = tpu.vector_load %arg4[%get3A_625, %get3A_626] {strides = array<i32>} : memref<26x128xi32, #tpu.memory_space<vmem>>, vector<16xi32>,
      %add3A_628 = arith.constant 430 : i32
      %add3A_629 = vector.broadcast %add3A_628 : i32 to vector<16xi32>
      %add3A_630 = arith.addi %get3A_627, %add3A_629 : vector<16xi32>
      %ge3A_631 = arith.constant 0 : i32
      %ge3A_632 = vector.broadcast %ge3A_631 : i32 to vector<16xi32>
      %ge3A_633 = arith.cmpi sge, %get3A_627, %ge3A_632 : vector<16xi32>
      %lt3A_634 = arith.constant 110 : i32
      %lt3A_635 = vector.broadcast %lt3A_634 : i32 to vector<16xi32>
      %lt3A_636 = arith.cmpi slt, %get3A_627, %lt3A_635 : vector<16xi32>
      %and3A_637 = arith.andi %ge3A_633, %lt3A_636 : vector<16xi1>
      %ge3A_638 = arith.constant 0 : i32
      %ge3A_639 = vector.broadcast %ge3A_638 : i32 to vector<16xi32>
      %ge3A_640 = arith.cmpi sge, %add3A_630, %ge3A_639 : vector<16xi32>
      %and3A_641 = arith.andi %and3A_637, %ge3A_640 : vector<16xi1>
      %lt3A_642 = arith.constant 488 : i32
      %lt3A_643 = vector.broadcast %lt3A_642 : i32 to vector<16xi32>
      %lt3A_644 = arith.cmpi slt, %add3A_630, %lt3A_643 : vector<16xi32>
      %and3A_645 = arith.andi %and3A_641, %lt3A_644 : vector<16xi1>
      %mul3A_646 = arith.constant 16 : i32
      %mul3A_647 = arith.muli %scan3A_621, %mul3A_646 : i32
      %add3A_648 = vector.broadcast %mul3A_647 : i32 to vector<16xi32>
      %add3A_649 = arith.addi %iota3A, %add3A_648 : vector<16xi32>
      tpu.vector_store_idx %arg6[%add3A_630, %add3A_649], %broadcast_in_dim3A_5 masked %and3A_645 : memref<488x128xf32, #tpu.memory_space<vmem>>[vector<16xi32>, vector<16xi32>], vector<16xf32>, vector<16xi1>
    }
    %scan3A_316 = arith.constant 8 : i32
    %dma_start3A_317 = arith.constant 0 : i32
    %dma_start3A_318 = arith.constant 0 : i32
    %dma_start3A_319 = tpu.memref_slice %arg6[%dma_start3A_317, %dma_start3A_318] : memref<488x128xf32, #tpu.memory_space<vmem>> -> memref<488x128xf32, #tpu.memory_space<vmem>>
    %dma_start3A_320 = arith.constant 2440 : i32
    %dma_start3A_321 = tpu.memref_slice %arg3[%dma_start3A_320, %mul3A_2] : memref<3950x4096xf32, #tpu.memory_space<hbm>> -> memref<488x128xf32, #tpu.memory_space<hbm>>
    %dma_start3A_322 = arith.constant 2440 : i32
    %dma_start3A_323 = tpu.memref_slice %arg3[%dma_start3A_322, %mul3A_2] : memref<3950x4096xf32, #tpu.memory_space<hbm>> -> memref<488x128xf32, #tpu.memory_space<hbm>>
    %dma_start3A_324 = arith.constant 0 : i32
    %dma_start3A_325 = arith.constant 0 : i32
    %dma_start3A_326 = tpu.memref_slice %arg6[%dma_start3A_324, %dma_start3A_325] : memref<488x128xf32, #tpu.memory_space<vmem>> -> memref<488x128xf32, #tpu.memory_space<vmem>>
    tpu.enqueue_dma source(%dma_start3A_326 : memref<488x128xf32, #tpu.memory_space<vmem>>) target(%dma_start3A_323 : memref<488x128xf32, #tpu.memory_space<hbm>>) target_semaphore(%arg8 : memref<!tpu.dma_semaphore, #tpu.memory_space<semaphore_mem>>)
    %dma_wait3A_327 = arith.constant 0 : i32
    %dma_wait3A_328 = arith.constant 0 : i32
    %dma_wait3A_329 = tpu.memref_slice %arg5[%dma_wait3A_327, %dma_wait3A_328] : memref<488x128xf32, #tpu.memory_space<vmem>> -> memref<488x128xf32, #tpu.memory_space<vmem>>
    %dma_wait3A_330 = arith.constant 1952 : i32
    %dma_wait3A_331 = tpu.memref_slice %arg3[%dma_wait3A_330, %mul3A_2] : memref<3950x4096xf32, #tpu.memory_space<hbm>> -> memref<488x128xf32, #tpu.memory_space<hbm>>
    %dma_wait3A_332 = arith.constant 1952 : i32
    %dma_wait3A_333 = tpu.memref_slice %arg3[%dma_wait3A_332, %mul3A_2] : memref<3950x4096xf32, #tpu.memory_space<hbm>> -> memref<488x128xf32, #tpu.memory_space<hbm>>
    %dma_wait3A_334 = arith.constant 0 : i32
    %dma_wait3A_335 = arith.constant 0 : i32
    %dma_wait3A_336 = tpu.memref_slice %arg5[%dma_wait3A_334, %dma_wait3A_335] : memref<488x128xf32, #tpu.memory_space<vmem>> -> memref<488x128xf32, #tpu.memory_space<vmem>>
    tpu.wait_dma2 semaphore(%arg7 : memref<!tpu.dma_semaphore, #tpu.memory_space<semaphore_mem>>) src(%dma_wait3A_336 : memref<488x128xf32, #tpu.memory_space<vmem>>) dst(%dma_wait3A_333 : memref<488x128xf32, #tpu.memory_space<hbm>>)
    %scan3A_337 = arith.constant 0 : i32
    %scan3A_338 = arith.constant 0 : i32
    %scan3A_339 = arith.constant 8 : i32
    %scan3A_340 = arith.addi %scan3A_338, %scan3A_339 : i32
    %scan3A_341 = arith.constant 2 : i32
    scf.for %scan3A_595 = %scan3A_338 to %scan3A_340 step %scan3A_341  : i32 {
      %mul3A_596 = arith.constant 16 : i32
      %mul3A_597 = arith.muli %scan3A_595, %mul3A_596 : i32
      %get3A = arith.constant 7 : i32
      %get3A_598 = arith.index_cast %get3A : i32 to index
      %get3A_599 = arith.index_cast %mul3A_597 : i32 to index
      %get3A_600 = tpu.vector_load %arg4[%get3A_598, %get3A_599] {strides = array<i32>} : memref<26x128xi32, #tpu.memory_space<vmem>>, vector<16xi32>,
      %add3A_601 = arith.constant -62 : i32
      %add3A_602 = vector.broadcast %add3A_601 : i32 to vector<16xi32>
      %add3A_603 = arith.addi %get3A_600, %add3A_602 : vector<16xi32>
      %ge3A = arith.constant 0 : i32
      %ge3A_604 = vector.broadcast %ge3A : i32 to vector<16xi32>
      %ge3A_605 = arith.cmpi sge, %get3A_600, %ge3A_604 : vector<16xi32>
      %lt3A = arith.constant 80 : i32
      %lt3A_606 = vector.broadcast %lt3A : i32 to vector<16xi32>
      %lt3A_607 = arith.cmpi slt, %get3A_600, %lt3A_606 : vector<16xi32>
      %and3A = arith.andi %ge3A_605, %lt3A_607 : vector<16xi1>
      %ge3A_608 = arith.constant 0 : i32
      %ge3A_609 = vector.broadcast %ge3A_608 : i32 to vector<16xi32>
      %ge3A_610 = arith.cmpi sge, %add3A_603, %ge3A_609 : vector<16xi32>
      %and3A_611 = arith.andi %and3A, %ge3A_610 : vector<16xi1>
      %lt3A_612 = arith.constant 488 : i32
      %lt3A_613 = vector.broadcast %lt3A_612 : i32 to vector<16xi32>
      %lt3A_614 = arith.cmpi slt, %add3A_603, %lt3A_613 : vector<16xi32>
      %and3A_615 = arith.andi %and3A_611, %lt3A_614 : vector<16xi1>
      %mul3A_616 = arith.constant 16 : i32
      %mul3A_617 = arith.muli %scan3A_595, %mul3A_616 : i32
      %add3A_618 = vector.broadcast %mul3A_617 : i32 to vector<16xi32>
      %add3A_619 = arith.addi %iota3A, %add3A_618 : vector<16xi32>
      tpu.vector_store_idx %arg5[%add3A_603, %add3A_619], %broadcast_in_dim3A_3 masked %and3A_615 : memref<488x128xf32, #tpu.memory_space<vmem>>[vector<16xi32>, vector<16xi32>], vector<16xf32>, vector<16xi1>
      %scan3A_620 = arith.constant 1 : i32
      %scan3A_621 = arith.addi %scan3A_595, %scan3A_620 : i32
      %mul3A_622 = arith.constant 16 : i32
      %mul3A_623 = arith.muli %scan3A_621, %mul3A_622 : i32
      %get3A_624 = arith.constant 7 : i32
      %get3A_625 = arith.index_cast %get3A_624 : i32 to index
      %get3A_626 = arith.index_cast %mul3A_623 : i32 to index
      %get3A_627 = tpu.vector_load %arg4[%get3A_625, %get3A_626] {strides = array<i32>} : memref<26x128xi32, #tpu.memory_space<vmem>>, vector<16xi32>,
      %add3A_628 = arith.constant -62 : i32
      %add3A_629 = vector.broadcast %add3A_628 : i32 to vector<16xi32>
      %add3A_630 = arith.addi %get3A_627, %add3A_629 : vector<16xi32>
      %ge3A_631 = arith.constant 0 : i32
      %ge3A_632 = vector.broadcast %ge3A_631 : i32 to vector<16xi32>
      %ge3A_633 = arith.cmpi sge, %get3A_627, %ge3A_632 : vector<16xi32>
      %lt3A_634 = arith.constant 80 : i32
      %lt3A_635 = vector.broadcast %lt3A_634 : i32 to vector<16xi32>
      %lt3A_636 = arith.cmpi slt, %get3A_627, %lt3A_635 : vector<16xi32>
      %and3A_637 = arith.andi %ge3A_633, %lt3A_636 : vector<16xi1>
      %ge3A_638 = arith.constant 0 : i32
      %ge3A_639 = vector.broadcast %ge3A_638 : i32 to vector<16xi32>
      %ge3A_640 = arith.cmpi sge, %add3A_630, %ge3A_639 : vector<16xi32>
      %and3A_641 = arith.andi %and3A_637, %ge3A_640 : vector<16xi1>
      %lt3A_642 = arith.constant 488 : i32
      %lt3A_643 = vector.broadcast %lt3A_642 : i32 to vector<16xi32>
      %lt3A_644 = arith.cmpi slt, %add3A_630, %lt3A_643 : vector<16xi32>
      %and3A_645 = arith.andi %and3A_641, %lt3A_644 : vector<16xi1>
      %mul3A_646 = arith.constant 16 : i32
      %mul3A_647 = arith.muli %scan3A_621, %mul3A_646 : i32
      %add3A_648 = vector.broadcast %mul3A_647 : i32 to vector<16xi32>
      %add3A_649 = arith.addi %iota3A, %add3A_648 : vector<16xi32>
      tpu.vector_store_idx %arg5[%add3A_630, %add3A_649], %broadcast_in_dim3A_3 masked %and3A_645 : memref<488x128xf32, #tpu.memory_space<vmem>>[vector<16xi32>, vector<16xi32>], vector<16xf32>, vector<16xi1>
    }
    %scan3A_342 = arith.constant 8 : i32
    %scan3A_343 = arith.constant 0 : i32
    %scan3A_344 = arith.constant 0 : i32
    %scan3A_345 = arith.constant 8 : i32
    %scan3A_346 = arith.addi %scan3A_344, %scan3A_345 : i32
    %scan3A_347 = arith.constant 2 : i32
    scf.for %scan3A_595 = %scan3A_344 to %scan3A_346 step %scan3A_347  : i32 {
      %mul3A_596 = arith.constant 16 : i32
      %mul3A_597 = arith.muli %scan3A_595, %mul3A_596 : i32
      %get3A = arith.constant 8 : i32
      %get3A_598 = arith.index_cast %get3A : i32 to index
      %get3A_599 = arith.index_cast %mul3A_597 : i32 to index
      %get3A_600 = tpu.vector_load %arg4[%get3A_598, %get3A_599] {strides = array<i32>} : memref<26x128xi32, #tpu.memory_space<vmem>>, vector<16xi32>,
      %add3A_601 = arith.constant 18 : i32
      %add3A_602 = vector.broadcast %add3A_601 : i32 to vector<16xi32>
      %add3A_603 = arith.addi %get3A_600, %add3A_602 : vector<16xi32>
      %ge3A = arith.constant 0 : i32
      %ge3A_604 = vector.broadcast %ge3A : i32 to vector<16xi32>
      %ge3A_605 = arith.cmpi sge, %get3A_600, %ge3A_604 : vector<16xi32>
      %lt3A = arith.constant 120 : i32
      %lt3A_606 = vector.broadcast %lt3A : i32 to vector<16xi32>
      %lt3A_607 = arith.cmpi slt, %get3A_600, %lt3A_606 : vector<16xi32>
      %and3A = arith.andi %ge3A_605, %lt3A_607 : vector<16xi1>
      %ge3A_608 = arith.constant 0 : i32
      %ge3A_609 = vector.broadcast %ge3A_608 : i32 to vector<16xi32>
      %ge3A_610 = arith.cmpi sge, %add3A_603, %ge3A_609 : vector<16xi32>
      %and3A_611 = arith.andi %and3A, %ge3A_610 : vector<16xi1>
      %lt3A_612 = arith.constant 488 : i32
      %lt3A_613 = vector.broadcast %lt3A_612 : i32 to vector<16xi32>
      %lt3A_614 = arith.cmpi slt, %add3A_603, %lt3A_613 : vector<16xi32>
      %and3A_615 = arith.andi %and3A_611, %lt3A_614 : vector<16xi1>
      %mul3A_616 = arith.constant 16 : i32
      %mul3A_617 = arith.muli %scan3A_595, %mul3A_616 : i32
      %add3A_618 = vector.broadcast %mul3A_617 : i32 to vector<16xi32>
      %add3A_619 = arith.addi %iota3A, %add3A_618 : vector<16xi32>
      tpu.vector_store_idx %arg5[%add3A_603, %add3A_619], %broadcast_in_dim3A_3 masked %and3A_615 : memref<488x128xf32, #tpu.memory_space<vmem>>[vector<16xi32>, vector<16xi32>], vector<16xf32>, vector<16xi1>
      %scan3A_620 = arith.constant 1 : i32
      %scan3A_621 = arith.addi %scan3A_595, %scan3A_620 : i32
      %mul3A_622 = arith.constant 16 : i32
      %mul3A_623 = arith.muli %scan3A_621, %mul3A_622 : i32
      %get3A_624 = arith.constant 8 : i32
      %get3A_625 = arith.index_cast %get3A_624 : i32 to index
      %get3A_626 = arith.index_cast %mul3A_623 : i32 to index
      %get3A_627 = tpu.vector_load %arg4[%get3A_625, %get3A_626] {strides = array<i32>} : memref<26x128xi32, #tpu.memory_space<vmem>>, vector<16xi32>,
      %add3A_628 = arith.constant 18 : i32
      %add3A_629 = vector.broadcast %add3A_628 : i32 to vector<16xi32>
      %add3A_630 = arith.addi %get3A_627, %add3A_629 : vector<16xi32>
      %ge3A_631 = arith.constant 0 : i32
      %ge3A_632 = vector.broadcast %ge3A_631 : i32 to vector<16xi32>
      %ge3A_633 = arith.cmpi sge, %get3A_627, %ge3A_632 : vector<16xi32>
      %lt3A_634 = arith.constant 120 : i32
      %lt3A_635 = vector.broadcast %lt3A_634 : i32 to vector<16xi32>
      %lt3A_636 = arith.cmpi slt, %get3A_627, %lt3A_635 : vector<16xi32>
      %and3A_637 = arith.andi %ge3A_633, %lt3A_636 : vector<16xi1>
      %ge3A_638 = arith.constant 0 : i32
      %ge3A_639 = vector.broadcast %ge3A_638 : i32 to vector<16xi32>
      %ge3A_640 = arith.cmpi sge, %add3A_630, %ge3A_639 : vector<16xi32>
      %and3A_641 = arith.andi %and3A_637, %ge3A_640 : vector<16xi1>
      %lt3A_642 = arith.constant 488 : i32
      %lt3A_643 = vector.broadcast %lt3A_642 : i32 to vector<16xi32>
      %lt3A_644 = arith.cmpi slt, %add3A_630, %lt3A_643 : vector<16xi32>
      %and3A_645 = arith.andi %and3A_641, %lt3A_644 : vector<16xi1>
      %mul3A_646 = arith.constant 16 : i32
      %mul3A_647 = arith.muli %scan3A_621, %mul3A_646 : i32
      %add3A_648 = vector.broadcast %mul3A_647 : i32 to vector<16xi32>
      %add3A_649 = arith.addi %iota3A, %add3A_648 : vector<16xi32>
      tpu.vector_store_idx %arg5[%add3A_630, %add3A_649], %broadcast_in_dim3A_3 masked %and3A_645 : memref<488x128xf32, #tpu.memory_space<vmem>>[vector<16xi32>, vector<16xi32>], vector<16xf32>, vector<16xi1>
    }
    %scan3A_348 = arith.constant 8 : i32
    %scan3A_349 = arith.constant 0 : i32
    %scan3A_350 = arith.constant 0 : i32
    %scan3A_351 = arith.constant 8 : i32
    %scan3A_352 = arith.addi %scan3A_350, %scan3A_351 : i32
    %scan3A_353 = arith.constant 2 : i32
    scf.for %scan3A_595 = %scan3A_350 to %scan3A_352 step %scan3A_353  : i32 {
      %mul3A_596 = arith.constant 16 : i32
      %mul3A_597 = arith.muli %scan3A_595, %mul3A_596 : i32
      %get3A = arith.constant 9 : i32
      %get3A_598 = arith.index_cast %get3A : i32 to index
      %get3A_599 = arith.index_cast %mul3A_597 : i32 to index
      %get3A_600 = tpu.vector_load %arg4[%get3A_598, %get3A_599] {strides = array<i32>} : memref<26x128xi32, #tpu.memory_space<vmem>>, vector<16xi32>,
      %add3A_601 = arith.constant 138 : i32
      %add3A_602 = vector.broadcast %add3A_601 : i32 to vector<16xi32>
      %add3A_603 = arith.addi %get3A_600, %add3A_602 : vector<16xi32>
      %ge3A = arith.constant 0 : i32
      %ge3A_604 = vector.broadcast %ge3A : i32 to vector<16xi32>
      %ge3A_605 = arith.cmpi sge, %get3A_600, %ge3A_604 : vector<16xi32>
      %lt3A = arith.constant 60 : i32
      %lt3A_606 = vector.broadcast %lt3A : i32 to vector<16xi32>
      %lt3A_607 = arith.cmpi slt, %get3A_600, %lt3A_606 : vector<16xi32>
      %and3A = arith.andi %ge3A_605, %lt3A_607 : vector<16xi1>
      %ge3A_608 = arith.constant 0 : i32
      %ge3A_609 = vector.broadcast %ge3A_608 : i32 to vector<16xi32>
      %ge3A_610 = arith.cmpi sge, %add3A_603, %ge3A_609 : vector<16xi32>
      %and3A_611 = arith.andi %and3A, %ge3A_610 : vector<16xi1>
      %lt3A_612 = arith.constant 488 : i32
      %lt3A_613 = vector.broadcast %lt3A_612 : i32 to vector<16xi32>
      %lt3A_614 = arith.cmpi slt, %add3A_603, %lt3A_613 : vector<16xi32>
      %and3A_615 = arith.andi %and3A_611, %lt3A_614 : vector<16xi1>
      %mul3A_616 = arith.constant 16 : i32
      %mul3A_617 = arith.muli %scan3A_595, %mul3A_616 : i32
      %add3A_618 = vector.broadcast %mul3A_617 : i32 to vector<16xi32>
      %add3A_619 = arith.addi %iota3A, %add3A_618 : vector<16xi32>
      tpu.vector_store_idx %arg5[%add3A_603, %add3A_619], %broadcast_in_dim3A_3 masked %and3A_615 : memref<488x128xf32, #tpu.memory_space<vmem>>[vector<16xi32>, vector<16xi32>], vector<16xf32>, vector<16xi1>
      %scan3A_620 = arith.constant 1 : i32
      %scan3A_621 = arith.addi %scan3A_595, %scan3A_620 : i32
      %mul3A_622 = arith.constant 16 : i32
      %mul3A_623 = arith.muli %scan3A_621, %mul3A_622 : i32
      %get3A_624 = arith.constant 9 : i32
      %get3A_625 = arith.index_cast %get3A_624 : i32 to index
      %get3A_626 = arith.index_cast %mul3A_623 : i32 to index
      %get3A_627 = tpu.vector_load %arg4[%get3A_625, %get3A_626] {strides = array<i32>} : memref<26x128xi32, #tpu.memory_space<vmem>>, vector<16xi32>,
      %add3A_628 = arith.constant 138 : i32
      %add3A_629 = vector.broadcast %add3A_628 : i32 to vector<16xi32>
      %add3A_630 = arith.addi %get3A_627, %add3A_629 : vector<16xi32>
      %ge3A_631 = arith.constant 0 : i32
      %ge3A_632 = vector.broadcast %ge3A_631 : i32 to vector<16xi32>
      %ge3A_633 = arith.cmpi sge, %get3A_627, %ge3A_632 : vector<16xi32>
      %lt3A_634 = arith.constant 60 : i32
      %lt3A_635 = vector.broadcast %lt3A_634 : i32 to vector<16xi32>
      %lt3A_636 = arith.cmpi slt, %get3A_627, %lt3A_635 : vector<16xi32>
      %and3A_637 = arith.andi %ge3A_633, %lt3A_636 : vector<16xi1>
      %ge3A_638 = arith.constant 0 : i32
      %ge3A_639 = vector.broadcast %ge3A_638 : i32 to vector<16xi32>
      %ge3A_640 = arith.cmpi sge, %add3A_630, %ge3A_639 : vector<16xi32>
      %and3A_641 = arith.andi %and3A_637, %ge3A_640 : vector<16xi1>
      %lt3A_642 = arith.constant 488 : i32
      %lt3A_643 = vector.broadcast %lt3A_642 : i32 to vector<16xi32>
      %lt3A_644 = arith.cmpi slt, %add3A_630, %lt3A_643 : vector<16xi32>
      %and3A_645 = arith.andi %and3A_641, %lt3A_644 : vector<16xi1>
      %mul3A_646 = arith.constant 16 : i32
      %mul3A_647 = arith.muli %scan3A_621, %mul3A_646 : i32
      %add3A_648 = vector.broadcast %mul3A_647 : i32 to vector<16xi32>
      %add3A_649 = arith.addi %iota3A, %add3A_648 : vector<16xi32>
      tpu.vector_store_idx %arg5[%add3A_630, %add3A_649], %broadcast_in_dim3A_3 masked %and3A_645 : memref<488x128xf32, #tpu.memory_space<vmem>>[vector<16xi32>, vector<16xi32>], vector<16xf32>, vector<16xi1>
    }
    %scan3A_354 = arith.constant 8 : i32
    %scan3A_355 = arith.constant 0 : i32
    %scan3A_356 = arith.constant 0 : i32
    %scan3A_357 = arith.constant 8 : i32
    %scan3A_358 = arith.addi %scan3A_356, %scan3A_357 : i32
    %scan3A_359 = arith.constant 2 : i32
    scf.for %scan3A_595 = %scan3A_356 to %scan3A_358 step %scan3A_359  : i32 {
      %mul3A_596 = arith.constant 16 : i32
      %mul3A_597 = arith.muli %scan3A_595, %mul3A_596 : i32
      %get3A = arith.constant 10 : i32
      %get3A_598 = arith.index_cast %get3A : i32 to index
      %get3A_599 = arith.index_cast %mul3A_597 : i32 to index
      %get3A_600 = tpu.vector_load %arg4[%get3A_598, %get3A_599] {strides = array<i32>} : memref<26x128xi32, #tpu.memory_space<vmem>>, vector<16xi32>,
      %add3A_601 = arith.constant 198 : i32
      %add3A_602 = vector.broadcast %add3A_601 : i32 to vector<16xi32>
      %add3A_603 = arith.addi %get3A_600, %add3A_602 : vector<16xi32>
      %ge3A = arith.constant 0 : i32
      %ge3A_604 = vector.broadcast %ge3A : i32 to vector<16xi32>
      %ge3A_605 = arith.cmpi sge, %get3A_600, %ge3A_604 : vector<16xi32>
      %lt3A = arith.constant 40 : i32
      %lt3A_606 = vector.broadcast %lt3A : i32 to vector<16xi32>
      %lt3A_607 = arith.cmpi slt, %get3A_600, %lt3A_606 : vector<16xi32>
      %and3A = arith.andi %ge3A_605, %lt3A_607 : vector<16xi1>
      %ge3A_608 = arith.constant 0 : i32
      %ge3A_609 = vector.broadcast %ge3A_608 : i32 to vector<16xi32>
      %ge3A_610 = arith.cmpi sge, %add3A_603, %ge3A_609 : vector<16xi32>
      %and3A_611 = arith.andi %and3A, %ge3A_610 : vector<16xi1>
      %lt3A_612 = arith.constant 488 : i32
      %lt3A_613 = vector.broadcast %lt3A_612 : i32 to vector<16xi32>
      %lt3A_614 = arith.cmpi slt, %add3A_603, %lt3A_613 : vector<16xi32>
      %and3A_615 = arith.andi %and3A_611, %lt3A_614 : vector<16xi1>
      %mul3A_616 = arith.constant 16 : i32
      %mul3A_617 = arith.muli %scan3A_595, %mul3A_616 : i32
      %add3A_618 = vector.broadcast %mul3A_617 : i32 to vector<16xi32>
      %add3A_619 = arith.addi %iota3A, %add3A_618 : vector<16xi32>
      tpu.vector_store_idx %arg5[%add3A_603, %add3A_619], %broadcast_in_dim3A_3 masked %and3A_615 : memref<488x128xf32, #tpu.memory_space<vmem>>[vector<16xi32>, vector<16xi32>], vector<16xf32>, vector<16xi1>
      %scan3A_620 = arith.constant 1 : i32
      %scan3A_621 = arith.addi %scan3A_595, %scan3A_620 : i32
      %mul3A_622 = arith.constant 16 : i32
      %mul3A_623 = arith.muli %scan3A_621, %mul3A_622 : i32
      %get3A_624 = arith.constant 10 : i32
      %get3A_625 = arith.index_cast %get3A_624 : i32 to index
      %get3A_626 = arith.index_cast %mul3A_623 : i32 to index
      %get3A_627 = tpu.vector_load %arg4[%get3A_625, %get3A_626] {strides = array<i32>} : memref<26x128xi32, #tpu.memory_space<vmem>>, vector<16xi32>,
      %add3A_628 = arith.constant 198 : i32
      %add3A_629 = vector.broadcast %add3A_628 : i32 to vector<16xi32>
      %add3A_630 = arith.addi %get3A_627, %add3A_629 : vector<16xi32>
      %ge3A_631 = arith.constant 0 : i32
      %ge3A_632 = vector.broadcast %ge3A_631 : i32 to vector<16xi32>
      %ge3A_633 = arith.cmpi sge, %get3A_627, %ge3A_632 : vector<16xi32>
      %lt3A_634 = arith.constant 40 : i32
      %lt3A_635 = vector.broadcast %lt3A_634 : i32 to vector<16xi32>
      %lt3A_636 = arith.cmpi slt, %get3A_627, %lt3A_635 : vector<16xi32>
      %and3A_637 = arith.andi %ge3A_633, %lt3A_636 : vector<16xi1>
      %ge3A_638 = arith.constant 0 : i32
      %ge3A_639 = vector.broadcast %ge3A_638 : i32 to vector<16xi32>
      %ge3A_640 = arith.cmpi sge, %add3A_630, %ge3A_639 : vector<16xi32>
      %and3A_641 = arith.andi %and3A_637, %ge3A_640 : vector<16xi1>
      %lt3A_642 = arith.constant 488 : i32
      %lt3A_643 = vector.broadcast %lt3A_642 : i32 to vector<16xi32>
      %lt3A_644 = arith.cmpi slt, %add3A_630, %lt3A_643 : vector<16xi32>
      %and3A_645 = arith.andi %and3A_641, %lt3A_644 : vector<16xi1>
      %mul3A_646 = arith.constant 16 : i32
      %mul3A_647 = arith.muli %scan3A_621, %mul3A_646 : i32
      %add3A_648 = vector.broadcast %mul3A_647 : i32 to vector<16xi32>
      %add3A_649 = arith.addi %iota3A, %add3A_648 : vector<16xi32>
      tpu.vector_store_idx %arg5[%add3A_630, %add3A_649], %broadcast_in_dim3A_3 masked %and3A_645 : memref<488x128xf32, #tpu.memory_space<vmem>>[vector<16xi32>, vector<16xi32>], vector<16xf32>, vector<16xi1>
    }
    %scan3A_360 = arith.constant 8 : i32
    %scan3A_361 = arith.constant 0 : i32
    %scan3A_362 = arith.constant 0 : i32
    %scan3A_363 = arith.constant 8 : i32
    %scan3A_364 = arith.addi %scan3A_362, %scan3A_363 : i32
    %scan3A_365 = arith.constant 2 : i32
    scf.for %scan3A_595 = %scan3A_362 to %scan3A_364 step %scan3A_365  : i32 {
      %mul3A_596 = arith.constant 16 : i32
      %mul3A_597 = arith.muli %scan3A_595, %mul3A_596 : i32
      %get3A = arith.constant 11 : i32
      %get3A_598 = arith.index_cast %get3A : i32 to index
      %get3A_599 = arith.index_cast %mul3A_597 : i32 to index
      %get3A_600 = tpu.vector_load %arg4[%get3A_598, %get3A_599] {strides = array<i32>} : memref<26x128xi32, #tpu.memory_space<vmem>>, vector<16xi32>,
      %add3A_601 = arith.constant 238 : i32
      %add3A_602 = vector.broadcast %add3A_601 : i32 to vector<16xi32>
      %add3A_603 = arith.addi %get3A_600, %add3A_602 : vector<16xi32>
      %ge3A = arith.constant 0 : i32
      %ge3A_604 = vector.broadcast %ge3A : i32 to vector<16xi32>
      %ge3A_605 = arith.cmpi sge, %get3A_600, %ge3A_604 : vector<16xi32>
      %lt3A = arith.constant 300 : i32
      %lt3A_606 = vector.broadcast %lt3A : i32 to vector<16xi32>
      %lt3A_607 = arith.cmpi slt, %get3A_600, %lt3A_606 : vector<16xi32>
      %and3A = arith.andi %ge3A_605, %lt3A_607 : vector<16xi1>
      %ge3A_608 = arith.constant 0 : i32
      %ge3A_609 = vector.broadcast %ge3A_608 : i32 to vector<16xi32>
      %ge3A_610 = arith.cmpi sge, %add3A_603, %ge3A_609 : vector<16xi32>
      %and3A_611 = arith.andi %and3A, %ge3A_610 : vector<16xi1>
      %lt3A_612 = arith.constant 488 : i32
      %lt3A_613 = vector.broadcast %lt3A_612 : i32 to vector<16xi32>
      %lt3A_614 = arith.cmpi slt, %add3A_603, %lt3A_613 : vector<16xi32>
      %and3A_615 = arith.andi %and3A_611, %lt3A_614 : vector<16xi1>
      %mul3A_616 = arith.constant 16 : i32
      %mul3A_617 = arith.muli %scan3A_595, %mul3A_616 : i32
      %add3A_618 = vector.broadcast %mul3A_617 : i32 to vector<16xi32>
      %add3A_619 = arith.addi %iota3A, %add3A_618 : vector<16xi32>
      tpu.vector_store_idx %arg5[%add3A_603, %add3A_619], %broadcast_in_dim3A_3 masked %and3A_615 : memref<488x128xf32, #tpu.memory_space<vmem>>[vector<16xi32>, vector<16xi32>], vector<16xf32>, vector<16xi1>
      %scan3A_620 = arith.constant 1 : i32
      %scan3A_621 = arith.addi %scan3A_595, %scan3A_620 : i32
      %mul3A_622 = arith.constant 16 : i32
      %mul3A_623 = arith.muli %scan3A_621, %mul3A_622 : i32
      %get3A_624 = arith.constant 11 : i32
      %get3A_625 = arith.index_cast %get3A_624 : i32 to index
      %get3A_626 = arith.index_cast %mul3A_623 : i32 to index
      %get3A_627 = tpu.vector_load %arg4[%get3A_625, %get3A_626] {strides = array<i32>} : memref<26x128xi32, #tpu.memory_space<vmem>>, vector<16xi32>,
      %add3A_628 = arith.constant 238 : i32
      %add3A_629 = vector.broadcast %add3A_628 : i32 to vector<16xi32>
      %add3A_630 = arith.addi %get3A_627, %add3A_629 : vector<16xi32>
      %ge3A_631 = arith.constant 0 : i32
      %ge3A_632 = vector.broadcast %ge3A_631 : i32 to vector<16xi32>
      %ge3A_633 = arith.cmpi sge, %get3A_627, %ge3A_632 : vector<16xi32>
      %lt3A_634 = arith.constant 300 : i32
      %lt3A_635 = vector.broadcast %lt3A_634 : i32 to vector<16xi32>
      %lt3A_636 = arith.cmpi slt, %get3A_627, %lt3A_635 : vector<16xi32>
      %and3A_637 = arith.andi %ge3A_633, %lt3A_636 : vector<16xi1>
      %ge3A_638 = arith.constant 0 : i32
      %ge3A_639 = vector.broadcast %ge3A_638 : i32 to vector<16xi32>
      %ge3A_640 = arith.cmpi sge, %add3A_630, %ge3A_639 : vector<16xi32>
      %and3A_641 = arith.andi %and3A_637, %ge3A_640 : vector<16xi1>
      %lt3A_642 = arith.constant 488 : i32
      %lt3A_643 = vector.broadcast %lt3A_642 : i32 to vector<16xi32>
      %lt3A_644 = arith.cmpi slt, %add3A_630, %lt3A_643 : vector<16xi32>
      %and3A_645 = arith.andi %and3A_641, %lt3A_644 : vector<16xi1>
      %mul3A_646 = arith.constant 16 : i32
      %mul3A_647 = arith.muli %scan3A_621, %mul3A_646 : i32
      %add3A_648 = vector.broadcast %mul3A_647 : i32 to vector<16xi32>
      %add3A_649 = arith.addi %iota3A, %add3A_648 : vector<16xi32>
      tpu.vector_store_idx %arg5[%add3A_630, %add3A_649], %broadcast_in_dim3A_3 masked %and3A_645 : memref<488x128xf32, #tpu.memory_space<vmem>>[vector<16xi32>, vector<16xi32>], vector<16xf32>, vector<16xi1>
    }
    %scan3A_366 = arith.constant 8 : i32
    %scan3A_367 = arith.constant 0 : i32
    %scan3A_368 = arith.constant 0 : i32
    %scan3A_369 = arith.constant 8 : i32
    %scan3A_370 = arith.addi %scan3A_368, %scan3A_369 : i32
    %scan3A_371 = arith.constant 2 : i32
    scf.for %scan3A_595 = %scan3A_368 to %scan3A_370 step %scan3A_371  : i32 {
      %mul3A_596 = arith.constant 16 : i32
      %mul3A_597 = arith.muli %scan3A_595, %mul3A_596 : i32
      %get3A = arith.constant 17 : i32
      %get3A_598 = arith.index_cast %get3A : i32 to index
      %get3A_599 = arith.index_cast %mul3A_597 : i32 to index
      %get3A_600 = tpu.vector_load %arg4[%get3A_598, %get3A_599] {strides = array<i32>} : memref<26x128xi32, #tpu.memory_space<vmem>>, vector<16xi32>,
      %add3A_601 = arith.constant -58 : i32
      %add3A_602 = vector.broadcast %add3A_601 : i32 to vector<16xi32>
      %add3A_603 = arith.addi %get3A_600, %add3A_602 : vector<16xi32>
      %ge3A = arith.constant 0 : i32
      %ge3A_604 = vector.broadcast %ge3A : i32 to vector<16xi32>
      %ge3A_605 = arith.cmpi sge, %get3A_600, %ge3A_604 : vector<16xi32>
      %lt3A = arith.constant 110 : i32
      %lt3A_606 = vector.broadcast %lt3A : i32 to vector<16xi32>
      %lt3A_607 = arith.cmpi slt, %get3A_600, %lt3A_606 : vector<16xi32>
      %and3A = arith.andi %ge3A_605, %lt3A_607 : vector<16xi1>
      %ge3A_608 = arith.constant 0 : i32
      %ge3A_609 = vector.broadcast %ge3A_608 : i32 to vector<16xi32>
      %ge3A_610 = arith.cmpi sge, %add3A_603, %ge3A_609 : vector<16xi32>
      %and3A_611 = arith.andi %and3A, %ge3A_610 : vector<16xi1>
      %lt3A_612 = arith.constant 488 : i32
      %lt3A_613 = vector.broadcast %lt3A_612 : i32 to vector<16xi32>
      %lt3A_614 = arith.cmpi slt, %add3A_603, %lt3A_613 : vector<16xi32>
      %and3A_615 = arith.andi %and3A_611, %lt3A_614 : vector<16xi1>
      %mul3A_616 = arith.constant 16 : i32
      %mul3A_617 = arith.muli %scan3A_595, %mul3A_616 : i32
      %add3A_618 = vector.broadcast %mul3A_617 : i32 to vector<16xi32>
      %add3A_619 = arith.addi %iota3A, %add3A_618 : vector<16xi32>
      tpu.vector_store_idx %arg5[%add3A_603, %add3A_619], %broadcast_in_dim3A_5 masked %and3A_615 : memref<488x128xf32, #tpu.memory_space<vmem>>[vector<16xi32>, vector<16xi32>], vector<16xf32>, vector<16xi1>
      %scan3A_620 = arith.constant 1 : i32
      %scan3A_621 = arith.addi %scan3A_595, %scan3A_620 : i32
      %mul3A_622 = arith.constant 16 : i32
      %mul3A_623 = arith.muli %scan3A_621, %mul3A_622 : i32
      %get3A_624 = arith.constant 17 : i32
      %get3A_625 = arith.index_cast %get3A_624 : i32 to index
      %get3A_626 = arith.index_cast %mul3A_623 : i32 to index
      %get3A_627 = tpu.vector_load %arg4[%get3A_625, %get3A_626] {strides = array<i32>} : memref<26x128xi32, #tpu.memory_space<vmem>>, vector<16xi32>,
      %add3A_628 = arith.constant -58 : i32
      %add3A_629 = vector.broadcast %add3A_628 : i32 to vector<16xi32>
      %add3A_630 = arith.addi %get3A_627, %add3A_629 : vector<16xi32>
      %ge3A_631 = arith.constant 0 : i32
      %ge3A_632 = vector.broadcast %ge3A_631 : i32 to vector<16xi32>
      %ge3A_633 = arith.cmpi sge, %get3A_627, %ge3A_632 : vector<16xi32>
      %lt3A_634 = arith.constant 110 : i32
      %lt3A_635 = vector.broadcast %lt3A_634 : i32 to vector<16xi32>
      %lt3A_636 = arith.cmpi slt, %get3A_627, %lt3A_635 : vector<16xi32>
      %and3A_637 = arith.andi %ge3A_633, %lt3A_636 : vector<16xi1>
      %ge3A_638 = arith.constant 0 : i32
      %ge3A_639 = vector.broadcast %ge3A_638 : i32 to vector<16xi32>
      %ge3A_640 = arith.cmpi sge, %add3A_630, %ge3A_639 : vector<16xi32>
      %and3A_641 = arith.andi %and3A_637, %ge3A_640 : vector<16xi1>
      %lt3A_642 = arith.constant 488 : i32
      %lt3A_643 = vector.broadcast %lt3A_642 : i32 to vector<16xi32>
      %lt3A_644 = arith.cmpi slt, %add3A_630, %lt3A_643 : vector<16xi32>
      %and3A_645 = arith.andi %and3A_641, %lt3A_644 : vector<16xi1>
      %mul3A_646 = arith.constant 16 : i32
      %mul3A_647 = arith.muli %scan3A_621, %mul3A_646 : i32
      %add3A_648 = vector.broadcast %mul3A_647 : i32 to vector<16xi32>
      %add3A_649 = arith.addi %iota3A, %add3A_648 : vector<16xi32>
      tpu.vector_store_idx %arg5[%add3A_630, %add3A_649], %broadcast_in_dim3A_5 masked %and3A_645 : memref<488x128xf32, #tpu.memory_space<vmem>>[vector<16xi32>, vector<16xi32>], vector<16xf32>, vector<16xi1>
    }
    %scan3A_372 = arith.constant 8 : i32
    %scan3A_373 = arith.constant 0 : i32
    %scan3A_374 = arith.constant 0 : i32
    %scan3A_375 = arith.constant 8 : i32
    %scan3A_376 = arith.addi %scan3A_374, %scan3A_375 : i32
    %scan3A_377 = arith.constant 2 : i32
    scf.for %scan3A_595 = %scan3A_374 to %scan3A_376 step %scan3A_377  : i32 {
      %mul3A_596 = arith.constant 16 : i32
      %mul3A_597 = arith.muli %scan3A_595, %mul3A_596 : i32
      %get3A = arith.constant 18 : i32
      %get3A_598 = arith.index_cast %get3A : i32 to index
      %get3A_599 = arith.index_cast %mul3A_597 : i32 to index
      %get3A_600 = tpu.vector_load %arg4[%get3A_598, %get3A_599] {strides = array<i32>} : memref<26x128xi32, #tpu.memory_space<vmem>>, vector<16xi32>,
      %add3A_601 = arith.constant 52 : i32
      %add3A_602 = vector.broadcast %add3A_601 : i32 to vector<16xi32>
      %add3A_603 = arith.addi %get3A_600, %add3A_602 : vector<16xi32>
      %ge3A = arith.constant 0 : i32
      %ge3A_604 = vector.broadcast %ge3A : i32 to vector<16xi32>
      %ge3A_605 = arith.cmpi sge, %get3A_600, %ge3A_604 : vector<16xi32>
      %lt3A = arith.constant 35 : i32
      %lt3A_606 = vector.broadcast %lt3A : i32 to vector<16xi32>
      %lt3A_607 = arith.cmpi slt, %get3A_600, %lt3A_606 : vector<16xi32>
      %and3A = arith.andi %ge3A_605, %lt3A_607 : vector<16xi1>
      %ge3A_608 = arith.constant 0 : i32
      %ge3A_609 = vector.broadcast %ge3A_608 : i32 to vector<16xi32>
      %ge3A_610 = arith.cmpi sge, %add3A_603, %ge3A_609 : vector<16xi32>
      %and3A_611 = arith.andi %and3A, %ge3A_610 : vector<16xi1>
      %lt3A_612 = arith.constant 488 : i32
      %lt3A_613 = vector.broadcast %lt3A_612 : i32 to vector<16xi32>
      %lt3A_614 = arith.cmpi slt, %add3A_603, %lt3A_613 : vector<16xi32>
      %and3A_615 = arith.andi %and3A_611, %lt3A_614 : vector<16xi1>
      %mul3A_616 = arith.constant 16 : i32
      %mul3A_617 = arith.muli %scan3A_595, %mul3A_616 : i32
      %add3A_618 = vector.broadcast %mul3A_617 : i32 to vector<16xi32>
      %add3A_619 = arith.addi %iota3A, %add3A_618 : vector<16xi32>
      tpu.vector_store_idx %arg5[%add3A_603, %add3A_619], %broadcast_in_dim3A_5 masked %and3A_615 : memref<488x128xf32, #tpu.memory_space<vmem>>[vector<16xi32>, vector<16xi32>], vector<16xf32>, vector<16xi1>
      %scan3A_620 = arith.constant 1 : i32
      %scan3A_621 = arith.addi %scan3A_595, %scan3A_620 : i32
      %mul3A_622 = arith.constant 16 : i32
      %mul3A_623 = arith.muli %scan3A_621, %mul3A_622 : i32
      %get3A_624 = arith.constant 18 : i32
      %get3A_625 = arith.index_cast %get3A_624 : i32 to index
      %get3A_626 = arith.index_cast %mul3A_623 : i32 to index
      %get3A_627 = tpu.vector_load %arg4[%get3A_625, %get3A_626] {strides = array<i32>} : memref<26x128xi32, #tpu.memory_space<vmem>>, vector<16xi32>,
      %add3A_628 = arith.constant 52 : i32
      %add3A_629 = vector.broadcast %add3A_628 : i32 to vector<16xi32>
      %add3A_630 = arith.addi %get3A_627, %add3A_629 : vector<16xi32>
      %ge3A_631 = arith.constant 0 : i32
      %ge3A_632 = vector.broadcast %ge3A_631 : i32 to vector<16xi32>
      %ge3A_633 = arith.cmpi sge, %get3A_627, %ge3A_632 : vector<16xi32>
      %lt3A_634 = arith.constant 35 : i32
      %lt3A_635 = vector.broadcast %lt3A_634 : i32 to vector<16xi32>
      %lt3A_636 = arith.cmpi slt, %get3A_627, %lt3A_635 : vector<16xi32>
      %and3A_637 = arith.andi %ge3A_633, %lt3A_636 : vector<16xi1>
      %ge3A_638 = arith.constant 0 : i32
      %ge3A_639 = vector.broadcast %ge3A_638 : i32 to vector<16xi32>
      %ge3A_640 = arith.cmpi sge, %add3A_630, %ge3A_639 : vector<16xi32>
      %and3A_641 = arith.andi %and3A_637, %ge3A_640 : vector<16xi1>
      %lt3A_642 = arith.constant 488 : i32
      %lt3A_643 = vector.broadcast %lt3A_642 : i32 to vector<16xi32>
      %lt3A_644 = arith.cmpi slt, %add3A_630, %lt3A_643 : vector<16xi32>
      %and3A_645 = arith.andi %and3A_641, %lt3A_644 : vector<16xi1>
      %mul3A_646 = arith.constant 16 : i32
      %mul3A_647 = arith.muli %scan3A_621, %mul3A_646 : i32
      %add3A_648 = vector.broadcast %mul3A_647 : i32 to vector<16xi32>
      %add3A_649 = arith.addi %iota3A, %add3A_648 : vector<16xi32>
      tpu.vector_store_idx %arg5[%add3A_630, %add3A_649], %broadcast_in_dim3A_5 masked %and3A_645 : memref<488x128xf32, #tpu.memory_space<vmem>>[vector<16xi32>, vector<16xi32>], vector<16xf32>, vector<16xi1>
    }
    %scan3A_378 = arith.constant 8 : i32
    %scan3A_379 = arith.constant 0 : i32
    %scan3A_380 = arith.constant 0 : i32
    %scan3A_381 = arith.constant 8 : i32
    %scan3A_382 = arith.addi %scan3A_380, %scan3A_381 : i32
    %scan3A_383 = arith.constant 2 : i32
    scf.for %scan3A_595 = %scan3A_380 to %scan3A_382 step %scan3A_383  : i32 {
      %mul3A_596 = arith.constant 16 : i32
      %mul3A_597 = arith.muli %scan3A_595, %mul3A_596 : i32
      %get3A = arith.constant 19 : i32
      %get3A_598 = arith.index_cast %get3A : i32 to index
      %get3A_599 = arith.index_cast %mul3A_597 : i32 to index
      %get3A_600 = tpu.vector_load %arg4[%get3A_598, %get3A_599] {strides = array<i32>} : memref<26x128xi32, #tpu.memory_space<vmem>>, vector<16xi32>,
      %add3A_601 = arith.constant 87 : i32
      %add3A_602 = vector.broadcast %add3A_601 : i32 to vector<16xi32>
      %add3A_603 = arith.addi %get3A_600, %add3A_602 : vector<16xi32>
      %ge3A = arith.constant 0 : i32
      %ge3A_604 = vector.broadcast %ge3A : i32 to vector<16xi32>
      %ge3A_605 = arith.cmpi sge, %get3A_600, %ge3A_604 : vector<16xi32>
      %lt3A = arith.constant 250 : i32
      %lt3A_606 = vector.broadcast %lt3A : i32 to vector<16xi32>
      %lt3A_607 = arith.cmpi slt, %get3A_600, %lt3A_606 : vector<16xi32>
      %and3A = arith.andi %ge3A_605, %lt3A_607 : vector<16xi1>
      %ge3A_608 = arith.constant 0 : i32
      %ge3A_609 = vector.broadcast %ge3A_608 : i32 to vector<16xi32>
      %ge3A_610 = arith.cmpi sge, %add3A_603, %ge3A_609 : vector<16xi32>
      %and3A_611 = arith.andi %and3A, %ge3A_610 : vector<16xi1>
      %lt3A_612 = arith.constant 488 : i32
      %lt3A_613 = vector.broadcast %lt3A_612 : i32 to vector<16xi32>
      %lt3A_614 = arith.cmpi slt, %add3A_603, %lt3A_613 : vector<16xi32>
      %and3A_615 = arith.andi %and3A_611, %lt3A_614 : vector<16xi1>
      %mul3A_616 = arith.constant 16 : i32
      %mul3A_617 = arith.muli %scan3A_595, %mul3A_616 : i32
      %add3A_618 = vector.broadcast %mul3A_617 : i32 to vector<16xi32>
      %add3A_619 = arith.addi %iota3A, %add3A_618 : vector<16xi32>
      tpu.vector_store_idx %arg5[%add3A_603, %add3A_619], %broadcast_in_dim3A_5 masked %and3A_615 : memref<488x128xf32, #tpu.memory_space<vmem>>[vector<16xi32>, vector<16xi32>], vector<16xf32>, vector<16xi1>
      %scan3A_620 = arith.constant 1 : i32
      %scan3A_621 = arith.addi %scan3A_595, %scan3A_620 : i32
      %mul3A_622 = arith.constant 16 : i32
      %mul3A_623 = arith.muli %scan3A_621, %mul3A_622 : i32
      %get3A_624 = arith.constant 19 : i32
      %get3A_625 = arith.index_cast %get3A_624 : i32 to index
      %get3A_626 = arith.index_cast %mul3A_623 : i32 to index
      %get3A_627 = tpu.vector_load %arg4[%get3A_625, %get3A_626] {strides = array<i32>} : memref<26x128xi32, #tpu.memory_space<vmem>>, vector<16xi32>,
      %add3A_628 = arith.constant 87 : i32
      %add3A_629 = vector.broadcast %add3A_628 : i32 to vector<16xi32>
      %add3A_630 = arith.addi %get3A_627, %add3A_629 : vector<16xi32>
      %ge3A_631 = arith.constant 0 : i32
      %ge3A_632 = vector.broadcast %ge3A_631 : i32 to vector<16xi32>
      %ge3A_633 = arith.cmpi sge, %get3A_627, %ge3A_632 : vector<16xi32>
      %lt3A_634 = arith.constant 250 : i32
      %lt3A_635 = vector.broadcast %lt3A_634 : i32 to vector<16xi32>
      %lt3A_636 = arith.cmpi slt, %get3A_627, %lt3A_635 : vector<16xi32>
      %and3A_637 = arith.andi %ge3A_633, %lt3A_636 : vector<16xi1>
      %ge3A_638 = arith.constant 0 : i32
      %ge3A_639 = vector.broadcast %ge3A_638 : i32 to vector<16xi32>
      %ge3A_640 = arith.cmpi sge, %add3A_630, %ge3A_639 : vector<16xi32>
      %and3A_641 = arith.andi %and3A_637, %ge3A_640 : vector<16xi1>
      %lt3A_642 = arith.constant 488 : i32
      %lt3A_643 = vector.broadcast %lt3A_642 : i32 to vector<16xi32>
      %lt3A_644 = arith.cmpi slt, %add3A_630, %lt3A_643 : vector<16xi32>
      %and3A_645 = arith.andi %and3A_641, %lt3A_644 : vector<16xi1>
      %mul3A_646 = arith.constant 16 : i32
      %mul3A_647 = arith.muli %scan3A_621, %mul3A_646 : i32
      %add3A_648 = vector.broadcast %mul3A_647 : i32 to vector<16xi32>
      %add3A_649 = arith.addi %iota3A, %add3A_648 : vector<16xi32>
      tpu.vector_store_idx %arg5[%add3A_630, %add3A_649], %broadcast_in_dim3A_5 masked %and3A_645 : memref<488x128xf32, #tpu.memory_space<vmem>>[vector<16xi32>, vector<16xi32>], vector<16xf32>, vector<16xi1>
    }
    %scan3A_384 = arith.constant 8 : i32
    %scan3A_385 = arith.constant 0 : i32
    %scan3A_386 = arith.constant 0 : i32
    %scan3A_387 = arith.constant 8 : i32
    %scan3A_388 = arith.addi %scan3A_386, %scan3A_387 : i32
    %scan3A_389 = arith.constant 2 : i32
    scf.for %scan3A_595 = %scan3A_386 to %scan3A_388 step %scan3A_389  : i32 {
      %mul3A_596 = arith.constant 16 : i32
      %mul3A_597 = arith.muli %scan3A_595, %mul3A_596 : i32
      %get3A = arith.constant 20 : i32
      %get3A_598 = arith.index_cast %get3A : i32 to index
      %get3A_599 = arith.index_cast %mul3A_597 : i32 to index
      %get3A_600 = tpu.vector_load %arg4[%get3A_598, %get3A_599] {strides = array<i32>} : memref<26x128xi32, #tpu.memory_space<vmem>>, vector<16xi32>,
      %add3A_601 = arith.constant 337 : i32
      %add3A_602 = vector.broadcast %add3A_601 : i32 to vector<16xi32>
      %add3A_603 = arith.addi %get3A_600, %add3A_602 : vector<16xi32>
      %ge3A = arith.constant 0 : i32
      %ge3A_604 = vector.broadcast %ge3A : i32 to vector<16xi32>
      %ge3A_605 = arith.cmpi sge, %get3A_600, %ge3A_604 : vector<16xi32>
      %lt3A = arith.constant 15 : i32
      %lt3A_606 = vector.broadcast %lt3A : i32 to vector<16xi32>
      %lt3A_607 = arith.cmpi slt, %get3A_600, %lt3A_606 : vector<16xi32>
      %and3A = arith.andi %ge3A_605, %lt3A_607 : vector<16xi1>
      %ge3A_608 = arith.constant 0 : i32
      %ge3A_609 = vector.broadcast %ge3A_608 : i32 to vector<16xi32>
      %ge3A_610 = arith.cmpi sge, %add3A_603, %ge3A_609 : vector<16xi32>
      %and3A_611 = arith.andi %and3A, %ge3A_610 : vector<16xi1>
      %lt3A_612 = arith.constant 488 : i32
      %lt3A_613 = vector.broadcast %lt3A_612 : i32 to vector<16xi32>
      %lt3A_614 = arith.cmpi slt, %add3A_603, %lt3A_613 : vector<16xi32>
      %and3A_615 = arith.andi %and3A_611, %lt3A_614 : vector<16xi1>
      %mul3A_616 = arith.constant 16 : i32
      %mul3A_617 = arith.muli %scan3A_595, %mul3A_616 : i32
      %add3A_618 = vector.broadcast %mul3A_617 : i32 to vector<16xi32>
      %add3A_619 = arith.addi %iota3A, %add3A_618 : vector<16xi32>
      tpu.vector_store_idx %arg5[%add3A_603, %add3A_619], %broadcast_in_dim3A_5 masked %and3A_615 : memref<488x128xf32, #tpu.memory_space<vmem>>[vector<16xi32>, vector<16xi32>], vector<16xf32>, vector<16xi1>
      %scan3A_620 = arith.constant 1 : i32
      %scan3A_621 = arith.addi %scan3A_595, %scan3A_620 : i32
      %mul3A_622 = arith.constant 16 : i32
      %mul3A_623 = arith.muli %scan3A_621, %mul3A_622 : i32
      %get3A_624 = arith.constant 20 : i32
      %get3A_625 = arith.index_cast %get3A_624 : i32 to index
      %get3A_626 = arith.index_cast %mul3A_623 : i32 to index
      %get3A_627 = tpu.vector_load %arg4[%get3A_625, %get3A_626] {strides = array<i32>} : memref<26x128xi32, #tpu.memory_space<vmem>>, vector<16xi32>,
      %add3A_628 = arith.constant 337 : i32
      %add3A_629 = vector.broadcast %add3A_628 : i32 to vector<16xi32>
      %add3A_630 = arith.addi %get3A_627, %add3A_629 : vector<16xi32>
      %ge3A_631 = arith.constant 0 : i32
      %ge3A_632 = vector.broadcast %ge3A_631 : i32 to vector<16xi32>
      %ge3A_633 = arith.cmpi sge, %get3A_627, %ge3A_632 : vector<16xi32>
      %lt3A_634 = arith.constant 15 : i32
      %lt3A_635 = vector.broadcast %lt3A_634 : i32 to vector<16xi32>
      %lt3A_636 = arith.cmpi slt, %get3A_627, %lt3A_635 : vector<16xi32>
      %and3A_637 = arith.andi %ge3A_633, %lt3A_636 : vector<16xi1>
      %ge3A_638 = arith.constant 0 : i32
      %ge3A_639 = vector.broadcast %ge3A_638 : i32 to vector<16xi32>
      %ge3A_640 = arith.cmpi sge, %add3A_630, %ge3A_639 : vector<16xi32>
      %and3A_641 = arith.andi %and3A_637, %ge3A_640 : vector<16xi1>
      %lt3A_642 = arith.constant 488 : i32
      %lt3A_643 = vector.broadcast %lt3A_642 : i32 to vector<16xi32>
      %lt3A_644 = arith.cmpi slt, %add3A_630, %lt3A_643 : vector<16xi32>
      %and3A_645 = arith.andi %and3A_641, %lt3A_644 : vector<16xi1>
      %mul3A_646 = arith.constant 16 : i32
      %mul3A_647 = arith.muli %scan3A_621, %mul3A_646 : i32
      %add3A_648 = vector.broadcast %mul3A_647 : i32 to vector<16xi32>
      %add3A_649 = arith.addi %iota3A, %add3A_648 : vector<16xi32>
      tpu.vector_store_idx %arg5[%add3A_630, %add3A_649], %broadcast_in_dim3A_5 masked %and3A_645 : memref<488x128xf32, #tpu.memory_space<vmem>>[vector<16xi32>, vector<16xi32>], vector<16xf32>, vector<16xi1>
    }
    %scan3A_390 = arith.constant 8 : i32
    %scan3A_391 = arith.constant 0 : i32
    %scan3A_392 = arith.constant 0 : i32
    %scan3A_393 = arith.constant 8 : i32
    %scan3A_394 = arith.addi %scan3A_392, %scan3A_393 : i32
    %scan3A_395 = arith.constant 2 : i32
    scf.for %scan3A_595 = %scan3A_392 to %scan3A_394 step %scan3A_395  : i32 {
      %mul3A_596 = arith.constant 16 : i32
      %mul3A_597 = arith.muli %scan3A_595, %mul3A_596 : i32
      %get3A = arith.constant 21 : i32
      %get3A_598 = arith.index_cast %get3A : i32 to index
      %get3A_599 = arith.index_cast %mul3A_597 : i32 to index
      %get3A_600 = tpu.vector_load %arg4[%get3A_598, %get3A_599] {strides = array<i32>} : memref<26x128xi32, #tpu.memory_space<vmem>>, vector<16xi32>,
      %add3A_601 = arith.constant 352 : i32
      %add3A_602 = vector.broadcast %add3A_601 : i32 to vector<16xi32>
      %add3A_603 = arith.addi %get3A_600, %add3A_602 : vector<16xi32>
      %ge3A = arith.constant 0 : i32
      %ge3A_604 = vector.broadcast %ge3A : i32 to vector<16xi32>
      %ge3A_605 = arith.cmpi sge, %get3A_600, %ge3A_604 : vector<16xi32>
      %lt3A = arith.constant 400 : i32
      %lt3A_606 = vector.broadcast %lt3A : i32 to vector<16xi32>
      %lt3A_607 = arith.cmpi slt, %get3A_600, %lt3A_606 : vector<16xi32>
      %and3A = arith.andi %ge3A_605, %lt3A_607 : vector<16xi1>
      %ge3A_608 = arith.constant 0 : i32
      %ge3A_609 = vector.broadcast %ge3A_608 : i32 to vector<16xi32>
      %ge3A_610 = arith.cmpi sge, %add3A_603, %ge3A_609 : vector<16xi32>
      %and3A_611 = arith.andi %and3A, %ge3A_610 : vector<16xi1>
      %lt3A_612 = arith.constant 488 : i32
      %lt3A_613 = vector.broadcast %lt3A_612 : i32 to vector<16xi32>
      %lt3A_614 = arith.cmpi slt, %add3A_603, %lt3A_613 : vector<16xi32>
      %and3A_615 = arith.andi %and3A_611, %lt3A_614 : vector<16xi1>
      %mul3A_616 = arith.constant 16 : i32
      %mul3A_617 = arith.muli %scan3A_595, %mul3A_616 : i32
      %add3A_618 = vector.broadcast %mul3A_617 : i32 to vector<16xi32>
      %add3A_619 = arith.addi %iota3A, %add3A_618 : vector<16xi32>
      tpu.vector_store_idx %arg5[%add3A_603, %add3A_619], %broadcast_in_dim3A_5 masked %and3A_615 : memref<488x128xf32, #tpu.memory_space<vmem>>[vector<16xi32>, vector<16xi32>], vector<16xf32>, vector<16xi1>
      %scan3A_620 = arith.constant 1 : i32
      %scan3A_621 = arith.addi %scan3A_595, %scan3A_620 : i32
      %mul3A_622 = arith.constant 16 : i32
      %mul3A_623 = arith.muli %scan3A_621, %mul3A_622 : i32
      %get3A_624 = arith.constant 21 : i32
      %get3A_625 = arith.index_cast %get3A_624 : i32 to index
      %get3A_626 = arith.index_cast %mul3A_623 : i32 to index
      %get3A_627 = tpu.vector_load %arg4[%get3A_625, %get3A_626] {strides = array<i32>} : memref<26x128xi32, #tpu.memory_space<vmem>>, vector<16xi32>,
      %add3A_628 = arith.constant 352 : i32
      %add3A_629 = vector.broadcast %add3A_628 : i32 to vector<16xi32>
      %add3A_630 = arith.addi %get3A_627, %add3A_629 : vector<16xi32>
      %ge3A_631 = arith.constant 0 : i32
      %ge3A_632 = vector.broadcast %ge3A_631 : i32 to vector<16xi32>
      %ge3A_633 = arith.cmpi sge, %get3A_627, %ge3A_632 : vector<16xi32>
      %lt3A_634 = arith.constant 400 : i32
      %lt3A_635 = vector.broadcast %lt3A_634 : i32 to vector<16xi32>
      %lt3A_636 = arith.cmpi slt, %get3A_627, %lt3A_635 : vector<16xi32>
      %and3A_637 = arith.andi %ge3A_633, %lt3A_636 : vector<16xi1>
      %ge3A_638 = arith.constant 0 : i32
      %ge3A_639 = vector.broadcast %ge3A_638 : i32 to vector<16xi32>
      %ge3A_640 = arith.cmpi sge, %add3A_630, %ge3A_639 : vector<16xi32>
      %and3A_641 = arith.andi %and3A_637, %ge3A_640 : vector<16xi1>
      %lt3A_642 = arith.constant 488 : i32
      %lt3A_643 = vector.broadcast %lt3A_642 : i32 to vector<16xi32>
      %lt3A_644 = arith.cmpi slt, %add3A_630, %lt3A_643 : vector<16xi32>
      %and3A_645 = arith.andi %and3A_641, %lt3A_644 : vector<16xi1>
      %mul3A_646 = arith.constant 16 : i32
      %mul3A_647 = arith.muli %scan3A_621, %mul3A_646 : i32
      %add3A_648 = vector.broadcast %mul3A_647 : i32 to vector<16xi32>
      %add3A_649 = arith.addi %iota3A, %add3A_648 : vector<16xi32>
      tpu.vector_store_idx %arg5[%add3A_630, %add3A_649], %broadcast_in_dim3A_5 masked %and3A_645 : memref<488x128xf32, #tpu.memory_space<vmem>>[vector<16xi32>, vector<16xi32>], vector<16xf32>, vector<16xi1>
    }
    %scan3A_396 = arith.constant 8 : i32
    %dma_start3A_397 = arith.constant 0 : i32
    %dma_start3A_398 = arith.constant 0 : i32
    %dma_start3A_399 = tpu.memref_slice %arg5[%dma_start3A_397, %dma_start3A_398] : memref<488x128xf32, #tpu.memory_space<vmem>> -> memref<488x128xf32, #tpu.memory_space<vmem>>
    %dma_start3A_400 = arith.constant 2928 : i32
    %dma_start3A_401 = tpu.memref_slice %arg3[%dma_start3A_400, %mul3A_2] : memref<3950x4096xf32, #tpu.memory_space<hbm>> -> memref<488x128xf32, #tpu.memory_space<hbm>>
    %dma_start3A_402 = arith.constant 2928 : i32
    %dma_start3A_403 = tpu.memref_slice %arg3[%dma_start3A_402, %mul3A_2] : memref<3950x4096xf32, #tpu.memory_space<hbm>> -> memref<488x128xf32, #tpu.memory_space<hbm>>
    %dma_start3A_404 = arith.constant 0 : i32
    %dma_start3A_405 = arith.constant 0 : i32
    %dma_start3A_406 = tpu.memref_slice %arg5[%dma_start3A_404, %dma_start3A_405] : memref<488x128xf32, #tpu.memory_space<vmem>> -> memref<488x128xf32, #tpu.memory_space<vmem>>
    tpu.enqueue_dma source(%dma_start3A_406 : memref<488x128xf32, #tpu.memory_space<vmem>>) target(%dma_start3A_403 : memref<488x128xf32, #tpu.memory_space<hbm>>) target_semaphore(%arg7 : memref<!tpu.dma_semaphore, #tpu.memory_space<semaphore_mem>>)
    %dma_wait3A_407 = arith.constant 0 : i32
    %dma_wait3A_408 = arith.constant 0 : i32
    %dma_wait3A_409 = tpu.memref_slice %arg6[%dma_wait3A_407, %dma_wait3A_408] : memref<488x128xf32, #tpu.memory_space<vmem>> -> memref<488x128xf32, #tpu.memory_space<vmem>>
    %dma_wait3A_410 = arith.constant 2440 : i32
    %dma_wait3A_411 = tpu.memref_slice %arg3[%dma_wait3A_410, %mul3A_2] : memref<3950x4096xf32, #tpu.memory_space<hbm>> -> memref<488x128xf32, #tpu.memory_space<hbm>>
    %dma_wait3A_412 = arith.constant 2440 : i32
    %dma_wait3A_413 = tpu.memref_slice %arg3[%dma_wait3A_412, %mul3A_2] : memref<3950x4096xf32, #tpu.memory_space<hbm>> -> memref<488x128xf32, #tpu.memory_space<hbm>>
    %dma_wait3A_414 = arith.constant 0 : i32
    %dma_wait3A_415 = arith.constant 0 : i32
    %dma_wait3A_416 = tpu.memref_slice %arg6[%dma_wait3A_414, %dma_wait3A_415] : memref<488x128xf32, #tpu.memory_space<vmem>> -> memref<488x128xf32, #tpu.memory_space<vmem>>
    tpu.wait_dma2 semaphore(%arg8 : memref<!tpu.dma_semaphore, #tpu.memory_space<semaphore_mem>>) src(%dma_wait3A_416 : memref<488x128xf32, #tpu.memory_space<vmem>>) dst(%dma_wait3A_413 : memref<488x128xf32, #tpu.memory_space<hbm>>)
    %scan3A_417 = arith.constant 0 : i32
    %scan3A_418 = arith.constant 0 : i32
    %scan3A_419 = arith.constant 8 : i32
    %scan3A_420 = arith.addi %scan3A_418, %scan3A_419 : i32
    %scan3A_421 = arith.constant 2 : i32
    scf.for %scan3A_595 = %scan3A_418 to %scan3A_420 step %scan3A_421  : i32 {
      %mul3A_596 = arith.constant 16 : i32
      %mul3A_597 = arith.muli %scan3A_595, %mul3A_596 : i32
      %get3A = arith.constant 11 : i32
      %get3A_598 = arith.index_cast %get3A : i32 to index
      %get3A_599 = arith.index_cast %mul3A_597 : i32 to index
      %get3A_600 = tpu.vector_load %arg4[%get3A_598, %get3A_599] {strides = array<i32>} : memref<26x128xi32, #tpu.memory_space<vmem>>, vector<16xi32>,
      %add3A_601 = arith.constant -250 : i32
      %add3A_602 = vector.broadcast %add3A_601 : i32 to vector<16xi32>
      %add3A_603 = arith.addi %get3A_600, %add3A_602 : vector<16xi32>
      %ge3A = arith.constant 0 : i32
      %ge3A_604 = vector.broadcast %ge3A : i32 to vector<16xi32>
      %ge3A_605 = arith.cmpi sge, %get3A_600, %ge3A_604 : vector<16xi32>
      %lt3A = arith.constant 300 : i32
      %lt3A_606 = vector.broadcast %lt3A : i32 to vector<16xi32>
      %lt3A_607 = arith.cmpi slt, %get3A_600, %lt3A_606 : vector<16xi32>
      %and3A = arith.andi %ge3A_605, %lt3A_607 : vector<16xi1>
      %ge3A_608 = arith.constant 0 : i32
      %ge3A_609 = vector.broadcast %ge3A_608 : i32 to vector<16xi32>
      %ge3A_610 = arith.cmpi sge, %add3A_603, %ge3A_609 : vector<16xi32>
      %and3A_611 = arith.andi %and3A, %ge3A_610 : vector<16xi1>
      %lt3A_612 = arith.constant 488 : i32
      %lt3A_613 = vector.broadcast %lt3A_612 : i32 to vector<16xi32>
      %lt3A_614 = arith.cmpi slt, %add3A_603, %lt3A_613 : vector<16xi32>
      %and3A_615 = arith.andi %and3A_611, %lt3A_614 : vector<16xi1>
      %mul3A_616 = arith.constant 16 : i32
      %mul3A_617 = arith.muli %scan3A_595, %mul3A_616 : i32
      %add3A_618 = vector.broadcast %mul3A_617 : i32 to vector<16xi32>
      %add3A_619 = arith.addi %iota3A, %add3A_618 : vector<16xi32>
      tpu.vector_store_idx %arg6[%add3A_603, %add3A_619], %broadcast_in_dim3A_3 masked %and3A_615 : memref<488x128xf32, #tpu.memory_space<vmem>>[vector<16xi32>, vector<16xi32>], vector<16xf32>, vector<16xi1>
      %scan3A_620 = arith.constant 1 : i32
      %scan3A_621 = arith.addi %scan3A_595, %scan3A_620 : i32
      %mul3A_622 = arith.constant 16 : i32
      %mul3A_623 = arith.muli %scan3A_621, %mul3A_622 : i32
      %get3A_624 = arith.constant 11 : i32
      %get3A_625 = arith.index_cast %get3A_624 : i32 to index
      %get3A_626 = arith.index_cast %mul3A_623 : i32 to index
      %get3A_627 = tpu.vector_load %arg4[%get3A_625, %get3A_626] {strides = array<i32>} : memref<26x128xi32, #tpu.memory_space<vmem>>, vector<16xi32>,
      %add3A_628 = arith.constant -250 : i32
      %add3A_629 = vector.broadcast %add3A_628 : i32 to vector<16xi32>
      %add3A_630 = arith.addi %get3A_627, %add3A_629 : vector<16xi32>
      %ge3A_631 = arith.constant 0 : i32
      %ge3A_632 = vector.broadcast %ge3A_631 : i32 to vector<16xi32>
      %ge3A_633 = arith.cmpi sge, %get3A_627, %ge3A_632 : vector<16xi32>
      %lt3A_634 = arith.constant 300 : i32
      %lt3A_635 = vector.broadcast %lt3A_634 : i32 to vector<16xi32>
      %lt3A_636 = arith.cmpi slt, %get3A_627, %lt3A_635 : vector<16xi32>
      %and3A_637 = arith.andi %ge3A_633, %lt3A_636 : vector<16xi1>
      %ge3A_638 = arith.constant 0 : i32
      %ge3A_639 = vector.broadcast %ge3A_638 : i32 to vector<16xi32>
      %ge3A_640 = arith.cmpi sge, %add3A_630, %ge3A_639 : vector<16xi32>
      %and3A_641 = arith.andi %and3A_637, %ge3A_640 : vector<16xi1>
      %lt3A_642 = arith.constant 488 : i32
      %lt3A_643 = vector.broadcast %lt3A_642 : i32 to vector<16xi32>
      %lt3A_644 = arith.cmpi slt, %add3A_630, %lt3A_643 : vector<16xi32>
      %and3A_645 = arith.andi %and3A_641, %lt3A_644 : vector<16xi1>
      %mul3A_646 = arith.constant 16 : i32
      %mul3A_647 = arith.muli %scan3A_621, %mul3A_646 : i32
      %add3A_648 = vector.broadcast %mul3A_647 : i32 to vector<16xi32>
      %add3A_649 = arith.addi %iota3A, %add3A_648 : vector<16xi32>
      tpu.vector_store_idx %arg6[%add3A_630, %add3A_649], %broadcast_in_dim3A_3 masked %and3A_645 : memref<488x128xf32, #tpu.memory_space<vmem>>[vector<16xi32>, vector<16xi32>], vector<16xf32>, vector<16xi1>
    }
    %scan3A_422 = arith.constant 8 : i32
    %scan3A_423 = arith.constant 0 : i32
    %scan3A_424 = arith.constant 0 : i32
    %scan3A_425 = arith.constant 8 : i32
    %scan3A_426 = arith.addi %scan3A_424, %scan3A_425 : i32
    %scan3A_427 = arith.constant 2 : i32
    scf.for %scan3A_595 = %scan3A_424 to %scan3A_426 step %scan3A_427  : i32 {
      %mul3A_596 = arith.constant 16 : i32
      %mul3A_597 = arith.muli %scan3A_595, %mul3A_596 : i32
      %get3A = arith.constant 12 : i32
      %get3A_598 = arith.index_cast %get3A : i32 to index
      %get3A_599 = arith.index_cast %mul3A_597 : i32 to index
      %get3A_600 = tpu.vector_load %arg4[%get3A_598, %get3A_599] {strides = array<i32>} : memref<26x128xi32, #tpu.memory_space<vmem>>, vector<16xi32>,
      %add3A_601 = arith.constant 50 : i32
      %add3A_602 = vector.broadcast %add3A_601 : i32 to vector<16xi32>
      %add3A_603 = arith.addi %get3A_600, %add3A_602 : vector<16xi32>
      %ge3A = arith.constant 0 : i32
      %ge3A_604 = vector.broadcast %ge3A : i32 to vector<16xi32>
      %ge3A_605 = arith.cmpi sge, %get3A_600, %ge3A_604 : vector<16xi32>
      %lt3A = arith.constant 25 : i32
      %lt3A_606 = vector.broadcast %lt3A : i32 to vector<16xi32>
      %lt3A_607 = arith.cmpi slt, %get3A_600, %lt3A_606 : vector<16xi32>
      %and3A = arith.andi %ge3A_605, %lt3A_607 : vector<16xi1>
      %ge3A_608 = arith.constant 0 : i32
      %ge3A_609 = vector.broadcast %ge3A_608 : i32 to vector<16xi32>
      %ge3A_610 = arith.cmpi sge, %add3A_603, %ge3A_609 : vector<16xi32>
      %and3A_611 = arith.andi %and3A, %ge3A_610 : vector<16xi1>
      %lt3A_612 = arith.constant 488 : i32
      %lt3A_613 = vector.broadcast %lt3A_612 : i32 to vector<16xi32>
      %lt3A_614 = arith.cmpi slt, %add3A_603, %lt3A_613 : vector<16xi32>
      %and3A_615 = arith.andi %and3A_611, %lt3A_614 : vector<16xi1>
      %mul3A_616 = arith.constant 16 : i32
      %mul3A_617 = arith.muli %scan3A_595, %mul3A_616 : i32
      %add3A_618 = vector.broadcast %mul3A_617 : i32 to vector<16xi32>
      %add3A_619 = arith.addi %iota3A, %add3A_618 : vector<16xi32>
      tpu.vector_store_idx %arg6[%add3A_603, %add3A_619], %broadcast_in_dim3A_3 masked %and3A_615 : memref<488x128xf32, #tpu.memory_space<vmem>>[vector<16xi32>, vector<16xi32>], vector<16xf32>, vector<16xi1>
      %scan3A_620 = arith.constant 1 : i32
      %scan3A_621 = arith.addi %scan3A_595, %scan3A_620 : i32
      %mul3A_622 = arith.constant 16 : i32
      %mul3A_623 = arith.muli %scan3A_621, %mul3A_622 : i32
      %get3A_624 = arith.constant 12 : i32
      %get3A_625 = arith.index_cast %get3A_624 : i32 to index
      %get3A_626 = arith.index_cast %mul3A_623 : i32 to index
      %get3A_627 = tpu.vector_load %arg4[%get3A_625, %get3A_626] {strides = array<i32>} : memref<26x128xi32, #tpu.memory_space<vmem>>, vector<16xi32>,
      %add3A_628 = arith.constant 50 : i32
      %add3A_629 = vector.broadcast %add3A_628 : i32 to vector<16xi32>
      %add3A_630 = arith.addi %get3A_627, %add3A_629 : vector<16xi32>
      %ge3A_631 = arith.constant 0 : i32
      %ge3A_632 = vector.broadcast %ge3A_631 : i32 to vector<16xi32>
      %ge3A_633 = arith.cmpi sge, %get3A_627, %ge3A_632 : vector<16xi32>
      %lt3A_634 = arith.constant 25 : i32
      %lt3A_635 = vector.broadcast %lt3A_634 : i32 to vector<16xi32>
      %lt3A_636 = arith.cmpi slt, %get3A_627, %lt3A_635 : vector<16xi32>
      %and3A_637 = arith.andi %ge3A_633, %lt3A_636 : vector<16xi1>
      %ge3A_638 = arith.constant 0 : i32
      %ge3A_639 = vector.broadcast %ge3A_638 : i32 to vector<16xi32>
      %ge3A_640 = arith.cmpi sge, %add3A_630, %ge3A_639 : vector<16xi32>
      %and3A_641 = arith.andi %and3A_637, %ge3A_640 : vector<16xi1>
      %lt3A_642 = arith.constant 488 : i32
      %lt3A_643 = vector.broadcast %lt3A_642 : i32 to vector<16xi32>
      %lt3A_644 = arith.cmpi slt, %add3A_630, %lt3A_643 : vector<16xi32>
      %and3A_645 = arith.andi %and3A_641, %lt3A_644 : vector<16xi1>
      %mul3A_646 = arith.constant 16 : i32
      %mul3A_647 = arith.muli %scan3A_621, %mul3A_646 : i32
      %add3A_648 = vector.broadcast %mul3A_647 : i32 to vector<16xi32>
      %add3A_649 = arith.addi %iota3A, %add3A_648 : vector<16xi32>
      tpu.vector_store_idx %arg6[%add3A_630, %add3A_649], %broadcast_in_dim3A_3 masked %and3A_645 : memref<488x128xf32, #tpu.memory_space<vmem>>[vector<16xi32>, vector<16xi32>], vector<16xf32>, vector<16xi1>
    }
    %scan3A_428 = arith.constant 8 : i32
    %scan3A_429 = arith.constant 0 : i32
    %scan3A_430 = arith.constant 0 : i32
    %scan3A_431 = arith.constant 8 : i32
    %scan3A_432 = arith.addi %scan3A_430, %scan3A_431 : i32
    %scan3A_433 = arith.constant 2 : i32
    scf.for %scan3A_595 = %scan3A_430 to %scan3A_432 step %scan3A_433  : i32 {
      %mul3A_596 = arith.constant 16 : i32
      %mul3A_597 = arith.muli %scan3A_595, %mul3A_596 : i32
      %get3A = arith.constant 13 : i32
      %get3A_598 = arith.index_cast %get3A : i32 to index
      %get3A_599 = arith.index_cast %mul3A_597 : i32 to index
      %get3A_600 = tpu.vector_load %arg4[%get3A_598, %get3A_599] {strides = array<i32>} : memref<26x128xi32, #tpu.memory_space<vmem>>, vector<16xi32>,
      %add3A_601 = arith.constant 75 : i32
      %add3A_602 = vector.broadcast %add3A_601 : i32 to vector<16xi32>
      %add3A_603 = arith.addi %get3A_600, %add3A_602 : vector<16xi32>
      %ge3A = arith.constant 0 : i32
      %ge3A_604 = vector.broadcast %ge3A : i32 to vector<16xi32>
      %ge3A_605 = arith.cmpi sge, %get3A_600, %ge3A_604 : vector<16xi32>
      %lt3A = arith.constant 150 : i32
      %lt3A_606 = vector.broadcast %lt3A : i32 to vector<16xi32>
      %lt3A_607 = arith.cmpi slt, %get3A_600, %lt3A_606 : vector<16xi32>
      %and3A = arith.andi %ge3A_605, %lt3A_607 : vector<16xi1>
      %ge3A_608 = arith.constant 0 : i32
      %ge3A_609 = vector.broadcast %ge3A_608 : i32 to vector<16xi32>
      %ge3A_610 = arith.cmpi sge, %add3A_603, %ge3A_609 : vector<16xi32>
      %and3A_611 = arith.andi %and3A, %ge3A_610 : vector<16xi1>
      %lt3A_612 = arith.constant 488 : i32
      %lt3A_613 = vector.broadcast %lt3A_612 : i32 to vector<16xi32>
      %lt3A_614 = arith.cmpi slt, %add3A_603, %lt3A_613 : vector<16xi32>
      %and3A_615 = arith.andi %and3A_611, %lt3A_614 : vector<16xi1>
      %mul3A_616 = arith.constant 16 : i32
      %mul3A_617 = arith.muli %scan3A_595, %mul3A_616 : i32
      %add3A_618 = vector.broadcast %mul3A_617 : i32 to vector<16xi32>
      %add3A_619 = arith.addi %iota3A, %add3A_618 : vector<16xi32>
      tpu.vector_store_idx %arg6[%add3A_603, %add3A_619], %broadcast_in_dim3A_3 masked %and3A_615 : memref<488x128xf32, #tpu.memory_space<vmem>>[vector<16xi32>, vector<16xi32>], vector<16xf32>, vector<16xi1>
      %scan3A_620 = arith.constant 1 : i32
      %scan3A_621 = arith.addi %scan3A_595, %scan3A_620 : i32
      %mul3A_622 = arith.constant 16 : i32
      %mul3A_623 = arith.muli %scan3A_621, %mul3A_622 : i32
      %get3A_624 = arith.constant 13 : i32
      %get3A_625 = arith.index_cast %get3A_624 : i32 to index
      %get3A_626 = arith.index_cast %mul3A_623 : i32 to index
      %get3A_627 = tpu.vector_load %arg4[%get3A_625, %get3A_626] {strides = array<i32>} : memref<26x128xi32, #tpu.memory_space<vmem>>, vector<16xi32>,
      %add3A_628 = arith.constant 75 : i32
      %add3A_629 = vector.broadcast %add3A_628 : i32 to vector<16xi32>
      %add3A_630 = arith.addi %get3A_627, %add3A_629 : vector<16xi32>
      %ge3A_631 = arith.constant 0 : i32
      %ge3A_632 = vector.broadcast %ge3A_631 : i32 to vector<16xi32>
      %ge3A_633 = arith.cmpi sge, %get3A_627, %ge3A_632 : vector<16xi32>
      %lt3A_634 = arith.constant 150 : i32
      %lt3A_635 = vector.broadcast %lt3A_634 : i32 to vector<16xi32>
      %lt3A_636 = arith.cmpi slt, %get3A_627, %lt3A_635 : vector<16xi32>
      %and3A_637 = arith.andi %ge3A_633, %lt3A_636 : vector<16xi1>
      %ge3A_638 = arith.constant 0 : i32
      %ge3A_639 = vector.broadcast %ge3A_638 : i32 to vector<16xi32>
      %ge3A_640 = arith.cmpi sge, %add3A_630, %ge3A_639 : vector<16xi32>
      %and3A_641 = arith.andi %and3A_637, %ge3A_640 : vector<16xi1>
      %lt3A_642 = arith.constant 488 : i32
      %lt3A_643 = vector.broadcast %lt3A_642 : i32 to vector<16xi32>
      %lt3A_644 = arith.cmpi slt, %add3A_630, %lt3A_643 : vector<16xi32>
      %and3A_645 = arith.andi %and3A_641, %lt3A_644 : vector<16xi1>
      %mul3A_646 = arith.constant 16 : i32
      %mul3A_647 = arith.muli %scan3A_621, %mul3A_646 : i32
      %add3A_648 = vector.broadcast %mul3A_647 : i32 to vector<16xi32>
      %add3A_649 = arith.addi %iota3A, %add3A_648 : vector<16xi32>
      tpu.vector_store_idx %arg6[%add3A_630, %add3A_649], %broadcast_in_dim3A_3 masked %and3A_645 : memref<488x128xf32, #tpu.memory_space<vmem>>[vector<16xi32>, vector<16xi32>], vector<16xf32>, vector<16xi1>
    }
    %scan3A_434 = arith.constant 8 : i32
    %scan3A_435 = arith.constant 0 : i32
    %scan3A_436 = arith.constant 0 : i32
    %scan3A_437 = arith.constant 8 : i32
    %scan3A_438 = arith.addi %scan3A_436, %scan3A_437 : i32
    %scan3A_439 = arith.constant 2 : i32
    scf.for %scan3A_595 = %scan3A_436 to %scan3A_438 step %scan3A_439  : i32 {
      %mul3A_596 = arith.constant 16 : i32
      %mul3A_597 = arith.muli %scan3A_595, %mul3A_596 : i32
      %get3A = arith.constant 14 : i32
      %get3A_598 = arith.index_cast %get3A : i32 to index
      %get3A_599 = arith.index_cast %mul3A_597 : i32 to index
      %get3A_600 = tpu.vector_load %arg4[%get3A_598, %get3A_599] {strides = array<i32>} : memref<26x128xi32, #tpu.memory_space<vmem>>, vector<16xi32>,
      %add3A_601 = arith.constant 225 : i32
      %add3A_602 = vector.broadcast %add3A_601 : i32 to vector<16xi32>
      %add3A_603 = arith.addi %get3A_600, %add3A_602 : vector<16xi32>
      %ge3A = arith.constant 0 : i32
      %ge3A_604 = vector.broadcast %ge3A : i32 to vector<16xi32>
      %ge3A_605 = arith.cmpi sge, %get3A_600, %ge3A_604 : vector<16xi32>
      %lt3A = arith.constant 70 : i32
      %lt3A_606 = vector.broadcast %lt3A : i32 to vector<16xi32>
      %lt3A_607 = arith.cmpi slt, %get3A_600, %lt3A_606 : vector<16xi32>
      %and3A = arith.andi %ge3A_605, %lt3A_607 : vector<16xi1>
      %ge3A_608 = arith.constant 0 : i32
      %ge3A_609 = vector.broadcast %ge3A_608 : i32 to vector<16xi32>
      %ge3A_610 = arith.cmpi sge, %add3A_603, %ge3A_609 : vector<16xi32>
      %and3A_611 = arith.andi %and3A, %ge3A_610 : vector<16xi1>
      %lt3A_612 = arith.constant 488 : i32
      %lt3A_613 = vector.broadcast %lt3A_612 : i32 to vector<16xi32>
      %lt3A_614 = arith.cmpi slt, %add3A_603, %lt3A_613 : vector<16xi32>
      %and3A_615 = arith.andi %and3A_611, %lt3A_614 : vector<16xi1>
      %mul3A_616 = arith.constant 16 : i32
      %mul3A_617 = arith.muli %scan3A_595, %mul3A_616 : i32
      %add3A_618 = vector.broadcast %mul3A_617 : i32 to vector<16xi32>
      %add3A_619 = arith.addi %iota3A, %add3A_618 : vector<16xi32>
      tpu.vector_store_idx %arg6[%add3A_603, %add3A_619], %broadcast_in_dim3A_3 masked %and3A_615 : memref<488x128xf32, #tpu.memory_space<vmem>>[vector<16xi32>, vector<16xi32>], vector<16xf32>, vector<16xi1>
      %scan3A_620 = arith.constant 1 : i32
      %scan3A_621 = arith.addi %scan3A_595, %scan3A_620 : i32
      %mul3A_622 = arith.constant 16 : i32
      %mul3A_623 = arith.muli %scan3A_621, %mul3A_622 : i32
      %get3A_624 = arith.constant 14 : i32
      %get3A_625 = arith.index_cast %get3A_624 : i32 to index
      %get3A_626 = arith.index_cast %mul3A_623 : i32 to index
      %get3A_627 = tpu.vector_load %arg4[%get3A_625, %get3A_626] {strides = array<i32>} : memref<26x128xi32, #tpu.memory_space<vmem>>, vector<16xi32>,
      %add3A_628 = arith.constant 225 : i32
      %add3A_629 = vector.broadcast %add3A_628 : i32 to vector<16xi32>
      %add3A_630 = arith.addi %get3A_627, %add3A_629 : vector<16xi32>
      %ge3A_631 = arith.constant 0 : i32
      %ge3A_632 = vector.broadcast %ge3A_631 : i32 to vector<16xi32>
      %ge3A_633 = arith.cmpi sge, %get3A_627, %ge3A_632 : vector<16xi32>
      %lt3A_634 = arith.constant 70 : i32
      %lt3A_635 = vector.broadcast %lt3A_634 : i32 to vector<16xi32>
      %lt3A_636 = arith.cmpi slt, %get3A_627, %lt3A_635 : vector<16xi32>
      %and3A_637 = arith.andi %ge3A_633, %lt3A_636 : vector<16xi1>
      %ge3A_638 = arith.constant 0 : i32
      %ge3A_639 = vector.broadcast %ge3A_638 : i32 to vector<16xi32>
      %ge3A_640 = arith.cmpi sge, %add3A_630, %ge3A_639 : vector<16xi32>
      %and3A_641 = arith.andi %and3A_637, %ge3A_640 : vector<16xi1>
      %lt3A_642 = arith.constant 488 : i32
      %lt3A_643 = vector.broadcast %lt3A_642 : i32 to vector<16xi32>
      %lt3A_644 = arith.cmpi slt, %add3A_630, %lt3A_643 : vector<16xi32>
      %and3A_645 = arith.andi %and3A_641, %lt3A_644 : vector<16xi1>
      %mul3A_646 = arith.constant 16 : i32
      %mul3A_647 = arith.muli %scan3A_621, %mul3A_646 : i32
      %add3A_648 = vector.broadcast %mul3A_647 : i32 to vector<16xi32>
      %add3A_649 = arith.addi %iota3A, %add3A_648 : vector<16xi32>
      tpu.vector_store_idx %arg6[%add3A_630, %add3A_649], %broadcast_in_dim3A_3 masked %and3A_645 : memref<488x128xf32, #tpu.memory_space<vmem>>[vector<16xi32>, vector<16xi32>], vector<16xf32>, vector<16xi1>
    }
    %scan3A_440 = arith.constant 8 : i32
    %scan3A_441 = arith.constant 0 : i32
    %scan3A_442 = arith.constant 0 : i32
    %scan3A_443 = arith.constant 8 : i32
    %scan3A_444 = arith.addi %scan3A_442, %scan3A_443 : i32
    %scan3A_445 = arith.constant 2 : i32
    scf.for %scan3A_595 = %scan3A_442 to %scan3A_444 step %scan3A_445  : i32 {
      %mul3A_596 = arith.constant 16 : i32
      %mul3A_597 = arith.muli %scan3A_595, %mul3A_596 : i32
      %get3A = arith.constant 15 : i32
      %get3A_598 = arith.index_cast %get3A : i32 to index
      %get3A_599 = arith.index_cast %mul3A_597 : i32 to index
      %get3A_600 = tpu.vector_load %arg4[%get3A_598, %get3A_599] {strides = array<i32>} : memref<26x128xi32, #tpu.memory_space<vmem>>, vector<16xi32>,
      %add3A_601 = arith.constant 295 : i32
      %add3A_602 = vector.broadcast %add3A_601 : i32 to vector<16xi32>
      %add3A_603 = arith.addi %get3A_600, %add3A_602 : vector<16xi32>
      %ge3A = arith.constant 0 : i32
      %ge3A_604 = vector.broadcast %ge3A : i32 to vector<16xi32>
      %ge3A_605 = arith.cmpi sge, %get3A_600, %ge3A_604 : vector<16xi32>
      %lt3A = arith.constant 90 : i32
      %lt3A_606 = vector.broadcast %lt3A : i32 to vector<16xi32>
      %lt3A_607 = arith.cmpi slt, %get3A_600, %lt3A_606 : vector<16xi32>
      %and3A = arith.andi %ge3A_605, %lt3A_607 : vector<16xi1>
      %ge3A_608 = arith.constant 0 : i32
      %ge3A_609 = vector.broadcast %ge3A_608 : i32 to vector<16xi32>
      %ge3A_610 = arith.cmpi sge, %add3A_603, %ge3A_609 : vector<16xi32>
      %and3A_611 = arith.andi %and3A, %ge3A_610 : vector<16xi1>
      %lt3A_612 = arith.constant 488 : i32
      %lt3A_613 = vector.broadcast %lt3A_612 : i32 to vector<16xi32>
      %lt3A_614 = arith.cmpi slt, %add3A_603, %lt3A_613 : vector<16xi32>
      %and3A_615 = arith.andi %and3A_611, %lt3A_614 : vector<16xi1>
      %mul3A_616 = arith.constant 16 : i32
      %mul3A_617 = arith.muli %scan3A_595, %mul3A_616 : i32
      %add3A_618 = vector.broadcast %mul3A_617 : i32 to vector<16xi32>
      %add3A_619 = arith.addi %iota3A, %add3A_618 : vector<16xi32>
      tpu.vector_store_idx %arg6[%add3A_603, %add3A_619], %broadcast_in_dim3A_3 masked %and3A_615 : memref<488x128xf32, #tpu.memory_space<vmem>>[vector<16xi32>, vector<16xi32>], vector<16xf32>, vector<16xi1>
      %scan3A_620 = arith.constant 1 : i32
      %scan3A_621 = arith.addi %scan3A_595, %scan3A_620 : i32
      %mul3A_622 = arith.constant 16 : i32
      %mul3A_623 = arith.muli %scan3A_621, %mul3A_622 : i32
      %get3A_624 = arith.constant 15 : i32
      %get3A_625 = arith.index_cast %get3A_624 : i32 to index
      %get3A_626 = arith.index_cast %mul3A_623 : i32 to index
      %get3A_627 = tpu.vector_load %arg4[%get3A_625, %get3A_626] {strides = array<i32>} : memref<26x128xi32, #tpu.memory_space<vmem>>, vector<16xi32>,
      %add3A_628 = arith.constant 295 : i32
      %add3A_629 = vector.broadcast %add3A_628 : i32 to vector<16xi32>
      %add3A_630 = arith.addi %get3A_627, %add3A_629 : vector<16xi32>
      %ge3A_631 = arith.constant 0 : i32
      %ge3A_632 = vector.broadcast %ge3A_631 : i32 to vector<16xi32>
      %ge3A_633 = arith.cmpi sge, %get3A_627, %ge3A_632 : vector<16xi32>
      %lt3A_634 = arith.constant 90 : i32
      %lt3A_635 = vector.broadcast %lt3A_634 : i32 to vector<16xi32>
      %lt3A_636 = arith.cmpi slt, %get3A_627, %lt3A_635 : vector<16xi32>
      %and3A_637 = arith.andi %ge3A_633, %lt3A_636 : vector<16xi1>
      %ge3A_638 = arith.constant 0 : i32
      %ge3A_639 = vector.broadcast %ge3A_638 : i32 to vector<16xi32>
      %ge3A_640 = arith.cmpi sge, %add3A_630, %ge3A_639 : vector<16xi32>
      %and3A_641 = arith.andi %and3A_637, %ge3A_640 : vector<16xi1>
      %lt3A_642 = arith.constant 488 : i32
      %lt3A_643 = vector.broadcast %lt3A_642 : i32 to vector<16xi32>
      %lt3A_644 = arith.cmpi slt, %add3A_630, %lt3A_643 : vector<16xi32>
      %and3A_645 = arith.andi %and3A_641, %lt3A_644 : vector<16xi1>
      %mul3A_646 = arith.constant 16 : i32
      %mul3A_647 = arith.muli %scan3A_621, %mul3A_646 : i32
      %add3A_648 = vector.broadcast %mul3A_647 : i32 to vector<16xi32>
      %add3A_649 = arith.addi %iota3A, %add3A_648 : vector<16xi32>
      tpu.vector_store_idx %arg6[%add3A_630, %add3A_649], %broadcast_in_dim3A_3 masked %and3A_645 : memref<488x128xf32, #tpu.memory_space<vmem>>[vector<16xi32>, vector<16xi32>], vector<16xf32>, vector<16xi1>
    }
    %scan3A_446 = arith.constant 8 : i32
    %scan3A_447 = arith.constant 0 : i32
    %scan3A_448 = arith.constant 0 : i32
    %scan3A_449 = arith.constant 8 : i32
    %scan3A_450 = arith.addi %scan3A_448, %scan3A_449 : i32
    %scan3A_451 = arith.constant 2 : i32
    scf.for %scan3A_595 = %scan3A_448 to %scan3A_450 step %scan3A_451  : i32 {
      %mul3A_596 = arith.constant 16 : i32
      %mul3A_597 = arith.muli %scan3A_595, %mul3A_596 : i32
      %get3A = arith.constant 16 : i32
      %get3A_598 = arith.index_cast %get3A : i32 to index
      %get3A_599 = arith.index_cast %mul3A_597 : i32 to index
      %get3A_600 = tpu.vector_load %arg4[%get3A_598, %get3A_599] {strides = array<i32>} : memref<26x128xi32, #tpu.memory_space<vmem>>, vector<16xi32>,
      %add3A_601 = arith.constant 385 : i32
      %add3A_602 = vector.broadcast %add3A_601 : i32 to vector<16xi32>
      %add3A_603 = arith.addi %get3A_600, %add3A_602 : vector<16xi32>
      %ge3A = arith.constant 0 : i32
      %ge3A_604 = vector.broadcast %ge3A : i32 to vector<16xi32>
      %ge3A_605 = arith.cmpi sge, %get3A_600, %ge3A_604 : vector<16xi32>
      %lt3A = arith.constant 45 : i32
      %lt3A_606 = vector.broadcast %lt3A : i32 to vector<16xi32>
      %lt3A_607 = arith.cmpi slt, %get3A_600, %lt3A_606 : vector<16xi32>
      %and3A = arith.andi %ge3A_605, %lt3A_607 : vector<16xi1>
      %ge3A_608 = arith.constant 0 : i32
      %ge3A_609 = vector.broadcast %ge3A_608 : i32 to vector<16xi32>
      %ge3A_610 = arith.cmpi sge, %add3A_603, %ge3A_609 : vector<16xi32>
      %and3A_611 = arith.andi %and3A, %ge3A_610 : vector<16xi1>
      %lt3A_612 = arith.constant 488 : i32
      %lt3A_613 = vector.broadcast %lt3A_612 : i32 to vector<16xi32>
      %lt3A_614 = arith.cmpi slt, %add3A_603, %lt3A_613 : vector<16xi32>
      %and3A_615 = arith.andi %and3A_611, %lt3A_614 : vector<16xi1>
      %mul3A_616 = arith.constant 16 : i32
      %mul3A_617 = arith.muli %scan3A_595, %mul3A_616 : i32
      %add3A_618 = vector.broadcast %mul3A_617 : i32 to vector<16xi32>
      %add3A_619 = arith.addi %iota3A, %add3A_618 : vector<16xi32>
      tpu.vector_store_idx %arg6[%add3A_603, %add3A_619], %broadcast_in_dim3A_3 masked %and3A_615 : memref<488x128xf32, #tpu.memory_space<vmem>>[vector<16xi32>, vector<16xi32>], vector<16xf32>, vector<16xi1>
      %scan3A_620 = arith.constant 1 : i32
      %scan3A_621 = arith.addi %scan3A_595, %scan3A_620 : i32
      %mul3A_622 = arith.constant 16 : i32
      %mul3A_623 = arith.muli %scan3A_621, %mul3A_622 : i32
      %get3A_624 = arith.constant 16 : i32
      %get3A_625 = arith.index_cast %get3A_624 : i32 to index
      %get3A_626 = arith.index_cast %mul3A_623 : i32 to index
      %get3A_627 = tpu.vector_load %arg4[%get3A_625, %get3A_626] {strides = array<i32>} : memref<26x128xi32, #tpu.memory_space<vmem>>, vector<16xi32>,
      %add3A_628 = arith.constant 385 : i32
      %add3A_629 = vector.broadcast %add3A_628 : i32 to vector<16xi32>
      %add3A_630 = arith.addi %get3A_627, %add3A_629 : vector<16xi32>
      %ge3A_631 = arith.constant 0 : i32
      %ge3A_632 = vector.broadcast %ge3A_631 : i32 to vector<16xi32>
      %ge3A_633 = arith.cmpi sge, %get3A_627, %ge3A_632 : vector<16xi32>
      %lt3A_634 = arith.constant 45 : i32
      %lt3A_635 = vector.broadcast %lt3A_634 : i32 to vector<16xi32>
      %lt3A_636 = arith.cmpi slt, %get3A_627, %lt3A_635 : vector<16xi32>
      %and3A_637 = arith.andi %ge3A_633, %lt3A_636 : vector<16xi1>
      %ge3A_638 = arith.constant 0 : i32
      %ge3A_639 = vector.broadcast %ge3A_638 : i32 to vector<16xi32>
      %ge3A_640 = arith.cmpi sge, %add3A_630, %ge3A_639 : vector<16xi32>
      %and3A_641 = arith.andi %and3A_637, %ge3A_640 : vector<16xi1>
      %lt3A_642 = arith.constant 488 : i32
      %lt3A_643 = vector.broadcast %lt3A_642 : i32 to vector<16xi32>
      %lt3A_644 = arith.cmpi slt, %add3A_630, %lt3A_643 : vector<16xi32>
      %and3A_645 = arith.andi %and3A_641, %lt3A_644 : vector<16xi1>
      %mul3A_646 = arith.constant 16 : i32
      %mul3A_647 = arith.muli %scan3A_621, %mul3A_646 : i32
      %add3A_648 = vector.broadcast %mul3A_647 : i32 to vector<16xi32>
      %add3A_649 = arith.addi %iota3A, %add3A_648 : vector<16xi32>
      tpu.vector_store_idx %arg6[%add3A_630, %add3A_649], %broadcast_in_dim3A_3 masked %and3A_645 : memref<488x128xf32, #tpu.memory_space<vmem>>[vector<16xi32>, vector<16xi32>], vector<16xf32>, vector<16xi1>
    }
    %scan3A_452 = arith.constant 8 : i32
    %scan3A_453 = arith.constant 0 : i32
    %scan3A_454 = arith.constant 0 : i32
    %scan3A_455 = arith.constant 8 : i32
    %scan3A_456 = arith.addi %scan3A_454, %scan3A_455 : i32
    %scan3A_457 = arith.constant 2 : i32
    scf.for %scan3A_595 = %scan3A_454 to %scan3A_456 step %scan3A_457  : i32 {
      %mul3A_596 = arith.constant 16 : i32
      %mul3A_597 = arith.muli %scan3A_595, %mul3A_596 : i32
      %get3A = arith.constant 17 : i32
      %get3A_598 = arith.index_cast %get3A : i32 to index
      %get3A_599 = arith.index_cast %mul3A_597 : i32 to index
      %get3A_600 = tpu.vector_load %arg4[%get3A_598, %get3A_599] {strides = array<i32>} : memref<26x128xi32, #tpu.memory_space<vmem>>, vector<16xi32>,
      %add3A_601 = arith.constant 430 : i32
      %add3A_602 = vector.broadcast %add3A_601 : i32 to vector<16xi32>
      %add3A_603 = arith.addi %get3A_600, %add3A_602 : vector<16xi32>
      %ge3A = arith.constant 0 : i32
      %ge3A_604 = vector.broadcast %ge3A : i32 to vector<16xi32>
      %ge3A_605 = arith.cmpi sge, %get3A_600, %ge3A_604 : vector<16xi32>
      %lt3A = arith.constant 110 : i32
      %lt3A_606 = vector.broadcast %lt3A : i32 to vector<16xi32>
      %lt3A_607 = arith.cmpi slt, %get3A_600, %lt3A_606 : vector<16xi32>
      %and3A = arith.andi %ge3A_605, %lt3A_607 : vector<16xi1>
      %ge3A_608 = arith.constant 0 : i32
      %ge3A_609 = vector.broadcast %ge3A_608 : i32 to vector<16xi32>
      %ge3A_610 = arith.cmpi sge, %add3A_603, %ge3A_609 : vector<16xi32>
      %and3A_611 = arith.andi %and3A, %ge3A_610 : vector<16xi1>
      %lt3A_612 = arith.constant 488 : i32
      %lt3A_613 = vector.broadcast %lt3A_612 : i32 to vector<16xi32>
      %lt3A_614 = arith.cmpi slt, %add3A_603, %lt3A_613 : vector<16xi32>
      %and3A_615 = arith.andi %and3A_611, %lt3A_614 : vector<16xi1>
      %mul3A_616 = arith.constant 16 : i32
      %mul3A_617 = arith.muli %scan3A_595, %mul3A_616 : i32
      %add3A_618 = vector.broadcast %mul3A_617 : i32 to vector<16xi32>
      %add3A_619 = arith.addi %iota3A, %add3A_618 : vector<16xi32>
      tpu.vector_store_idx %arg6[%add3A_603, %add3A_619], %broadcast_in_dim3A_3 masked %and3A_615 : memref<488x128xf32, #tpu.memory_space<vmem>>[vector<16xi32>, vector<16xi32>], vector<16xf32>, vector<16xi1>
      %scan3A_620 = arith.constant 1 : i32
      %scan3A_621 = arith.addi %scan3A_595, %scan3A_620 : i32
      %mul3A_622 = arith.constant 16 : i32
      %mul3A_623 = arith.muli %scan3A_621, %mul3A_622 : i32
      %get3A_624 = arith.constant 17 : i32
      %get3A_625 = arith.index_cast %get3A_624 : i32 to index
      %get3A_626 = arith.index_cast %mul3A_623 : i32 to index
      %get3A_627 = tpu.vector_load %arg4[%get3A_625, %get3A_626] {strides = array<i32>} : memref<26x128xi32, #tpu.memory_space<vmem>>, vector<16xi32>,
      %add3A_628 = arith.constant 430 : i32
      %add3A_629 = vector.broadcast %add3A_628 : i32 to vector<16xi32>
      %add3A_630 = arith.addi %get3A_627, %add3A_629 : vector<16xi32>
      %ge3A_631 = arith.constant 0 : i32
      %ge3A_632 = vector.broadcast %ge3A_631 : i32 to vector<16xi32>
      %ge3A_633 = arith.cmpi sge, %get3A_627, %ge3A_632 : vector<16xi32>
      %lt3A_634 = arith.constant 110 : i32
      %lt3A_635 = vector.broadcast %lt3A_634 : i32 to vector<16xi32>
      %lt3A_636 = arith.cmpi slt, %get3A_627, %lt3A_635 : vector<16xi32>
      %and3A_637 = arith.andi %ge3A_633, %lt3A_636 : vector<16xi1>
      %ge3A_638 = arith.constant 0 : i32
      %ge3A_639 = vector.broadcast %ge3A_638 : i32 to vector<16xi32>
      %ge3A_640 = arith.cmpi sge, %add3A_630, %ge3A_639 : vector<16xi32>
      %and3A_641 = arith.andi %and3A_637, %ge3A_640 : vector<16xi1>
      %lt3A_642 = arith.constant 488 : i32
      %lt3A_643 = vector.broadcast %lt3A_642 : i32 to vector<16xi32>
      %lt3A_644 = arith.cmpi slt, %add3A_630, %lt3A_643 : vector<16xi32>
      %and3A_645 = arith.andi %and3A_641, %lt3A_644 : vector<16xi1>
      %mul3A_646 = arith.constant 16 : i32
      %mul3A_647 = arith.muli %scan3A_621, %mul3A_646 : i32
      %add3A_648 = vector.broadcast %mul3A_647 : i32 to vector<16xi32>
      %add3A_649 = arith.addi %iota3A, %add3A_648 : vector<16xi32>
      tpu.vector_store_idx %arg6[%add3A_630, %add3A_649], %broadcast_in_dim3A_3 masked %and3A_645 : memref<488x128xf32, #tpu.memory_space<vmem>>[vector<16xi32>, vector<16xi32>], vector<16xf32>, vector<16xi1>
    }
    %scan3A_458 = arith.constant 8 : i32
    %scan3A_459 = arith.constant 0 : i32
    %scan3A_460 = arith.constant 0 : i32
    %scan3A_461 = arith.constant 8 : i32
    %scan3A_462 = arith.addi %scan3A_460, %scan3A_461 : i32
    %scan3A_463 = arith.constant 2 : i32
    scf.for %scan3A_595 = %scan3A_460 to %scan3A_462 step %scan3A_463  : i32 {
      %mul3A_596 = arith.constant 16 : i32
      %mul3A_597 = arith.muli %scan3A_595, %mul3A_596 : i32
      %get3A = arith.constant 21 : i32
      %get3A_598 = arith.index_cast %get3A : i32 to index
      %get3A_599 = arith.index_cast %mul3A_597 : i32 to index
      %get3A_600 = tpu.vector_load %arg4[%get3A_598, %get3A_599] {strides = array<i32>} : memref<26x128xi32, #tpu.memory_space<vmem>>, vector<16xi32>,
      %add3A_601 = arith.constant -136 : i32
      %add3A_602 = vector.broadcast %add3A_601 : i32 to vector<16xi32>
      %add3A_603 = arith.addi %get3A_600, %add3A_602 : vector<16xi32>
      %ge3A = arith.constant 0 : i32
      %ge3A_604 = vector.broadcast %ge3A : i32 to vector<16xi32>
      %ge3A_605 = arith.cmpi sge, %get3A_600, %ge3A_604 : vector<16xi32>
      %lt3A = arith.constant 400 : i32
      %lt3A_606 = vector.broadcast %lt3A : i32 to vector<16xi32>
      %lt3A_607 = arith.cmpi slt, %get3A_600, %lt3A_606 : vector<16xi32>
      %and3A = arith.andi %ge3A_605, %lt3A_607 : vector<16xi1>
      %ge3A_608 = arith.constant 0 : i32
      %ge3A_609 = vector.broadcast %ge3A_608 : i32 to vector<16xi32>
      %ge3A_610 = arith.cmpi sge, %add3A_603, %ge3A_609 : vector<16xi32>
      %and3A_611 = arith.andi %and3A, %ge3A_610 : vector<16xi1>
      %lt3A_612 = arith.constant 488 : i32
      %lt3A_613 = vector.broadcast %lt3A_612 : i32 to vector<16xi32>
      %lt3A_614 = arith.cmpi slt, %add3A_603, %lt3A_613 : vector<16xi32>
      %and3A_615 = arith.andi %and3A_611, %lt3A_614 : vector<16xi1>
      %mul3A_616 = arith.constant 16 : i32
      %mul3A_617 = arith.muli %scan3A_595, %mul3A_616 : i32
      %add3A_618 = vector.broadcast %mul3A_617 : i32 to vector<16xi32>
      %add3A_619 = arith.addi %iota3A, %add3A_618 : vector<16xi32>
      tpu.vector_store_idx %arg6[%add3A_603, %add3A_619], %broadcast_in_dim3A_5 masked %and3A_615 : memref<488x128xf32, #tpu.memory_space<vmem>>[vector<16xi32>, vector<16xi32>], vector<16xf32>, vector<16xi1>
      %scan3A_620 = arith.constant 1 : i32
      %scan3A_621 = arith.addi %scan3A_595, %scan3A_620 : i32
      %mul3A_622 = arith.constant 16 : i32
      %mul3A_623 = arith.muli %scan3A_621, %mul3A_622 : i32
      %get3A_624 = arith.constant 21 : i32
      %get3A_625 = arith.index_cast %get3A_624 : i32 to index
      %get3A_626 = arith.index_cast %mul3A_623 : i32 to index
      %get3A_627 = tpu.vector_load %arg4[%get3A_625, %get3A_626] {strides = array<i32>} : memref<26x128xi32, #tpu.memory_space<vmem>>, vector<16xi32>,
      %add3A_628 = arith.constant -136 : i32
      %add3A_629 = vector.broadcast %add3A_628 : i32 to vector<16xi32>
      %add3A_630 = arith.addi %get3A_627, %add3A_629 : vector<16xi32>
      %ge3A_631 = arith.constant 0 : i32
      %ge3A_632 = vector.broadcast %ge3A_631 : i32 to vector<16xi32>
      %ge3A_633 = arith.cmpi sge, %get3A_627, %ge3A_632 : vector<16xi32>
      %lt3A_634 = arith.constant 400 : i32
      %lt3A_635 = vector.broadcast %lt3A_634 : i32 to vector<16xi32>
      %lt3A_636 = arith.cmpi slt, %get3A_627, %lt3A_635 : vector<16xi32>
      %and3A_637 = arith.andi %ge3A_633, %lt3A_636 : vector<16xi1>
      %ge3A_638 = arith.constant 0 : i32
      %ge3A_639 = vector.broadcast %ge3A_638 : i32 to vector<16xi32>
      %ge3A_640 = arith.cmpi sge, %add3A_630, %ge3A_639 : vector<16xi32>
      %and3A_641 = arith.andi %and3A_637, %ge3A_640 : vector<16xi1>
      %lt3A_642 = arith.constant 488 : i32
      %lt3A_643 = vector.broadcast %lt3A_642 : i32 to vector<16xi32>
      %lt3A_644 = arith.cmpi slt, %add3A_630, %lt3A_643 : vector<16xi32>
      %and3A_645 = arith.andi %and3A_641, %lt3A_644 : vector<16xi1>
      %mul3A_646 = arith.constant 16 : i32
      %mul3A_647 = arith.muli %scan3A_621, %mul3A_646 : i32
      %add3A_648 = vector.broadcast %mul3A_647 : i32 to vector<16xi32>
      %add3A_649 = arith.addi %iota3A, %add3A_648 : vector<16xi32>
      tpu.vector_store_idx %arg6[%add3A_630, %add3A_649], %broadcast_in_dim3A_5 masked %and3A_645 : memref<488x128xf32, #tpu.memory_space<vmem>>[vector<16xi32>, vector<16xi32>], vector<16xf32>, vector<16xi1>
    }
    %scan3A_464 = arith.constant 8 : i32
    %scan3A_465 = arith.constant 0 : i32
    %scan3A_466 = arith.constant 0 : i32
    %scan3A_467 = arith.constant 8 : i32
    %scan3A_468 = arith.addi %scan3A_466, %scan3A_467 : i32
    %scan3A_469 = arith.constant 2 : i32
    scf.for %scan3A_595 = %scan3A_466 to %scan3A_468 step %scan3A_469  : i32 {
      %mul3A_596 = arith.constant 16 : i32
      %mul3A_597 = arith.muli %scan3A_595, %mul3A_596 : i32
      %get3A = arith.constant 22 : i32
      %get3A_598 = arith.index_cast %get3A : i32 to index
      %get3A_599 = arith.index_cast %mul3A_597 : i32 to index
      %get3A_600 = tpu.vector_load %arg4[%get3A_598, %get3A_599] {strides = array<i32>} : memref<26x128xi32, #tpu.memory_space<vmem>>, vector<16xi32>,
      %add3A_601 = arith.constant 264 : i32
      %add3A_602 = vector.broadcast %add3A_601 : i32 to vector<16xi32>
      %add3A_603 = arith.addi %get3A_600, %add3A_602 : vector<16xi32>
      %ge3A = arith.constant 0 : i32
      %ge3A_604 = vector.broadcast %ge3A : i32 to vector<16xi32>
      %ge3A_605 = arith.cmpi sge, %get3A_600, %ge3A_604 : vector<16xi32>
      %lt3A = arith.constant 55 : i32
      %lt3A_606 = vector.broadcast %lt3A : i32 to vector<16xi32>
      %lt3A_607 = arith.cmpi slt, %get3A_600, %lt3A_606 : vector<16xi32>
      %and3A = arith.andi %ge3A_605, %lt3A_607 : vector<16xi1>
      %ge3A_608 = arith.constant 0 : i32
      %ge3A_609 = vector.broadcast %ge3A_608 : i32 to vector<16xi32>
      %ge3A_610 = arith.cmpi sge, %add3A_603, %ge3A_609 : vector<16xi32>
      %and3A_611 = arith.andi %and3A, %ge3A_610 : vector<16xi1>
      %lt3A_612 = arith.constant 488 : i32
      %lt3A_613 = vector.broadcast %lt3A_612 : i32 to vector<16xi32>
      %lt3A_614 = arith.cmpi slt, %add3A_603, %lt3A_613 : vector<16xi32>
      %and3A_615 = arith.andi %and3A_611, %lt3A_614 : vector<16xi1>
      %mul3A_616 = arith.constant 16 : i32
      %mul3A_617 = arith.muli %scan3A_595, %mul3A_616 : i32
      %add3A_618 = vector.broadcast %mul3A_617 : i32 to vector<16xi32>
      %add3A_619 = arith.addi %iota3A, %add3A_618 : vector<16xi32>
      tpu.vector_store_idx %arg6[%add3A_603, %add3A_619], %broadcast_in_dim3A_5 masked %and3A_615 : memref<488x128xf32, #tpu.memory_space<vmem>>[vector<16xi32>, vector<16xi32>], vector<16xf32>, vector<16xi1>
      %scan3A_620 = arith.constant 1 : i32
      %scan3A_621 = arith.addi %scan3A_595, %scan3A_620 : i32
      %mul3A_622 = arith.constant 16 : i32
      %mul3A_623 = arith.muli %scan3A_621, %mul3A_622 : i32
      %get3A_624 = arith.constant 22 : i32
      %get3A_625 = arith.index_cast %get3A_624 : i32 to index
      %get3A_626 = arith.index_cast %mul3A_623 : i32 to index
      %get3A_627 = tpu.vector_load %arg4[%get3A_625, %get3A_626] {strides = array<i32>} : memref<26x128xi32, #tpu.memory_space<vmem>>, vector<16xi32>,
      %add3A_628 = arith.constant 264 : i32
      %add3A_629 = vector.broadcast %add3A_628 : i32 to vector<16xi32>
      %add3A_630 = arith.addi %get3A_627, %add3A_629 : vector<16xi32>
      %ge3A_631 = arith.constant 0 : i32
      %ge3A_632 = vector.broadcast %ge3A_631 : i32 to vector<16xi32>
      %ge3A_633 = arith.cmpi sge, %get3A_627, %ge3A_632 : vector<16xi32>
      %lt3A_634 = arith.constant 55 : i32
      %lt3A_635 = vector.broadcast %lt3A_634 : i32 to vector<16xi32>
      %lt3A_636 = arith.cmpi slt, %get3A_627, %lt3A_635 : vector<16xi32>
      %and3A_637 = arith.andi %ge3A_633, %lt3A_636 : vector<16xi1>
      %ge3A_638 = arith.constant 0 : i32
      %ge3A_639 = vector.broadcast %ge3A_638 : i32 to vector<16xi32>
      %ge3A_640 = arith.cmpi sge, %add3A_630, %ge3A_639 : vector<16xi32>
      %and3A_641 = arith.andi %and3A_637, %ge3A_640 : vector<16xi1>
      %lt3A_642 = arith.constant 488 : i32
      %lt3A_643 = vector.broadcast %lt3A_642 : i32 to vector<16xi32>
      %lt3A_644 = arith.cmpi slt, %add3A_630, %lt3A_643 : vector<16xi32>
      %and3A_645 = arith.andi %and3A_641, %lt3A_644 : vector<16xi1>
      %mul3A_646 = arith.constant 16 : i32
      %mul3A_647 = arith.muli %scan3A_621, %mul3A_646 : i32
      %add3A_648 = vector.broadcast %mul3A_647 : i32 to vector<16xi32>
      %add3A_649 = arith.addi %iota3A, %add3A_648 : vector<16xi32>
      tpu.vector_store_idx %arg6[%add3A_630, %add3A_649], %broadcast_in_dim3A_5 masked %and3A_645 : memref<488x128xf32, #tpu.memory_space<vmem>>[vector<16xi32>, vector<16xi32>], vector<16xf32>, vector<16xi1>
    }
    %scan3A_470 = arith.constant 8 : i32
    %scan3A_471 = arith.constant 0 : i32
    %scan3A_472 = arith.constant 0 : i32
    %scan3A_473 = arith.constant 8 : i32
    %scan3A_474 = arith.addi %scan3A_472, %scan3A_473 : i32
    %scan3A_475 = arith.constant 2 : i32
    scf.for %scan3A_595 = %scan3A_472 to %scan3A_474 step %scan3A_475  : i32 {
      %mul3A_596 = arith.constant 16 : i32
      %mul3A_597 = arith.muli %scan3A_595, %mul3A_596 : i32
      %get3A = arith.constant 23 : i32
      %get3A_598 = arith.index_cast %get3A : i32 to index
      %get3A_599 = arith.index_cast %mul3A_597 : i32 to index
      %get3A_600 = tpu.vector_load %arg4[%get3A_598, %get3A_599] {strides = array<i32>} : memref<26x128xi32, #tpu.memory_space<vmem>>, vector<16xi32>,
      %add3A_601 = arith.constant 319 : i32
      %add3A_602 = vector.broadcast %add3A_601 : i32 to vector<16xi32>
      %add3A_603 = arith.addi %get3A_600, %add3A_602 : vector<16xi32>
      %ge3A = arith.constant 0 : i32
      %ge3A_604 = vector.broadcast %ge3A : i32 to vector<16xi32>
      %ge3A_605 = arith.cmpi sge, %get3A_600, %ge3A_604 : vector<16xi32>
      %lt3A = arith.constant 65 : i32
      %lt3A_606 = vector.broadcast %lt3A : i32 to vector<16xi32>
      %lt3A_607 = arith.cmpi slt, %get3A_600, %lt3A_606 : vector<16xi32>
      %and3A = arith.andi %ge3A_605, %lt3A_607 : vector<16xi1>
      %ge3A_608 = arith.constant 0 : i32
      %ge3A_609 = vector.broadcast %ge3A_608 : i32 to vector<16xi32>
      %ge3A_610 = arith.cmpi sge, %add3A_603, %ge3A_609 : vector<16xi32>
      %and3A_611 = arith.andi %and3A, %ge3A_610 : vector<16xi1>
      %lt3A_612 = arith.constant 488 : i32
      %lt3A_613 = vector.broadcast %lt3A_612 : i32 to vector<16xi32>
      %lt3A_614 = arith.cmpi slt, %add3A_603, %lt3A_613 : vector<16xi32>
      %and3A_615 = arith.andi %and3A_611, %lt3A_614 : vector<16xi1>
      %mul3A_616 = arith.constant 16 : i32
      %mul3A_617 = arith.muli %scan3A_595, %mul3A_616 : i32
      %add3A_618 = vector.broadcast %mul3A_617 : i32 to vector<16xi32>
      %add3A_619 = arith.addi %iota3A, %add3A_618 : vector<16xi32>
      tpu.vector_store_idx %arg6[%add3A_603, %add3A_619], %broadcast_in_dim3A_5 masked %and3A_615 : memref<488x128xf32, #tpu.memory_space<vmem>>[vector<16xi32>, vector<16xi32>], vector<16xf32>, vector<16xi1>
      %scan3A_620 = arith.constant 1 : i32
      %scan3A_621 = arith.addi %scan3A_595, %scan3A_620 : i32
      %mul3A_622 = arith.constant 16 : i32
      %mul3A_623 = arith.muli %scan3A_621, %mul3A_622 : i32
      %get3A_624 = arith.constant 23 : i32
      %get3A_625 = arith.index_cast %get3A_624 : i32 to index
      %get3A_626 = arith.index_cast %mul3A_623 : i32 to index
      %get3A_627 = tpu.vector_load %arg4[%get3A_625, %get3A_626] {strides = array<i32>} : memref<26x128xi32, #tpu.memory_space<vmem>>, vector<16xi32>,
      %add3A_628 = arith.constant 319 : i32
      %add3A_629 = vector.broadcast %add3A_628 : i32 to vector<16xi32>
      %add3A_630 = arith.addi %get3A_627, %add3A_629 : vector<16xi32>
      %ge3A_631 = arith.constant 0 : i32
      %ge3A_632 = vector.broadcast %ge3A_631 : i32 to vector<16xi32>
      %ge3A_633 = arith.cmpi sge, %get3A_627, %ge3A_632 : vector<16xi32>
      %lt3A_634 = arith.constant 65 : i32
      %lt3A_635 = vector.broadcast %lt3A_634 : i32 to vector<16xi32>
      %lt3A_636 = arith.cmpi slt, %get3A_627, %lt3A_635 : vector<16xi32>
      %and3A_637 = arith.andi %ge3A_633, %lt3A_636 : vector<16xi1>
      %ge3A_638 = arith.constant 0 : i32
      %ge3A_639 = vector.broadcast %ge3A_638 : i32 to vector<16xi32>
      %ge3A_640 = arith.cmpi sge, %add3A_630, %ge3A_639 : vector<16xi32>
      %and3A_641 = arith.andi %and3A_637, %ge3A_640 : vector<16xi1>
      %lt3A_642 = arith.constant 488 : i32
      %lt3A_643 = vector.broadcast %lt3A_642 : i32 to vector<16xi32>
      %lt3A_644 = arith.cmpi slt, %add3A_630, %lt3A_643 : vector<16xi32>
      %and3A_645 = arith.andi %and3A_641, %lt3A_644 : vector<16xi1>
      %mul3A_646 = arith.constant 16 : i32
      %mul3A_647 = arith.muli %scan3A_621, %mul3A_646 : i32
      %add3A_648 = vector.broadcast %mul3A_647 : i32 to vector<16xi32>
      %add3A_649 = arith.addi %iota3A, %add3A_648 : vector<16xi32>
      tpu.vector_store_idx %arg6[%add3A_630, %add3A_649], %broadcast_in_dim3A_5 masked %and3A_645 : memref<488x128xf32, #tpu.memory_space<vmem>>[vector<16xi32>, vector<16xi32>], vector<16xf32>, vector<16xi1>
    }
    %scan3A_476 = arith.constant 8 : i32
    %scan3A_477 = arith.constant 0 : i32
    %scan3A_478 = arith.constant 0 : i32
    %scan3A_479 = arith.constant 8 : i32
    %scan3A_480 = arith.addi %scan3A_478, %scan3A_479 : i32
    %scan3A_481 = arith.constant 2 : i32
    scf.for %scan3A_595 = %scan3A_478 to %scan3A_480 step %scan3A_481  : i32 {
      %mul3A_596 = arith.constant 16 : i32
      %mul3A_597 = arith.muli %scan3A_595, %mul3A_596 : i32
      %get3A = arith.constant 24 : i32
      %get3A_598 = arith.index_cast %get3A : i32 to index
      %get3A_599 = arith.index_cast %mul3A_597 : i32 to index
      %get3A_600 = tpu.vector_load %arg4[%get3A_598, %get3A_599] {strides = array<i32>} : memref<26x128xi32, #tpu.memory_space<vmem>>, vector<16xi32>,
      %add3A_601 = arith.constant 384 : i32
      %add3A_602 = vector.broadcast %add3A_601 : i32 to vector<16xi32>
      %add3A_603 = arith.addi %get3A_600, %add3A_602 : vector<16xi32>
      %ge3A = arith.constant 0 : i32
      %ge3A_604 = vector.broadcast %ge3A : i32 to vector<16xi32>
      %ge3A_605 = arith.cmpi sge, %get3A_600, %ge3A_604 : vector<16xi32>
      %lt3A = arith.constant 20 : i32
      %lt3A_606 = vector.broadcast %lt3A : i32 to vector<16xi32>
      %lt3A_607 = arith.cmpi slt, %get3A_600, %lt3A_606 : vector<16xi32>
      %and3A = arith.andi %ge3A_605, %lt3A_607 : vector<16xi1>
      %ge3A_608 = arith.constant 0 : i32
      %ge3A_609 = vector.broadcast %ge3A_608 : i32 to vector<16xi32>
      %ge3A_610 = arith.cmpi sge, %add3A_603, %ge3A_609 : vector<16xi32>
      %and3A_611 = arith.andi %and3A, %ge3A_610 : vector<16xi1>
      %lt3A_612 = arith.constant 488 : i32
      %lt3A_613 = vector.broadcast %lt3A_612 : i32 to vector<16xi32>
      %lt3A_614 = arith.cmpi slt, %add3A_603, %lt3A_613 : vector<16xi32>
      %and3A_615 = arith.andi %and3A_611, %lt3A_614 : vector<16xi1>
      %mul3A_616 = arith.constant 16 : i32
      %mul3A_617 = arith.muli %scan3A_595, %mul3A_616 : i32
      %add3A_618 = vector.broadcast %mul3A_617 : i32 to vector<16xi32>
      %add3A_619 = arith.addi %iota3A, %add3A_618 : vector<16xi32>
      tpu.vector_store_idx %arg6[%add3A_603, %add3A_619], %broadcast_in_dim3A_5 masked %and3A_615 : memref<488x128xf32, #tpu.memory_space<vmem>>[vector<16xi32>, vector<16xi32>], vector<16xf32>, vector<16xi1>
      %scan3A_620 = arith.constant 1 : i32
      %scan3A_621 = arith.addi %scan3A_595, %scan3A_620 : i32
      %mul3A_622 = arith.constant 16 : i32
      %mul3A_623 = arith.muli %scan3A_621, %mul3A_622 : i32
      %get3A_624 = arith.constant 24 : i32
      %get3A_625 = arith.index_cast %get3A_624 : i32 to index
      %get3A_626 = arith.index_cast %mul3A_623 : i32 to index
      %get3A_627 = tpu.vector_load %arg4[%get3A_625, %get3A_626] {strides = array<i32>} : memref<26x128xi32, #tpu.memory_space<vmem>>, vector<16xi32>,
      %add3A_628 = arith.constant 384 : i32
      %add3A_629 = vector.broadcast %add3A_628 : i32 to vector<16xi32>
      %add3A_630 = arith.addi %get3A_627, %add3A_629 : vector<16xi32>
      %ge3A_631 = arith.constant 0 : i32
      %ge3A_632 = vector.broadcast %ge3A_631 : i32 to vector<16xi32>
      %ge3A_633 = arith.cmpi sge, %get3A_627, %ge3A_632 : vector<16xi32>
      %lt3A_634 = arith.constant 20 : i32
      %lt3A_635 = vector.broadcast %lt3A_634 : i32 to vector<16xi32>
      %lt3A_636 = arith.cmpi slt, %get3A_627, %lt3A_635 : vector<16xi32>
      %and3A_637 = arith.andi %ge3A_633, %lt3A_636 : vector<16xi1>
      %ge3A_638 = arith.constant 0 : i32
      %ge3A_639 = vector.broadcast %ge3A_638 : i32 to vector<16xi32>
      %ge3A_640 = arith.cmpi sge, %add3A_630, %ge3A_639 : vector<16xi32>
      %and3A_641 = arith.andi %and3A_637, %ge3A_640 : vector<16xi1>
      %lt3A_642 = arith.constant 488 : i32
      %lt3A_643 = vector.broadcast %lt3A_642 : i32 to vector<16xi32>
      %lt3A_644 = arith.cmpi slt, %add3A_630, %lt3A_643 : vector<16xi32>
      %and3A_645 = arith.andi %and3A_641, %lt3A_644 : vector<16xi1>
      %mul3A_646 = arith.constant 16 : i32
      %mul3A_647 = arith.muli %scan3A_621, %mul3A_646 : i32
      %add3A_648 = vector.broadcast %mul3A_647 : i32 to vector<16xi32>
      %add3A_649 = arith.addi %iota3A, %add3A_648 : vector<16xi32>
      tpu.vector_store_idx %arg6[%add3A_630, %add3A_649], %broadcast_in_dim3A_5 masked %and3A_645 : memref<488x128xf32, #tpu.memory_space<vmem>>[vector<16xi32>, vector<16xi32>], vector<16xf32>, vector<16xi1>
    }
    %scan3A_482 = arith.constant 8 : i32
    %scan3A_483 = arith.constant 0 : i32
    %scan3A_484 = arith.constant 0 : i32
    %scan3A_485 = arith.constant 8 : i32
    %scan3A_486 = arith.addi %scan3A_484, %scan3A_485 : i32
    %scan3A_487 = arith.constant 2 : i32
    scf.for %scan3A_595 = %scan3A_484 to %scan3A_486 step %scan3A_487  : i32 {
      %mul3A_596 = arith.constant 16 : i32
      %mul3A_597 = arith.muli %scan3A_595, %mul3A_596 : i32
      %get3A = arith.constant 25 : i32
      %get3A_598 = arith.index_cast %get3A : i32 to index
      %get3A_599 = arith.index_cast %mul3A_597 : i32 to index
      %get3A_600 = tpu.vector_load %arg4[%get3A_598, %get3A_599] {strides = array<i32>} : memref<26x128xi32, #tpu.memory_space<vmem>>, vector<16xi32>,
      %add3A_601 = arith.constant 404 : i32
      %add3A_602 = vector.broadcast %add3A_601 : i32 to vector<16xi32>
      %add3A_603 = arith.addi %get3A_600, %add3A_602 : vector<16xi32>
      %ge3A = arith.constant 0 : i32
      %ge3A_604 = vector.broadcast %ge3A : i32 to vector<16xi32>
      %ge3A_605 = arith.cmpi sge, %get3A_600, %ge3A_604 : vector<16xi32>
      %lt3A = arith.constant 130 : i32
      %lt3A_606 = vector.broadcast %lt3A : i32 to vector<16xi32>
      %lt3A_607 = arith.cmpi slt, %get3A_600, %lt3A_606 : vector<16xi32>
      %and3A = arith.andi %ge3A_605, %lt3A_607 : vector<16xi1>
      %ge3A_608 = arith.constant 0 : i32
      %ge3A_609 = vector.broadcast %ge3A_608 : i32 to vector<16xi32>
      %ge3A_610 = arith.cmpi sge, %add3A_603, %ge3A_609 : vector<16xi32>
      %and3A_611 = arith.andi %and3A, %ge3A_610 : vector<16xi1>
      %lt3A_612 = arith.constant 488 : i32
      %lt3A_613 = vector.broadcast %lt3A_612 : i32 to vector<16xi32>
      %lt3A_614 = arith.cmpi slt, %add3A_603, %lt3A_613 : vector<16xi32>
      %and3A_615 = arith.andi %and3A_611, %lt3A_614 : vector<16xi1>
      %mul3A_616 = arith.constant 16 : i32
      %mul3A_617 = arith.muli %scan3A_595, %mul3A_616 : i32
      %add3A_618 = vector.broadcast %mul3A_617 : i32 to vector<16xi32>
      %add3A_619 = arith.addi %iota3A, %add3A_618 : vector<16xi32>
      tpu.vector_store_idx %arg6[%add3A_603, %add3A_619], %broadcast_in_dim3A_5 masked %and3A_615 : memref<488x128xf32, #tpu.memory_space<vmem>>[vector<16xi32>, vector<16xi32>], vector<16xf32>, vector<16xi1>
      %scan3A_620 = arith.constant 1 : i32
      %scan3A_621 = arith.addi %scan3A_595, %scan3A_620 : i32
      %mul3A_622 = arith.constant 16 : i32
      %mul3A_623 = arith.muli %scan3A_621, %mul3A_622 : i32
      %get3A_624 = arith.constant 25 : i32
      %get3A_625 = arith.index_cast %get3A_624 : i32 to index
      %get3A_626 = arith.index_cast %mul3A_623 : i32 to index
      %get3A_627 = tpu.vector_load %arg4[%get3A_625, %get3A_626] {strides = array<i32>} : memref<26x128xi32, #tpu.memory_space<vmem>>, vector<16xi32>,
      %add3A_628 = arith.constant 404 : i32
      %add3A_629 = vector.broadcast %add3A_628 : i32 to vector<16xi32>
      %add3A_630 = arith.addi %get3A_627, %add3A_629 : vector<16xi32>
      %ge3A_631 = arith.constant 0 : i32
      %ge3A_632 = vector.broadcast %ge3A_631 : i32 to vector<16xi32>
      %ge3A_633 = arith.cmpi sge, %get3A_627, %ge3A_632 : vector<16xi32>
      %lt3A_634 = arith.constant 130 : i32
      %lt3A_635 = vector.broadcast %lt3A_634 : i32 to vector<16xi32>
      %lt3A_636 = arith.cmpi slt, %get3A_627, %lt3A_635 : vector<16xi32>
      %and3A_637 = arith.andi %ge3A_633, %lt3A_636 : vector<16xi1>
      %ge3A_638 = arith.constant 0 : i32
      %ge3A_639 = vector.broadcast %ge3A_638 : i32 to vector<16xi32>
      %ge3A_640 = arith.cmpi sge, %add3A_630, %ge3A_639 : vector<16xi32>
      %and3A_641 = arith.andi %and3A_637, %ge3A_640 : vector<16xi1>
      %lt3A_642 = arith.constant 488 : i32
      %lt3A_643 = vector.broadcast %lt3A_642 : i32 to vector<16xi32>
      %lt3A_644 = arith.cmpi slt, %add3A_630, %lt3A_643 : vector<16xi32>
      %and3A_645 = arith.andi %and3A_641, %lt3A_644 : vector<16xi1>
      %mul3A_646 = arith.constant 16 : i32
      %mul3A_647 = arith.muli %scan3A_621, %mul3A_646 : i32
      %add3A_648 = vector.broadcast %mul3A_647 : i32 to vector<16xi32>
      %add3A_649 = arith.addi %iota3A, %add3A_648 : vector<16xi32>
      tpu.vector_store_idx %arg6[%add3A_630, %add3A_649], %broadcast_in_dim3A_5 masked %and3A_645 : memref<488x128xf32, #tpu.memory_space<vmem>>[vector<16xi32>, vector<16xi32>], vector<16xf32>, vector<16xi1>
    }
    %scan3A_488 = arith.constant 8 : i32
    %dma_start3A_489 = arith.constant 0 : i32
    %dma_start3A_490 = arith.constant 0 : i32
    %dma_start3A_491 = tpu.memref_slice %arg6[%dma_start3A_489, %dma_start3A_490] : memref<488x128xf32, #tpu.memory_space<vmem>> -> memref<488x128xf32, #tpu.memory_space<vmem>>
    %dma_start3A_492 = arith.constant 3416 : i32
    %dma_start3A_493 = tpu.memref_slice %arg3[%dma_start3A_492, %mul3A_2] : memref<3950x4096xf32, #tpu.memory_space<hbm>> -> memref<488x128xf32, #tpu.memory_space<hbm>>
    %dma_start3A_494 = arith.constant 3416 : i32
    %dma_start3A_495 = tpu.memref_slice %arg3[%dma_start3A_494, %mul3A_2] : memref<3950x4096xf32, #tpu.memory_space<hbm>> -> memref<488x128xf32, #tpu.memory_space<hbm>>
    %dma_start3A_496 = arith.constant 0 : i32
    %dma_start3A_497 = arith.constant 0 : i32
    %dma_start3A_498 = tpu.memref_slice %arg6[%dma_start3A_496, %dma_start3A_497] : memref<488x128xf32, #tpu.memory_space<vmem>> -> memref<488x128xf32, #tpu.memory_space<vmem>>
    tpu.enqueue_dma source(%dma_start3A_498 : memref<488x128xf32, #tpu.memory_space<vmem>>) target(%dma_start3A_495 : memref<488x128xf32, #tpu.memory_space<hbm>>) target_semaphore(%arg8 : memref<!tpu.dma_semaphore, #tpu.memory_space<semaphore_mem>>)
    %dma_wait3A_499 = arith.constant 0 : i32
    %dma_wait3A_500 = arith.constant 0 : i32
    %dma_wait3A_501 = tpu.memref_slice %arg5[%dma_wait3A_499, %dma_wait3A_500] : memref<488x128xf32, #tpu.memory_space<vmem>> -> memref<488x128xf32, #tpu.memory_space<vmem>>
    %dma_wait3A_502 = arith.constant 2928 : i32
    %dma_wait3A_503 = tpu.memref_slice %arg3[%dma_wait3A_502, %mul3A_2] : memref<3950x4096xf32, #tpu.memory_space<hbm>> -> memref<488x128xf32, #tpu.memory_space<hbm>>
    %dma_wait3A_504 = arith.constant 2928 : i32
    %dma_wait3A_505 = tpu.memref_slice %arg3[%dma_wait3A_504, %mul3A_2] : memref<3950x4096xf32, #tpu.memory_space<hbm>> -> memref<488x128xf32, #tpu.memory_space<hbm>>
    %dma_wait3A_506 = arith.constant 0 : i32
    %dma_wait3A_507 = arith.constant 0 : i32
    %dma_wait3A_508 = tpu.memref_slice %arg5[%dma_wait3A_506, %dma_wait3A_507] : memref<488x128xf32, #tpu.memory_space<vmem>> -> memref<488x128xf32, #tpu.memory_space<vmem>>
    tpu.wait_dma2 semaphore(%arg7 : memref<!tpu.dma_semaphore, #tpu.memory_space<semaphore_mem>>) src(%dma_wait3A_508 : memref<488x128xf32, #tpu.memory_space<vmem>>) dst(%dma_wait3A_505 : memref<488x128xf32, #tpu.memory_space<hbm>>)
    %scan3A_509 = arith.constant 0 : i32
    %scan3A_510 = arith.constant 0 : i32
    %scan3A_511 = arith.constant 8 : i32
    %scan3A_512 = arith.addi %scan3A_510, %scan3A_511 : i32
    %scan3A_513 = arith.constant 2 : i32
    scf.for %scan3A_595 = %scan3A_510 to %scan3A_512 step %scan3A_513  : i32 {
      %mul3A_596 = arith.constant 16 : i32
      %mul3A_597 = arith.muli %scan3A_595, %mul3A_596 : i32
      %get3A = arith.constant 17 : i32
      %get3A_598 = arith.index_cast %get3A : i32 to index
      %get3A_599 = arith.index_cast %mul3A_597 : i32 to index
      %get3A_600 = tpu.vector_load %arg4[%get3A_598, %get3A_599] {strides = array<i32>} : memref<26x128xi32, #tpu.memory_space<vmem>>, vector<16xi32>,
      %add3A_601 = arith.constant -58 : i32
      %add3A_602 = vector.broadcast %add3A_601 : i32 to vector<16xi32>
      %add3A_603 = arith.addi %get3A_600, %add3A_602 : vector<16xi32>
      %ge3A = arith.constant 0 : i32
      %ge3A_604 = vector.broadcast %ge3A : i32 to vector<16xi32>
      %ge3A_605 = arith.cmpi sge, %get3A_600, %ge3A_604 : vector<16xi32>
      %lt3A = arith.constant 110 : i32
      %lt3A_606 = vector.broadcast %lt3A : i32 to vector<16xi32>
      %lt3A_607 = arith.cmpi slt, %get3A_600, %lt3A_606 : vector<16xi32>
      %and3A = arith.andi %ge3A_605, %lt3A_607 : vector<16xi1>
      %ge3A_608 = arith.constant 0 : i32
      %ge3A_609 = vector.broadcast %ge3A_608 : i32 to vector<16xi32>
      %ge3A_610 = arith.cmpi sge, %add3A_603, %ge3A_609 : vector<16xi32>
      %and3A_611 = arith.andi %and3A, %ge3A_610 : vector<16xi1>
      %lt3A_612 = arith.constant 488 : i32
      %lt3A_613 = vector.broadcast %lt3A_612 : i32 to vector<16xi32>
      %lt3A_614 = arith.cmpi slt, %add3A_603, %lt3A_613 : vector<16xi32>
      %and3A_615 = arith.andi %and3A_611, %lt3A_614 : vector<16xi1>
      %mul3A_616 = arith.constant 16 : i32
      %mul3A_617 = arith.muli %scan3A_595, %mul3A_616 : i32
      %add3A_618 = vector.broadcast %mul3A_617 : i32 to vector<16xi32>
      %add3A_619 = arith.addi %iota3A, %add3A_618 : vector<16xi32>
      tpu.vector_store_idx %arg5[%add3A_603, %add3A_619], %broadcast_in_dim3A_3 masked %and3A_615 : memref<488x128xf32, #tpu.memory_space<vmem>>[vector<16xi32>, vector<16xi32>], vector<16xf32>, vector<16xi1>
      %scan3A_620 = arith.constant 1 : i32
      %scan3A_621 = arith.addi %scan3A_595, %scan3A_620 : i32
      %mul3A_622 = arith.constant 16 : i32
      %mul3A_623 = arith.muli %scan3A_621, %mul3A_622 : i32
      %get3A_624 = arith.constant 17 : i32
      %get3A_625 = arith.index_cast %get3A_624 : i32 to index
      %get3A_626 = arith.index_cast %mul3A_623 : i32 to index
      %get3A_627 = tpu.vector_load %arg4[%get3A_625, %get3A_626] {strides = array<i32>} : memref<26x128xi32, #tpu.memory_space<vmem>>, vector<16xi32>,
      %add3A_628 = arith.constant -58 : i32
      %add3A_629 = vector.broadcast %add3A_628 : i32 to vector<16xi32>
      %add3A_630 = arith.addi %get3A_627, %add3A_629 : vector<16xi32>
      %ge3A_631 = arith.constant 0 : i32
      %ge3A_632 = vector.broadcast %ge3A_631 : i32 to vector<16xi32>
      %ge3A_633 = arith.cmpi sge, %get3A_627, %ge3A_632 : vector<16xi32>
      %lt3A_634 = arith.constant 110 : i32
      %lt3A_635 = vector.broadcast %lt3A_634 : i32 to vector<16xi32>
      %lt3A_636 = arith.cmpi slt, %get3A_627, %lt3A_635 : vector<16xi32>
      %and3A_637 = arith.andi %ge3A_633, %lt3A_636 : vector<16xi1>
      %ge3A_638 = arith.constant 0 : i32
      %ge3A_639 = vector.broadcast %ge3A_638 : i32 to vector<16xi32>
      %ge3A_640 = arith.cmpi sge, %add3A_630, %ge3A_639 : vector<16xi32>
      %and3A_641 = arith.andi %and3A_637, %ge3A_640 : vector<16xi1>
      %lt3A_642 = arith.constant 488 : i32
      %lt3A_643 = vector.broadcast %lt3A_642 : i32 to vector<16xi32>
      %lt3A_644 = arith.cmpi slt, %add3A_630, %lt3A_643 : vector<16xi32>
      %and3A_645 = arith.andi %and3A_641, %lt3A_644 : vector<16xi1>
      %mul3A_646 = arith.constant 16 : i32
      %mul3A_647 = arith.muli %scan3A_621, %mul3A_646 : i32
      %add3A_648 = vector.broadcast %mul3A_647 : i32 to vector<16xi32>
      %add3A_649 = arith.addi %iota3A, %add3A_648 : vector<16xi32>
      tpu.vector_store_idx %arg5[%add3A_630, %add3A_649], %broadcast_in_dim3A_3 masked %and3A_645 : memref<488x128xf32, #tpu.memory_space<vmem>>[vector<16xi32>, vector<16xi32>], vector<16xf32>, vector<16xi1>
    }
    %scan3A_514 = arith.constant 8 : i32
    %scan3A_515 = arith.constant 0 : i32
    %scan3A_516 = arith.constant 0 : i32
    %scan3A_517 = arith.constant 8 : i32
    %scan3A_518 = arith.addi %scan3A_516, %scan3A_517 : i32
    %scan3A_519 = arith.constant 2 : i32
    scf.for %scan3A_595 = %scan3A_516 to %scan3A_518 step %scan3A_519  : i32 {
      %mul3A_596 = arith.constant 16 : i32
      %mul3A_597 = arith.muli %scan3A_595, %mul3A_596 : i32
      %get3A = arith.constant 18 : i32
      %get3A_598 = arith.index_cast %get3A : i32 to index
      %get3A_599 = arith.index_cast %mul3A_597 : i32 to index
      %get3A_600 = tpu.vector_load %arg4[%get3A_598, %get3A_599] {strides = array<i32>} : memref<26x128xi32, #tpu.memory_space<vmem>>, vector<16xi32>,
      %add3A_601 = arith.constant 52 : i32
      %add3A_602 = vector.broadcast %add3A_601 : i32 to vector<16xi32>
      %add3A_603 = arith.addi %get3A_600, %add3A_602 : vector<16xi32>
      %ge3A = arith.constant 0 : i32
      %ge3A_604 = vector.broadcast %ge3A : i32 to vector<16xi32>
      %ge3A_605 = arith.cmpi sge, %get3A_600, %ge3A_604 : vector<16xi32>
      %lt3A = arith.constant 35 : i32
      %lt3A_606 = vector.broadcast %lt3A : i32 to vector<16xi32>
      %lt3A_607 = arith.cmpi slt, %get3A_600, %lt3A_606 : vector<16xi32>
      %and3A = arith.andi %ge3A_605, %lt3A_607 : vector<16xi1>
      %ge3A_608 = arith.constant 0 : i32
      %ge3A_609 = vector.broadcast %ge3A_608 : i32 to vector<16xi32>
      %ge3A_610 = arith.cmpi sge, %add3A_603, %ge3A_609 : vector<16xi32>
      %and3A_611 = arith.andi %and3A, %ge3A_610 : vector<16xi1>
      %lt3A_612 = arith.constant 488 : i32
      %lt3A_613 = vector.broadcast %lt3A_612 : i32 to vector<16xi32>
      %lt3A_614 = arith.cmpi slt, %add3A_603, %lt3A_613 : vector<16xi32>
      %and3A_615 = arith.andi %and3A_611, %lt3A_614 : vector<16xi1>
      %mul3A_616 = arith.constant 16 : i32
      %mul3A_617 = arith.muli %scan3A_595, %mul3A_616 : i32
      %add3A_618 = vector.broadcast %mul3A_617 : i32 to vector<16xi32>
      %add3A_619 = arith.addi %iota3A, %add3A_618 : vector<16xi32>
      tpu.vector_store_idx %arg5[%add3A_603, %add3A_619], %broadcast_in_dim3A_3 masked %and3A_615 : memref<488x128xf32, #tpu.memory_space<vmem>>[vector<16xi32>, vector<16xi32>], vector<16xf32>, vector<16xi1>
      %scan3A_620 = arith.constant 1 : i32
      %scan3A_621 = arith.addi %scan3A_595, %scan3A_620 : i32
      %mul3A_622 = arith.constant 16 : i32
      %mul3A_623 = arith.muli %scan3A_621, %mul3A_622 : i32
      %get3A_624 = arith.constant 18 : i32
      %get3A_625 = arith.index_cast %get3A_624 : i32 to index
      %get3A_626 = arith.index_cast %mul3A_623 : i32 to index
      %get3A_627 = tpu.vector_load %arg4[%get3A_625, %get3A_626] {strides = array<i32>} : memref<26x128xi32, #tpu.memory_space<vmem>>, vector<16xi32>,
      %add3A_628 = arith.constant 52 : i32
      %add3A_629 = vector.broadcast %add3A_628 : i32 to vector<16xi32>
      %add3A_630 = arith.addi %get3A_627, %add3A_629 : vector<16xi32>
      %ge3A_631 = arith.constant 0 : i32
      %ge3A_632 = vector.broadcast %ge3A_631 : i32 to vector<16xi32>
      %ge3A_633 = arith.cmpi sge, %get3A_627, %ge3A_632 : vector<16xi32>
      %lt3A_634 = arith.constant 35 : i32
      %lt3A_635 = vector.broadcast %lt3A_634 : i32 to vector<16xi32>
      %lt3A_636 = arith.cmpi slt, %get3A_627, %lt3A_635 : vector<16xi32>
      %and3A_637 = arith.andi %ge3A_633, %lt3A_636 : vector<16xi1>
      %ge3A_638 = arith.constant 0 : i32
      %ge3A_639 = vector.broadcast %ge3A_638 : i32 to vector<16xi32>
      %ge3A_640 = arith.cmpi sge, %add3A_630, %ge3A_639 : vector<16xi32>
      %and3A_641 = arith.andi %and3A_637, %ge3A_640 : vector<16xi1>
      %lt3A_642 = arith.constant 488 : i32
      %lt3A_643 = vector.broadcast %lt3A_642 : i32 to vector<16xi32>
      %lt3A_644 = arith.cmpi slt, %add3A_630, %lt3A_643 : vector<16xi32>
      %and3A_645 = arith.andi %and3A_641, %lt3A_644 : vector<16xi1>
      %mul3A_646 = arith.constant 16 : i32
      %mul3A_647 = arith.muli %scan3A_621, %mul3A_646 : i32
      %add3A_648 = vector.broadcast %mul3A_647 : i32 to vector<16xi32>
      %add3A_649 = arith.addi %iota3A, %add3A_648 : vector<16xi32>
      tpu.vector_store_idx %arg5[%add3A_630, %add3A_649], %broadcast_in_dim3A_3 masked %and3A_645 : memref<488x128xf32, #tpu.memory_space<vmem>>[vector<16xi32>, vector<16xi32>], vector<16xf32>, vector<16xi1>
    }
    %scan3A_520 = arith.constant 8 : i32
    %scan3A_521 = arith.constant 0 : i32
    %scan3A_522 = arith.constant 0 : i32
    %scan3A_523 = arith.constant 8 : i32
    %scan3A_524 = arith.addi %scan3A_522, %scan3A_523 : i32
    %scan3A_525 = arith.constant 2 : i32
    scf.for %scan3A_595 = %scan3A_522 to %scan3A_524 step %scan3A_525  : i32 {
      %mul3A_596 = arith.constant 16 : i32
      %mul3A_597 = arith.muli %scan3A_595, %mul3A_596 : i32
      %get3A = arith.constant 19 : i32
      %get3A_598 = arith.index_cast %get3A : i32 to index
      %get3A_599 = arith.index_cast %mul3A_597 : i32 to index
      %get3A_600 = tpu.vector_load %arg4[%get3A_598, %get3A_599] {strides = array<i32>} : memref<26x128xi32, #tpu.memory_space<vmem>>, vector<16xi32>,
      %add3A_601 = arith.constant 87 : i32
      %add3A_602 = vector.broadcast %add3A_601 : i32 to vector<16xi32>
      %add3A_603 = arith.addi %get3A_600, %add3A_602 : vector<16xi32>
      %ge3A = arith.constant 0 : i32
      %ge3A_604 = vector.broadcast %ge3A : i32 to vector<16xi32>
      %ge3A_605 = arith.cmpi sge, %get3A_600, %ge3A_604 : vector<16xi32>
      %lt3A = arith.constant 250 : i32
      %lt3A_606 = vector.broadcast %lt3A : i32 to vector<16xi32>
      %lt3A_607 = arith.cmpi slt, %get3A_600, %lt3A_606 : vector<16xi32>
      %and3A = arith.andi %ge3A_605, %lt3A_607 : vector<16xi1>
      %ge3A_608 = arith.constant 0 : i32
      %ge3A_609 = vector.broadcast %ge3A_608 : i32 to vector<16xi32>
      %ge3A_610 = arith.cmpi sge, %add3A_603, %ge3A_609 : vector<16xi32>
      %and3A_611 = arith.andi %and3A, %ge3A_610 : vector<16xi1>
      %lt3A_612 = arith.constant 488 : i32
      %lt3A_613 = vector.broadcast %lt3A_612 : i32 to vector<16xi32>
      %lt3A_614 = arith.cmpi slt, %add3A_603, %lt3A_613 : vector<16xi32>
      %and3A_615 = arith.andi %and3A_611, %lt3A_614 : vector<16xi1>
      %mul3A_616 = arith.constant 16 : i32
      %mul3A_617 = arith.muli %scan3A_595, %mul3A_616 : i32
      %add3A_618 = vector.broadcast %mul3A_617 : i32 to vector<16xi32>
      %add3A_619 = arith.addi %iota3A, %add3A_618 : vector<16xi32>
      tpu.vector_store_idx %arg5[%add3A_603, %add3A_619], %broadcast_in_dim3A_3 masked %and3A_615 : memref<488x128xf32, #tpu.memory_space<vmem>>[vector<16xi32>, vector<16xi32>], vector<16xf32>, vector<16xi1>
      %scan3A_620 = arith.constant 1 : i32
      %scan3A_621 = arith.addi %scan3A_595, %scan3A_620 : i32
      %mul3A_622 = arith.constant 16 : i32
      %mul3A_623 = arith.muli %scan3A_621, %mul3A_622 : i32
      %get3A_624 = arith.constant 19 : i32
      %get3A_625 = arith.index_cast %get3A_624 : i32 to index
      %get3A_626 = arith.index_cast %mul3A_623 : i32 to index
      %get3A_627 = tpu.vector_load %arg4[%get3A_625, %get3A_626] {strides = array<i32>} : memref<26x128xi32, #tpu.memory_space<vmem>>, vector<16xi32>,
      %add3A_628 = arith.constant 87 : i32
      %add3A_629 = vector.broadcast %add3A_628 : i32 to vector<16xi32>
      %add3A_630 = arith.addi %get3A_627, %add3A_629 : vector<16xi32>
      %ge3A_631 = arith.constant 0 : i32
      %ge3A_632 = vector.broadcast %ge3A_631 : i32 to vector<16xi32>
      %ge3A_633 = arith.cmpi sge, %get3A_627, %ge3A_632 : vector<16xi32>
      %lt3A_634 = arith.constant 250 : i32
      %lt3A_635 = vector.broadcast %lt3A_634 : i32 to vector<16xi32>
      %lt3A_636 = arith.cmpi slt, %get3A_627, %lt3A_635 : vector<16xi32>
      %and3A_637 = arith.andi %ge3A_633, %lt3A_636 : vector<16xi1>
      %ge3A_638 = arith.constant 0 : i32
      %ge3A_639 = vector.broadcast %ge3A_638 : i32 to vector<16xi32>
      %ge3A_640 = arith.cmpi sge, %add3A_630, %ge3A_639 : vector<16xi32>
      %and3A_641 = arith.andi %and3A_637, %ge3A_640 : vector<16xi1>
      %lt3A_642 = arith.constant 488 : i32
      %lt3A_643 = vector.broadcast %lt3A_642 : i32 to vector<16xi32>
      %lt3A_644 = arith.cmpi slt, %add3A_630, %lt3A_643 : vector<16xi32>
      %and3A_645 = arith.andi %and3A_641, %lt3A_644 : vector<16xi1>
      %mul3A_646 = arith.constant 16 : i32
      %mul3A_647 = arith.muli %scan3A_621, %mul3A_646 : i32
      %add3A_648 = vector.broadcast %mul3A_647 : i32 to vector<16xi32>
      %add3A_649 = arith.addi %iota3A, %add3A_648 : vector<16xi32>
      tpu.vector_store_idx %arg5[%add3A_630, %add3A_649], %broadcast_in_dim3A_3 masked %and3A_645 : memref<488x128xf32, #tpu.memory_space<vmem>>[vector<16xi32>, vector<16xi32>], vector<16xf32>, vector<16xi1>
    }
    %scan3A_526 = arith.constant 8 : i32
    %scan3A_527 = arith.constant 0 : i32
    %scan3A_528 = arith.constant 0 : i32
    %scan3A_529 = arith.constant 8 : i32
    %scan3A_530 = arith.addi %scan3A_528, %scan3A_529 : i32
    %scan3A_531 = arith.constant 2 : i32
    scf.for %scan3A_595 = %scan3A_528 to %scan3A_530 step %scan3A_531  : i32 {
      %mul3A_596 = arith.constant 16 : i32
      %mul3A_597 = arith.muli %scan3A_595, %mul3A_596 : i32
      %get3A = arith.constant 20 : i32
      %get3A_598 = arith.index_cast %get3A : i32 to index
      %get3A_599 = arith.index_cast %mul3A_597 : i32 to index
      %get3A_600 = tpu.vector_load %arg4[%get3A_598, %get3A_599] {strides = array<i32>} : memref<26x128xi32, #tpu.memory_space<vmem>>, vector<16xi32>,
      %add3A_601 = arith.constant 337 : i32
      %add3A_602 = vector.broadcast %add3A_601 : i32 to vector<16xi32>
      %add3A_603 = arith.addi %get3A_600, %add3A_602 : vector<16xi32>
      %ge3A = arith.constant 0 : i32
      %ge3A_604 = vector.broadcast %ge3A : i32 to vector<16xi32>
      %ge3A_605 = arith.cmpi sge, %get3A_600, %ge3A_604 : vector<16xi32>
      %lt3A = arith.constant 15 : i32
      %lt3A_606 = vector.broadcast %lt3A : i32 to vector<16xi32>
      %lt3A_607 = arith.cmpi slt, %get3A_600, %lt3A_606 : vector<16xi32>
      %and3A = arith.andi %ge3A_605, %lt3A_607 : vector<16xi1>
      %ge3A_608 = arith.constant 0 : i32
      %ge3A_609 = vector.broadcast %ge3A_608 : i32 to vector<16xi32>
      %ge3A_610 = arith.cmpi sge, %add3A_603, %ge3A_609 : vector<16xi32>
      %and3A_611 = arith.andi %and3A, %ge3A_610 : vector<16xi1>
      %lt3A_612 = arith.constant 488 : i32
      %lt3A_613 = vector.broadcast %lt3A_612 : i32 to vector<16xi32>
      %lt3A_614 = arith.cmpi slt, %add3A_603, %lt3A_613 : vector<16xi32>
      %and3A_615 = arith.andi %and3A_611, %lt3A_614 : vector<16xi1>
      %mul3A_616 = arith.constant 16 : i32
      %mul3A_617 = arith.muli %scan3A_595, %mul3A_616 : i32
      %add3A_618 = vector.broadcast %mul3A_617 : i32 to vector<16xi32>
      %add3A_619 = arith.addi %iota3A, %add3A_618 : vector<16xi32>
      tpu.vector_store_idx %arg5[%add3A_603, %add3A_619], %broadcast_in_dim3A_3 masked %and3A_615 : memref<488x128xf32, #tpu.memory_space<vmem>>[vector<16xi32>, vector<16xi32>], vector<16xf32>, vector<16xi1>
      %scan3A_620 = arith.constant 1 : i32
      %scan3A_621 = arith.addi %scan3A_595, %scan3A_620 : i32
      %mul3A_622 = arith.constant 16 : i32
      %mul3A_623 = arith.muli %scan3A_621, %mul3A_622 : i32
      %get3A_624 = arith.constant 20 : i32
      %get3A_625 = arith.index_cast %get3A_624 : i32 to index
      %get3A_626 = arith.index_cast %mul3A_623 : i32 to index
      %get3A_627 = tpu.vector_load %arg4[%get3A_625, %get3A_626] {strides = array<i32>} : memref<26x128xi32, #tpu.memory_space<vmem>>, vector<16xi32>,
      %add3A_628 = arith.constant 337 : i32
      %add3A_629 = vector.broadcast %add3A_628 : i32 to vector<16xi32>
      %add3A_630 = arith.addi %get3A_627, %add3A_629 : vector<16xi32>
      %ge3A_631 = arith.constant 0 : i32
      %ge3A_632 = vector.broadcast %ge3A_631 : i32 to vector<16xi32>
      %ge3A_633 = arith.cmpi sge, %get3A_627, %ge3A_632 : vector<16xi32>
      %lt3A_634 = arith.constant 15 : i32
      %lt3A_635 = vector.broadcast %lt3A_634 : i32 to vector<16xi32>
      %lt3A_636 = arith.cmpi slt, %get3A_627, %lt3A_635 : vector<16xi32>
      %and3A_637 = arith.andi %ge3A_633, %lt3A_636 : vector<16xi1>
      %ge3A_638 = arith.constant 0 : i32
      %ge3A_639 = vector.broadcast %ge3A_638 : i32 to vector<16xi32>
      %ge3A_640 = arith.cmpi sge, %add3A_630, %ge3A_639 : vector<16xi32>
      %and3A_641 = arith.andi %and3A_637, %ge3A_640 : vector<16xi1>
      %lt3A_642 = arith.constant 488 : i32
      %lt3A_643 = vector.broadcast %lt3A_642 : i32 to vector<16xi32>
      %lt3A_644 = arith.cmpi slt, %add3A_630, %lt3A_643 : vector<16xi32>
      %and3A_645 = arith.andi %and3A_641, %lt3A_644 : vector<16xi1>
      %mul3A_646 = arith.constant 16 : i32
      %mul3A_647 = arith.muli %scan3A_621, %mul3A_646 : i32
      %add3A_648 = vector.broadcast %mul3A_647 : i32 to vector<16xi32>
      %add3A_649 = arith.addi %iota3A, %add3A_648 : vector<16xi32>
      tpu.vector_store_idx %arg5[%add3A_630, %add3A_649], %broadcast_in_dim3A_3 masked %and3A_645 : memref<488x128xf32, #tpu.memory_space<vmem>>[vector<16xi32>, vector<16xi32>], vector<16xf32>, vector<16xi1>
    }
    %scan3A_532 = arith.constant 8 : i32
    %scan3A_533 = arith.constant 0 : i32
    %scan3A_534 = arith.constant 0 : i32
    %scan3A_535 = arith.constant 8 : i32
    %scan3A_536 = arith.addi %scan3A_534, %scan3A_535 : i32
    %scan3A_537 = arith.constant 2 : i32
    scf.for %scan3A_595 = %scan3A_534 to %scan3A_536 step %scan3A_537  : i32 {
      %mul3A_596 = arith.constant 16 : i32
      %mul3A_597 = arith.muli %scan3A_595, %mul3A_596 : i32
      %get3A = arith.constant 21 : i32
      %get3A_598 = arith.index_cast %get3A : i32 to index
      %get3A_599 = arith.index_cast %mul3A_597 : i32 to index
      %get3A_600 = tpu.vector_load %arg4[%get3A_598, %get3A_599] {strides = array<i32>} : memref<26x128xi32, #tpu.memory_space<vmem>>, vector<16xi32>,
      %add3A_601 = arith.constant 352 : i32
      %add3A_602 = vector.broadcast %add3A_601 : i32 to vector<16xi32>
      %add3A_603 = arith.addi %get3A_600, %add3A_602 : vector<16xi32>
      %ge3A = arith.constant 0 : i32
      %ge3A_604 = vector.broadcast %ge3A : i32 to vector<16xi32>
      %ge3A_605 = arith.cmpi sge, %get3A_600, %ge3A_604 : vector<16xi32>
      %lt3A = arith.constant 400 : i32
      %lt3A_606 = vector.broadcast %lt3A : i32 to vector<16xi32>
      %lt3A_607 = arith.cmpi slt, %get3A_600, %lt3A_606 : vector<16xi32>
      %and3A = arith.andi %ge3A_605, %lt3A_607 : vector<16xi1>
      %ge3A_608 = arith.constant 0 : i32
      %ge3A_609 = vector.broadcast %ge3A_608 : i32 to vector<16xi32>
      %ge3A_610 = arith.cmpi sge, %add3A_603, %ge3A_609 : vector<16xi32>
      %and3A_611 = arith.andi %and3A, %ge3A_610 : vector<16xi1>
      %lt3A_612 = arith.constant 488 : i32
      %lt3A_613 = vector.broadcast %lt3A_612 : i32 to vector<16xi32>
      %lt3A_614 = arith.cmpi slt, %add3A_603, %lt3A_613 : vector<16xi32>
      %and3A_615 = arith.andi %and3A_611, %lt3A_614 : vector<16xi1>
      %mul3A_616 = arith.constant 16 : i32
      %mul3A_617 = arith.muli %scan3A_595, %mul3A_616 : i32
      %add3A_618 = vector.broadcast %mul3A_617 : i32 to vector<16xi32>
      %add3A_619 = arith.addi %iota3A, %add3A_618 : vector<16xi32>
      tpu.vector_store_idx %arg5[%add3A_603, %add3A_619], %broadcast_in_dim3A_3 masked %and3A_615 : memref<488x128xf32, #tpu.memory_space<vmem>>[vector<16xi32>, vector<16xi32>], vector<16xf32>, vector<16xi1>
      %scan3A_620 = arith.constant 1 : i32
      %scan3A_621 = arith.addi %scan3A_595, %scan3A_620 : i32
      %mul3A_622 = arith.constant 16 : i32
      %mul3A_623 = arith.muli %scan3A_621, %mul3A_622 : i32
      %get3A_624 = arith.constant 21 : i32
      %get3A_625 = arith.index_cast %get3A_624 : i32 to index
      %get3A_626 = arith.index_cast %mul3A_623 : i32 to index
      %get3A_627 = tpu.vector_load %arg4[%get3A_625, %get3A_626] {strides = array<i32>} : memref<26x128xi32, #tpu.memory_space<vmem>>, vector<16xi32>,
      %add3A_628 = arith.constant 352 : i32
      %add3A_629 = vector.broadcast %add3A_628 : i32 to vector<16xi32>
      %add3A_630 = arith.addi %get3A_627, %add3A_629 : vector<16xi32>
      %ge3A_631 = arith.constant 0 : i32
      %ge3A_632 = vector.broadcast %ge3A_631 : i32 to vector<16xi32>
      %ge3A_633 = arith.cmpi sge, %get3A_627, %ge3A_632 : vector<16xi32>
      %lt3A_634 = arith.constant 400 : i32
      %lt3A_635 = vector.broadcast %lt3A_634 : i32 to vector<16xi32>
      %lt3A_636 = arith.cmpi slt, %get3A_627, %lt3A_635 : vector<16xi32>
      %and3A_637 = arith.andi %ge3A_633, %lt3A_636 : vector<16xi1>
      %ge3A_638 = arith.constant 0 : i32
      %ge3A_639 = vector.broadcast %ge3A_638 : i32 to vector<16xi32>
      %ge3A_640 = arith.cmpi sge, %add3A_630, %ge3A_639 : vector<16xi32>
      %and3A_641 = arith.andi %and3A_637, %ge3A_640 : vector<16xi1>
      %lt3A_642 = arith.constant 488 : i32
      %lt3A_643 = vector.broadcast %lt3A_642 : i32 to vector<16xi32>
      %lt3A_644 = arith.cmpi slt, %add3A_630, %lt3A_643 : vector<16xi32>
      %and3A_645 = arith.andi %and3A_641, %lt3A_644 : vector<16xi1>
      %mul3A_646 = arith.constant 16 : i32
      %mul3A_647 = arith.muli %scan3A_621, %mul3A_646 : i32
      %add3A_648 = vector.broadcast %mul3A_647 : i32 to vector<16xi32>
      %add3A_649 = arith.addi %iota3A, %add3A_648 : vector<16xi32>
      tpu.vector_store_idx %arg5[%add3A_630, %add3A_649], %broadcast_in_dim3A_3 masked %and3A_645 : memref<488x128xf32, #tpu.memory_space<vmem>>[vector<16xi32>, vector<16xi32>], vector<16xf32>, vector<16xi1>
    }
    %scan3A_538 = arith.constant 8 : i32
    %scan3A_539 = arith.constant 0 : i32
    %scan3A_540 = arith.constant 0 : i32
    %scan3A_541 = arith.constant 8 : i32
    %scan3A_542 = arith.addi %scan3A_540, %scan3A_541 : i32
    %scan3A_543 = arith.constant 2 : i32
    scf.for %scan3A_595 = %scan3A_540 to %scan3A_542 step %scan3A_543  : i32 {
      %mul3A_596 = arith.constant 16 : i32
      %mul3A_597 = arith.muli %scan3A_595, %mul3A_596 : i32
      %get3A = arith.constant 25 : i32
      %get3A_598 = arith.index_cast %get3A : i32 to index
      %get3A_599 = arith.index_cast %mul3A_597 : i32 to index
      %get3A_600 = tpu.vector_load %arg4[%get3A_598, %get3A_599] {strides = array<i32>} : memref<26x128xi32, #tpu.memory_space<vmem>>, vector<16xi32>,
      %add3A_601 = arith.constant -84 : i32
      %add3A_602 = vector.broadcast %add3A_601 : i32 to vector<16xi32>
      %add3A_603 = arith.addi %get3A_600, %add3A_602 : vector<16xi32>
      %ge3A = arith.constant 0 : i32
      %ge3A_604 = vector.broadcast %ge3A : i32 to vector<16xi32>
      %ge3A_605 = arith.cmpi sge, %get3A_600, %ge3A_604 : vector<16xi32>
      %lt3A = arith.constant 130 : i32
      %lt3A_606 = vector.broadcast %lt3A : i32 to vector<16xi32>
      %lt3A_607 = arith.cmpi slt, %get3A_600, %lt3A_606 : vector<16xi32>
      %and3A = arith.andi %ge3A_605, %lt3A_607 : vector<16xi1>
      %ge3A_608 = arith.constant 0 : i32
      %ge3A_609 = vector.broadcast %ge3A_608 : i32 to vector<16xi32>
      %ge3A_610 = arith.cmpi sge, %add3A_603, %ge3A_609 : vector<16xi32>
      %and3A_611 = arith.andi %and3A, %ge3A_610 : vector<16xi1>
      %lt3A_612 = arith.constant 488 : i32
      %lt3A_613 = vector.broadcast %lt3A_612 : i32 to vector<16xi32>
      %lt3A_614 = arith.cmpi slt, %add3A_603, %lt3A_613 : vector<16xi32>
      %and3A_615 = arith.andi %and3A_611, %lt3A_614 : vector<16xi1>
      %mul3A_616 = arith.constant 16 : i32
      %mul3A_617 = arith.muli %scan3A_595, %mul3A_616 : i32
      %add3A_618 = vector.broadcast %mul3A_617 : i32 to vector<16xi32>
      %add3A_619 = arith.addi %iota3A, %add3A_618 : vector<16xi32>
      tpu.vector_store_idx %arg5[%add3A_603, %add3A_619], %broadcast_in_dim3A_5 masked %and3A_615 : memref<488x128xf32, #tpu.memory_space<vmem>>[vector<16xi32>, vector<16xi32>], vector<16xf32>, vector<16xi1>
      %scan3A_620 = arith.constant 1 : i32
      %scan3A_621 = arith.addi %scan3A_595, %scan3A_620 : i32
      %mul3A_622 = arith.constant 16 : i32
      %mul3A_623 = arith.muli %scan3A_621, %mul3A_622 : i32
      %get3A_624 = arith.constant 25 : i32
      %get3A_625 = arith.index_cast %get3A_624 : i32 to index
      %get3A_626 = arith.index_cast %mul3A_623 : i32 to index
      %get3A_627 = tpu.vector_load %arg4[%get3A_625, %get3A_626] {strides = array<i32>} : memref<26x128xi32, #tpu.memory_space<vmem>>, vector<16xi32>,
      %add3A_628 = arith.constant -84 : i32
      %add3A_629 = vector.broadcast %add3A_628 : i32 to vector<16xi32>
      %add3A_630 = arith.addi %get3A_627, %add3A_629 : vector<16xi32>
      %ge3A_631 = arith.constant 0 : i32
      %ge3A_632 = vector.broadcast %ge3A_631 : i32 to vector<16xi32>
      %ge3A_633 = arith.cmpi sge, %get3A_627, %ge3A_632 : vector<16xi32>
      %lt3A_634 = arith.constant 130 : i32
      %lt3A_635 = vector.broadcast %lt3A_634 : i32 to vector<16xi32>
      %lt3A_636 = arith.cmpi slt, %get3A_627, %lt3A_635 : vector<16xi32>
      %and3A_637 = arith.andi %ge3A_633, %lt3A_636 : vector<16xi1>
      %ge3A_638 = arith.constant 0 : i32
      %ge3A_639 = vector.broadcast %ge3A_638 : i32 to vector<16xi32>
      %ge3A_640 = arith.cmpi sge, %add3A_630, %ge3A_639 : vector<16xi32>
      %and3A_641 = arith.andi %and3A_637, %ge3A_640 : vector<16xi1>
      %lt3A_642 = arith.constant 488 : i32
      %lt3A_643 = vector.broadcast %lt3A_642 : i32 to vector<16xi32>
      %lt3A_644 = arith.cmpi slt, %add3A_630, %lt3A_643 : vector<16xi32>
      %and3A_645 = arith.andi %and3A_641, %lt3A_644 : vector<16xi1>
      %mul3A_646 = arith.constant 16 : i32
      %mul3A_647 = arith.muli %scan3A_621, %mul3A_646 : i32
      %add3A_648 = vector.broadcast %mul3A_647 : i32 to vector<16xi32>
      %add3A_649 = arith.addi %iota3A, %add3A_648 : vector<16xi32>
      tpu.vector_store_idx %arg5[%add3A_630, %add3A_649], %broadcast_in_dim3A_5 masked %and3A_645 : memref<488x128xf32, #tpu.memory_space<vmem>>[vector<16xi32>, vector<16xi32>], vector<16xf32>, vector<16xi1>
    }
    %scan3A_544 = arith.constant 8 : i32
    %dma_start3A_545 = arith.constant 0 : i32
    %dma_start3A_546 = arith.constant 0 : i32
    %dma_start3A_547 = tpu.memref_slice %arg5[%dma_start3A_545, %dma_start3A_546] : memref<488x128xf32, #tpu.memory_space<vmem>> -> memref<40x128xf32, #tpu.memory_space<vmem>>
    %dma_start3A_548 = arith.constant 3904 : i32
    %dma_start3A_549 = tpu.memref_slice %arg3[%dma_start3A_548, %mul3A_2] : memref<3950x4096xf32, #tpu.memory_space<hbm>> -> memref<40x128xf32, #tpu.memory_space<hbm>>
    %dma_start3A_550 = arith.constant 3904 : i32
    %dma_start3A_551 = tpu.memref_slice %arg3[%dma_start3A_550, %mul3A_2] : memref<3950x4096xf32, #tpu.memory_space<hbm>> -> memref<40x128xf32, #tpu.memory_space<hbm>>
    %dma_start3A_552 = arith.constant 0 : i32
    %dma_start3A_553 = arith.constant 0 : i32
    %dma_start3A_554 = tpu.memref_slice %arg5[%dma_start3A_552, %dma_start3A_553] : memref<488x128xf32, #tpu.memory_space<vmem>> -> memref<40x128xf32, #tpu.memory_space<vmem>>
    tpu.enqueue_dma source(%dma_start3A_554 : memref<40x128xf32, #tpu.memory_space<vmem>>) target(%dma_start3A_551 : memref<40x128xf32, #tpu.memory_space<hbm>>) target_semaphore(%arg7 : memref<!tpu.dma_semaphore, #tpu.memory_space<semaphore_mem>>)
    %dma_start3A_555 = arith.constant 40 : i32
    %dma_start3A_556 = arith.constant 0 : i32
    %dma_start3A_557 = tpu.memref_slice %arg5[%dma_start3A_555, %dma_start3A_556] : memref<488x128xf32, #tpu.memory_space<vmem>> -> memref<6x128xf32, #tpu.memory_space<vmem>>
    %dma_start3A_558 = arith.constant 3944 : i32
    %dma_start3A_559 = tpu.memref_slice %arg3[%dma_start3A_558, %mul3A_2] : memref<3950x4096xf32, #tpu.memory_space<hbm>> -> memref<6x128xf32, #tpu.memory_space<hbm>>
    %dma_start3A_560 = arith.constant 3944 : i32
    %dma_start3A_561 = tpu.memref_slice %arg3[%dma_start3A_560, %mul3A_2] : memref<3950x4096xf32, #tpu.memory_space<hbm>> -> memref<6x128xf32, #tpu.memory_space<hbm>>
    %dma_start3A_562 = arith.constant 40 : i32
    %dma_start3A_563 = arith.constant 0 : i32
    %dma_start3A_564 = tpu.memref_slice %arg5[%dma_start3A_562, %dma_start3A_563] : memref<488x128xf32, #tpu.memory_space<vmem>> -> memref<6x128xf32, #tpu.memory_space<vmem>>
    tpu.enqueue_dma source(%dma_start3A_564 : memref<6x128xf32, #tpu.memory_space<vmem>>) target(%dma_start3A_561 : memref<6x128xf32, #tpu.memory_space<hbm>>) target_semaphore(%arg7 : memref<!tpu.dma_semaphore, #tpu.memory_space<semaphore_mem>>)
    %dma_wait3A_565 = arith.constant 0 : i32
    %dma_wait3A_566 = arith.constant 0 : i32
    %dma_wait3A_567 = tpu.memref_slice %arg5[%dma_wait3A_565, %dma_wait3A_566] : memref<488x128xf32, #tpu.memory_space<vmem>> -> memref<40x128xf32, #tpu.memory_space<vmem>>
    %dma_wait3A_568 = arith.constant 3904 : i32
    %dma_wait3A_569 = tpu.memref_slice %arg3[%dma_wait3A_568, %mul3A_2] : memref<3950x4096xf32, #tpu.memory_space<hbm>> -> memref<40x128xf32, #tpu.memory_space<hbm>>
    %dma_wait3A_570 = arith.constant 3904 : i32
    %dma_wait3A_571 = tpu.memref_slice %arg3[%dma_wait3A_570, %mul3A_2] : memref<3950x4096xf32, #tpu.memory_space<hbm>> -> memref<40x128xf32, #tpu.memory_space<hbm>>
    %dma_wait3A_572 = arith.constant 0 : i32
    %dma_wait3A_573 = arith.constant 0 : i32
    %dma_wait3A_574 = tpu.memref_slice %arg5[%dma_wait3A_572, %dma_wait3A_573] : memref<488x128xf32, #tpu.memory_space<vmem>> -> memref<40x128xf32, #tpu.memory_space<vmem>>
    tpu.wait_dma2 semaphore(%arg7 : memref<!tpu.dma_semaphore, #tpu.memory_space<semaphore_mem>>) src(%dma_wait3A_574 : memref<40x128xf32, #tpu.memory_space<vmem>>) dst(%dma_wait3A_571 : memref<40x128xf32, #tpu.memory_space<hbm>>)
    %dma_wait3A_575 = arith.constant 40 : i32
    %dma_wait3A_576 = arith.constant 0 : i32
    %dma_wait3A_577 = tpu.memref_slice %arg5[%dma_wait3A_575, %dma_wait3A_576] : memref<488x128xf32, #tpu.memory_space<vmem>> -> memref<6x128xf32, #tpu.memory_space<vmem>>
    %dma_wait3A_578 = arith.constant 3944 : i32
    %dma_wait3A_579 = tpu.memref_slice %arg3[%dma_wait3A_578, %mul3A_2] : memref<3950x4096xf32, #tpu.memory_space<hbm>> -> memref<6x128xf32, #tpu.memory_space<hbm>>
    %dma_wait3A_580 = arith.constant 3944 : i32
    %dma_wait3A_581 = tpu.memref_slice %arg3[%dma_wait3A_580, %mul3A_2] : memref<3950x4096xf32, #tpu.memory_space<hbm>> -> memref<6x128xf32, #tpu.memory_space<hbm>>
    %dma_wait3A_582 = arith.constant 40 : i32
    %dma_wait3A_583 = arith.constant 0 : i32
    %dma_wait3A_584 = tpu.memref_slice %arg5[%dma_wait3A_582, %dma_wait3A_583] : memref<488x128xf32, #tpu.memory_space<vmem>> -> memref<6x128xf32, #tpu.memory_space<vmem>>
    tpu.wait_dma2 semaphore(%arg7 : memref<!tpu.dma_semaphore, #tpu.memory_space<semaphore_mem>>) src(%dma_wait3A_584 : memref<6x128xf32, #tpu.memory_space<vmem>>) dst(%dma_wait3A_581 : memref<6x128xf32, #tpu.memory_space<hbm>>)
    %dma_wait3A_585 = arith.constant 0 : i32
    %dma_wait3A_586 = arith.constant 0 : i32
    %dma_wait3A_587 = tpu.memref_slice %arg6[%dma_wait3A_585, %dma_wait3A_586] : memref<488x128xf32, #tpu.memory_space<vmem>> -> memref<488x128xf32, #tpu.memory_space<vmem>>
    %dma_wait3A_588 = arith.constant 3416 : i32
    %dma_wait3A_589 = tpu.memref_slice %arg3[%dma_wait3A_588, %mul3A_2] : memref<3950x4096xf32, #tpu.memory_space<hbm>> -> memref<488x128xf32, #tpu.memory_space<hbm>>
    %dma_wait3A_590 = arith.constant 3416 : i32
    %dma_wait3A_591 = tpu.memref_slice %arg3[%dma_wait3A_590, %mul3A_2] : memref<3950x4096xf32, #tpu.memory_space<hbm>> -> memref<488x128xf32, #tpu.memory_space<hbm>>
    %dma_wait3A_592 = arith.constant 0 : i32
    %dma_wait3A_593 = arith.constant 0 : i32
    %dma_wait3A_594 = tpu.memref_slice %arg6[%dma_wait3A_592, %dma_wait3A_593] : memref<488x128xf32, #tpu.memory_space<vmem>> -> memref<488x128xf32, #tpu.memory_space<vmem>>
    tpu.wait_dma2 semaphore(%arg8 : memref<!tpu.dma_semaphore, #tpu.memory_space<semaphore_mem>>) src(%dma_wait3A_594 : memref<488x128xf32, #tpu.memory_space<vmem>>) dst(%dma_wait3A_591 : memref<488x128xf32, #tpu.memory_space<hbm>>)
    return
  }
}

</mosaic_0001>

<sc_bundles>
// kernel: kernel.3.cloned.1.call-start
scs
__scs_entry_jumppad:
0x0: {  	(pc) =	sbr.rel $0x88, $3  }
0x1: {  	(tag) =	ssettag $0x0;
	lr =	simm.s32 $0x1  }
0x2: {  	[smem:$0x3FA0] =	sst lr;
	_ =	strace $0xD0000000  }
0x3: {  	_ = 	snop  }
0x4: {  	_ = 	snop  }
0x5: {  	_ = 	snop  }
0x6: {  	_ = 	snop  }
0x7: {  	_ = 	snop  }
__scs_overlays_trampoline_lowered:
0x8: {  	[smem:$0x3FAF] =	sst s0  }
0x9: {  	[smem:$0x3FB0] =	sst s1  }
0xa: {  	[smem:$0x3FB1] =	sst s2  }
0xb: {  	[smem:$0x3FB2] =	sst s3  }
0xc: {  	[smem:$0x3FB3] =	sst s4  }
0xd: {  	[smem:$0x3FB4] =	sst s5  }
0xe: {  	[smem:$0x3FB5] =	sst s6  }
0xf: {  	[smem:$0x3FB6] =	sst s7  }
0x10: {  	[smem:$0x3FB7] =	sst s8  }
0x11: {  	[smem:$0x3FB8] =	sst s9;
	s0 =	simm.s32 @!p0 $0x0  }
0x12: {  	s1 =	sld [smem:$0x3F9E];
	s0 =	simm.s32 @p0 $0x1  }
0x13: {  	[smem:$0x3FB9] =	sst s0;
	s0 =	simm.s32 @!p1 $0x0  }
0x14: {  	s2 =	sld [smem:$0x3F9D];
	s0 =	simm.s32 @p1 $0x1  }
0x15: {  	[smem:$0x3FBA] =	sst s0;
	s0 =	simm.s32 @!p2 $0x0  }
0x16: {  	s3 =	sld [smem:$0x3FDB];
	s0 =	simm.s32 @p2 $0x1  }
0x17: {  	s4 =	simm.s32 $0x1BF5;
	[smem:$0x3FBC] =	sst s0  }
0x18: {  	s0 =	sld [smem:$0x3F9F];
	_ =	swait.ge [sflag:s4], $0x0  }
0x19: {  	s7 =	sld [smem:$0x3FA0]  }
0x1a: {  	s8 =	sadd.s32 $0xFFFFE003, lr  }
0x1b: {  	s9 =	sadd.s32 $0xFFFFFEF7, lr;
	s5 =	simm.s32 $0xFFFFFFFF;
	p2 =	slt.u32 s8, $0xFFFFF086  }
0x1c: {  	p1 =	slt.u32 s9, $0xF7A;
	s5 =	simm.s32 @!p2 $0x0  }
0x1d: {  	s5 =	simm.s32 @p1 $0x1;
	p0 =	seq.s32 s7, s2  }
0x1e: {  	s7 =	smul.u32 @!p0 $0xF7A, s2;
	p2 =	seq.s32 @!p0 s5, $0x0  }
0x1f: {  	s9 =	smul.u32 $0xF7A, s1;
	s8 =	simm.s32 @!p0 $0x1BF5;
	p2 =	por !p2, p0  }
0x20: {  	[sflag:s8] =	ssyncset.s32 @!p0 $0xFFFFF086;
	s6 =	sadd.s32 @!p0 s3, s7;
	s7 =	simm.s32 @!p0 $0x108  }
0x21: {  	s3 =	sadd.s32 s3, s9;
	s6 =	sadd.s32 @!p0 $0x88, s6;
	s7 =	simm.s32 @p2 $0x1082  }
0x22: {  	[simem:s7], [sflag:s8] =	dma.local @!p0 [hbm:s6], $0xF7A  }
0x23: {  	s9 =	sor.u32 $0xD0000000, s2;
	s6 =	simm.s32 $0x108;
	_ =	swait.ge @!p0 [sflag:s8], $0x0  }
0x24: {  	s3 =	sadd.s32 $0x88, s3;
	s6 =	simm.s32 @!p1 $0x1082;
	[sflag:s4] =	ssyncset.s32 $0xFFFFF086  }
0x25: {  	[simem:s6], [sflag:s4] =	dma.local [hbm:s3], $0xF7A  }
0x26: {  	[smem:$0x3FA0] =	sst s1;
	(tag) =	ssettag s2;
	_ =	strace s9  }
0x27: {  	s1 =	sld [smem:$0x3FB0]  }
0x28: {  	s2 =	sld [smem:$0x3FB1]  }
0x29: {  	s4 =	sld [smem:$0x3FB3]  }
0x2a: {  	p0 =	seq.s32 s5, $0x0;
	s5 =	sld [smem:$0x3FB4]  }
0x2b: {  	s6 =	sld [smem:$0x3FB5]  }
0x2c: {  	s7 =	sld [smem:$0x3FB6]  }
0x2d: {  	s3 =	simm.s32 $0x108;
	s8 =	sld [smem:$0x3FB7]  }
0x2e: {  	s3 =	simm.s32 @!p0 $0x1082;
	s9 =	sld [smem:$0x3FB8]  }
0x2f: {  	lr =	sadd.s32 s0, s3;
	s0 =	sld [smem:$0x3FAF]  }
0x30: {  	s3 =	sld [smem:$0x3FB2]  }
0x31: {  	[smem:$0x3FBB] =	sst s10  }
0x32: {  	s10 =	sld [smem:$0x3FB9];
	_ =	sdelay $0x3  }
0x33: {  	p0 =	seq.s32 s10, $0x1;
	s10 =	sld [smem:$0x3FBB];
	_ =	sdelay $0x3  }
0x34: {  	[smem:$0x3FBB] =	sst s10  }
0x35: {  	s10 =	sld [smem:$0x3FBA];
	_ =	sdelay $0x3  }
0x36: {  	p1 =	seq.s32 s10, $0x1;
	s10 =	sld [smem:$0x3FBB];
	_ =	sdelay $0x3  }
0x37: {  	[smem:$0x3FBB] =	sst s10  }
0x38: {  	s10 =	sld [smem:$0x3FBC]  }
0x39: {  	_ = 	snop;
	(pc) =	sbr.ind lr, $3  }
0x3a: {  	_ = 	snop  }
0x3b: {  	_ = 	snop  }
0x3c: {  	p2 =	seq.s32 s10, $0x1;
	s10 =	sld [smem:$0x3FBB]  }
0x3d: {  	_ =	shalt  }
0x3e: {  	_ =	shalt  }
0x3f: {  	_ =	shalt  }
0x40: {  	_ =	shalt  }
0x41: {  	_ =	shalt  }
0x42: {  	_ =	shalt  }
0x43: {  	_ =	shalt  }
0x44: {  	_ =	shalt  }
0x45: {  	_ =	shalt  }
0x46: {  	_ =	shalt  }
0x47: {  	_ =	shalt  }
0x48: {  	_ =	shalt  }
0x49: {  	_ =	shalt  }
0x4a: {  	_ =	shalt  }
0x4b: {  	_ =	shalt  }
0x4c: {  	_ =	shalt  }
0x4d: {  	_ =	shalt  }
0x4e: {  	_ =	shalt  }
0x4f: {  	_ =	shalt  }
0x50: {  	_ =	shalt  }
0x51: {  	_ =	shalt  }
0x52: {  	_ =	shalt  }
0x53: {  	_ =	shalt  }
0x54: {  	_ =	shalt  }
0x55: {  	_ =	shalt  }
0x56: {  	_ =	shalt  }
0x57: {  	_ =	shalt  }
0x58: {  	_ =	shalt  }
0x59: {  	_ =	shalt  }
0x5a: {  	_ =	shalt  }
0x5b: {  	_ =	shalt  }
0x5c: {  	_ =	shalt  }
0x5d: {  	_ =	shalt  }
0x5e: {  	_ =	shalt  }
0x5f: {  	_ =	shalt  }
0x60: {  	_ =	shalt  }
0x61: {  	_ =	shalt  }
0x62: {  	_ =	shalt  }
0x63: {  	_ =	shalt  }
0x64: {  	_ =	shalt  }
0x65: {  	_ =	shalt  }
0x66: {  	_ =	shalt  }
0x67: {  	_ =	shalt  }
0x68: {  	_ =	shalt  }
0x69: {  	_ =	shalt  }
0x6a: {  	_ =	shalt  }
0x6b: {  	_ =	shalt  }
0x6c: {  	_ =	shalt  }
0x6d: {  	_ =	shalt  }
0x6e: {  	_ =	shalt  }
0x6f: {  	_ =	shalt  }
0x70: {  	_ =	shalt  }
0x71: {  	_ =	shalt  }
0x72: {  	_ =	shalt  }
0x73: {  	_ =	shalt  }
0x74: {  	_ =	shalt  }
0x75: {  	_ =	shalt  }
0x76: {  	_ =	shalt  }
0x77: {  	_ =	shalt  }
0x78: {  	_ =	shalt  }
0x79: {  	_ =	shalt  }
0x7a: {  	_ =	shalt  }
0x7b: {  	_ =	shalt  }
0x7c: {  	_ =	shalt  }
0x7d: {  	_ =	shalt  }
0x7e: {  	_ =	shalt  }
0x7f: {  	_ =	shalt  }
0x80: {  	_ =	shalt  }
0x81: {  	_ =	shalt  }
0x82: {  	_ =	shalt  }
0x83: {  	_ =	shalt  }
0x84: {  	_ =	shalt  }
0x85: {  	_ =	shalt  }
0x86: {  	_ =	shalt  }
0x87: {  	_ =	shalt  }
.Lfunc_end0:
.L_simem_size_0:
called_computation_lowered:
.L_overlay_start_0:
0x88: {  	s2 =	sld [smem:$0x3FD9]  }
0x89: {  	s3 =	sld [smem:$0x3FFE];
	_ =	sdelay $0x1  }
0x8a: {  	s1 =	srdreg.scid  }
0x8b: {  	s0 =	sand.u32 $0x1, s1  }
0x8c: {  	s18 =	sshll.u32 s0, $0xA;
	s2 =	sadd.s32 s3, s2  }
0x8d: {  	s2 =	sadd.s32 s2, s18  }
0x8e: {  	[smem:$0x3FC7] =	sst s2  }
0x8f: {  	_ = 	snop  }
0x90: {  	s2 =	sld [smem:$0x3FC9]  }
0x91: {  	s19 =	sld [smem:$0x3FD0];
	(tm) =	ssettm $0x1  }
0x92: {  	s4 =	sld [smem:$0x3FFB];
	_ =	sdelay $0x3  }
0x93: {  	_ =	strace s4  }
0x94: {  	s4 =	sld [smem:$0x3FFC];
	_ =	sdelay $0x3  }
0x95: {  	_ =	strace s4  }
0x96: {  	s4 =	sld [smem:$0x3FFD];
	_ =	sdelay $0x3  }
0x97: {  	_ =	strace s4  }
0x98: {  	_ =	strace $0x8FFFFFFF  }
0x99: {  	s20 =	sld [smem:$0x3FDB];
	_ =	sdelay $0x1  }
0x9a: {  	s5 =	simm.s32 $_scs_section_size  }
0x9b: {  	s6 =	simm.s32 $_size__tile_overlayer_lowered;
	s7 =	simm.s32 $_tile_overlayer_lowered  }
0x9c: {  	s23 =	simm.s32 $0x1BFF;
	s22 =	sshll.u32 s7, $0x1;
	s4 =	sadd.s32 s5, s20  }
0x9d: {  	s8 =	simm.s32 $0x0;
	s21 =	sshll.u32 s6, $0x1;
	s6 =	sadd.s32 s22, s4  }
0x9e: {  	[timem:s8], [sflag:s23] =	dma.local [hbm:s6], s21  }
0x9f: {  	_ =	swait.ge [sflag:s23], s21  }
0xa0: {  	s5 =	ssub.s32 $0x0, s21;
	[sflag:s23] =	ssyncset.done $0x0  }
0xa1: {  	[sflag:s23] =	ssyncadd.s32 s5;
	_ =	sdelay $0x1  }
0xa2: {  	s24 =	simm.s32 $0x1B8B  }
0xa3: {  	_ =	swait.ge [sflag:s24], $0x1  }
0xa4: {  	[sflag:s24] =	ssyncset.done $0x0  }
0xa5: {  	s25 =	simm.s32 $0x1B8E;
	[sflag:s24] =	ssyncadd.s32 $0xFFFFFFFF  }
0xa6: {  	s26 =	simm.s32 $execute0_lowered;
	[smem:$0x3FD2] =	sst s25  }
0xa7: {  	s5 =	sshll.u32 s26, $0x1;
	_ =	strace $0x80000046;
	[dreg:$0x1] =	wrdreg $0xFFFFFFFF  }
0xa8: {  	s28 =	simm.s32 $_size_execute0_lowered;
	s4 =	sadd.s32 s4, s5;
	[dreg:$0x0] =	wrdreg $0x0  }
0xa9: {  	s5 =	sshll.u32 s28, $0x1;
	[dreg:$0x2] =	wrdreg s4  }
0xaa: {  	[dreg:$0x3] =	wrdreg s5  }
0xab: {  	[dreg:$0x4] =	wrdreg $0xC0  }
0xac: {  	_ =	task [dreg:s8], $0x5FFFF  }
0xad: {  	[dreg:$0x1] =	wrdreg $0xFFFFFFFF  }
0xae: {  	[dreg:$0x0] =	wrdreg $0x60  }
0xaf: {  	[dreg:$0x2] =	wrdreg s2  }
0xb0: {  	[dreg:$0x3] =	wrdreg s19  }
0xb1: {  	[dreg:$0x4] =	wrdreg $0x9  }
0xb2: {  	_ =	task.clear_ibuf [dreg:s8], $0x5FFFF;
	_ =	strace $0x90000046  }
0xb3: {  	s29 =	simm.s32 $0x9;
	_ =	strace $0x80000048  }
0xb4: {  	_ =	swait.ge [sflag:s29], $0x1  }
0xb5: {  	[sflag:s29] =	ssyncadd.s32 $0xFFFFFFFF  }
0xb6: {  	_ =	strace $0x90000048  }
0xb7: {  	_ =	sfence  }
0xb8: {  	s30 =	sld [smem:$0x0];
	_ =	sdelay $0x2  }
0xb9: {  	s31 =	sshll.u32 s1, $0xD;
	s1 =	sshrl.u32 s1, $0x2  }
0xba: {  	s3 =	sand.u32 $0x4000, s31;
	s1 =	sadd.s32 s1, s30  }
0xbb: {  	s0 =	sor.u32 s3, s0;
	s1 =	sshll.u32 s1, $0x11  }
0xbc: {  	s0 =	sor.u32 s1, s0  }
0xbd: {  	s0 =	sadd.s32 $0x8F2B, s0  }
0xbe: {  	[sflag:s0] =	ssyncadd.remote.s32 $0x1  }
0xbf: {  	_ =	sfence.sel $0xFFFF  }
0xc0: {  	[dreg:$0x0] =	wrdreg $0xFFFFFFFF;
	(pc) =	sbr.abs _section_cstart, $3  }
0xc1: {  	[dreg:$0x1] =	wrdreg $0xFFFFFFFF  }
0xc2: {  	_ =	task.clear_ibuf [dreg:s8], $0x2FFFF;
	_ =	strace $0x9FFFFFFF  }
0xc3: {  	(tm) =	ssettm $0x7FFFFFFF  }
tec
execute0_lowered:
.L_overlay_start_1:
0x0: {  	(tag) =	ssettag $0x1  }
0x1: {  	s0 =	rddreg [dreg:$0x0]  }
0x2: {  	s4 =	rddreg [dreg:$0x1];
	s3 =	srdreg.scid  }
0x3: {  	s2 =	simm.s32 $0x0;
	s1 =	stileid.u32;
	s16 =	simm.s32 $0x400  }
0x4: {  	s17 =	simm.s32 $0x8000;
	s18 =	simm.s32 $0xC00;
	s19 =	simm.s32 $0x1  }
0x5: {  	s20 =	simm.s32 $0x1000;
	s21 =	simm.s32 $0x10400;
	s22 =	simm.s32 $0x2  }
0x6: {  	s23 =	simm.s32 $0x2400;
	s24 =	simm.s32 $0x0;
	s3 =	sand.u32 $0x1, s3  }
0x7: {  	[smem:$0x7FF] =	sst s2;
	s5 =	sshll.u32 s1, $0x8;
	s6 =	sshll.u32 s3, $0x7  }
0x8: {  	v0 =	vimm.f32 $0.0e+00;
	v1 =	vlaneseq.u32;
	v2 =	vimm.f32 $1.000000000e+00;
	_ =	strace $0x80000047;
	s7 =	ssub.s32 $0x2, s3;
	s5 =	sor.u32 s6, s5  }
0x9: {  	v3 =	vor.u32 $0x3200, v1;
	v4 =	vor.u32 $0x4B00, v1;
	v5 =	vor.u32 $0xAF00, v1;
	s30 =	sshrl.u32 s7, $0x1;
	s3 =	sadd.s32 s0, s5;
	s4 =	sadd.s32 s4, s5  }
0xa: {  	v6 =	vor.u32 $0xFFFFBB00, v1;
	v7 =	vor.u32 $0xFFFEC700, v1;
	v8 =	vor.u32 $0xBB00, v1;
	s31 =	ssub.s32 s7, s30;
	s5 =	sadd.s32 $0x3000, s3;
	s6 =	sadd.s32 $0x3D000, s4  }
0xb: {  	v9 =	vor.u32 $0xC000, v1;
	v10 =	vor.u32 $0xFFFFCC00, v1;
	v11 =	vor.u32 $0xC600, v1;
	s7 =	sadd.s32 $0x7A000, s4;
	s8 =	sadd.s32 $0xB7000, s4;
	s9 =	sadd.s32 $0xF4000, s4  }
0xc: {  	v12 =	vor.u32 $0xD500, v1;
	v13 =	vor.u32 $0xFFFFE100, v1;
	v14 =	vor.u32 $0x900, v1;
	s10 =	sadd.s32 $0x131000, s4;
	s11 =	sadd.s32 $0x16E000, s4;
	s12 =	sadd.s32 $0x1AB000, s4  }
0xd: {  	v15 =	vor.u32 $0x4500, v1;
	v16 =	vor.u32 $0x6300, v1;
	v17 =	vor.u32 $0x7700, v1;
	s13 =	sadd.s32 $0x1E8000, s4;
	s14 =	sadd.s32 $0x1ED000, s4;
	s15 =	smax.u32 s31, $0x1  }
.LBB2_1:
0xe: {  	[tilespmem:s2], [sflag:$0x1] =	stream.strided.gather [hbm4b:s3+s16], $0xC00, s17, s16, $0x38;
	[tilespmem:$0x1F800] =	vst v63  }
0xf: {  	s25 =	simm.s32 $0x1100  }
0x10: {  	[tilespmem:s18], [sflag:$0x1] =	stream.linear.gather [hbm4b:s5+s2], $0x100, $0x38;
	[tilespmem:$0x1F800] =	vst v63  }
0x11: {  	[tilespmem:s25+$0xFFFFFF00] =	vst v0  }
0x12: {  	[tilespmem:s25+$0xF0] =	vst v0  }
0x13: {  	[tilespmem:s25+$0xE0] =	vst v0  }
0x14: {  	[tilespmem:s25+$0xD0] =	vst v0  }
0x15: {  	[tilespmem:s25+$0xC0] =	vst v0  }
0x16: {  	[tilespmem:s25+$0xB0] =	vst v0  }
0x17: {  	[tilespmem:s25+$0xA0] =	vst v0  }
0x18: {  	[tilespmem:s25+$0x90] =	vst v0  }
0x19: {  	[tilespmem:s25+$0x80] =	vst v0  }
0x1a: {  	[tilespmem:s25+$0x70] =	vst v0  }
0x1b: {  	[tilespmem:s25+$0x60] =	vst v0  }
0x1c: {  	[tilespmem:s25+$0x50] =	vst v0  }
0x1d: {  	[tilespmem:s25+$0x40] =	vst v0  }
0x1e: {  	[tilespmem:s25+$0x30] =	vst v0  }
0x1f: {  	[tilespmem:s25+$0x20] =	vst v0  }
0x20: {  	[tilespmem:s25+$0x10] =	vst v0  }
0x21: {  	[tilespmem:s25+$0x0] =	vst v0  }
0x22: {  	[tilespmem:s25+$0xFFFFFFF0] =	vst v0  }
0x23: {  	[tilespmem:s25+$0xFFFFFFE0] =	vst v0  }
0x24: {  	[tilespmem:s25+$0xFFFFFFD0] =	vst v0  }
0x25: {  	[tilespmem:s25+$0xFFFFFFC0] =	vst v0  }
0x26: {  	[tilespmem:s25+$0xFFFFFFB0] =	vst v0  }
0x27: {  	[tilespmem:s25+$0xFFFFFFA0] =	vst v0  }
0x28: {  	[tilespmem:s25+$0xFFFFFF90] =	vst v0  }
0x29: {  	[tilespmem:s25+$0xFFFFFF80] =	vst v0  }
0x2a: {  	[tilespmem:s25+$0xFFFFFF70] =	vst v0  }
0x2b: {  	[tilespmem:s25+$0xFFFFFF60] =	vst v0  }
0x2c: {  	[tilespmem:s25+$0xFFFFFF50] =	vst v0  }
0x2d: {  	[tilespmem:s25+$0xFFFFFF40] =	vst v0  }
0x2e: {  	[tilespmem:s25+$0xFFFFFF30] =	vst v0  }
0x2f: {  	s26 =	simm.s32 $0x0;
	[tilespmem:s25+$0xFFFFFF20] =	vst v0  }
.LBB2_2:
0x30: {  	s26 =	sadd.s32 $0x4, s26;
	[tilespmem:s25+$0xFFFFFF10] =	vst v0;
	s25 =	sadd.s32 $0x200, s25  }
0x31: {  	[tilespmem:s25+$0xFFFFFF00] =	vst v0;
	p0 =	slt.u32 s26, $0x1E4  }
0x32: {  	[tilespmem:s25+$0xF0] =	vst v0  }
0x33: {  	[tilespmem:s25+$0xE0] =	vst v0  }
0x34: {  	[tilespmem:s25+$0xD0] =	vst v0  }
0x35: {  	[tilespmem:s25+$0xC0] =	vst v0  }
0x36: {  	[tilespmem:s25+$0xB0] =	vst v0  }
0x37: {  	[tilespmem:s25+$0xA0] =	vst v0  }
0x38: {  	[tilespmem:s25+$0x90] =	vst v0  }
0x39: {  	[tilespmem:s25+$0x80] =	vst v0  }
0x3a: {  	[tilespmem:s25+$0x70] =	vst v0  }
0x3b: {  	[tilespmem:s25+$0x60] =	vst v0  }
0x3c: {  	[tilespmem:s25+$0x50] =	vst v0  }
0x3d: {  	[tilespmem:s25+$0x40] =	vst v0  }
0x3e: {  	[tilespmem:s25+$0x30] =	vst v0  }
0x3f: {  	[tilespmem:s25+$0x20] =	vst v0  }
0x40: {  	[tilespmem:s25+$0x10] =	vst v0  }
0x41: {  	[tilespmem:s25+$0x0] =	vst v0  }
0x42: {  	[tilespmem:s25+$0xFFFFFFF0] =	vst v0  }
0x43: {  	[tilespmem:s25+$0xFFFFFFE0] =	vst v0  }
0x44: {  	[tilespmem:s25+$0xFFFFFFD0] =	vst v0  }
0x45: {  	[tilespmem:s25+$0xFFFFFFC0] =	vst v0  }
0x46: {  	[tilespmem:s25+$0xFFFFFFB0] =	vst v0  }
0x47: {  	[tilespmem:s25+$0xFFFFFFA0] =	vst v0  }
0x48: {  	[tilespmem:s25+$0xFFFFFF90] =	vst v0  }
0x49: {  	[tilespmem:s25+$0xFFFFFF80] =	vst v0  }
0x4a: {  	[tilespmem:s25+$0xFFFFFF70] =	vst v0  }
.Ltmp0:
0x4b: {  	[tilespmem:s25+$0xFFFFFF60] =	vst v0;
	(pc) =	sbr.rel @p0 .LBB2_2-.Ltmp0, $4  }
0x4c: {  	[tilespmem:s25+$0xFFFFFF50] =	vst v0  }
0x4d: {  	[tilespmem:s25+$0xFFFFFF40] =	vst v0  }
0x4e: {  	[tilespmem:s25+$0xFFFFFF30] =	vst v0  }
0x4f: {  	[tilespmem:s25+$0xFFFFFF20] =	vst v0  }
0x50: {  	[tilespmem:s25+$0xFFFFFF10] =	vst v0  }
0x51: {  	s25 =	simm.s32 $0xFFFFFFFE;
	_ =	swait.ge [sflag:s19], $0xD00  }
0x52: {  	s28 =	simm.s32 $0x10;
	s26 =	simm.s32 $0x10;
	[sflag:s19] =	ssyncset.done $0x0  }
0x53: {  	s29 =	simm.s32 $0x10;
	s30 =	simm.s32 $0xFFFFFFFE;
	[sflag:s19] =	ssyncadd.s32 $0xFFFFF300  }
.LBB2_4:
0x54: {  	v18 =	vld [tilespmem:s29+$0xFFFFFFF0];
	_ =	sdelay $0x4  }
0x55: {  	s0 =	sadd.s32 $0xFFFFFFF0, s26;
	v19 =	vshll.u32 v18, $0x7  }
0x56: {  	vm0 =	vlt.u32 v18, $0x64;
	v18 =	vadd.s32 s0, v19  }
0x57: {  	v18 =	vadd.s32 v1, v18;
	_ =	sdelay $0x4  }
0x58: {  	[tilespmem:v18+s20+$0x0] =	vst.idx.msk vm0, v2  }
0x59: {  	v18 =	vld [tilespmem:s29+$0x0];
	_ =	sdelay $0x4  }
0x5a: {  	v19 =	vshll.u32 v18, $0x7  }
0x5b: {  	s30 =	sadd.s32 $0x2, s30;
	vm15 =	vlt.u32 v18, $0x64;
	v18 =	vadd.s32 s26, v19  }
0x5c: {  	p0 =	slt.u32 s30, $0x6;
	v18 =	vadd.s32 v1, v18  }
.Ltmp1:
0x5d: {  	_ = 	snop;
	(pc) =	sbr.rel @p0 .LBB2_4-.Ltmp1, $2  }
0x5e: {  	_ =	sdelay $0x2  }
0x5f: {  	s0 =	simm.s32 $0x90;
	s29 =	sadd.s32 $0x20, s29;
	s26 =	sadd.s32 $0x20, s26;
	[tilespmem:v18+s20+$0x0] =	vst.idx.msk vm15, v2  }
.LBB2_5:
0x60: {  	v18 =	vld [tilespmem:s0+$0xFFFFFFF0];
	_ =	sdelay $0x4  }
0x61: {  	s26 =	sadd.s32 $0xFFFFFFF0, s28;
	v19 =	vshll.u32 v18, $0x7  }
0x62: {  	vm0 =	vlt.u32 v18, $0x32;
	v18 =	vadd.s32 s26, v19  }
0x63: {  	v18 =	vadd.s32 v3, v18;
	_ =	sdelay $0x4  }
0x64: {  	[tilespmem:v18+s20+$0x0] =	vst.idx.msk vm0, v2  }
0x65: {  	v18 =	vld [tilespmem:s0+$0x0];
	_ =	sdelay $0x4  }
0x66: {  	v19 =	vshll.u32 v18, $0x7  }
0x67: {  	s25 =	sadd.s32 $0x2, s25;
	vm15 =	vlt.u32 v18, $0x32;
	v18 =	vadd.s32 s28, v19  }
0x68: {  	p0 =	slt.u32 s25, $0x6;
	v18 =	vadd.s32 v3, v18  }
.Ltmp2:
0x69: {  	_ = 	snop;
	(pc) =	sbr.rel @p0 .LBB2_5-.Ltmp2, $3  }
0x6a: {  	_ =	sdelay $0x1  }
0x6b: {  	s30 =	simm.s32 $0x110;
	s29 =	simm.s32 $0x10  }
0x6c: {  	s26 =	simm.s32 $0xFFFFFFFE;
	s0 =	sadd.s32 $0x20, s0;
	s28 =	sadd.s32 $0x20, s28;
	[tilespmem:v18+s20+$0x0] =	vst.idx.msk vm15, v2  }
0x6d: {  	s25 =	simm.s32 $0x10;
	s28 =	simm.s32 $0xFFFFFFFE  }
.LBB2_7:
0x6e: {  	v18 =	vld [tilespmem:s30+$0xFFFFFFF0];
	_ =	sdelay $0x4  }
0x6f: {  	s0 =	sadd.s32 $0xFFFFFFF0, s25;
	v19 =	vshll.u32 v18, $0x7  }
0x70: {  	vm0 =	vlt.u32 v18, $0xC8;
	v18 =	vadd.s32 s0, v19  }
0x71: {  	v18 =	vadd.s32 v4, v18;
	_ =	sdelay $0x4  }
0x72: {  	[tilespmem:v18+s20+$0x0] =	vst.idx.msk vm0, v2  }
0x73: {  	v18 =	vld [tilespmem:s30+$0x0];
	_ =	sdelay $0x4  }
0x74: {  	v19 =	vshll.u32 v18, $0x7  }
0x75: {  	s28 =	sadd.s32 $0x2, s28;
	vm15 =	vlt.u32 v18, $0xC8;
	v18 =	vadd.s32 s25, v19  }
0x76: {  	p0 =	slt.u32 s28, $0x6;
	v18 =	vadd.s32 v4, v18  }
.Ltmp3:
0x77: {  	_ = 	snop;
	(pc) =	sbr.rel @p0 .LBB2_7-.Ltmp3, $2  }
0x78: {  	_ =	sdelay $0x2  }
0x79: {  	s0 =	simm.s32 $0x190;
	s30 =	sadd.s32 $0x20, s30;
	s25 =	sadd.s32 $0x20, s25;
	[tilespmem:v18+s20+$0x0] =	vst.idx.msk vm15, v2  }
.LBB2_8:
0x7a: {  	v18 =	vld [tilespmem:s0+$0xFFFFFFF0];
	_ =	sdelay $0x4  }
0x7b: {  	s25 =	sadd.s32 $0xFFFFFFF0, s29;
	v19 =	vshll.u32 v18, $0x7  }
0x7c: {  	vm0 =	vlt.u32 v18, $0x8A;
	v18 =	vadd.s32 s25, v19  }
0x7d: {  	v18 =	vadd.s32 v5, v18;
	_ =	sdelay $0x4  }
0x7e: {  	[tilespmem:v18+s20+$0x0] =	vst.idx.msk vm0, v2  }
0x7f: {  	v18 =	vld [tilespmem:s0+$0x0];
	_ =	sdelay $0x4  }
0x80: {  	v19 =	vshll.u32 v18, $0x7  }
0x81: {  	s26 =	sadd.s32 $0x2, s26;
	vm15 =	vlt.u32 v18, $0x8A;
	v18 =	vadd.s32 s29, v19  }
0x82: {  	p0 =	slt.u32 s26, $0x6;
	v18 =	vadd.s32 v5, v18  }
.Ltmp4:
0x83: {  	_ = 	snop;
	(pc) =	sbr.rel @p0 .LBB2_8-.Ltmp4, $2  }
0x84: {  	_ =	sdelay $0x2  }
0x85: {  	s0 =	sadd.s32 $0x20, s0;
	s29 =	sadd.s32 $0x20, s29;
	[tilespmem:v18+s20+$0x0] =	vst.idx.msk vm15, v2  }
0x86: {  	[hbm4b:s4+s16] =	stream.strided.scatter [tilespmem:s20], [sflag:$0x1], $0xF400, s17, s16, $0x38;
	[tilespmem:$0x1F800] =	vst v63  }
0x87: {  	s25 =	simm.s32 $0x10500  }
0x88: {  	[tilespmem:s25+$0xFFFFFF00] =	vst v0  }
0x89: {  	[tilespmem:s25+$0xF0] =	vst v0  }
0x8a: {  	[tilespmem:s25+$0xE0] =	vst v0  }
0x8b: {  	[tilespmem:s25+$0xD0] =	vst v0  }
0x8c: {  	[tilespmem:s25+$0xC0] =	vst v0  }
0x8d: {  	[tilespmem:s25+$0xB0] =	vst v0  }
0x8e: {  	[tilespmem:s25+$0xA0] =	vst v0  }
0x8f: {  	[tilespmem:s25+$0x90] =	vst v0  }
0x90: {  	[tilespmem:s25+$0x80] =	vst v0  }
0x91: {  	[tilespmem:s25+$0x70] =	vst v0  }
0x92: {  	[tilespmem:s25+$0x60] =	vst v0  }
0x93: {  	[tilespmem:s25+$0x50] =	vst v0  }
0x94: {  	[tilespmem:s25+$0x40] =	vst v0  }
0x95: {  	[tilespmem:s25+$0x30] =	vst v0  }
0x96: {  	[tilespmem:s25+$0x20] =	vst v0  }
0x97: {  	[tilespmem:s25+$0x10] =	vst v0  }
0x98: {  	[tilespmem:s25+$0x0] =	vst v0  }
0x99: {  	[tilespmem:s25+$0xFFFFFFF0] =	vst v0  }
0x9a: {  	[tilespmem:s25+$0xFFFFFFE0] =	vst v0  }
0x9b: {  	[tilespmem:s25+$0xFFFFFFD0] =	vst v0  }
0x9c: {  	[tilespmem:s25+$0xFFFFFFC0] =	vst v0  }
0x9d: {  	[tilespmem:s25+$0xFFFFFFB0] =	vst v0  }
0x9e: {  	[tilespmem:s25+$0xFFFFFFA0] =	vst v0  }
0x9f: {  	[tilespmem:s25+$0xFFFFFF90] =	vst v0  }
0xa0: {  	[tilespmem:s25+$0xFFFFFF80] =	vst v0  }
0xa1: {  	[tilespmem:s25+$0xFFFFFF70] =	vst v0  }
0xa2: {  	[tilespmem:s25+$0xFFFFFF60] =	vst v0  }
0xa3: {  	[tilespmem:s25+$0xFFFFFF50] =	vst v0  }
0xa4: {  	[tilespmem:s25+$0xFFFFFF40] =	vst v0  }
0xa5: {  	[tilespmem:s25+$0xFFFFFF30] =	vst v0  }
0xa6: {  	s26 =	simm.s32 $0x0;
	[tilespmem:s25+$0xFFFFFF20] =	vst v0  }
.LBB2_10:
0xa7: {  	s26 =	sadd.s32 $0x4, s26;
	[tilespmem:s25+$0xFFFFFF10] =	vst v0;
	s25 =	sadd.s32 $0x200, s25  }
0xa8: {  	[tilespmem:s25+$0xFFFFFF00] =	vst v0;
	p0 =	slt.u32 s26, $0x1E4  }
0xa9: {  	[tilespmem:s25+$0xF0] =	vst v0  }
0xaa: {  	[tilespmem:s25+$0xE0] =	vst v0  }
0xab: {  	[tilespmem:s25+$0xD0] =	vst v0  }
0xac: {  	[tilespmem:s25+$0xC0] =	vst v0  }
0xad: {  	[tilespmem:s25+$0xB0] =	vst v0  }
0xae: {  	[tilespmem:s25+$0xA0] =	vst v0  }
0xaf: {  	[tilespmem:s25+$0x90] =	vst v0  }
0xb0: {  	[tilespmem:s25+$0x80] =	vst v0  }
0xb1: {  	[tilespmem:s25+$0x70] =	vst v0  }
0xb2: {  	[tilespmem:s25+$0x60] =	vst v0  }
0xb3: {  	[tilespmem:s25+$0x50] =	vst v0  }
0xb4: {  	[tilespmem:s25+$0x40] =	vst v0  }
0xb5: {  	[tilespmem:s25+$0x30] =	vst v0  }
0xb6: {  	[tilespmem:s25+$0x20] =	vst v0  }
0xb7: {  	[tilespmem:s25+$0x10] =	vst v0  }
0xb8: {  	[tilespmem:s25+$0x0] =	vst v0  }
0xb9: {  	[tilespmem:s25+$0xFFFFFFF0] =	vst v0  }
0xba: {  	[tilespmem:s25+$0xFFFFFFE0] =	vst v0  }
0xbb: {  	[tilespmem:s25+$0xFFFFFFD0] =	vst v0  }
0xbc: {  	[tilespmem:s25+$0xFFFFFFC0] =	vst v0  }
0xbd: {  	[tilespmem:s25+$0xFFFFFFB0] =	vst v0  }
0xbe: {  	[tilespmem:s25+$0xFFFFFFA0] =	vst v0  }
0xbf: {  	[tilespmem:s25+$0xFFFFFF90] =	vst v0  }
0xc0: {  	[tilespmem:s25+$0xFFFFFF80] =	vst v0  }
0xc1: {  	[tilespmem:s25+$0xFFFFFF70] =	vst v0  }
.Ltmp5:
0xc2: {  	[tilespmem:s25+$0xFFFFFF60] =	vst v0;
	(pc) =	sbr.rel @p0 .LBB2_10-.Ltmp5, $4  }
0xc3: {  	[tilespmem:s25+$0xFFFFFF50] =	vst v0  }
0xc4: {  	[tilespmem:s25+$0xFFFFFF40] =	vst v0  }
0xc5: {  	[tilespmem:s25+$0xFFFFFF30] =	vst v0  }
0xc6: {  	s28 =	simm.s32 $0x190;
	s29 =	simm.s32 $0x10;
	[tilespmem:s25+$0xFFFFFF20] =	vst v0  }
0xc7: {  	[tilespmem:s25+$0xFFFFFF10] =	vst v0;
	s0 =	simm.s32 $0xFFFFFFFE  }
.LBB2_12:
0xc8: {  	v18 =	vld [tilespmem:s28+$0xFFFFFFF0];
	_ =	sdelay $0x4  }
0xc9: {  	s25 =	sadd.s32 $0xFFFFFFF0, s29;
	v19 =	vadd.s32 $0xFFFFFF76, v18;
	v18 =	vshll.u32 v18, $0x7  }
0xca: {  	vm0 =	vlt.u32 v19, $0x1E8;
	v18 =	vadd.s32 s25, v18  }
0xcb: {  	v18 =	vadd.s32 v6, v18;
	_ =	sdelay $0x4  }
0xcc: {  	[tilespmem:v18+s21+$0x0] =	vst.idx.msk vm0, v2  }
0xcd: {  	v18 =	vld [tilespmem:s28+$0x0];
	_ =	sdelay $0x4  }
0xce: {  	v19 =	vadd.s32 $0xFFFFFF76, v18;
	v18 =	vshll.u32 v18, $0x7  }
0xcf: {  	s0 =	sadd.s32 $0x2, s0;
	vm15 =	vlt.u32 v19, $0x1E8;
	v18 =	vadd.s32 s29, v18  }
0xd0: {  	p0 =	slt.u32 s0, $0x6;
	v18 =	vadd.s32 v6, v18  }
.Ltmp6:
0xd1: {  	_ = 	snop;
	(pc) =	sbr.rel @p0 .LBB2_12-.Ltmp6, $2  }
0xd2: {  	_ =	sdelay $0x2  }
0xd3: {  	s28 =	sadd.s32 $0x20, s28;
	s29 =	sadd.s32 $0x20, s29;
	[tilespmem:v18+s21+$0x0] =	vst.idx.msk vm15, v2  }
0xd4: {  	[hbm4b:s6+s16] =	stream.strided.scatter [tilespmem:s21], [sflag:$0x2], $0xF400, s17, s16, $0x38;
	[tilespmem:$0x1F800] =	vst v63  }
0xd5: {  	s25 =	simm.s32 $0xFFFFFFFE;
	_ =	swait.ge [sflag:s19], $0xF400  }
0xd6: {  	s26 =	simm.s32 $0x10;
	s28 =	simm.s32 $0x10;
	[sflag:s19] =	ssyncset.done $0x0  }
0xd7: {  	s29 =	simm.s32 $0x10;
	s30 =	simm.s32 $0xFFFFFFFE;
	[sflag:s19] =	ssyncadd.s32 $0xFFFF0C00  }
.LBB2_14:
0xd8: {  	v18 =	vld [tilespmem:s29+$0xFFFFFFF0];
	_ =	sdelay $0x4  }
0xd9: {  	s0 =	sadd.s32 $0xFFFFFFF0, s28;
	v19 =	vshll.u32 v18, $0x7  }
0xda: {  	vm0 =	vlt.u32 v18, $0x64;
	v18 =	vadd.s32 s0, v19  }
0xdb: {  	v18 =	vadd.s32 v1, v18;
	_ =	sdelay $0x4  }
0xdc: {  	[tilespmem:v18+s20+$0x0] =	vst.idx.msk vm0, v0  }
0xdd: {  	v18 =	vld [tilespmem:s29+$0x0];
	_ =	sdelay $0x4  }
0xde: {  	v19 =	vshll.u32 v18, $0x7  }
0xdf: {  	s30 =	sadd.s32 $0x2, s30;
	vm15 =	vlt.u32 v18, $0x64;
	v18 =	vadd.s32 s28, v19  }
0xe0: {  	p0 =	slt.u32 s30, $0x6;
	v18 =	vadd.s32 v1, v18  }
.Ltmp7:
0xe1: {  	_ = 	snop;
	(pc) =	sbr.rel @p0 .LBB2_14-.Ltmp7, $2  }
0xe2: {  	_ =	sdelay $0x2  }
0xe3: {  	s0 =	simm.s32 $0x90;
	s29 =	sadd.s32 $0x20, s29;
	s28 =	sadd.s32 $0x20, s28;
	[tilespmem:v18+s20+$0x0] =	vst.idx.msk vm15, v0  }
.LBB2_15:
0xe4: {  	v18 =	vld [tilespmem:s0+$0xFFFFFFF0];
	_ =	sdelay $0x4  }
0xe5: {  	s28 =	sadd.s32 $0xFFFFFFF0, s26;
	v19 =	vshll.u32 v18, $0x7  }
0xe6: {  	vm0 =	vlt.u32 v18, $0x32;
	v18 =	vadd.s32 s28, v19  }
0xe7: {  	v18 =	vadd.s32 v3, v18;
	_ =	sdelay $0x4  }
0xe8: {  	[tilespmem:v18+s20+$0x0] =	vst.idx.msk vm0, v0  }
0xe9: {  	v18 =	vld [tilespmem:s0+$0x0];
	_ =	sdelay $0x4  }
0xea: {  	v19 =	vshll.u32 v18, $0x7  }
0xeb: {  	s25 =	sadd.s32 $0x2, s25;
	vm15 =	vlt.u32 v18, $0x32;
	v18 =	vadd.s32 s26, v19  }
0xec: {  	p0 =	slt.u32 s25, $0x6;
	v18 =	vadd.s32 v3, v18  }
.Ltmp8:
0xed: {  	_ = 	snop;
	(pc) =	sbr.rel @p0 .LBB2_15-.Ltmp8, $3  }
0xee: {  	_ =	sdelay $0x1  }
0xef: {  	s31 =	simm.s32 $0x110;
	s30 =	simm.s32 $0x10  }
0xf0: {  	s28 =	simm.s32 $0xFFFFFFFE;
	s0 =	sadd.s32 $0x20, s0;
	s26 =	sadd.s32 $0x20, s26;
	[tilespmem:v18+s20+$0x0] =	vst.idx.msk vm15, v0  }
0xf1: {  	s0 =	simm.s32 $0x10;
	s25 =	simm.s32 $0xFFFFFFFE  }
.LBB2_17:
0xf2: {  	v18 =	vld [tilespmem:s31+$0xFFFFFFF0];
	_ =	sdelay $0x4  }
0xf3: {  	s26 =	sadd.s32 $0xFFFFFFF0, s0;
	v19 =	vshll.u32 v18, $0x7  }
0xf4: {  	vm0 =	vlt.u32 v18, $0xC8;
	v18 =	vadd.s32 s26, v19  }
0xf5: {  	v18 =	vadd.s32 v4, v18;
	_ =	sdelay $0x4  }
0xf6: {  	[tilespmem:v18+s20+$0x0] =	vst.idx.msk vm0, v0  }
0xf7: {  	v18 =	vld [tilespmem:s31+$0x0];
	_ =	sdelay $0x4  }
0xf8: {  	v19 =	vshll.u32 v18, $0x7  }
0xf9: {  	s25 =	sadd.s32 $0x2, s25;
	vm15 =	vlt.u32 v18, $0xC8;
	v18 =	vadd.s32 s0, v19  }
0xfa: {  	p0 =	slt.u32 s25, $0x6;
	v18 =	vadd.s32 v4, v18  }
.Ltmp9:
0xfb: {  	_ = 	snop;
	(pc) =	sbr.rel @p0 .LBB2_17-.Ltmp9, $2  }
0xfc: {  	_ =	sdelay $0x2  }
0xfd: {  	s29 =	simm.s32 $0x190;
	s31 =	sadd.s32 $0x20, s31;
	s0 =	sadd.s32 $0x20, s0;
	[tilespmem:v18+s20+$0x0] =	vst.idx.msk vm15, v0  }
0xfe: {  	s0 =	simm.s32 $0x190  }
.LBB2_19:
0xff: {  	v18 =	vld [tilespmem:s0+$0xFFFFFFF0];
	_ =	sdelay $0x4  }
0x100: {  	s25 =	sadd.s32 $0xFFFFFFF0, s30;
	v19 =	vshll.u32 v18, $0x7  }
0x101: {  	vm0 =	vlt.u32 v18, $0x8A;
	v18 =	vadd.s32 s25, v19  }
0x102: {  	v18 =	vadd.s32 v5, v18;
	_ =	sdelay $0x4  }
0x103: {  	[tilespmem:v18+s20+$0x0] =	vst.idx.msk vm0, v0  }
0x104: {  	v18 =	vld [tilespmem:s0+$0x0];
	_ =	sdelay $0x4  }
0x105: {  	v19 =	vshll.u32 v18, $0x7  }
0x106: {  	s28 =	sadd.s32 $0x2, s28;
	vm15 =	vlt.u32 v18, $0x8A;
	v18 =	vadd.s32 s30, v19  }
0x107: {  	p0 =	slt.u32 s28, $0x6;
	v18 =	vadd.s32 v5, v18  }
.Ltmp10:
0x108: {  	_ = 	snop;
	(pc) =	sbr.rel @p0 .LBB2_19-.Ltmp10, $3  }
0x109: {  	_ =	sdelay $0x1  }
0x10a: {  	s26 =	simm.s32 $0x10  }
0x10b: {  	s25 =	simm.s32 $0xFFFFFFFE;
	s0 =	sadd.s32 $0x20, s0;
	s30 =	sadd.s32 $0x20, s30;
	[tilespmem:v18+s20+$0x0] =	vst.idx.msk vm15, v0  }
0x10c: {  	s0 =	simm.s32 $0x10;
	s30 =	simm.s32 $0xFFFFFFFE  }
.LBB2_21:
0x10d: {  	v18 =	vld [tilespmem:s29+$0xFFFFFFF0];
	_ =	sdelay $0x4  }
0x10e: {  	s28 =	sadd.s32 $0xFFFFFFF0, s0;
	v19 =	vadd.s32 $0xFFFFFD8E, v18;
	v18 =	vshll.u32 v18, $0x7  }
0x10f: {  	vm0 =	vlt.u32 v19, $0x176;
	v18 =	vadd.s32 s28, v18  }
0x110: {  	v18 =	vadd.s32 v7, v18;
	_ =	sdelay $0x4  }
0x111: {  	[tilespmem:v18+s20+$0x0] =	vst.idx.msk vm0, v2  }
0x112: {  	v18 =	vld [tilespmem:s29+$0x0];
	_ =	sdelay $0x4  }
0x113: {  	v19 =	vadd.s32 $0xFFFFFD8E, v18;
	v18 =	vshll.u32 v18, $0x7  }
0x114: {  	s30 =	sadd.s32 $0x2, s30;
	vm15 =	vlt.u32 v19, $0x176;
	v18 =	vadd.s32 s0, v18  }
0x115: {  	p0 =	slt.u32 s30, $0x6;
	v18 =	vadd.s32 v7, v18  }
.Ltmp11:
0x116: {  	_ = 	snop;
	(pc) =	sbr.rel @p0 .LBB2_21-.Ltmp11, $2  }
0x117: {  	_ =	sdelay $0x2  }
0x118: {  	s28 =	simm.s32 $0x210;
	s29 =	sadd.s32 $0x20, s29;
	s0 =	sadd.s32 $0x20, s0;
	[tilespmem:v18+s20+$0x0] =	vst.idx.msk vm15, v2  }
.LBB2_22:
0x119: {  	v18 =	vld [tilespmem:s28+$0xFFFFFFF0];
	_ =	sdelay $0x4  }
0x11a: {  	s0 =	sadd.s32 $0xFFFFFFF0, s26;
	v19 =	vshll.u32 v18, $0x7  }
0x11b: {  	vm0 =	vlt.u32 v18, $0xA;
	v18 =	vadd.s32 s0, v19  }
0x11c: {  	v18 =	vadd.s32 v8, v18;
	_ =	sdelay $0x4  }
0x11d: {  	[tilespmem:v18+s20+$0x0] =	vst.idx.msk vm0, v2  }
0x11e: {  	v18 =	vld [tilespmem:s28+$0x0];
	_ =	sdelay $0x4  }
0x11f: {  	v19 =	vshll.u32 v18, $0x7  }
0x120: {  	s25 =	sadd.s32 $0x2, s25;
	vm15 =	vlt.u32 v18, $0xA;
	v18 =	vadd.s32 s26, v19  }
0x121: {  	p0 =	slt.u32 s25, $0x6;
	v18 =	vadd.s32 v8, v18  }
.Ltmp12:
0x122: {  	_ = 	snop;
	(pc) =	sbr.rel @p0 .LBB2_22-.Ltmp12, $3  }
0x123: {  	_ =	sdelay $0x1  }
0x124: {  	s29 =	simm.s32 $0x290;
	s30 =	simm.s32 $0x10  }
0x125: {  	s0 =	simm.s32 $0xFFFFFFFE;
	s28 =	sadd.s32 $0x20, s28;
	s26 =	sadd.s32 $0x20, s26;
	[tilespmem:v18+s20+$0x0] =	vst.idx.msk vm15, v2  }
.LBB2_23:
0x126: {  	v18 =	vld [tilespmem:s29+$0xFFFFFFF0];
	_ =	sdelay $0x4  }
0x127: {  	s25 =	sadd.s32 $0xFFFFFFF0, s30;
	v19 =	vshll.u32 v18, $0x7  }
0x128: {  	vm0 =	vlt.u32 v18, $0x68;
	v18 =	vadd.s32 s25, v19  }
0x129: {  	v18 =	vadd.s32 v9, v18;
	_ =	sdelay $0x4  }
0x12a: {  	[tilespmem:v18+s20+$0x0] =	vst.idx.msk vm0, v2  }
0x12b: {  	v18 =	vld [tilespmem:s29+$0x0];
	_ =	sdelay $0x4  }
0x12c: {  	v19 =	vshll.u32 v18, $0x7  }
0x12d: {  	s0 =	sadd.s32 $0x2, s0;
	vm15 =	vlt.u32 v18, $0x68;
	v18 =	vadd.s32 s30, v19  }
0x12e: {  	p0 =	slt.u32 s0, $0x6;
	v18 =	vadd.s32 v9, v18  }
.Ltmp13:
0x12f: {  	_ = 	snop;
	(pc) =	sbr.rel @p0 .LBB2_23-.Ltmp13, $2  }
0x130: {  	_ =	sdelay $0x2  }
0x131: {  	s29 =	sadd.s32 $0x20, s29;
	s30 =	sadd.s32 $0x20, s30;
	[tilespmem:v18+s20+$0x0] =	vst.idx.msk vm15, v2  }
0x132: {  	[hbm4b:s7+s16] =	stream.strided.scatter [tilespmem:s20], [sflag:$0x1], $0xF400, s17, s16, $0x38;
	[tilespmem:$0x1F800] =	vst v63  }
0x133: {  	s25 =	simm.s32 $0xFFFFFFFE;
	_ =	swait.ge [sflag:s22], $0xF400  }
0x134: {  	s28 =	simm.s32 $0x190;
	s26 =	simm.s32 $0x10;
	[sflag:s22] =	ssyncset.done $0x0  }
0x135: {  	s0 =	simm.s32 $0x10;
	s29 =	simm.s32 $0xFFFFFFFE;
	[sflag:s22] =	ssyncadd.s32 $0xFFFF0C00  }
.LBB2_25:
0x136: {  	v18 =	vld [tilespmem:s28+$0xFFFFFFF0];
	_ =	sdelay $0x4  }
0x137: {  	s30 =	sadd.s32 $0xFFFFFFF0, s0;
	v19 =	vadd.s32 $0xFFFFFF76, v18;
	v18 =	vshll.u32 v18, $0x7  }
0x138: {  	vm0 =	vlt.u32 v19, $0x1E8;
	v18 =	vadd.s32 s30, v18  }
0x139: {  	v18 =	vadd.s32 v6, v18;
	_ =	sdelay $0x4  }
0x13a: {  	[tilespmem:v18+s21+$0x0] =	vst.idx.msk vm0, v0  }
0x13b: {  	v18 =	vld [tilespmem:s28+$0x0];
	_ =	sdelay $0x4  }
0x13c: {  	v19 =	vadd.s32 $0xFFFFFF76, v18;
	v18 =	vshll.u32 v18, $0x7  }
0x13d: {  	s29 =	sadd.s32 $0x2, s29;
	vm15 =	vlt.u32 v19, $0x1E8;
	v18 =	vadd.s32 s0, v18  }
0x13e: {  	p0 =	slt.u32 s29, $0x6;
	v18 =	vadd.s32 v6, v18  }
.Ltmp14:
0x13f: {  	_ = 	snop;
	(pc) =	sbr.rel @p0 .LBB2_25-.Ltmp14, $2  }
0x140: {  	_ =	sdelay $0x2  }
0x141: {  	s30 =	simm.s32 $0x290;
	s28 =	sadd.s32 $0x20, s28;
	s0 =	sadd.s32 $0x20, s0;
	[tilespmem:v18+s21+$0x0] =	vst.idx.msk vm15, v0  }
.LBB2_26:
0x142: {  	v18 =	vld [tilespmem:s30+$0xFFFFFFF0];
	_ =	sdelay $0x4  }
0x143: {  	s0 =	sadd.s32 $0xFFFFFFF0, s26;
	v19 =	vadd.s32 $0xFFFFFF98, v18;
	v18 =	vshll.u32 v18, $0x7  }
0x144: {  	vm0 =	vlt.u32 v19, $0x18C;
	v18 =	vadd.s32 s0, v18  }
0x145: {  	v18 =	vadd.s32 v10, v18;
	_ =	sdelay $0x4  }
0x146: {  	[tilespmem:v18+s21+$0x0] =	vst.idx.msk vm0, v2  }
0x147: {  	v18 =	vld [tilespmem:s30+$0x0];
	_ =	sdelay $0x4  }
0x148: {  	v19 =	vadd.s32 $0xFFFFFF98, v18;
	v18 =	vshll.u32 v18, $0x7  }
0x149: {  	s25 =	sadd.s32 $0x2, s25;
	vm15 =	vlt.u32 v19, $0x18C;
	v18 =	vadd.s32 s26, v18  }
0x14a: {  	p0 =	slt.u32 s25, $0x6;
	v18 =	vadd.s32 v10, v18  }
.Ltmp15:
0x14b: {  	_ = 	snop;
	(pc) =	sbr.rel @p0 .LBB2_26-.Ltmp15, $3  }
0x14c: {  	_ =	sdelay $0x1  }
0x14d: {  	s28 =	simm.s32 $0xFFFFFFFE;
	s31 =	simm.s32 $0x310  }
0x14e: {  	s29 =	simm.s32 $0x10;
	s30 =	sadd.s32 $0x20, s30;
	s26 =	sadd.s32 $0x20, s26;
	[tilespmem:v18+s21+$0x0] =	vst.idx.msk vm15, v2  }
0x14f: {  	s25 =	simm.s32 $0x10;
	s26 =	simm.s32 $0xFFFFFFFE  }
.LBB2_28:
0x150: {  	v18 =	vld [tilespmem:s31+$0xFFFFFFF0];
	_ =	sdelay $0x4  }
0x151: {  	s0 =	sadd.s32 $0xFFFFFFF0, s25;
	v19 =	vshll.u32 v18, $0x7  }
0x152: {  	vm0 =	vlt.u32 v18, $0x1E;
	v18 =	vadd.s32 s0, v19  }
0x153: {  	v18 =	vadd.s32 v11, v18;
	_ =	sdelay $0x4  }
0x154: {  	[tilespmem:v18+s21+$0x0] =	vst.idx.msk vm0, v2  }
0x155: {  	v18 =	vld [tilespmem:s31+$0x0];
	_ =	sdelay $0x4  }
0x156: {  	v19 =	vshll.u32 v18, $0x7  }
0x157: {  	s26 =	sadd.s32 $0x2, s26;
	vm15 =	vlt.u32 v18, $0x1E;
	v18 =	vadd.s32 s25, v19  }
0x158: {  	p0 =	slt.u32 s26, $0x6;
	v18 =	vadd.s32 v11, v18  }
.Ltmp16:
0x159: {  	_ = 	snop;
	(pc) =	sbr.rel @p0 .LBB2_28-.Ltmp16, $2  }
0x15a: {  	_ =	sdelay $0x2  }
0x15b: {  	s0 =	simm.s32 $0x390;
	s31 =	sadd.s32 $0x20, s31;
	s25 =	sadd.s32 $0x20, s25;
	[tilespmem:v18+s21+$0x0] =	vst.idx.msk vm15, v2  }
.LBB2_29:
0x15c: {  	v18 =	vld [tilespmem:s0+$0xFFFFFFF0];
	_ =	sdelay $0x4  }
0x15d: {  	s25 =	sadd.s32 $0xFFFFFFF0, s29;
	v19 =	vshll.u32 v18, $0x7  }
0x15e: {  	vm0 =	vlt.u32 v18, $0x3E;
	v18 =	vadd.s32 s25, v19  }
0x15f: {  	v18 =	vadd.s32 v12, v18;
	_ =	sdelay $0x4  }
0x160: {  	[tilespmem:v18+s21+$0x0] =	vst.idx.msk vm0, v2  }
0x161: {  	v18 =	vld [tilespmem:s0+$0x0];
	_ =	sdelay $0x4  }
0x162: {  	v19 =	vshll.u32 v18, $0x7  }
0x163: {  	s28 =	sadd.s32 $0x2, s28;
	vm15 =	vlt.u32 v18, $0x3E;
	v18 =	vadd.s32 s29, v19  }
0x164: {  	p0 =	slt.u32 s28, $0x6;
	v18 =	vadd.s32 v12, v18  }
.Ltmp17:
0x165: {  	_ = 	snop;
	(pc) =	sbr.rel @p0 .LBB2_29-.Ltmp17, $2  }
0x166: {  	_ =	sdelay $0x2  }
0x167: {  	s0 =	sadd.s32 $0x20, s0;
	s29 =	sadd.s32 $0x20, s29;
	[tilespmem:v18+s21+$0x0] =	vst.idx.msk vm15, v2  }
0x168: {  	[hbm4b:s8+s16] =	stream.strided.scatter [tilespmem:s21], [sflag:$0x2], $0xF400, s17, s16, $0x38;
	[tilespmem:$0x1F800] =	vst v63  }
0x169: {  	s26 =	simm.s32 $0xFFFFFFFE;
	_ =	swait.ge [sflag:s19], $0xF400  }
0x16a: {  	s25 =	simm.s32 $0x190;
	s29 =	simm.s32 $0x10;
	[sflag:s19] =	ssyncset.done $0x0  }
0x16b: {  	s28 =	simm.s32 $0x10;
	s30 =	simm.s32 $0xFFFFFFFE;
	[sflag:s19] =	ssyncadd.s32 $0xFFFF0C00  }
.LBB2_31:
0x16c: {  	v18 =	vld [tilespmem:s25+$0xFFFFFFF0];
	_ =	sdelay $0x4  }
0x16d: {  	s0 =	sadd.s32 $0xFFFFFFF0, s28;
	v19 =	vadd.s32 $0xFFFFFD8E, v18;
	v18 =	vshll.u32 v18, $0x7  }
0x16e: {  	vm0 =	vlt.u32 v19, $0x176;
	v18 =	vadd.s32 s0, v18  }
0x16f: {  	v18 =	vadd.s32 v7, v18;
	_ =	sdelay $0x4  }
0x170: {  	[tilespmem:v18+s20+$0x0] =	vst.idx.msk vm0, v0  }
0x171: {  	v18 =	vld [tilespmem:s25+$0x0];
	_ =	sdelay $0x4  }
0x172: {  	v19 =	vadd.s32 $0xFFFFFD8E, v18;
	v18 =	vshll.u32 v18, $0x7  }
0x173: {  	s30 =	sadd.s32 $0x2, s30;
	vm15 =	vlt.u32 v19, $0x176;
	v18 =	vadd.s32 s28, v18  }
0x174: {  	p0 =	slt.u32 s30, $0x6;
	v18 =	vadd.s32 v7, v18  }
.Ltmp18:
0x175: {  	_ = 	snop;
	(pc) =	sbr.rel @p0 .LBB2_31-.Ltmp18, $2  }
0x176: {  	_ =	sdelay $0x2  }
0x177: {  	s0 =	simm.s32 $0x210;
	s25 =	sadd.s32 $0x20, s25;
	s28 =	sadd.s32 $0x20, s28;
	[tilespmem:v18+s20+$0x0] =	vst.idx.msk vm15, v0  }
.LBB2_32:
0x178: {  	v18 =	vld [tilespmem:s0+$0xFFFFFFF0];
	_ =	sdelay $0x4  }
0x179: {  	s25 =	sadd.s32 $0xFFFFFFF0, s29;
	v19 =	vshll.u32 v18, $0x7  }
0x17a: {  	vm0 =	vlt.u32 v18, $0xA;
	v18 =	vadd.s32 s25, v19  }
0x17b: {  	v18 =	vadd.s32 v8, v18;
	_ =	sdelay $0x4  }
0x17c: {  	[tilespmem:v18+s20+$0x0] =	vst.idx.msk vm0, v0  }
0x17d: {  	v18 =	vld [tilespmem:s0+$0x0];
	_ =	sdelay $0x4  }
0x17e: {  	v19 =	vshll.u32 v18, $0x7  }
0x17f: {  	s26 =	sadd.s32 $0x2, s26;
	vm15 =	vlt.u32 v18, $0xA;
	v18 =	vadd.s32 s29, v19  }
0x180: {  	p0 =	slt.u32 s26, $0x6;
	v18 =	vadd.s32 v8, v18  }
.Ltmp19:
0x181: {  	_ = 	snop;
	(pc) =	sbr.rel @p0 .LBB2_32-.Ltmp19, $3  }
0x182: {  	_ =	sdelay $0x1  }
0x183: {  	s31 =	simm.s32 $0x290;
	s28 =	simm.s32 $0x10  }
0x184: {  	s25 =	simm.s32 $0xFFFFFFFE;
	s0 =	sadd.s32 $0x20, s0;
	s29 =	sadd.s32 $0x20, s29;
	[tilespmem:v18+s20+$0x0] =	vst.idx.msk vm15, v0  }
0x185: {  	s0 =	simm.s32 $0x10;
	s26 =	simm.s32 $0xFFFFFFFE  }
.LBB2_34:
0x186: {  	v18 =	vld [tilespmem:s31+$0xFFFFFFF0];
	_ =	sdelay $0x4  }
0x187: {  	s29 =	sadd.s32 $0xFFFFFFF0, s0;
	v19 =	vshll.u32 v18, $0x7  }
0x188: {  	vm0 =	vlt.u32 v18, $0x68;
	v18 =	vadd.s32 s29, v19  }
0x189: {  	v18 =	vadd.s32 v9, v18;
	_ =	sdelay $0x4  }
0x18a: {  	[tilespmem:v18+s20+$0x0] =	vst.idx.msk vm0, v0  }
0x18b: {  	v18 =	vld [tilespmem:s31+$0x0];
	_ =	sdelay $0x4  }
0x18c: {  	v19 =	vshll.u32 v18, $0x7  }
0x18d: {  	s26 =	sadd.s32 $0x2, s26;
	vm15 =	vlt.u32 v18, $0x68;
	v18 =	vadd.s32 s0, v19  }
0x18e: {  	p0 =	slt.u32 s26, $0x6;
	v18 =	vadd.s32 v9, v18  }
.Ltmp20:
0x18f: {  	_ = 	snop;
	(pc) =	sbr.rel @p0 .LBB2_34-.Ltmp20, $2  }
0x190: {  	_ =	sdelay $0x2  }
0x191: {  	s30 =	simm.s32 $0x390;
	s31 =	sadd.s32 $0x20, s31;
	s0 =	sadd.s32 $0x20, s0;
	[tilespmem:v18+s20+$0x0] =	vst.idx.msk vm15, v0  }
.LBB2_35:
0x192: {  	v18 =	vld [tilespmem:s30+$0xFFFFFFF0];
	_ =	sdelay $0x4  }
0x193: {  	s0 =	sadd.s32 $0xFFFFFFF0, s28;
	v19 =	vadd.s32 $0xFFFFFFC2, v18;
	v18 =	vshll.u32 v18, $0x7  }
0x194: {  	vm0 =	vlt.u32 v19, $0x12;
	v18 =	vadd.s32 s0, v18  }
0x195: {  	v18 =	vadd.s32 v13, v18;
	_ =	sdelay $0x4  }
0x196: {  	[tilespmem:v18+s20+$0x0] =	vst.idx.msk vm0, v2  }
0x197: {  	v18 =	vld [tilespmem:s30+$0x0];
	_ =	sdelay $0x4  }
0x198: {  	v19 =	vadd.s32 $0xFFFFFFC2, v18;
	v18 =	vshll.u32 v18, $0x7  }
0x199: {  	s25 =	sadd.s32 $0x2, s25;
	vm15 =	vlt.u32 v19, $0x12;
	v18 =	vadd.s32 s28, v18  }
0x19a: {  	p0 =	slt.u32 s25, $0x6;
	v18 =	vadd.s32 v13, v18  }
.Ltmp21:
0x19b: {  	_ = 	snop;
	(pc) =	sbr.rel @p0 .LBB2_35-.Ltmp21, $3  }
0x19c: {  	_ =	sdelay $0x1  }
0x19d: {  	s26 =	simm.s32 $0xFFFFFFFE;
	s31 =	simm.s32 $0x410  }
0x19e: {  	s29 =	simm.s32 $0x10;
	s30 =	sadd.s32 $0x20, s30;
	s28 =	sadd.s32 $0x20, s28;
	[tilespmem:v18+s20+$0x0] =	vst.idx.msk vm15, v2  }
0x19f: {  	s25 =	simm.s32 $0x10;
	s28 =	simm.s32 $0xFFFFFFFE  }
.LBB2_37:
0x1a0: {  	v18 =	vld [tilespmem:s31+$0xFFFFFFF0];
	_ =	sdelay $0x4  }
0x1a1: {  	s0 =	sadd.s32 $0xFFFFFFF0, s25;
	v19 =	vshll.u32 v18, $0x7  }
0x1a2: {  	vm0 =	vlt.u32 v18, $0x78;
	v18 =	vadd.s32 s0, v19  }
0x1a3: {  	v18 =	vadd.s32 v14, v18;
	_ =	sdelay $0x4  }
0x1a4: {  	[tilespmem:v18+s20+$0x0] =	vst.idx.msk vm0, v2  }
0x1a5: {  	v18 =	vld [tilespmem:s31+$0x0];
	_ =	sdelay $0x4  }
0x1a6: {  	v19 =	vshll.u32 v18, $0x7  }
0x1a7: {  	s28 =	sadd.s32 $0x2, s28;
	vm15 =	vlt.u32 v18, $0x78;
	v18 =	vadd.s32 s25, v19  }
0x1a8: {  	p0 =	slt.u32 s28, $0x6;
	v18 =	vadd.s32 v14, v18  }
.Ltmp22:
0x1a9: {  	_ = 	snop;
	(pc) =	sbr.rel @p0 .LBB2_37-.Ltmp22, $2  }
0x1aa: {  	_ =	sdelay $0x2  }
0x1ab: {  	s0 =	simm.s32 $0x490;
	s31 =	sadd.s32 $0x20, s31;
	s25 =	sadd.s32 $0x20, s25;
	[tilespmem:v18+s20+$0x0] =	vst.idx.msk vm15, v2  }
.LBB2_38:
0x1ac: {  	v18 =	vld [tilespmem:s0+$0xFFFFFFF0];
	_ =	sdelay $0x4  }
0x1ad: {  	s25 =	sadd.s32 $0xFFFFFFF0, s29;
	v19 =	vshll.u32 v18, $0x7  }
0x1ae: {  	vm0 =	vlt.u32 v18, $0x3C;
	v18 =	vadd.s32 s25, v19  }
0x1af: {  	v18 =	vadd.s32 v15, v18;
	_ =	sdelay $0x4  }
0x1b0: {  	[tilespmem:v18+s20+$0x0] =	vst.idx.msk vm0, v2  }
0x1b1: {  	v18 =	vld [tilespmem:s0+$0x0];
	_ =	sdelay $0x4  }
0x1b2: {  	v19 =	vshll.u32 v18, $0x7  }
0x1b3: {  	s26 =	sadd.s32 $0x2, s26;
	vm15 =	vlt.u32 v18, $0x3C;
	v18 =	vadd.s32 s29, v19  }
0x1b4: {  	p0 =	slt.u32 s26, $0x6;
	v18 =	vadd.s32 v15, v18  }
.Ltmp23:
0x1b5: {  	_ = 	snop;
	(pc) =	sbr.rel @p0 .LBB2_38-.Ltmp23, $3  }
0x1b6: {  	_ =	sdelay $0x1  }
0x1b7: {  	s30 =	simm.s32 $0x510;
	s28 =	simm.s32 $0x10  }
0x1b8: {  	s25 =	simm.s32 $0xFFFFFFFE;
	s0 =	sadd.s32 $0x20, s0;
	s29 =	sadd.s32 $0x20, s29;
	[tilespmem:v18+s20+$0x0] =	vst.idx.msk vm15, v2  }
0x1b9: {  	s26 =	simm.s32 $0x10;
	s29 =	simm.s32 $0xFFFFFFFE  }
.LBB2_40:
0x1ba: {  	v18 =	vld [tilespmem:s30+$0xFFFFFFF0];
	_ =	sdelay $0x4  }
0x1bb: {  	s0 =	sadd.s32 $0xFFFFFFF0, s26;
	v19 =	vshll.u32 v18, $0x7  }
0x1bc: {  	vm0 =	vlt.u32 v18, $0x28;
	v18 =	vadd.s32 s0, v19  }
0x1bd: {  	v18 =	vadd.s32 v16, v18;
	_ =	sdelay $0x4  }
0x1be: {  	[tilespmem:v18+s20+$0x0] =	vst.idx.msk vm0, v2  }
0x1bf: {  	v18 =	vld [tilespmem:s30+$0x0];
	_ =	sdelay $0x4  }
0x1c0: {  	v19 =	vshll.u32 v18, $0x7  }
0x1c1: {  	s29 =	sadd.s32 $0x2, s29;
	vm15 =	vlt.u32 v18, $0x28;
	v18 =	vadd.s32 s26, v19  }
0x1c2: {  	p0 =	slt.u32 s29, $0x6;
	v18 =	vadd.s32 v16, v18  }
.Ltmp24:
0x1c3: {  	_ = 	snop;
	(pc) =	sbr.rel @p0 .LBB2_40-.Ltmp24, $2  }
0x1c4: {  	_ =	sdelay $0x2  }
0x1c5: {  	s0 =	simm.s32 $0x590;
	s30 =	sadd.s32 $0x20, s30;
	s26 =	sadd.s32 $0x20, s26;
	[tilespmem:v18+s20+$0x0] =	vst.idx.msk vm15, v2  }
.LBB2_41:
0x1c6: {  	v18 =	vld [tilespmem:s0+$0xFFFFFFF0];
	_ =	sdelay $0x4  }
0x1c7: {  	s26 =	sadd.s32 $0xFFFFFFF0, s28;
	v19 =	vshll.u32 v18, $0x7  }
0x1c8: {  	vm0 =	vlt.u32 v18, $0xFA;
	v18 =	vadd.s32 s26, v19  }
0x1c9: {  	v18 =	vadd.s32 v17, v18;
	_ =	sdelay $0x4  }
0x1ca: {  	[tilespmem:v18+s20+$0x0] =	vst.idx.msk vm0, v2  }
0x1cb: {  	v18 =	vld [tilespmem:s0+$0x0];
	_ =	sdelay $0x4  }
0x1cc: {  	v19 =	vshll.u32 v18, $0x7  }
0x1cd: {  	s25 =	sadd.s32 $0x2, s25;
	vm15 =	vlt.u32 v18, $0xFA;
	v18 =	vadd.s32 s28, v19  }
0x1ce: {  	p0 =	slt.u32 s25, $0x6;
	v18 =	vadd.s32 v17, v18  }
.Ltmp25:
0x1cf: {  	_ = 	snop;
	(pc) =	sbr.rel @p0 .LBB2_41-.Ltmp25, $2  }
0x1d0: {  	_ =	sdelay $0x2  }
0x1d1: {  	s0 =	sadd.s32 $0x20, s0;
	s28 =	sadd.s32 $0x20, s28;
	[tilespmem:v18+s20+$0x0] =	vst.idx.msk vm15, v2  }
0x1d2: {  	[hbm4b:s9+s16] =	stream.strided.scatter [tilespmem:s20], [sflag:$0x1], $0xF400, s17, s16, $0x38;
	[tilespmem:$0x1F800] =	vst v63  }
0x1d3: {  	s26 =	simm.s32 $0xFFFFFFFE;
	_ =	swait.ge [sflag:s22], $0xF400  }
0x1d4: {  	s25 =	simm.s32 $0x290;
	s29 =	simm.s32 $0x10;
	[sflag:s22] =	ssyncset.done $0x0  }
0x1d5: {  	s28 =	simm.s32 $0x10;
	s30 =	simm.s32 $0xFFFFFFFE;
	[sflag:s22] =	ssyncadd.s32 $0xFFFF0C00  }
.LBB2_43:
0x1d6: {  	v18 =	vld [tilespmem:s25+$0xFFFFFFF0];
	_ =	sdelay $0x4  }
0x1d7: {  	s0 =	sadd.s32 $0xFFFFFFF0, s28;
	v19 =	vadd.s32 $0xFFFFFF98, v18;
	v18 =	vshll.u32 v18, $0x7  }
0x1d8: {  	vm0 =	vlt.u32 v19, $0x18C;
	v18 =	vadd.s32 s0, v18  }
0x1d9: {  	v18 =	vadd.s32 v10, v18;
	_ =	sdelay $0x4  }
0x1da: {  	[tilespmem:v18+s21+$0x0] =	vst.idx.msk vm0, v0  }
0x1db: {  	v18 =	vld [tilespmem:s25+$0x0];
	_ =	sdelay $0x4  }
0x1dc: {  	v19 =	vadd.s32 $0xFFFFFF98, v18;
	v18 =	vshll.u32 v18, $0x7  }
0x1dd: {  	s30 =	sadd.s32 $0x2, s30;
	vm15 =	vlt.u32 v19, $0x18C;
	v18 =	vadd.s32 s28, v18  }
0x1de: {  	p0 =	slt.u32 s30, $0x6;
	v18 =	vadd.s32 v10, v18  }
.Ltmp26:
0x1df: {  	_ = 	snop;
	(pc) =	sbr.rel @p0 .LBB2_43-.Ltmp26, $2  }
0x1e0: {  	_ =	sdelay $0x2  }
0x1e1: {  	s0 =	simm.s32 $0x310;
	s25 =	sadd.s32 $0x20, s25;
	s28 =	sadd.s32 $0x20, s28;
	[tilespmem:v18+s21+$0x0] =	vst.idx.msk vm15, v0  }
.LBB2_44:
0x1e2: {  	v18 =	vld [tilespmem:s0+$0xFFFFFFF0];
	_ =	sdelay $0x4  }
0x1e3: {  	s25 =	sadd.s32 $0xFFFFFFF0, s29;
	v19 =	vshll.u32 v18, $0x7  }
0x1e4: {  	vm0 =	vlt.u32 v18, $0x1E;
	v18 =	vadd.s32 s25, v19  }
0x1e5: {  	v18 =	vadd.s32 v11, v18;
	_ =	sdelay $0x4  }
0x1e6: {  	[tilespmem:v18+s21+$0x0] =	vst.idx.msk vm0, v0  }
0x1e7: {  	v18 =	vld [tilespmem:s0+$0x0];
	_ =	sdelay $0x4  }
0x1e8: {  	v19 =	vshll.u32 v18, $0x7  }
0x1e9: {  	s26 =	sadd.s32 $0x2, s26;
	vm15 =	vlt.u32 v18, $0x1E;
	v18 =	vadd.s32 s29, v19  }
0x1ea: {  	p0 =	slt.u32 s26, $0x6;
	v18 =	vadd.s32 v11, v18  }
.Ltmp27:
0x1eb: {  	_ = 	snop;
	(pc) =	sbr.rel @p0 .LBB2_44-.Ltmp27, $3  }
0x1ec: {  	_ =	sdelay $0x1  }
0x1ed: {  	s31 =	simm.s32 $0x390;
	s28 =	simm.s32 $0x10  }
0x1ee: {  	s25 =	simm.s32 $0xFFFFFFFE;
	s0 =	sadd.s32 $0x20, s0;
	s29 =	sadd.s32 $0x20, s29;
	[tilespmem:v18+s21+$0x0] =	vst.idx.msk vm15, v0  }
0x1ef: {  	s0 =	simm.s32 $0x10;
	s26 =	simm.s32 $0xFFFFFFFE  }
.LBB2_46:
0x1f0: {  	v18 =	vld [tilespmem:s31+$0xFFFFFFF0];
	_ =	sdelay $0x4  }
0x1f1: {  	s29 =	sadd.s32 $0xFFFFFFF0, s0;
	v19 =	vshll.u32 v18, $0x7  }
0x1f2: {  	vm0 =	vlt.u32 v18, $0x3E;
	v18 =	vadd.s32 s29, v19  }
0x1f3: {  	v18 =	vadd.s32 v12, v18;
	_ =	sdelay $0x4  }
0x1f4: {  	[tilespmem:v18+s21+$0x0] =	vst.idx.msk vm0, v0  }
0x1f5: {  	v18 =	vld [tilespmem:s31+$0x0];
	_ =	sdelay $0x4  }
0x1f6: {  	v19 =	vshll.u32 v18, $0x7  }
0x1f7: {  	s26 =	sadd.s32 $0x2, s26;
	vm15 =	vlt.u32 v18, $0x3E;
	v18 =	vadd.s32 s0, v19  }
0x1f8: {  	p0 =	slt.u32 s26, $0x6;
	v18 =	vadd.s32 v12, v18  }
.Ltmp28:
0x1f9: {  	_ = 	snop;
	(pc) =	sbr.rel @p0 .LBB2_46-.Ltmp28, $2  }
0x1fa: {  	_ =	sdelay $0x2  }
0x1fb: {  	s30 =	simm.s32 $0x590;
	s31 =	sadd.s32 $0x20, s31;
	s0 =	sadd.s32 $0x20, s0;
	[tilespmem:v18+s21+$0x0] =	vst.idx.msk vm15, v0  }
.LBB2_47:
0x1fc: {  	v18 =	vld [tilespmem:s30+$0xFFFFFFF0];
	_ =	sdelay $0x4  }
0x1fd: {  	s0 =	sadd.s32 $0xFFFFFFF0, s28;
	v19 =	vadd.s32 $0xFFFFFF06, v18;
	v18 =	vshll.u32 v18, $0x7  }
0x1fe: {  	vm0 =	vlt.u32 v19, $0x32;
	v19 =	vadd.s32 s0, v18;
	v18 =	vor.u32 $0xFFFF8300, v1  }
0x1ff: {  	v19 =	vadd.s32 v18, v19;
	_ =	sdelay $0x4  }
0x200: {  	[tilespmem:v19+s21+$0x0] =	vst.idx.msk vm0, v2  }
0x201: {  	v19 =	vld [tilespmem:s30+$0x0];
	_ =	sdelay $0x4  }
0x202: {  	v20 =	vadd.s32 $0xFFFFFF06, v19;
	v19 =	vshll.u32 v19, $0x7  }
0x203: {  	s25 =	sadd.s32 $0x2, s25;
	vm15 =	vlt.u32 v20, $0x32;
	v19 =	vadd.s32 s28, v19  }
0x204: {  	p0 =	slt.u32 s25, $0x6;
	v19 =	vadd.s32 v18, v19  }
.Ltmp29:
0x205: {  	_ = 	snop;
	(pc) =	sbr.rel @p0 .LBB2_47-.Ltmp29, $3  }
0x206: {  	_ =	sdelay $0x1  }
0x207: {  	s26 =	simm.s32 $0xFFFFFFFE;
	s31 =	simm.s32 $0x610  }
0x208: {  	s29 =	simm.s32 $0x10;
	s30 =	sadd.s32 $0x20, s30;
	s28 =	sadd.s32 $0x20, s28;
	[tilespmem:v19+s21+$0x0] =	vst.idx.msk vm15, v2  }
0x209: {  	s25 =	simm.s32 $0x10;
	s28 =	simm.s32 $0xFFFFFFFE  }
.LBB2_49:
0x20a: {  	v19 =	vld [tilespmem:s31+$0xFFFFFFF0];
	_ =	sdelay $0x4  }
0x20b: {  	s0 =	sadd.s32 $0xFFFFFFF0, s25;
	v20 =	vshll.u32 v19, $0x7  }
0x20c: {  	v21 =	vor.u32 $0x1900, v1;
	vm0 =	vlt.u32 v19, $0x19;
	v19 =	vadd.s32 s0, v20  }
0x20d: {  	v19 =	vadd.s32 v21, v19;
	_ =	sdelay $0x4  }
0x20e: {  	[tilespmem:v19+s21+$0x0] =	vst.idx.msk vm0, v2  }
0x20f: {  	v19 =	vld [tilespmem:s31+$0x0];
	_ =	sdelay $0x4  }
0x210: {  	v20 =	vshll.u32 v19, $0x7  }
0x211: {  	s28 =	sadd.s32 $0x2, s28;
	vm15 =	vlt.u32 v19, $0x19;
	v19 =	vadd.s32 s25, v20  }
0x212: {  	p0 =	slt.u32 s28, $0x6;
	v19 =	vadd.s32 v21, v19  }
.Ltmp30:
0x213: {  	_ = 	snop;
	(pc) =	sbr.rel @p0 .LBB2_49-.Ltmp30, $2  }
0x214: {  	_ =	sdelay $0x2  }
0x215: {  	s0 =	simm.s32 $0x690;
	s31 =	sadd.s32 $0x20, s31;
	s25 =	sadd.s32 $0x20, s25;
	[tilespmem:v19+s21+$0x0] =	vst.idx.msk vm15, v2  }
.LBB2_50:
0x216: {  	v19 =	vld [tilespmem:s0+$0xFFFFFFF0];
	_ =	sdelay $0x4  }
0x217: {  	s25 =	sadd.s32 $0xFFFFFFF0, s29;
	v20 =	vshll.u32 v19, $0x7  }
0x218: {  	vm0 =	vlt.u32 v19, $0x96;
	v19 =	vor.u32 $0x2580, v1;
	v20 =	vadd.s32 s25, v20  }
0x219: {  	v20 =	vadd.s32 v19, v20;
	_ =	sdelay $0x4  }
0x21a: {  	[tilespmem:v20+s21+$0x0] =	vst.idx.msk vm0, v2  }
0x21b: {  	v20 =	vld [tilespmem:s0+$0x0];
	_ =	sdelay $0x4  }
0x21c: {  	v22 =	vshll.u32 v20, $0x7  }
0x21d: {  	s26 =	sadd.s32 $0x2, s26;
	vm15 =	vlt.u32 v20, $0x96;
	v20 =	vadd.s32 s29, v22  }
0x21e: {  	p0 =	slt.u32 s26, $0x6;
	v20 =	vadd.s32 v19, v20  }
.Ltmp31:
0x21f: {  	_ = 	snop;
	(pc) =	sbr.rel @p0 .LBB2_50-.Ltmp31, $3  }
0x220: {  	_ =	sdelay $0x1  }
0x221: {  	s30 =	simm.s32 $0x710;
	s28 =	simm.s32 $0x10  }
0x222: {  	s25 =	simm.s32 $0xFFFFFFFE;
	s0 =	sadd.s32 $0x20, s0;
	s29 =	sadd.s32 $0x20, s29;
	[tilespmem:v20+s21+$0x0] =	vst.idx.msk vm15, v2  }
0x223: {  	s26 =	simm.s32 $0x10;
	s29 =	simm.s32 $0xFFFFFFFE  }
.LBB2_52:
0x224: {  	v20 =	vld [tilespmem:s30+$0xFFFFFFF0];
	_ =	sdelay $0x4  }
0x225: {  	s0 =	sadd.s32 $0xFFFFFFF0, s26;
	v22 =	vshll.u32 v20, $0x7  }
0x226: {  	v23 =	vor.u32 $0x7080, v1;
	vm0 =	vlt.u32 v20, $0x46;
	v20 =	vadd.s32 s0, v22  }
0x227: {  	v20 =	vadd.s32 v23, v20;
	_ =	sdelay $0x4  }
0x228: {  	[tilespmem:v20+s21+$0x0] =	vst.idx.msk vm0, v2  }
0x229: {  	v20 =	vld [tilespmem:s30+$0x0];
	_ =	sdelay $0x4  }
0x22a: {  	v22 =	vshll.u32 v20, $0x7  }
0x22b: {  	s29 =	sadd.s32 $0x2, s29;
	vm15 =	vlt.u32 v20, $0x46;
	v20 =	vadd.s32 s26, v22  }
0x22c: {  	p0 =	slt.u32 s29, $0x6;
	v20 =	vadd.s32 v23, v20  }
.Ltmp32:
0x22d: {  	_ = 	snop;
	(pc) =	sbr.rel @p0 .LBB2_52-.Ltmp32, $2  }
0x22e: {  	_ =	sdelay $0x2  }
0x22f: {  	s0 =	simm.s32 $0x790;
	s30 =	sadd.s32 $0x20, s30;
	s26 =	sadd.s32 $0x20, s26;
	[tilespmem:v20+s21+$0x0] =	vst.idx.msk vm15, v2  }
.LBB2_53:
0x230: {  	v20 =	vld [tilespmem:s0+$0xFFFFFFF0];
	_ =	sdelay $0x4  }
0x231: {  	s26 =	sadd.s32 $0xFFFFFFF0, s28;
	v22 =	vshll.u32 v20, $0x7  }
0x232: {  	vm0 =	vlt.u32 v20, $0x5A;
	v20 =	vadd.s32 s26, v22;
	v22 =	vor.u32 $0x9380, v1  }
0x233: {  	v20 =	vadd.s32 v22, v20;
	_ =	sdelay $0x4  }
0x234: {  	[tilespmem:v20+s21+$0x0] =	vst.idx.msk vm0, v2  }
0x235: {  	v20 =	vld [tilespmem:s0+$0x0];
	_ =	sdelay $0x4  }
0x236: {  	v24 =	vshll.u32 v20, $0x7  }
0x237: {  	s25 =	sadd.s32 $0x2, s25;
	vm15 =	vlt.u32 v20, $0x5A;
	v20 =	vadd.s32 s28, v24  }
0x238: {  	p0 =	slt.u32 s25, $0x6;
	v20 =	vadd.s32 v22, v20  }
.Ltmp33:
0x239: {  	_ = 	snop;
	(pc) =	sbr.rel @p0 .LBB2_53-.Ltmp33, $3  }
0x23a: {  	_ =	sdelay $0x1  }
0x23b: {  	s30 =	simm.s32 $0x810;
	s29 =	simm.s32 $0x10  }
0x23c: {  	s26 =	simm.s32 $0xFFFFFFFE;
	s0 =	sadd.s32 $0x20, s0;
	s28 =	sadd.s32 $0x20, s28;
	[tilespmem:v20+s21+$0x0] =	vst.idx.msk vm15, v2  }
0x23d: {  	s25 =	simm.s32 $0x10;
	s28 =	simm.s32 $0xFFFFFFFE  }
.LBB2_55:
0x23e: {  	v20 =	vld [tilespmem:s30+$0xFFFFFFF0];
	_ =	sdelay $0x4  }
0x23f: {  	s0 =	sadd.s32 $0xFFFFFFF0, s25;
	v24 =	vshll.u32 v20, $0x7  }
0x240: {  	v27 =	vor.u32 $0xC080, v1;
	vm0 =	vlt.u32 v20, $0x2D;
	v20 =	vadd.s32 s0, v24  }
0x241: {  	v20 =	vadd.s32 v27, v20;
	_ =	sdelay $0x4  }
0x242: {  	[tilespmem:v20+s21+$0x0] =	vst.idx.msk vm0, v2  }
0x243: {  	v20 =	vld [tilespmem:s30+$0x0];
	_ =	sdelay $0x4  }
0x244: {  	v24 =	vshll.u32 v20, $0x7  }
0x245: {  	s28 =	sadd.s32 $0x2, s28;
	vm15 =	vlt.u32 v20, $0x2D;
	v20 =	vadd.s32 s25, v24  }
0x246: {  	p0 =	slt.u32 s28, $0x6;
	v20 =	vadd.s32 v27, v20  }
.Ltmp34:
0x247: {  	_ = 	snop;
	(pc) =	sbr.rel @p0 .LBB2_55-.Ltmp34, $2  }
0x248: {  	_ =	sdelay $0x2  }
0x249: {  	s0 =	simm.s32 $0x890;
	s30 =	sadd.s32 $0x20, s30;
	s25 =	sadd.s32 $0x20, s25;
	[tilespmem:v20+s21+$0x0] =	vst.idx.msk vm15, v2  }
.LBB2_56:
0x24a: {  	v20 =	vld [tilespmem:s0+$0xFFFFFFF0];
	_ =	sdelay $0x4  }
0x24b: {  	s25 =	sadd.s32 $0xFFFFFFF0, s29;
	v24 =	vshll.u32 v20, $0x7  }
0x24c: {  	v25 =	vor.u32 $0xD700, v1;
	vm0 =	vlt.u32 v20, $0x3A;
	v20 =	vadd.s32 s25, v24  }
0x24d: {  	v20 =	vadd.s32 v25, v20;
	_ =	sdelay $0x4  }
0x24e: {  	[tilespmem:v20+s21+$0x0] =	vst.idx.msk vm0, v2  }
0x24f: {  	v20 =	vld [tilespmem:s0+$0x0];
	_ =	sdelay $0x4  }
0x250: {  	v24 =	vshll.u32 v20, $0x7  }
0x251: {  	s26 =	sadd.s32 $0x2, s26;
	vm15 =	vlt.u32 v20, $0x3A;
	v20 =	vadd.s32 s29, v24  }
0x252: {  	p0 =	slt.u32 s26, $0x6;
	v20 =	vadd.s32 v25, v20  }
.Ltmp35:
0x253: {  	_ = 	snop;
	(pc) =	sbr.rel @p0 .LBB2_56-.Ltmp35, $2  }
0x254: {  	_ =	sdelay $0x2  }
0x255: {  	s0 =	sadd.s32 $0x20, s0;
	s29 =	sadd.s32 $0x20, s29;
	[tilespmem:v20+s21+$0x0] =	vst.idx.msk vm15, v2  }
0x256: {  	[hbm4b:s10+s16] =	stream.strided.scatter [tilespmem:s21], [sflag:$0x2], $0xF400, s17, s16, $0x38;
	[tilespmem:$0x1F800] =	vst v63  }
0x257: {  	s25 =	simm.s32 $0xFFFFFFFE;
	_ =	swait.ge [sflag:s19], $0xF400  }
0x258: {  	s0 =	simm.s32 $0x390;
	s28 =	simm.s32 $0x10;
	[sflag:s19] =	ssyncset.done $0x0  }
0x259: {  	s26 =	simm.s32 $0x10;
	s29 =	simm.s32 $0xFFFFFFFE;
	[sflag:s19] =	ssyncadd.s32 $0xFFFF0C00  }
.LBB2_58:
0x25a: {  	v20 =	vld [tilespmem:s0+$0xFFFFFFF0];
	_ =	sdelay $0x4  }
0x25b: {  	s30 =	sadd.s32 $0xFFFFFFF0, s26;
	v24 =	vadd.s32 $0xFFFFFFC2, v20;
	v20 =	vshll.u32 v20, $0x7  }
0x25c: {  	vm0 =	vlt.u32 v24, $0x12;
	v20 =	vadd.s32 s30, v20  }
0x25d: {  	v20 =	vadd.s32 v13, v20;
	_ =	sdelay $0x4  }
0x25e: {  	[tilespmem:v20+s20+$0x0] =	vst.idx.msk vm0, v0  }
0x25f: {  	v20 =	vld [tilespmem:s0+$0x0];
	_ =	sdelay $0x4  }
0x260: {  	v24 =	vadd.s32 $0xFFFFFFC2, v20;
	v20 =	vshll.u32 v20, $0x7  }
0x261: {  	s29 =	sadd.s32 $0x2, s29;
	vm15 =	vlt.u32 v24, $0x12;
	v20 =	vadd.s32 s26, v20  }
0x262: {  	p0 =	slt.u32 s29, $0x6;
	v20 =	vadd.s32 v13, v20  }
.Ltmp36:
0x263: {  	_ = 	snop;
	(pc) =	sbr.rel @p0 .LBB2_58-.Ltmp36, $2  }
0x264: {  	_ =	sdelay $0x2  }
0x265: {  	s30 =	simm.s32 $0x410;
	s0 =	sadd.s32 $0x20, s0;
	s26 =	sadd.s32 $0x20, s26;
	[tilespmem:v20+s20+$0x0] =	vst.idx.msk vm15, v0  }
.LBB2_59:
0x266: {  	v20 =	vld [tilespmem:s30+$0xFFFFFFF0];
	_ =	sdelay $0x4  }
0x267: {  	s0 =	sadd.s32 $0xFFFFFFF0, s28;
	v24 =	vshll.u32 v20, $0x7  }
0x268: {  	vm0 =	vlt.u32 v20, $0x78;
	v20 =	vadd.s32 s0, v24  }
0x269: {  	v20 =	vadd.s32 v14, v20;
	_ =	sdelay $0x4  }
0x26a: {  	[tilespmem:v20+s20+$0x0] =	vst.idx.msk vm0, v0  }
0x26b: {  	v20 =	vld [tilespmem:s30+$0x0];
	_ =	sdelay $0x4  }
0x26c: {  	v24 =	vshll.u32 v20, $0x7  }
0x26d: {  	s25 =	sadd.s32 $0x2, s25;
	vm15 =	vlt.u32 v20, $0x78;
	v20 =	vadd.s32 s28, v24  }
0x26e: {  	p0 =	slt.u32 s25, $0x6;
	v20 =	vadd.s32 v14, v20  }
.Ltmp37:
0x26f: {  	_ = 	snop;
	(pc) =	sbr.rel @p0 .LBB2_59-.Ltmp37, $3  }
0x270: {  	_ =	sdelay $0x1  }
0x271: {  	s26 =	simm.s32 $0xFFFFFFFE;
	s29 =	simm.s32 $0x10  }
0x272: {  	s0 =	simm.s32 $0x490;
	s30 =	sadd.s32 $0x20, s30;
	s28 =	sadd.s32 $0x20, s28;
	[tilespmem:v20+s20+$0x0] =	vst.idx.msk vm15, v0  }
0x273: {  	s25 =	simm.s32 $0x10;
	s28 =	simm.s32 $0xFFFFFFFE  }
.LBB2_61:
0x274: {  	v20 =	vld [tilespmem:s0+$0xFFFFFFF0];
	_ =	sdelay $0x4  }
0x275: {  	s30 =	sadd.s32 $0xFFFFFFF0, s25;
	v24 =	vshll.u32 v20, $0x7  }
0x276: {  	vm0 =	vlt.u32 v20, $0x3C;
	v20 =	vadd.s32 s30, v24  }
0x277: {  	v20 =	vadd.s32 v15, v20;
	_ =	sdelay $0x4  }
0x278: {  	[tilespmem:v20+s20+$0x0] =	vst.idx.msk vm0, v0  }
0x279: {  	v20 =	vld [tilespmem:s0+$0x0];
	_ =	sdelay $0x4  }
0x27a: {  	v24 =	vshll.u32 v20, $0x7  }
0x27b: {  	s28 =	sadd.s32 $0x2, s28;
	vm15 =	vlt.u32 v20, $0x3C;
	v20 =	vadd.s32 s25, v24  }
0x27c: {  	p0 =	slt.u32 s28, $0x6;
	v20 =	vadd.s32 v15, v20  }
.Ltmp38:
0x27d: {  	_ = 	snop;
	(pc) =	sbr.rel @p0 .LBB2_61-.Ltmp38, $2  }
0x27e: {  	_ =	sdelay $0x2  }
0x27f: {  	s30 =	simm.s32 $0x510;
	s0 =	sadd.s32 $0x20, s0;
	s25 =	sadd.s32 $0x20, s25;
	[tilespmem:v20+s20+$0x0] =	vst.idx.msk vm15, v0  }
.LBB2_62:
0x280: {  	v20 =	vld [tilespmem:s30+$0xFFFFFFF0];
	_ =	sdelay $0x4  }
0x281: {  	s0 =	sadd.s32 $0xFFFFFFF0, s29;
	v24 =	vshll.u32 v20, $0x7  }
0x282: {  	vm0 =	vlt.u32 v20, $0x28;
	v20 =	vadd.s32 s0, v24  }
0x283: {  	v20 =	vadd.s32 v16, v20;
	_ =	sdelay $0x4  }
0x284: {  	[tilespmem:v20+s20+$0x0] =	vst.idx.msk vm0, v0  }
0x285: {  	v20 =	vld [tilespmem:s30+$0x0];
	_ =	sdelay $0x4  }
0x286: {  	v24 =	vshll.u32 v20, $0x7  }
0x287: {  	s26 =	sadd.s32 $0x2, s26;
	vm15 =	vlt.u32 v20, $0x28;
	v20 =	vadd.s32 s29, v24  }
0x288: {  	p0 =	slt.u32 s26, $0x6;
	v20 =	vadd.s32 v16, v20  }
.Ltmp39:
0x289: {  	_ = 	snop;
	(pc) =	sbr.rel @p0 .LBB2_62-.Ltmp39, $3  }
0x28a: {  	_ =	sdelay $0x1  }
0x28b: {  	s25 =	simm.s32 $0xFFFFFFFE;
	s28 =	simm.s32 $0x10  }
0x28c: {  	s0 =	simm.s32 $0x590;
	s30 =	sadd.s32 $0x20, s30;
	s29 =	sadd.s32 $0x20, s29;
	[tilespmem:v20+s20+$0x0] =	vst.idx.msk vm15, v0  }
0x28d: {  	s26 =	simm.s32 $0x10;
	s29 =	simm.s32 $0xFFFFFFFE  }
.LBB2_64:
0x28e: {  	v20 =	vld [tilespmem:s0+$0xFFFFFFF0];
	_ =	sdelay $0x4  }
0x28f: {  	s30 =	sadd.s32 $0xFFFFFFF0, s26;
	v24 =	vshll.u32 v20, $0x7  }
0x290: {  	vm0 =	vlt.u32 v20, $0xFA;
	v20 =	vadd.s32 s30, v24  }
0x291: {  	v20 =	vadd.s32 v17, v20;
	_ =	sdelay $0x4  }
0x292: {  	[tilespmem:v20+s20+$0x0] =	vst.idx.msk vm0, v0  }
0x293: {  	v20 =	vld [tilespmem:s0+$0x0];
	_ =	sdelay $0x4  }
0x294: {  	v24 =	vshll.u32 v20, $0x7  }
0x295: {  	s29 =	sadd.s32 $0x2, s29;
	vm15 =	vlt.u32 v20, $0xFA;
	v20 =	vadd.s32 s26, v24  }
0x296: {  	p0 =	slt.u32 s29, $0x6;
	v20 =	vadd.s32 v17, v20  }
.Ltmp40:
0x297: {  	_ = 	snop;
	(pc) =	sbr.rel @p0 .LBB2_64-.Ltmp40, $2  }
0x298: {  	_ =	sdelay $0x2  }
0x299: {  	s30 =	simm.s32 $0x890;
	s0 =	sadd.s32 $0x20, s0;
	s26 =	sadd.s32 $0x20, s26;
	[tilespmem:v20+s20+$0x0] =	vst.idx.msk vm15, v0  }
.LBB2_65:
0x29a: {  	v20 =	vld [tilespmem:s30+$0xFFFFFFF0];
	_ =	sdelay $0x4  }
0x29b: {  	s0 =	sadd.s32 $0xFFFFFFF0, s28;
	v24 =	vadd.s32 $0xFFFFFFC6, v20;
	v20 =	vshll.u32 v20, $0x7  }
0x29c: {  	vm0 =	vlt.u32 v24, $0x34;
	v24 =	vadd.s32 s0, v20;
	v20 =	vor.u32 $0xFFFFE300, v1  }
0x29d: {  	v24 =	vadd.s32 v20, v24;
	_ =	sdelay $0x4  }
0x29e: {  	[tilespmem:v24+s20+$0x0] =	vst.idx.msk vm0, v2  }
0x29f: {  	v24 =	vld [tilespmem:s30+$0x0];
	_ =	sdelay $0x4  }
0x2a0: {  	v26 =	vadd.s32 $0xFFFFFFC6, v24;
	v24 =	vshll.u32 v24, $0x7  }
0x2a1: {  	s25 =	sadd.s32 $0x2, s25;
	vm15 =	vlt.u32 v26, $0x34;
	v24 =	vadd.s32 s28, v24  }
0x2a2: {  	p0 =	slt.u32 s25, $0x6;
	v24 =	vadd.s32 v20, v24  }
.Ltmp41:
0x2a3: {  	_ = 	snop;
	(pc) =	sbr.rel @p0 .LBB2_65-.Ltmp41, $3  }
0x2a4: {  	_ =	sdelay $0x1  }
0x2a5: {  	s26 =	simm.s32 $0xFFFFFFFE;
	s31 =	simm.s32 $0x910  }
0x2a6: {  	s29 =	simm.s32 $0x10;
	s30 =	sadd.s32 $0x20, s30;
	s28 =	sadd.s32 $0x20, s28;
	[tilespmem:v24+s20+$0x0] =	vst.idx.msk vm15, v2  }
0x2a7: {  	s25 =	simm.s32 $0x10;
	s28 =	simm.s32 $0xFFFFFFFE  }
.LBB2_67:
0x2a8: {  	v24 =	vld [tilespmem:s31+$0xFFFFFFF0];
	_ =	sdelay $0x4  }
0x2a9: {  	s0 =	sadd.s32 $0xFFFFFFF0, s25;
	v26 =	vshll.u32 v24, $0x7  }
0x2aa: {  	vm0 =	vlt.u32 v24, $0x23;
	v24 =	vadd.s32 s0, v26;
	v26 =	vor.u32 $0x1A00, v1  }
0x2ab: {  	v24 =	vadd.s32 v26, v24;
	_ =	sdelay $0x4  }
0x2ac: {  	[tilespmem:v24+s20+$0x0] =	vst.idx.msk vm0, v2  }
0x2ad: {  	v24 =	vld [tilespmem:s31+$0x0];
	_ =	sdelay $0x4  }
0x2ae: {  	v28 =	vshll.u32 v24, $0x7  }
0x2af: {  	s28 =	sadd.s32 $0x2, s28;
	vm15 =	vlt.u32 v24, $0x23;
	v24 =	vadd.s32 s25, v28  }
0x2b0: {  	p0 =	slt.u32 s28, $0x6;
	v24 =	vadd.s32 v26, v24  }
.Ltmp42:
0x2b1: {  	_ = 	snop;
	(pc) =	sbr.rel @p0 .LBB2_67-.Ltmp42, $2  }
0x2b2: {  	_ =	sdelay $0x2  }
0x2b3: {  	s0 =	simm.s32 $0x990;
	s31 =	sadd.s32 $0x20, s31;
	s25 =	sadd.s32 $0x20, s25;
	[tilespmem:v24+s20+$0x0] =	vst.idx.msk vm15, v2  }
.LBB2_68:
0x2b4: {  	v24 =	vld [tilespmem:s0+$0xFFFFFFF0];
	_ =	sdelay $0x4  }
0x2b5: {  	s25 =	sadd.s32 $0xFFFFFFF0, s29;
	v28 =	vshll.u32 v24, $0x7  }
0x2b6: {  	vm0 =	vlt.u32 v24, $0xFA;
	v24 =	vor.u32 $0x2B80, v1;
	v28 =	vadd.s32 s25, v28  }
0x2b7: {  	v28 =	vadd.s32 v24, v28;
	_ =	sdelay $0x4  }
0x2b8: {  	[tilespmem:v28+s20+$0x0] =	vst.idx.msk vm0, v2  }
0x2b9: {  	v28 =	vld [tilespmem:s0+$0x0];
	_ =	sdelay $0x4  }
0x2ba: {  	v29 =	vshll.u32 v28, $0x7  }
0x2bb: {  	s26 =	sadd.s32 $0x2, s26;
	vm15 =	vlt.u32 v28, $0xFA;
	v28 =	vadd.s32 s29, v29  }
0x2bc: {  	p0 =	slt.u32 s26, $0x6;
	v28 =	vadd.s32 v24, v28  }
.Ltmp43:
0x2bd: {  	_ = 	snop;
	(pc) =	sbr.rel @p0 .LBB2_68-.Ltmp43, $3  }
0x2be: {  	_ =	sdelay $0x1  }
0x2bf: {  	s30 =	simm.s32 $0xA10;
	s28 =	simm.s32 $0x10  }
0x2c0: {  	s25 =	simm.s32 $0xFFFFFFFE;
	s0 =	sadd.s32 $0x20, s0;
	s29 =	sadd.s32 $0x20, s29;
	[tilespmem:v28+s20+$0x0] =	vst.idx.msk vm15, v2  }
0x2c1: {  	s26 =	simm.s32 $0x10;
	s29 =	simm.s32 $0xFFFFFFFE  }
.LBB2_70:
0x2c2: {  	v28 =	vld [tilespmem:s30+$0xFFFFFFF0];
	_ =	sdelay $0x4  }
0x2c3: {  	s0 =	sadd.s32 $0xFFFFFFF0, s26;
	v29 =	vshll.u32 v28, $0x7  }
0x2c4: {  	vm0 =	vlt.u32 v28, $0xF;
	v28 =	vadd.s32 s0, v29;
	v29 =	vor.u32 $0xA880, v1  }
0x2c5: {  	v28 =	vadd.s32 v29, v28;
	_ =	sdelay $0x4  }
0x2c6: {  	[tilespmem:v28+s20+$0x0] =	vst.idx.msk vm0, v2  }
0x2c7: {  	v28 =	vld [tilespmem:s30+$0x0];
	_ =	sdelay $0x4  }
0x2c8: {  	v30 =	vshll.u32 v28, $0x7  }
0x2c9: {  	s29 =	sadd.s32 $0x2, s29;
	vm15 =	vlt.u32 v28, $0xF;
	v28 =	vadd.s32 s26, v30  }
0x2ca: {  	p0 =	slt.u32 s29, $0x6;
	v28 =	vadd.s32 v29, v28  }
.Ltmp44:
0x2cb: {  	_ = 	snop;
	(pc) =	sbr.rel @p0 .LBB2_70-.Ltmp44, $2  }
0x2cc: {  	_ =	sdelay $0x2  }
0x2cd: {  	s0 =	simm.s32 $0xA90;
	s30 =	sadd.s32 $0x20, s30;
	s26 =	sadd.s32 $0x20, s26;
	[tilespmem:v28+s20+$0x0] =	vst.idx.msk vm15, v2  }
.LBB2_71:
0x2ce: {  	v28 =	vld [tilespmem:s0+$0xFFFFFFF0];
	_ =	sdelay $0x4  }
0x2cf: {  	s26 =	sadd.s32 $0xFFFFFFF0, s28;
	v30 =	vshll.u32 v28, $0x7  }
0x2d0: {  	vm0 =	vlt.u32 v28, $0x88;
	v28 =	vor.u32 $0xB000, v1;
	v30 =	vadd.s32 s26, v30  }
0x2d1: {  	v30 =	vadd.s32 v28, v30;
	_ =	sdelay $0x4  }
0x2d2: {  	[tilespmem:v30+s20+$0x0] =	vst.idx.msk vm0, v2  }
0x2d3: {  	v30 =	vld [tilespmem:s0+$0x0];
	_ =	sdelay $0x4  }
0x2d4: {  	v31 =	vshll.u32 v30, $0x7  }
0x2d5: {  	s25 =	sadd.s32 $0x2, s25;
	vm15 =	vlt.u32 v30, $0x88;
	v30 =	vadd.s32 s28, v31  }
0x2d6: {  	p0 =	slt.u32 s25, $0x6;
	v30 =	vadd.s32 v28, v30  }
.Ltmp45:
0x2d7: {  	_ = 	snop;
	(pc) =	sbr.rel @p0 .LBB2_71-.Ltmp45, $2  }
0x2d8: {  	_ =	sdelay $0x2  }
0x2d9: {  	s0 =	sadd.s32 $0x20, s0;
	s28 =	sadd.s32 $0x20, s28;
	[tilespmem:v30+s20+$0x0] =	vst.idx.msk vm15, v2  }
0x2da: {  	[hbm4b:s11+s16] =	stream.strided.scatter [tilespmem:s20], [sflag:$0x1], $0xF400, s17, s16, $0x38;
	[tilespmem:$0x1F800] =	vst v63  }
0x2db: {  	s25 =	simm.s32 $0xFFFFFFFE;
	_ =	swait.ge [sflag:s22], $0xF400  }
0x2dc: {  	s0 =	simm.s32 $0x590;
	s28 =	simm.s32 $0x10;
	[sflag:s22] =	ssyncset.done $0x0  }
0x2dd: {  	s26 =	simm.s32 $0x10;
	s30 =	simm.s32 $0xFFFFFFFE;
	[sflag:s22] =	ssyncadd.s32 $0xFFFF0C00  }
.LBB2_73:
0x2de: {  	v30 =	vld [tilespmem:s0+$0xFFFFFFF0];
	_ =	sdelay $0x4  }
0x2df: {  	s29 =	sadd.s32 $0xFFFFFFF0, s26;
	v31 =	vadd.s32 $0xFFFFFF06, v30;
	v30 =	vshll.u32 v30, $0x7  }
0x2e0: {  	vm0 =	vlt.u32 v31, $0x32;
	v30 =	vadd.s32 s29, v30  }
0x2e1: {  	v30 =	vadd.s32 v18, v30;
	_ =	sdelay $0x4  }
0x2e2: {  	[tilespmem:v30+s21+$0x0] =	vst.idx.msk vm0, v0  }
0x2e3: {  	v30 =	vld [tilespmem:s0+$0x0];
	_ =	sdelay $0x4  }
0x2e4: {  	v31 =	vadd.s32 $0xFFFFFF06, v30;
	v30 =	vshll.u32 v30, $0x7  }
0x2e5: {  	s30 =	sadd.s32 $0x2, s30;
	vm15 =	vlt.u32 v31, $0x32;
	v30 =	vadd.s32 s26, v30  }
0x2e6: {  	p0 =	slt.u32 s30, $0x6;
	v30 =	vadd.s32 v18, v30  }
.Ltmp46:
0x2e7: {  	_ = 	snop;
	(pc) =	sbr.rel @p0 .LBB2_73-.Ltmp46, $2  }
0x2e8: {  	_ =	sdelay $0x2  }
0x2e9: {  	s29 =	simm.s32 $0x610;
	s0 =	sadd.s32 $0x20, s0;
	s26 =	sadd.s32 $0x20, s26;
	[tilespmem:v30+s21+$0x0] =	vst.idx.msk vm15, v0  }
.LBB2_74:
0x2ea: {  	v18 =	vld [tilespmem:s29+$0xFFFFFFF0];
	_ =	sdelay $0x4  }
0x2eb: {  	s0 =	sadd.s32 $0xFFFFFFF0, s28;
	v30 =	vshll.u32 v18, $0x7  }
0x2ec: {  	vm0 =	vlt.u32 v18, $0x19;
	v18 =	vadd.s32 s0, v30  }
0x2ed: {  	v18 =	vadd.s32 v21, v18;
	_ =	sdelay $0x4  }
0x2ee: {  	[tilespmem:v18+s21+$0x0] =	vst.idx.msk vm0, v0  }
0x2ef: {  	v18 =	vld [tilespmem:s29+$0x0];
	_ =	sdelay $0x4  }
0x2f0: {  	v30 =	vshll.u32 v18, $0x7  }
0x2f1: {  	s25 =	sadd.s32 $0x2, s25;
	vm15 =	vlt.u32 v18, $0x19;
	v18 =	vadd.s32 s28, v30  }
0x2f2: {  	p0 =	slt.u32 s25, $0x6;
	v18 =	vadd.s32 v21, v18  }
.Ltmp47:
0x2f3: {  	_ = 	snop;
	(pc) =	sbr.rel @p0 .LBB2_74-.Ltmp47, $3  }
0x2f4: {  	_ =	sdelay $0x1  }
0x2f5: {  	s26 =	simm.s32 $0xFFFFFFFE;
	s30 =	simm.s32 $0x10  }
0x2f6: {  	s0 =	simm.s32 $0x690;
	s29 =	sadd.s32 $0x20, s29;
	s28 =	sadd.s32 $0x20, s28;
	[tilespmem:v18+s21+$0x0] =	vst.idx.msk vm15, v0  }
0x2f7: {  	s28 =	simm.s32 $0x10;
	s29 =	simm.s32 $0xFFFFFFFE  }
.LBB2_76:
0x2f8: {  	v18 =	vld [tilespmem:s0+$0xFFFFFFF0];
	_ =	sdelay $0x4  }
0x2f9: {  	s25 =	sadd.s32 $0xFFFFFFF0, s28;
	v21 =	vshll.u32 v18, $0x7  }
0x2fa: {  	vm0 =	vlt.u32 v18, $0x96;
	v18 =	vadd.s32 s25, v21  }
0x2fb: {  	v18 =	vadd.s32 v19, v18;
	_ =	sdelay $0x4  }
0x2fc: {  	[tilespmem:v18+s21+$0x0] =	vst.idx.msk vm0, v0  }
0x2fd: {  	v18 =	vld [tilespmem:s0+$0x0];
	_ =	sdelay $0x4  }
0x2fe: {  	v21 =	vshll.u32 v18, $0x7  }
0x2ff: {  	s29 =	sadd.s32 $0x2, s29;
	vm15 =	vlt.u32 v18, $0x96;
	v18 =	vadd.s32 s28, v21  }
0x300: {  	p0 =	slt.u32 s29, $0x6;
	v18 =	vadd.s32 v19, v18  }
.Ltmp48:
0x301: {  	_ = 	snop;
	(pc) =	sbr.rel @p0 .LBB2_76-.Ltmp48, $2  }
0x302: {  	_ =	sdelay $0x2  }
0x303: {  	s25 =	simm.s32 $0x710;
	s0 =	sadd.s32 $0x20, s0;
	s28 =	sadd.s32 $0x20, s28;
	[tilespmem:v18+s21+$0x0] =	vst.idx.msk vm15, v0  }
.LBB2_77:
0x304: {  	v18 =	vld [tilespmem:s25+$0xFFFFFFF0];
	_ =	sdelay $0x4  }
0x305: {  	s0 =	sadd.s32 $0xFFFFFFF0, s30;
	v19 =	vshll.u32 v18, $0x7  }
0x306: {  	vm0 =	vlt.u32 v18, $0x46;
	v18 =	vadd.s32 s0, v19  }
0x307: {  	v18 =	vadd.s32 v23, v18;
	_ =	sdelay $0x4  }
0x308: {  	[tilespmem:v18+s21+$0x0] =	vst.idx.msk vm0, v0  }
0x309: {  	v18 =	vld [tilespmem:s25+$0x0];
	_ =	sdelay $0x4  }
0x30a: {  	v19 =	vshll.u32 v18, $0x7  }
0x30b: {  	s26 =	sadd.s32 $0x2, s26;
	vm15 =	vlt.u32 v18, $0x46;
	v18 =	vadd.s32 s30, v19  }
0x30c: {  	p0 =	slt.u32 s26, $0x6;
	v18 =	vadd.s32 v23, v18  }
.Ltmp49:
0x30d: {  	_ = 	snop;
	(pc) =	sbr.rel @p0 .LBB2_77-.Ltmp49, $3  }
0x30e: {  	_ =	sdelay $0x1  }
0x30f: {  	s29 =	simm.s32 $0xFFFFFFFE;
	s31 =	simm.s32 $0x10  }
0x310: {  	s0 =	simm.s32 $0x790;
	s25 =	sadd.s32 $0x20, s25;
	s30 =	sadd.s32 $0x20, s30;
	[tilespmem:v18+s21+$0x0] =	vst.idx.msk vm15, v0  }
0x311: {  	s25 =	simm.s32 $0x10;
	s28 =	simm.s32 $0xFFFFFFFE  }
.LBB2_79:
0x312: {  	v18 =	vld [tilespmem:s0+$0xFFFFFFF0];
	_ =	sdelay $0x4  }
0x313: {  	s26 =	sadd.s32 $0xFFFFFFF0, s25;
	v19 =	vshll.u32 v18, $0x7  }
0x314: {  	vm0 =	vlt.u32 v18, $0x5A;
	v18 =	vadd.s32 s26, v19  }
0x315: {  	v18 =	vadd.s32 v22, v18;
	_ =	sdelay $0x4  }
0x316: {  	[tilespmem:v18+s21+$0x0] =	vst.idx.msk vm0, v0  }
0x317: {  	v18 =	vld [tilespmem:s0+$0x0];
	_ =	sdelay $0x4  }
0x318: {  	v19 =	vshll.u32 v18, $0x7  }
0x319: {  	s28 =	sadd.s32 $0x2, s28;
	vm15 =	vlt.u32 v18, $0x5A;
	v18 =	vadd.s32 s25, v19  }
0x31a: {  	p0 =	slt.u32 s28, $0x6;
	v18 =	vadd.s32 v22, v18  }
.Ltmp50:
0x31b: {  	_ = 	snop;
	(pc) =	sbr.rel @p0 .LBB2_79-.Ltmp50, $2  }
0x31c: {  	_ =	sdelay $0x2  }
0x31d: {  	s26 =	simm.s32 $0x810;
	s0 =	sadd.s32 $0x20, s0;
	s25 =	sadd.s32 $0x20, s25;
	[tilespmem:v18+s21+$0x0] =	vst.idx.msk vm15, v0  }
.LBB2_80:
0x31e: {  	v18 =	vld [tilespmem:s26+$0xFFFFFFF0];
	_ =	sdelay $0x4  }
0x31f: {  	s0 =	sadd.s32 $0xFFFFFFF0, s31;
	v19 =	vshll.u32 v18, $0x7  }
0x320: {  	vm0 =	vlt.u32 v18, $0x2D;
	v18 =	vadd.s32 s0, v19  }
0x321: {  	v18 =	vadd.s32 v27, v18;
	_ =	sdelay $0x4  }
0x322: {  	[tilespmem:v18+s21+$0x0] =	vst.idx.msk vm0, v0  }
0x323: {  	v18 =	vld [tilespmem:s26+$0x0];
	_ =	sdelay $0x4  }
0x324: {  	v19 =	vshll.u32 v18, $0x7  }
0x325: {  	s29 =	sadd.s32 $0x2, s29;
	vm15 =	vlt.u32 v18, $0x2D;
	v18 =	vadd.s32 s31, v19  }
0x326: {  	p0 =	slt.u32 s29, $0x6;
	v18 =	vadd.s32 v27, v18  }
.Ltmp51:
0x327: {  	_ = 	snop;
	(pc) =	sbr.rel @p0 .LBB2_80-.Ltmp51, $3  }
0x328: {  	_ =	sdelay $0x1  }
0x329: {  	s25 =	simm.s32 $0xFFFFFFFE;
	s28 =	simm.s32 $0x10  }
0x32a: {  	s0 =	simm.s32 $0x890;
	s26 =	sadd.s32 $0x20, s26;
	s31 =	sadd.s32 $0x20, s31;
	[tilespmem:v18+s21+$0x0] =	vst.idx.msk vm15, v0  }
0x32b: {  	s26 =	simm.s32 $0x10;
	s29 =	simm.s32 $0xFFFFFFFE  }
.LBB2_82:
0x32c: {  	v18 =	vld [tilespmem:s0+$0xFFFFFFF0];
	_ =	sdelay $0x4  }
0x32d: {  	s30 =	sadd.s32 $0xFFFFFFF0, s26;
	v19 =	vshll.u32 v18, $0x7  }
0x32e: {  	vm0 =	vlt.u32 v18, $0x3A;
	v18 =	vadd.s32 s30, v19  }
0x32f: {  	v18 =	vadd.s32 v25, v18;
	_ =	sdelay $0x4  }
0x330: {  	[tilespmem:v18+s21+$0x0] =	vst.idx.msk vm0, v0  }
0x331: {  	v18 =	vld [tilespmem:s0+$0x0];
	_ =	sdelay $0x4  }
0x332: {  	v19 =	vshll.u32 v18, $0x7  }
0x333: {  	s29 =	sadd.s32 $0x2, s29;
	vm15 =	vlt.u32 v18, $0x3A;
	v18 =	vadd.s32 s26, v19  }
0x334: {  	p0 =	slt.u32 s29, $0x6;
	v18 =	vadd.s32 v25, v18  }
.Ltmp52:
0x335: {  	_ = 	snop;
	(pc) =	sbr.rel @p0 .LBB2_82-.Ltmp52, $2  }
0x336: {  	_ =	sdelay $0x2  }
0x337: {  	s30 =	simm.s32 $0xA90;
	s0 =	sadd.s32 $0x20, s0;
	s26 =	sadd.s32 $0x20, s26;
	[tilespmem:v18+s21+$0x0] =	vst.idx.msk vm15, v0  }
.LBB2_83:
0x338: {  	v18 =	vld [tilespmem:s30+$0xFFFFFFF0];
	_ =	sdelay $0x4  }
0x339: {  	s0 =	sadd.s32 $0xFFFFFFF0, s28;
	v19 =	vadd.s32 $0xFFFFFF78, v18;
	v18 =	vshll.u32 v18, $0x7  }
0x33a: {  	vm0 =	vlt.u32 v19, $0x108;
	v18 =	vadd.s32 s0, v18;
	v19 =	vor.u32 $0xFFFFBC00, v1  }
0x33b: {  	v18 =	vadd.s32 v19, v18;
	_ =	sdelay $0x4  }
0x33c: {  	[tilespmem:v18+s21+$0x0] =	vst.idx.msk vm0, v2  }
0x33d: {  	v18 =	vld [tilespmem:s30+$0x0];
	_ =	sdelay $0x4  }
0x33e: {  	v21 =	vadd.s32 $0xFFFFFF78, v18;
	v18 =	vshll.u32 v18, $0x7  }
0x33f: {  	s25 =	sadd.s32 $0x2, s25;
	vm15 =	vlt.u32 v21, $0x108;
	v18 =	vadd.s32 s28, v18  }
0x340: {  	p0 =	slt.u32 s25, $0x6;
	v18 =	vadd.s32 v19, v18  }
.Ltmp53:
0x341: {  	_ = 	snop;
	(pc) =	sbr.rel @p0 .LBB2_83-.Ltmp53, $3  }
0x342: {  	_ =	sdelay $0x1  }
0x343: {  	s26 =	simm.s32 $0xFFFFFFFE;
	s31 =	simm.s32 $0xB10  }
0x344: {  	s29 =	simm.s32 $0x10;
	s30 =	sadd.s32 $0x20, s30;
	s28 =	sadd.s32 $0x20, s28;
	[tilespmem:v18+s21+$0x0] =	vst.idx.msk vm15, v2  }
0x345: {  	s25 =	simm.s32 $0x10;
	s28 =	simm.s32 $0xFFFFFFFE  }
.LBB2_85:
0x346: {  	v18 =	vld [tilespmem:s31+$0xFFFFFFF0];
	_ =	sdelay $0x4  }
0x347: {  	s0 =	sadd.s32 $0xFFFFFFF0, s25;
	v19 =	vshll.u32 v18, $0x7  }
0x348: {  	vm0 =	vlt.u32 v18, $0x37;
	v18 =	vadd.s32 s0, v19;
	v19 =	vor.u32 $0x8400, v1  }
0x349: {  	v18 =	vadd.s32 v19, v18;
	_ =	sdelay $0x4  }
0x34a: {  	[tilespmem:v18+s21+$0x0] =	vst.idx.msk vm0, v2  }
0x34b: {  	v18 =	vld [tilespmem:s31+$0x0];
	_ =	sdelay $0x4  }
0x34c: {  	v21 =	vshll.u32 v18, $0x7  }
0x34d: {  	s28 =	sadd.s32 $0x2, s28;
	vm15 =	vlt.u32 v18, $0x37;
	v18 =	vadd.s32 s25, v21  }
0x34e: {  	p0 =	slt.u32 s28, $0x6;
	v18 =	vadd.s32 v19, v18  }
.Ltmp54:
0x34f: {  	_ = 	snop;
	(pc) =	sbr.rel @p0 .LBB2_85-.Ltmp54, $2  }
0x350: {  	_ =	sdelay $0x2  }
0x351: {  	s0 =	simm.s32 $0xB90;
	s31 =	sadd.s32 $0x20, s31;
	s25 =	sadd.s32 $0x20, s25;
	[tilespmem:v18+s21+$0x0] =	vst.idx.msk vm15, v2  }
.LBB2_86:
0x352: {  	v18 =	vld [tilespmem:s0+$0xFFFFFFF0];
	_ =	sdelay $0x4  }
0x353: {  	s25 =	sadd.s32 $0xFFFFFFF0, s29;
	v19 =	vshll.u32 v18, $0x7  }
0x354: {  	vm0 =	vlt.u32 v18, $0x41;
	v18 =	vadd.s32 s25, v19;
	v19 =	vor.u32 $0x9F80, v1  }
0x355: {  	v18 =	vadd.s32 v19, v18;
	_ =	sdelay $0x4  }
0x356: {  	[tilespmem:v18+s21+$0x0] =	vst.idx.msk vm0, v2  }
0x357: {  	v18 =	vld [tilespmem:s0+$0x0];
	_ =	sdelay $0x4  }
0x358: {  	v21 =	vshll.u32 v18, $0x7  }
0x359: {  	s26 =	sadd.s32 $0x2, s26;
	vm15 =	vlt.u32 v18, $0x41;
	v18 =	vadd.s32 s29, v21  }
0x35a: {  	p0 =	slt.u32 s26, $0x6;
	v18 =	vadd.s32 v19, v18  }
.Ltmp55:
0x35b: {  	_ = 	snop;
	(pc) =	sbr.rel @p0 .LBB2_86-.Ltmp55, $3  }
0x35c: {  	_ =	sdelay $0x1  }
0x35d: {  	s30 =	simm.s32 $0xC10;
	s28 =	simm.s32 $0x10  }
0x35e: {  	s25 =	simm.s32 $0xFFFFFFFE;
	s0 =	sadd.s32 $0x20, s0;
	s29 =	sadd.s32 $0x20, s29;
	[tilespmem:v18+s21+$0x0] =	vst.idx.msk vm15, v2  }
0x35f: {  	s26 =	simm.s32 $0x10;
	s29 =	simm.s32 $0xFFFFFFFE  }
.LBB2_88:
0x360: {  	v18 =	vld [tilespmem:s30+$0xFFFFFFF0];
	_ =	sdelay $0x4  }
0x361: {  	s0 =	sadd.s32 $0xFFFFFFF0, s26;
	v19 =	vshll.u32 v18, $0x7  }
0x362: {  	vm0 =	vlt.u32 v18, $0x14;
	v18 =	vadd.s32 s0, v19  }
0x363: {  	v18 =	vadd.s32 v9, v18;
	_ =	sdelay $0x4  }
0x364: {  	[tilespmem:v18+s21+$0x0] =	vst.idx.msk vm0, v2  }
0x365: {  	v18 =	vld [tilespmem:s30+$0x0];
	_ =	sdelay $0x4  }
0x366: {  	v19 =	vshll.u32 v18, $0x7  }
0x367: {  	s29 =	sadd.s32 $0x2, s29;
	vm15 =	vlt.u32 v18, $0x14;
	v18 =	vadd.s32 s26, v19  }
0x368: {  	p0 =	slt.u32 s29, $0x6;
	v18 =	vadd.s32 v9, v18  }
.Ltmp56:
0x369: {  	_ = 	snop;
	(pc) =	sbr.rel @p0 .LBB2_88-.Ltmp56, $2  }
0x36a: {  	_ =	sdelay $0x2  }
0x36b: {  	s0 =	simm.s32 $0xC90;
	s30 =	sadd.s32 $0x20, s30;
	s26 =	sadd.s32 $0x20, s26;
	[tilespmem:v18+s21+$0x0] =	vst.idx.msk vm15, v2  }
.LBB2_89:
0x36c: {  	v18 =	vld [tilespmem:s0+$0xFFFFFFF0];
	_ =	sdelay $0x4  }
0x36d: {  	s26 =	sadd.s32 $0xFFFFFFF0, s28;
	v19 =	vshll.u32 v18, $0x7  }
0x36e: {  	vm0 =	vlt.u32 v18, $0x54;
	v18 =	vadd.s32 s26, v19;
	v19 =	vor.u32 $0xCA00, v1  }
0x36f: {  	v18 =	vadd.s32 v19, v18;
	_ =	sdelay $0x4  }
0x370: {  	[tilespmem:v18+s21+$0x0] =	vst.idx.msk vm0, v2  }
0x371: {  	v18 =	vld [tilespmem:s0+$0x0];
	_ =	sdelay $0x4  }
0x372: {  	v21 =	vshll.u32 v18, $0x7  }
0x373: {  	s25 =	sadd.s32 $0x2, s25;
	vm15 =	vlt.u32 v18, $0x54;
	v18 =	vadd.s32 s28, v21  }
0x374: {  	p0 =	slt.u32 s25, $0x6;
	v18 =	vadd.s32 v19, v18  }
.Ltmp57:
0x375: {  	_ = 	snop;
	(pc) =	sbr.rel @p0 .LBB2_89-.Ltmp57, $2  }
0x376: {  	_ =	sdelay $0x2  }
0x377: {  	s0 =	sadd.s32 $0x20, s0;
	s28 =	sadd.s32 $0x20, s28;
	[tilespmem:v18+s21+$0x0] =	vst.idx.msk vm15, v2  }
0x378: {  	[hbm4b:s12+s16] =	stream.strided.scatter [tilespmem:s21], [sflag:$0x2], $0xF400, s17, s16, $0x38;
	[tilespmem:$0x1F800] =	vst v63  }
0x379: {  	s25 =	simm.s32 $0xFFFFFFFE;
	_ =	swait.ge [sflag:s19], $0xF400  }
0x37a: {  	s0 =	simm.s32 $0x890;
	s28 =	simm.s32 $0x10;
	[sflag:s19] =	ssyncset.done $0x0  }
0x37b: {  	s26 =	simm.s32 $0x10;
	s29 =	simm.s32 $0xFFFFFFFE;
	[sflag:s19] =	ssyncadd.s32 $0xFFFF0C00  }
.LBB2_91:
0x37c: {  	v18 =	vld [tilespmem:s0+$0xFFFFFFF0];
	_ =	sdelay $0x4  }
0x37d: {  	s30 =	sadd.s32 $0xFFFFFFF0, s26;
	v19 =	vadd.s32 $0xFFFFFFC6, v18;
	v18 =	vshll.u32 v18, $0x7  }
0x37e: {  	vm0 =	vlt.u32 v19, $0x34;
	v18 =	vadd.s32 s30, v18  }
0x37f: {  	v18 =	vadd.s32 v20, v18;
	_ =	sdelay $0x4  }
0x380: {  	[tilespmem:v18+s20+$0x0] =	vst.idx.msk vm0, v0  }
0x381: {  	v18 =	vld [tilespmem:s0+$0x0];
	_ =	sdelay $0x4  }
0x382: {  	v19 =	vadd.s32 $0xFFFFFFC6, v18;
	v18 =	vshll.u32 v18, $0x7  }
0x383: {  	s29 =	sadd.s32 $0x2, s29;
	vm15 =	vlt.u32 v19, $0x34;
	v18 =	vadd.s32 s26, v18  }
0x384: {  	p0 =	slt.u32 s29, $0x6;
	v18 =	vadd.s32 v20, v18  }
.Ltmp58:
0x385: {  	_ = 	snop;
	(pc) =	sbr.rel @p0 .LBB2_91-.Ltmp58, $2  }
0x386: {  	_ =	sdelay $0x2  }
0x387: {  	s30 =	simm.s32 $0x910;
	s0 =	sadd.s32 $0x20, s0;
	s26 =	sadd.s32 $0x20, s26;
	[tilespmem:v18+s20+$0x0] =	vst.idx.msk vm15, v0  }
.LBB2_92:
0x388: {  	v18 =	vld [tilespmem:s30+$0xFFFFFFF0];
	_ =	sdelay $0x4  }
0x389: {  	s0 =	sadd.s32 $0xFFFFFFF0, s28;
	v19 =	vshll.u32 v18, $0x7  }
0x38a: {  	vm0 =	vlt.u32 v18, $0x23;
	v18 =	vadd.s32 s0, v19  }
0x38b: {  	v18 =	vadd.s32 v26, v18;
	_ =	sdelay $0x4  }
0x38c: {  	[tilespmem:v18+s20+$0x0] =	vst.idx.msk vm0, v0  }
0x38d: {  	v18 =	vld [tilespmem:s30+$0x0];
	_ =	sdelay $0x4  }
0x38e: {  	v19 =	vshll.u32 v18, $0x7  }
0x38f: {  	s25 =	sadd.s32 $0x2, s25;
	vm15 =	vlt.u32 v18, $0x23;
	v18 =	vadd.s32 s28, v19  }
0x390: {  	p0 =	slt.u32 s25, $0x6;
	v18 =	vadd.s32 v26, v18  }
.Ltmp59:
0x391: {  	_ = 	snop;
	(pc) =	sbr.rel @p0 .LBB2_92-.Ltmp59, $3  }
0x392: {  	_ =	sdelay $0x1  }
0x393: {  	s26 =	simm.s32 $0xFFFFFFFE;
	s29 =	simm.s32 $0x10  }
0x394: {  	s0 =	simm.s32 $0x990;
	s30 =	sadd.s32 $0x20, s30;
	s28 =	sadd.s32 $0x20, s28;
	[tilespmem:v18+s20+$0x0] =	vst.idx.msk vm15, v0  }
0x395: {  	s25 =	simm.s32 $0x10;
	s28 =	simm.s32 $0xFFFFFFFE  }
.LBB2_94:
0x396: {  	v18 =	vld [tilespmem:s0+$0xFFFFFFF0];
	_ =	sdelay $0x4  }
0x397: {  	s30 =	sadd.s32 $0xFFFFFFF0, s25;
	v19 =	vshll.u32 v18, $0x7  }
0x398: {  	vm0 =	vlt.u32 v18, $0xFA;
	v18 =	vadd.s32 s30, v19  }
0x399: {  	v18 =	vadd.s32 v24, v18;
	_ =	sdelay $0x4  }
0x39a: {  	[tilespmem:v18+s20+$0x0] =	vst.idx.msk vm0, v0  }
0x39b: {  	v18 =	vld [tilespmem:s0+$0x0];
	_ =	sdelay $0x4  }
0x39c: {  	v19 =	vshll.u32 v18, $0x7  }
0x39d: {  	s28 =	sadd.s32 $0x2, s28;
	vm15 =	vlt.u32 v18, $0xFA;
	v18 =	vadd.s32 s25, v19  }
0x39e: {  	p0 =	slt.u32 s28, $0x6;
	v18 =	vadd.s32 v24, v18  }
.Ltmp60:
0x39f: {  	_ = 	snop;
	(pc) =	sbr.rel @p0 .LBB2_94-.Ltmp60, $2  }
0x3a0: {  	_ =	sdelay $0x2  }
0x3a1: {  	s30 =	simm.s32 $0xA10;
	s0 =	sadd.s32 $0x20, s0;
	s25 =	sadd.s32 $0x20, s25;
	[tilespmem:v18+s20+$0x0] =	vst.idx.msk vm15, v0  }
.LBB2_95:
0x3a2: {  	v18 =	vld [tilespmem:s30+$0xFFFFFFF0];
	_ =	sdelay $0x4  }
0x3a3: {  	s0 =	sadd.s32 $0xFFFFFFF0, s29;
	v19 =	vshll.u32 v18, $0x7  }
0x3a4: {  	vm0 =	vlt.u32 v18, $0xF;
	v18 =	vadd.s32 s0, v19  }
0x3a5: {  	v18 =	vadd.s32 v29, v18;
	_ =	sdelay $0x4  }
0x3a6: {  	[tilespmem:v18+s20+$0x0] =	vst.idx.msk vm0, v0  }
0x3a7: {  	v18 =	vld [tilespmem:s30+$0x0];
	_ =	sdelay $0x4  }
0x3a8: {  	v19 =	vshll.u32 v18, $0x7  }
0x3a9: {  	s26 =	sadd.s32 $0x2, s26;
	vm15 =	vlt.u32 v18, $0xF;
	v18 =	vadd.s32 s29, v19  }
0x3aa: {  	p0 =	slt.u32 s26, $0x6;
	v18 =	vadd.s32 v29, v18  }
.Ltmp61:
0x3ab: {  	_ = 	snop;
	(pc) =	sbr.rel @p0 .LBB2_95-.Ltmp61, $3  }
0x3ac: {  	_ =	sdelay $0x1  }
0x3ad: {  	s25 =	simm.s32 $0xFFFFFFFE;
	s28 =	simm.s32 $0x10  }
0x3ae: {  	s0 =	simm.s32 $0xA90;
	s30 =	sadd.s32 $0x20, s30;
	s29 =	sadd.s32 $0x20, s29;
	[tilespmem:v18+s20+$0x0] =	vst.idx.msk vm15, v0  }
0x3af: {  	s29 =	simm.s32 $0x10;
	s30 =	simm.s32 $0xFFFFFFFE  }
.LBB2_97:
0x3b0: {  	v18 =	vld [tilespmem:s0+$0xFFFFFFF0];
	_ =	sdelay $0x4  }
0x3b1: {  	s26 =	sadd.s32 $0xFFFFFFF0, s29;
	v19 =	vshll.u32 v18, $0x7  }
0x3b2: {  	vm0 =	vlt.u32 v18, $0x88;
	v18 =	vadd.s32 s26, v19  }
0x3b3: {  	v18 =	vadd.s32 v28, v18;
	_ =	sdelay $0x4  }
0x3b4: {  	[tilespmem:v18+s20+$0x0] =	vst.idx.msk vm0, v0  }
0x3b5: {  	v18 =	vld [tilespmem:s0+$0x0];
	_ =	sdelay $0x4  }
0x3b6: {  	v19 =	vshll.u32 v18, $0x7  }
0x3b7: {  	s30 =	sadd.s32 $0x2, s30;
	vm15 =	vlt.u32 v18, $0x88;
	v18 =	vadd.s32 s29, v19  }
0x3b8: {  	p0 =	slt.u32 s30, $0x6;
	v18 =	vadd.s32 v28, v18  }
.Ltmp62:
0x3b9: {  	_ = 	snop;
	(pc) =	sbr.rel @p0 .LBB2_97-.Ltmp62, $2  }
0x3ba: {  	_ =	sdelay $0x2  }
0x3bb: {  	s26 =	simm.s32 $0xC90;
	s0 =	sadd.s32 $0x20, s0;
	s29 =	sadd.s32 $0x20, s29;
	[tilespmem:v18+s20+$0x0] =	vst.idx.msk vm15, v0  }
.LBB2_98:
0x3bc: {  	v18 =	vld [tilespmem:s26+$0xFFFFFFF0];
	_ =	sdelay $0x4  }
0x3bd: {  	s0 =	sadd.s32 $0xFFFFFFF0, s28;
	v19 =	vadd.s32 $0xFFFFFFAC, v18;
	v18 =	vshll.u32 v18, $0x7  }
0x3be: {  	vm0 =	vlt.u32 v19, $0x2E;
	v18 =	vadd.s32 s0, v18;
	v19 =	vor.u32 $0xFFFFD600, v1  }
0x3bf: {  	v18 =	vadd.s32 v19, v18;
	_ =	sdelay $0x4  }
0x3c0: {  	[tilespmem:v18+s20+$0x0] =	vst.idx.msk vm0, v2  }
0x3c1: {  	v18 =	vld [tilespmem:s26+$0x0];
	_ =	sdelay $0x4  }
0x3c2: {  	v20 =	vadd.s32 $0xFFFFFFAC, v18;
	v18 =	vshll.u32 v18, $0x7  }
0x3c3: {  	s25 =	sadd.s32 $0x2, s25;
	vm15 =	vlt.u32 v20, $0x2E;
	v18 =	vadd.s32 s28, v18  }
0x3c4: {  	p0 =	slt.u32 s25, $0x6;
	v18 =	vadd.s32 v19, v18  }
.Ltmp63:
0x3c5: {  	_ = 	snop;
	(pc) =	sbr.rel @p0 .LBB2_98-.Ltmp63, $2  }
0x3c6: {  	_ =	sdelay $0x2  }
0x3c7: {  	s26 =	sadd.s32 $0x20, s26;
	s28 =	sadd.s32 $0x20, s28;
	[tilespmem:v18+s20+$0x0] =	vst.idx.msk vm15, v2  }
0x3c8: {  	[hbm4b:s13+s16] =	stream.strided.scatter [tilespmem:s20], [sflag:$0x1], $0x1400, s17, s16, $0x38;
	[tilespmem:$0x1F800] =	vst v63  }
0x3c9: {  	_ = 	snop  }
0x3ca: {  	[hbm4b:s14+s16] =	stream.strided.scatter [tilespmem:s23], [sflag:$0x1], $0x0, s17, s16, $0x38;
	[tilespmem:$0x1F800] =	vst v63  }
0x3cb: {  	_ = 	snop  }
0x3cc: {  	[hbm4b:s14+s2] =	stream.linear.scatter [tilespmem:s23], [sflag:$0x1], $0x300, $0x38;
	[tilespmem:$0x1F800] =	vst v63  }
0x3cd: {  	_ =	swait.ge [sflag:s19], $0x1400  }
0x3ce: {  	[sflag:s19] =	ssyncset.done $0x0  }
0x3cf: {  	s24 =	sadd.s32 $0x1, s24;
	[sflag:s19] =	ssyncadd.s32 $0xFFFFEC00  }
0x3d0: {  	p0 =	sne.s32 s24, s15;
	_ =	swait.ge [sflag:s19], $0x300  }
.Ltmp64:
0x3d1: {  	[sflag:s19] =	ssyncset.done $0x0;
	(pc) =	sbr.rel @p0 .LBB2_1-.Ltmp64, $4  }
0x3d2: {  	[sflag:s19] =	ssyncadd.s32 $0xFFFFFD00  }
0x3d3: {  	_ =	swait.ge [sflag:s22], $0xF400  }
0x3d4: {  	[sflag:s22] =	ssyncset.done $0x0  }
0x3d5: {  	[sflag:s22] =	ssyncadd.s32 $0xFFFF0C00  }
0x3d6: {  	_ =	sfence.sel $0x180000  }
0x3d7: {  	[bflag:$0x0] =	sbarrier.arrive $0xFFFF  }
0x3d8: {  	_ =	strace $0x90000047  }
0x3d9: {  	[bflag:$0x2] =	sbarrier.arrive $0xFFFF  }
0x3da: {  	p0 =	sne.s32 s1, $0x0;
	s0 =	rddreg [dreg:$0x2]  }
0x3db: {  	s0 =	sadd.s32 @!p0 $0x100000, s0  }
0x3dc: {  	[sflag:s0] =	ssyncadd.tile.s32 @!p0 $0x1;
	_ =	shalt  }
.Lfunc_end2:
_tile_overlayer_lowered:
.L_overlay_start_2:
0x3dd: {  	(tag) =	ssettag $0x2  }
0x3de: {  	s0 =	rddreg [dreg:$0x0];
	s2 =	stileid.u32  }
0x3df: {  	s1 =	rddreg [dreg:$0x1];
	p0 =	sne.s32 s2, $0x0  }
0x3e0: {  	s3 =	rddreg [dreg:$0x2];
	[bflag:$0x3] =	sbarrier.arrive $0xFFFF;
	s2 =	simm.s32 @!p0 $0x1C03  }
0x3e1: {  	[timem:s3], [sflag:s2] =	dma.local @!p0 [hbm:s0], s1  }
0x3e2: {  	s0 =	simm.s32 @!p0 $0x3  }
0x3e3: {  	_ =	swait.ge @!p0 [sflag:s0], s1  }
0x3e4: {  	s1 =	ssub.s32 @!p0 $0x0, s1;
	[sflag:s0] =	ssyncset.done @!p0 $0x0  }
0x3e5: {  	[sflag:s0] =	ssyncadd.s32 @!p0 s1  }
0x3e6: {  	[bflag:$0x3] =	sbarrier.arrive $0xFFFF  }
0x3e7: {  	_ =	shalt  }

</sc_bundles>
